<compile_context>
chip_gen: v7x
topology: tpu7x:2x2x1
jax: 0.10.2.dev20260603
libtpu: 0.0.44.dev20260713+nightly
codegen_flags: <defaults>
</compile_context>

<pallas_src>
import jax
import jax.numpy as jnp
from jax import lax
from jax.experimental import pallas as pl
from jax.experimental.pallas import tpu as pltpu
from jax.experimental.pallas import tpu_sc as plsc

VOCAB = 400000
D = 100
DP = 16
HID = 10
NCLS = 3
B = 4096
L = 200

NC = 2
NS = 16
NW = NC * NS
BPW = B // NW
CH = 20
NSUPER = L // (2 * CH)

PROJ_BLK = 16000


def _proj_body(embt_ref, w_ref, out_ref):
    rows = lax.dot_general(embt_ref[...], w_ref[...],
                           (((0,), (0,)), ((), ())),
                           preferred_element_type=jnp.float32)
    r3 = rows.reshape(PROJ_BLK // 8, 8, DP)
    out_ref[...] = jnp.concatenate([r3[:, t, :] for t in range(8)], axis=1)


def _project(embt, w1p):
    return pl.pallas_call(
        _proj_body,
        grid=(VOCAB // PROJ_BLK,),
        in_specs=[
            pl.BlockSpec((D, PROJ_BLK), lambda i: (0, i)),
            pl.BlockSpec((D, DP), lambda i: (0, 0)),
        ],
        out_specs=pl.BlockSpec((PROJ_BLK // 8, 128), lambda i: (i, 0)),
        out_shape=jax.ShapeDtypeStruct((VOCAB // 8, 128), jnp.float32),
    )(embt, w1p)


def _sc_body(p_hbm, idxt_hbm, consts_hbm, out_hbm,
             idx_v, rows_v, acc_v, consts_v, semA, semB):
    wid = lax.axis_index("c") * NS + lax.axis_index("s")

    pltpu.sync_copy(idxt_hbm.at[:, wid], idx_v)
    pltpu.sync_copy(consts_hbm, consts_v)

    zero = jnp.zeros((DP,), jnp.float32)

    def z_body(i, c):
        acc_v[i] = zero
        return c
    lax.fori_loop(0, BPW, z_body, 0)

    def fire(buf, base, sem):
        return [
            pltpu.async_copy(p_hbm.at[idx_v.at[(base + j) // 8, (base + j) % 8]],
                             rows_v.at[buf, j], sem)
            for j in range(CH)
        ]

    def reduce(buf):
        def item_body(i, cc):
            v = rows_v[buf, 0, i]
            for j in range(1, CH):
                v = v + rows_v[buf, j, i]
            acc_v[i] = acc_v[i] + v
            return cc
        lax.fori_loop(0, BPW, item_body, 0)

    def super_body(g, c):
        base = 2 * g * CH
        cps_a = fire(0, base, semA)
        cps_b = fire(1, base + CH, semB)
        for cp in cps_a:
            cp.wait()
        reduce(0)
        for cp in cps_b:
            cp.wait()
        reduce(1)
        return c
    lax.fori_loop(0, NSUPER, super_body, 0)

    b1v = consts_v[0]
    b2v = consts_v[1]
    inv = jnp.float32(1.0 / L)

    def mlp_body(i, c):
        h = jnp.maximum(acc_v[i] * inv + b1v, jnp.float32(0.0))
        o = b2v
        for j in range(HID):
            o = o + h[j] * consts_v[2 + j]
        acc_v[i] = o
        return c
    lax.fori_loop(0, BPW, mlp_body, 0)

    pltpu.sync_copy(acc_v, out_hbm.at[wid])


_sc_call = pl.kernel(
    _sc_body,
    out_type=jax.ShapeDtypeStruct((NW, BPW, DP), jnp.float32),
    mesh=plsc.VectorSubcoreMesh(core_axis_name="c", subcore_axis_name="s",
                                num_cores=NC, num_subcores=NS),
    scratch_types=[
        pltpu.VMEM((L // 8, 8, BPW), jnp.int32),
        pltpu.VMEM((2, CH, BPW, DP), jnp.float32),
        pltpu.VMEM((BPW, DP), jnp.float32),
        pltpu.VMEM((2 + HID, DP), jnp.float32),
        pltpu.SemaphoreType.DMA,
        pltpu.SemaphoreType.DMA,
    ],
    compiler_params=pltpu.CompilerParams(use_tc_tiling_on_sc=False),
)


@jax.jit
def kernel(inputs, embed_weight, W1, b1, W2, b2):
    idxt = (inputs.astype(jnp.int32).T
            .reshape(L // 8, 8, NW, BPW).transpose(0, 2, 1, 3))
    embt = embed_weight.T
    w1p = jnp.zeros((D, DP), jnp.float32).at[:, :HID].set(W1.T)
    proj = _project(embt, w1p)

    consts = jnp.zeros((2 + HID, DP), jnp.float32)
    consts = consts.at[0, :HID].set(b1)
    consts = consts.at[1, :NCLS].set(b2)
    consts = consts.at[2:2 + HID, :NCLS].set(W2.T)

    out = _sc_call(proj.reshape(VOCAB, DP), idxt, consts)
    return out.reshape(B, DP)[:, :NCLS]

# --- scband reference (transcript-rebuilt; emitter-appended) ---
"""Pipeline reference for scband-glove-classifier-15066745275097 (READ-ONLY COPY).

The authoritative reference and input builder live on the scoring server;
editing this copy changes nothing except your own understanding.
"""

import jax, jax.numpy as jnp
import numpy as np

VOCAB = 400000
GLOVE_DIM = 100
HIDDEN_DIM = 10
NUM_CLASSES = 3
BATCH = 4096
NUM_WORDS = 200


def setup_inputs(seed: int = 0) -> dict:
    key = jax.random.key(seed)
    k_idx, k_emb, k_w1, k_b1, k_w2, k_b2 = jax.random.split(key, 6)
    inputs = jax.random.randint(k_idx, (BATCH, NUM_WORDS), 0, VOCAB, dtype=jnp.int64) if jax.config.jax_enable_x64 else jax.random.randint(k_idx, (BATCH, NUM_WORDS), 0, VOCAB, dtype=jnp.int32)
    embed_weight = jax.random.normal(k_emb, (VOCAB, GLOVE_DIM), dtype=jnp.float32)
    W1 = jax.random.normal(k_w1, (HIDDEN_DIM, GLOVE_DIM), dtype=jnp.float32) * (1.0 / np.sqrt(GLOVE_DIM))
    b1 = jax.random.normal(k_b1, (HIDDEN_DIM,), dtype=jnp.float32) * 0.01
    W2 = jax.random.normal(k_w2, (NUM_CLASSES, HIDDEN_DIM), dtype=jnp.float32) * (1.0 / np.sqrt(HIDDEN_DIM))
    b2 = jax.random.normal(k_b2, (NUM_CLASSES,), dtype=jnp.float32) * 0.01
    return {"inputs": inputs, "embed_weight": embed_weight, "W1": W1, "b1": b1, "W2": W2, "b2": b2}


def reference(inputs, embed_weight, W1, b1, W2, b2):
    # embedding lookup: [B, L] -> [B, L, D]
    emb = jnp.take(embed_weight, inputs, axis=0)
    # mean over words: [B, D]
    out1 = emb.mean(axis=1)
    # linear1 + relu (torch Linear: x @ W.T + b)
    out2 = jax.nn.relu(out1 @ W1.T + b1)
    # linear2
    out3 = out2 @ W2.T + b2
    return out3

if __name__ == "__main__":
    import jax
    _d = setup_inputs()
    print(jax.jit(kernel)(*tuple(_d.values())))

</pallas_src>

<mosaic_0001>
#map = affine_map<(d0, d1) -> (0, 0)>
#map1 = affine_map<(d0, d1) -> (0, 0, 0, 0)>
#map2 = affine_map<(d0, d1) -> (0, 0, 0)>
module attributes {stable_mosaic.version = 14 : i64} {
  func.func @_sc_body(%arg0: i32, %arg1: i32, %arg2: memref<400000x16xf32, #tpu.memory_space<hbm>>, %arg3: memref<25x32x8x128xi32, #tpu.memory_space<hbm>>, %arg4: memref<12x16xf32, #tpu.memory_space<hbm>>, %arg5: memref<32x128x16xf32, #tpu.memory_space<hbm>>, %arg6: memref<25x8x128xi32, #tpu.memory_space<vmem>>, %arg7: memref<2x20x128x16xf32, #tpu.memory_space<vmem>>, %arg8: memref<128x16xf32, #tpu.memory_space<vmem>>, %arg9: memref<12x16xf32, #tpu.memory_space<vmem>>, %arg10: memref<!tpu.dma_semaphore, #tpu.memory_space<semaphore_mem>>, %arg11: memref<!tpu.dma_semaphore, #tpu.memory_space<semaphore_mem>>) attributes {dimension_semantics = [#tpu.dimension_semantics<core_parallel>, #tpu.dimension_semantics<subcore_parallel>], iteration_bounds = array<i64: 2, 16>, scalar_prefetch = 0 : i64, scratch_operands = 6 : i64, tpu.core_type = #tpu.core_type<sc_vector_subcore>, window_params = [{transform_indices = #map}, {transform_indices = #map1}, {transform_indices = #map}, {transform_indices = #map2}]} {
    %mul3A = arith.constant 16 : i32
    %mul3A_0 = arith.muli %arg0, %mul3A : i32
    %add3A = arith.addi %mul3A_0, %arg1 : i32
    "tpu.region"() ({
      %run_scoped3A = tpu.sem_alloc : memref<!tpu.dma_semaphore, #tpu.memory_space<semaphore_mem>>
      %dma_start3A = arith.constant 0 : i32
      %dma_start3A_29 = arith.constant 0 : i32
      %dma_start3A_30 = arith.constant 0 : i32
      %dma_start3A_31 = tpu.memref_slice %arg3[%dma_start3A, %add3A, %dma_start3A_29, %dma_start3A_30] : memref<25x32x8x128xi32, #tpu.memory_space<hbm>> -> memref<25x1x8x128xi32, #tpu.memory_space<hbm>>
      %dma_start3A_32 = tpu.memref_squeeze %dma_start3A_31 : memref<25x1x8x128xi32, #tpu.memory_space<hbm>> -> memref<25x8x128xi32, #tpu.memory_space<hbm>>
      %dma_start3A_33 = arith.constant 0 : i32
      %dma_start3A_34 = arith.constant 0 : i32
      %dma_start3A_35 = arith.constant 0 : i32
      %dma_start3A_36 = tpu.memref_slice %arg3[%dma_start3A_33, %add3A, %dma_start3A_34, %dma_start3A_35] : memref<25x32x8x128xi32, #tpu.memory_space<hbm>> -> memref<25x1x8x128xi32, #tpu.memory_space<hbm>>
      %dma_start3A_37 = tpu.memref_squeeze %dma_start3A_36 : memref<25x1x8x128xi32, #tpu.memory_space<hbm>> -> memref<25x8x128xi32, #tpu.memory_space<hbm>>
      tpu.enqueue_dma source(%dma_start3A_37 : memref<25x8x128xi32, #tpu.memory_space<hbm>>) target(%arg6 : memref<25x8x128xi32, #tpu.memory_space<vmem>>) target_semaphore(%run_scoped3A : memref<!tpu.dma_semaphore, #tpu.memory_space<semaphore_mem>>)
      %dma_wait3A = arith.constant 0 : i32
      %dma_wait3A_38 = arith.constant 0 : i32
      %dma_wait3A_39 = arith.constant 0 : i32
      %dma_wait3A_40 = tpu.memref_slice %arg3[%dma_wait3A, %add3A, %dma_wait3A_38, %dma_wait3A_39] : memref<25x32x8x128xi32, #tpu.memory_space<hbm>> -> memref<25x1x8x128xi32, #tpu.memory_space<hbm>>
      %dma_wait3A_41 = tpu.memref_squeeze %dma_wait3A_40 : memref<25x1x8x128xi32, #tpu.memory_space<hbm>> -> memref<25x8x128xi32, #tpu.memory_space<hbm>>
      %dma_wait3A_42 = arith.constant 0 : i32
      %dma_wait3A_43 = arith.constant 0 : i32
      %dma_wait3A_44 = arith.constant 0 : i32
      %dma_wait3A_45 = tpu.memref_slice %arg3[%dma_wait3A_42, %add3A, %dma_wait3A_43, %dma_wait3A_44] : memref<25x32x8x128xi32, #tpu.memory_space<hbm>> -> memref<25x1x8x128xi32, #tpu.memory_space<hbm>>
      %dma_wait3A_46 = tpu.memref_squeeze %dma_wait3A_45 : memref<25x1x8x128xi32, #tpu.memory_space<hbm>> -> memref<25x8x128xi32, #tpu.memory_space<hbm>>
      tpu.wait_dma2 semaphore(%run_scoped3A : memref<!tpu.dma_semaphore, #tpu.memory_space<semaphore_mem>>) src(%dma_wait3A_46 : memref<25x8x128xi32, #tpu.memory_space<hbm>>) dst(%arg6 : memref<25x8x128xi32, #tpu.memory_space<vmem>>)
      tpu.yield
    }) : () -> ()
    "tpu.region"() ({
      %run_scoped3A = tpu.sem_alloc : memref<!tpu.dma_semaphore, #tpu.memory_space<semaphore_mem>>
      tpu.enqueue_dma source(%arg4 : memref<12x16xf32, #tpu.memory_space<hbm>>) target(%arg9 : memref<12x16xf32, #tpu.memory_space<vmem>>) target_semaphore(%run_scoped3A : memref<!tpu.dma_semaphore, #tpu.memory_space<semaphore_mem>>)
      tpu.wait_dma2 semaphore(%run_scoped3A : memref<!tpu.dma_semaphore, #tpu.memory_space<semaphore_mem>>) src(%arg4 : memref<12x16xf32, #tpu.memory_space<hbm>>) dst(%arg9 : memref<12x16xf32, #tpu.memory_space<vmem>>)
      tpu.yield
    }) : () -> ()
    %broadcast_in_dim3A = arith.constant 0.000000e+00 : f32
    %broadcast_in_dim3A_1 = vector.broadcast %broadcast_in_dim3A : f32 to vector<16xf32>
    %scan3A = arith.constant 0 : i32
    %scan3A_2 = arith.constant 0 : i32
    %scan3A_3 = arith.constant 128 : i32
    %scan3A_4 = arith.addi %scan3A_2, %scan3A_3 : i32
    %scan3A_5 = arith.constant 1 : i32
    scf.for %scan3A_29 = %scan3A_2 to %scan3A_4 step %scan3A_5  : i32 {
      %swap3A = arith.index_cast %scan3A_29 : i32 to index
      %swap3A_30 = arith.constant 0 : index
      %swap3A_31 = tpu.vector_load %arg8[%swap3A, %swap3A_30] {strides = array<i32>} : memref<128x16xf32, #tpu.memory_space<vmem>>, vector<1x16xf32>,
      %swap3A_32 = vector.shape_cast %swap3A_31 : vector<1x16xf32> to vector<16xf32>
      %swap3A_33 = vector.shape_cast %broadcast_in_dim3A_1 : vector<16xf32> to vector<1x16xf32>
      tpu.vector_store %arg8[%swap3A, %swap3A_30], %swap3A_33 {strides = array<i32>} : memref<128x16xf32, #tpu.memory_space<vmem>>, vector<1x16xf32>,
    }
    %scan3A_6 = arith.constant 128 : i32
    %scan3A_7 = arith.constant 0 : i32
    %scan3A_8 = arith.constant 0 : i32
    %scan3A_9 = arith.constant 5 : i32
    %scan3A_10 = arith.addi %scan3A_8, %scan3A_9 : i32
    %scan3A_11 = arith.constant 1 : i32
    scf.for %scan3A_29 = %scan3A_8 to %scan3A_10 step %scan3A_11  : i32 {
      %mul3A_30 = arith.constant 2 : i32
      %mul3A_31 = arith.muli %mul3A_30, %scan3A_29 : i32
      %mul3A_32 = arith.constant 20 : i32
      %mul3A_33 = arith.muli %mul3A_31, %mul3A_32 : i32
      %add3A_34 = arith.constant 0 : i32
      %add3A_35 = arith.addi %mul3A_33, %add3A_34 : i32
      %jit3A = arith.constant 8 : i32
      %div3A = arith.divsi %add3A_35, %jit3A : i32
      %sign3A = arith.constant 0 : i32
      %sign3A_36 = arith.cmpi sgt, %add3A_35, %sign3A : i32
      %sign3A_37 = arith.extui %sign3A_36 : i1 to i32
      %sign3A_38 = arith.constant 0 : i32
      %sign3A_39 = arith.cmpi slt, %add3A_35, %sign3A_38 : i32
      %sign3A_40 = arith.extui %sign3A_39 : i1 to i32
      %sign3A_41 = arith.subi %sign3A_37, %sign3A_40 : i32
      %sign3A_42 = arith.constant 0 : i32
      %sign3A_43 = arith.cmpi sgt, %jit3A, %sign3A_42 : i32
      %sign3A_44 = arith.extui %sign3A_43 : i1 to i32
      %sign3A_45 = arith.constant 0 : i32
      %sign3A_46 = arith.cmpi slt, %jit3A, %sign3A_45 : i32
      %sign3A_47 = arith.extui %sign3A_46 : i1 to i32
      %sign3A_48 = arith.subi %sign3A_44, %sign3A_47 : i32
      %ne3A = arith.cmpi ne, %sign3A_41, %sign3A_48 : i32
      %rem3A = arith.remsi %add3A_35, %jit3A : i32
      %ne3A_49 = arith.constant 0 : i32
      %ne3A_50 = arith.cmpi ne, %rem3A, %ne3A_49 : i32
      %and3A = arith.andi %ne3A, %ne3A_50 : i1
      %sub3A = arith.constant 1 : i32
      %sub3A_51 = arith.subi %div3A, %sub3A : i32
      %select_n3A = arith.select %and3A, %sub3A_51, %div3A : i32
      %add3A_52 = arith.constant 0 : i32
      %add3A_53 = arith.addi %mul3A_33, %add3A_52 : i32
      %jit3A_54 = arith.constant 8 : i32
      %eq3A = arith.constant 0 : i32
      %eq3A_55 = arith.cmpi eq, %jit3A_54, %eq3A : i32
      %jit3A_56 = arith.constant 1 : i32
      %select_n3A_57 = arith.select %eq3A_55, %jit3A_56, %jit3A_54 : i32
      %rem3A_58 = arith.remsi %add3A_53, %select_n3A_57 : i32
      %ne3A_59 = arith.constant 0 : i32
      %ne3A_60 = arith.cmpi ne, %rem3A_58, %ne3A_59 : i32
      %lt3A = arith.constant 0 : i32
      %lt3A_61 = arith.cmpi slt, %rem3A_58, %lt3A : i32
      %lt3A_62 = arith.constant 0 : i32
      %lt3A_63 = arith.cmpi slt, %select_n3A_57, %lt3A_62 : i32
      %ne3A_64 = arith.xori %lt3A_61, %lt3A_63 : i1
      %and3A_65 = arith.andi %ne3A_64, %ne3A_60 : i1
      %add3A_66 = arith.addi %rem3A_58, %select_n3A_57 : i32
      %select_n3A_67 = arith.select %and3A_65, %add3A_66, %rem3A_58 : i32
      %dma_start3A = arith.constant 0 : i32
      %dma_start3A_68 = arith.constant 0 : i32
      %dma_start3A_69 = arith.constant 0 : i32
      %dma_start3A_70 = arith.constant 0 : i32
      %dma_start3A_71 = tpu.memref_slice %arg7[%dma_start3A, %dma_start3A_68, %dma_start3A_69, %dma_start3A_70] : memref<2x20x128x16xf32, #tpu.memory_space<vmem>> -> memref<1x1x128x16xf32, #tpu.memory_space<vmem>>
      %dma_start3A_72 = tpu.memref_squeeze %dma_start3A_71 : memref<1x1x128x16xf32, #tpu.memory_space<vmem>> -> memref<128x16xf32, #tpu.memory_space<vmem>>
      %dma_start3A_73 = arith.constant 0 : i32
      %dma_start3A_74 = tpu.memref_slice %arg6[%select_n3A, %select_n3A_67, %dma_start3A_73] : memref<25x8x128xi32, #tpu.memory_space<vmem>> -> memref<1x1x128xi32, #tpu.memory_space<vmem>>
      %dma_start3A_75 = tpu.memref_squeeze %dma_start3A_74 : memref<1x1x128xi32, #tpu.memory_space<vmem>> -> memref<128xi32, #tpu.memory_space<vmem>>
      %dma_start3A_76 = arith.constant 0 : i32
      %dma_start3A_77 = arith.constant 0 : i32
      %dma_start3A_78 = tpu.memref_slice %arg2[%dma_start3A_76, %dma_start3A_77] : memref<400000x16xf32, #tpu.memory_space<hbm>> -> memref<400000x16xf32, #tpu.memory_space<hbm>>
      tpu.enqueue_indirect_dma source(%dma_start3A_78 : memref<400000x16xf32, #tpu.memory_space<hbm>>) target(%dma_start3A_72 : memref<128x16xf32, #tpu.memory_space<vmem>>) offsets(%dma_start3A_75 : memref<128xi32, #tpu.memory_space<vmem>>) semaphore(%arg10 : memref<!tpu.dma_semaphore, #tpu.memory_space<semaphore_mem>>)
      %add3A_79 = arith.constant 1 : i32
      %add3A_80 = arith.addi %mul3A_33, %add3A_79 : i32
      %jit3A_81 = arith.constant 8 : i32
      %div3A_82 = arith.divsi %add3A_80, %jit3A_81 : i32
      %sign3A_83 = arith.constant 0 : i32
      %sign3A_84 = arith.cmpi sgt, %add3A_80, %sign3A_83 : i32
      %sign3A_85 = arith.extui %sign3A_84 : i1 to i32
      %sign3A_86 = arith.constant 0 : i32
      %sign3A_87 = arith.cmpi slt, %add3A_80, %sign3A_86 : i32
      %sign3A_88 = arith.extui %sign3A_87 : i1 to i32
      %sign3A_89 = arith.subi %sign3A_85, %sign3A_88 : i32
      %sign3A_90 = arith.constant 0 : i32
      %sign3A_91 = arith.cmpi sgt, %jit3A_81, %sign3A_90 : i32
      %sign3A_92 = arith.extui %sign3A_91 : i1 to i32
      %sign3A_93 = arith.constant 0 : i32
      %sign3A_94 = arith.cmpi slt, %jit3A_81, %sign3A_93 : i32
      %sign3A_95 = arith.extui %sign3A_94 : i1 to i32
      %sign3A_96 = arith.subi %sign3A_92, %sign3A_95 : i32
      %ne3A_97 = arith.cmpi ne, %sign3A_89, %sign3A_96 : i32
      %rem3A_98 = arith.remsi %add3A_80, %jit3A_81 : i32
      %ne3A_99 = arith.constant 0 : i32
      %ne3A_100 = arith.cmpi ne, %rem3A_98, %ne3A_99 : i32
      %and3A_101 = arith.andi %ne3A_97, %ne3A_100 : i1
      %sub3A_102 = arith.constant 1 : i32
      %sub3A_103 = arith.subi %div3A_82, %sub3A_102 : i32
      %select_n3A_104 = arith.select %and3A_101, %sub3A_103, %div3A_82 : i32
      %add3A_105 = arith.constant 1 : i32
      %add3A_106 = arith.addi %mul3A_33, %add3A_105 : i32
      %jit3A_107 = arith.constant 8 : i32
      %eq3A_108 = arith.constant 0 : i32
      %eq3A_109 = arith.cmpi eq, %jit3A_107, %eq3A_108 : i32
      %jit3A_110 = arith.constant 1 : i32
      %select_n3A_111 = arith.select %eq3A_109, %jit3A_110, %jit3A_107 : i32
      %rem3A_112 = arith.remsi %add3A_106, %select_n3A_111 : i32
      %ne3A_113 = arith.constant 0 : i32
      %ne3A_114 = arith.cmpi ne, %rem3A_112, %ne3A_113 : i32
      %lt3A_115 = arith.constant 0 : i32
      %lt3A_116 = arith.cmpi slt, %rem3A_112, %lt3A_115 : i32
      %lt3A_117 = arith.constant 0 : i32
      %lt3A_118 = arith.cmpi slt, %select_n3A_111, %lt3A_117 : i32
      %ne3A_119 = arith.xori %lt3A_116, %lt3A_118 : i1
      %and3A_120 = arith.andi %ne3A_119, %ne3A_114 : i1
      %add3A_121 = arith.addi %rem3A_112, %select_n3A_111 : i32
      %select_n3A_122 = arith.select %and3A_120, %add3A_121, %rem3A_112 : i32
      %dma_start3A_123 = arith.constant 0 : i32
      %dma_start3A_124 = arith.constant 1 : i32
      %dma_start3A_125 = arith.constant 0 : i32
      %dma_start3A_126 = arith.constant 0 : i32
      %dma_start3A_127 = tpu.memref_slice %arg7[%dma_start3A_123, %dma_start3A_124, %dma_start3A_125, %dma_start3A_126] : memref<2x20x128x16xf32, #tpu.memory_space<vmem>> -> memref<1x1x128x16xf32, #tpu.memory_space<vmem>>
      %dma_start3A_128 = tpu.memref_squeeze %dma_start3A_127 : memref<1x1x128x16xf32, #tpu.memory_space<vmem>> -> memref<128x16xf32, #tpu.memory_space<vmem>>
      %dma_start3A_129 = arith.constant 0 : i32
      %dma_start3A_130 = tpu.memref_slice %arg6[%select_n3A_104, %select_n3A_122, %dma_start3A_129] : memref<25x8x128xi32, #tpu.memory_space<vmem>> -> memref<1x1x128xi32, #tpu.memory_space<vmem>>
      %dma_start3A_131 = tpu.memref_squeeze %dma_start3A_130 : memref<1x1x128xi32, #tpu.memory_space<vmem>> -> memref<128xi32, #tpu.memory_space<vmem>>
      %dma_start3A_132 = arith.constant 0 : i32
      %dma_start3A_133 = arith.constant 0 : i32
      %dma_start3A_134 = tpu.memref_slice %arg2[%dma_start3A_132, %dma_start3A_133] : memref<400000x16xf32, #tpu.memory_space<hbm>> -> memref<400000x16xf32, #tpu.memory_space<hbm>>
      tpu.enqueue_indirect_dma source(%dma_start3A_134 : memref<400000x16xf32, #tpu.memory_space<hbm>>) target(%dma_start3A_128 : memref<128x16xf32, #tpu.memory_space<vmem>>) offsets(%dma_start3A_131 : memref<128xi32, #tpu.memory_space<vmem>>) semaphore(%arg10 : memref<!tpu.dma_semaphore, #tpu.memory_space<semaphore_mem>>)
      %add3A_135 = arith.constant 2 : i32
      %add3A_136 = arith.addi %mul3A_33, %add3A_135 : i32
      %jit3A_137 = arith.constant 8 : i32
      %div3A_138 = arith.divsi %add3A_136, %jit3A_137 : i32
      %sign3A_139 = arith.constant 0 : i32
      %sign3A_140 = arith.cmpi sgt, %add3A_136, %sign3A_139 : i32
      %sign3A_141 = arith.extui %sign3A_140 : i1 to i32
      %sign3A_142 = arith.constant 0 : i32
      %sign3A_143 = arith.cmpi slt, %add3A_136, %sign3A_142 : i32
      %sign3A_144 = arith.extui %sign3A_143 : i1 to i32
      %sign3A_145 = arith.subi %sign3A_141, %sign3A_144 : i32
      %sign3A_146 = arith.constant 0 : i32
      %sign3A_147 = arith.cmpi sgt, %jit3A_137, %sign3A_146 : i32
      %sign3A_148 = arith.extui %sign3A_147 : i1 to i32
      %sign3A_149 = arith.constant 0 : i32
      %sign3A_150 = arith.cmpi slt, %jit3A_137, %sign3A_149 : i32
      %sign3A_151 = arith.extui %sign3A_150 : i1 to i32
      %sign3A_152 = arith.subi %sign3A_148, %sign3A_151 : i32
      %ne3A_153 = arith.cmpi ne, %sign3A_145, %sign3A_152 : i32
      %rem3A_154 = arith.remsi %add3A_136, %jit3A_137 : i32
      %ne3A_155 = arith.constant 0 : i32
      %ne3A_156 = arith.cmpi ne, %rem3A_154, %ne3A_155 : i32
      %and3A_157 = arith.andi %ne3A_153, %ne3A_156 : i1
      %sub3A_158 = arith.constant 1 : i32
      %sub3A_159 = arith.subi %div3A_138, %sub3A_158 : i32
      %select_n3A_160 = arith.select %and3A_157, %sub3A_159, %div3A_138 : i32
      %add3A_161 = arith.constant 2 : i32
      %add3A_162 = arith.addi %mul3A_33, %add3A_161 : i32
      %jit3A_163 = arith.constant 8 : i32
      %eq3A_164 = arith.constant 0 : i32
      %eq3A_165 = arith.cmpi eq, %jit3A_163, %eq3A_164 : i32
      %jit3A_166 = arith.constant 1 : i32
      %select_n3A_167 = arith.select %eq3A_165, %jit3A_166, %jit3A_163 : i32
      %rem3A_168 = arith.remsi %add3A_162, %select_n3A_167 : i32
      %ne3A_169 = arith.constant 0 : i32
      %ne3A_170 = arith.cmpi ne, %rem3A_168, %ne3A_169 : i32
      %lt3A_171 = arith.constant 0 : i32
      %lt3A_172 = arith.cmpi slt, %rem3A_168, %lt3A_171 : i32
      %lt3A_173 = arith.constant 0 : i32
      %lt3A_174 = arith.cmpi slt, %select_n3A_167, %lt3A_173 : i32
      %ne3A_175 = arith.xori %lt3A_172, %lt3A_174 : i1
      %and3A_176 = arith.andi %ne3A_175, %ne3A_170 : i1
      %add3A_177 = arith.addi %rem3A_168, %select_n3A_167 : i32
      %select_n3A_178 = arith.select %and3A_176, %add3A_177, %rem3A_168 : i32
      %dma_start3A_179 = arith.constant 0 : i32
      %dma_start3A_180 = arith.constant 2 : i32
      %dma_start3A_181 = arith.constant 0 : i32
      %dma_start3A_182 = arith.constant 0 : i32
      %dma_start3A_183 = tpu.memref_slice %arg7[%dma_start3A_179, %dma_start3A_180, %dma_start3A_181, %dma_start3A_182] : memref<2x20x128x16xf32, #tpu.memory_space<vmem>> -> memref<1x1x128x16xf32, #tpu.memory_space<vmem>>
      %dma_start3A_184 = tpu.memref_squeeze %dma_start3A_183 : memref<1x1x128x16xf32, #tpu.memory_space<vmem>> -> memref<128x16xf32, #tpu.memory_space<vmem>>
      %dma_start3A_185 = arith.constant 0 : i32
      %dma_start3A_186 = tpu.memref_slice %arg6[%select_n3A_160, %select_n3A_178, %dma_start3A_185] : memref<25x8x128xi32, #tpu.memory_space<vmem>> -> memref<1x1x128xi32, #tpu.memory_space<vmem>>
      %dma_start3A_187 = tpu.memref_squeeze %dma_start3A_186 : memref<1x1x128xi32, #tpu.memory_space<vmem>> -> memref<128xi32, #tpu.memory_space<vmem>>
      %dma_start3A_188 = arith.constant 0 : i32
      %dma_start3A_189 = arith.constant 0 : i32
      %dma_start3A_190 = tpu.memref_slice %arg2[%dma_start3A_188, %dma_start3A_189] : memref<400000x16xf32, #tpu.memory_space<hbm>> -> memref<400000x16xf32, #tpu.memory_space<hbm>>
      tpu.enqueue_indirect_dma source(%dma_start3A_190 : memref<400000x16xf32, #tpu.memory_space<hbm>>) target(%dma_start3A_184 : memref<128x16xf32, #tpu.memory_space<vmem>>) offsets(%dma_start3A_187 : memref<128xi32, #tpu.memory_space<vmem>>) semaphore(%arg10 : memref<!tpu.dma_semaphore, #tpu.memory_space<semaphore_mem>>)
      %add3A_191 = arith.constant 3 : i32
      %add3A_192 = arith.addi %mul3A_33, %add3A_191 : i32
      %jit3A_193 = arith.constant 8 : i32
      %div3A_194 = arith.divsi %add3A_192, %jit3A_193 : i32
      %sign3A_195 = arith.constant 0 : i32
      %sign3A_196 = arith.cmpi sgt, %add3A_192, %sign3A_195 : i32
      %sign3A_197 = arith.extui %sign3A_196 : i1 to i32
      %sign3A_198 = arith.constant 0 : i32
      %sign3A_199 = arith.cmpi slt, %add3A_192, %sign3A_198 : i32
      %sign3A_200 = arith.extui %sign3A_199 : i1 to i32
      %sign3A_201 = arith.subi %sign3A_197, %sign3A_200 : i32
      %sign3A_202 = arith.constant 0 : i32
      %sign3A_203 = arith.cmpi sgt, %jit3A_193, %sign3A_202 : i32
      %sign3A_204 = arith.extui %sign3A_203 : i1 to i32
      %sign3A_205 = arith.constant 0 : i32
      %sign3A_206 = arith.cmpi slt, %jit3A_193, %sign3A_205 : i32
      %sign3A_207 = arith.extui %sign3A_206 : i1 to i32
      %sign3A_208 = arith.subi %sign3A_204, %sign3A_207 : i32
      %ne3A_209 = arith.cmpi ne, %sign3A_201, %sign3A_208 : i32
      %rem3A_210 = arith.remsi %add3A_192, %jit3A_193 : i32
      %ne3A_211 = arith.constant 0 : i32
      %ne3A_212 = arith.cmpi ne, %rem3A_210, %ne3A_211 : i32
      %and3A_213 = arith.andi %ne3A_209, %ne3A_212 : i1
      %sub3A_214 = arith.constant 1 : i32
      %sub3A_215 = arith.subi %div3A_194, %sub3A_214 : i32
      %select_n3A_216 = arith.select %and3A_213, %sub3A_215, %div3A_194 : i32
      %add3A_217 = arith.constant 3 : i32
      %add3A_218 = arith.addi %mul3A_33, %add3A_217 : i32
      %jit3A_219 = arith.constant 8 : i32
      %eq3A_220 = arith.constant 0 : i32
      %eq3A_221 = arith.cmpi eq, %jit3A_219, %eq3A_220 : i32
      %jit3A_222 = arith.constant 1 : i32
      %select_n3A_223 = arith.select %eq3A_221, %jit3A_222, %jit3A_219 : i32
      %rem3A_224 = arith.remsi %add3A_218, %select_n3A_223 : i32
      %ne3A_225 = arith.constant 0 : i32
      %ne3A_226 = arith.cmpi ne, %rem3A_224, %ne3A_225 : i32
      %lt3A_227 = arith.constant 0 : i32
      %lt3A_228 = arith.cmpi slt, %rem3A_224, %lt3A_227 : i32
      %lt3A_229 = arith.constant 0 : i32
      %lt3A_230 = arith.cmpi slt, %select_n3A_223, %lt3A_229 : i32
      %ne3A_231 = arith.xori %lt3A_228, %lt3A_230 : i1
      %and3A_232 = arith.andi %ne3A_231, %ne3A_226 : i1
      %add3A_233 = arith.addi %rem3A_224, %select_n3A_223 : i32
      %select_n3A_234 = arith.select %and3A_232, %add3A_233, %rem3A_224 : i32
      %dma_start3A_235 = arith.constant 0 : i32
      %dma_start3A_236 = arith.constant 3 : i32
      %dma_start3A_237 = arith.constant 0 : i32
      %dma_start3A_238 = arith.constant 0 : i32
      %dma_start3A_239 = tpu.memref_slice %arg7[%dma_start3A_235, %dma_start3A_236, %dma_start3A_237, %dma_start3A_238] : memref<2x20x128x16xf32, #tpu.memory_space<vmem>> -> memref<1x1x128x16xf32, #tpu.memory_space<vmem>>
      %dma_start3A_240 = tpu.memref_squeeze %dma_start3A_239 : memref<1x1x128x16xf32, #tpu.memory_space<vmem>> -> memref<128x16xf32, #tpu.memory_space<vmem>>
      %dma_start3A_241 = arith.constant 0 : i32
      %dma_start3A_242 = tpu.memref_slice %arg6[%select_n3A_216, %select_n3A_234, %dma_start3A_241] : memref<25x8x128xi32, #tpu.memory_space<vmem>> -> memref<1x1x128xi32, #tpu.memory_space<vmem>>
      %dma_start3A_243 = tpu.memref_squeeze %dma_start3A_242 : memref<1x1x128xi32, #tpu.memory_space<vmem>> -> memref<128xi32, #tpu.memory_space<vmem>>
      %dma_start3A_244 = arith.constant 0 : i32
      %dma_start3A_245 = arith.constant 0 : i32
      %dma_start3A_246 = tpu.memref_slice %arg2[%dma_start3A_244, %dma_start3A_245] : memref<400000x16xf32, #tpu.memory_space<hbm>> -> memref<400000x16xf32, #tpu.memory_space<hbm>>
      tpu.enqueue_indirect_dma source(%dma_start3A_246 : memref<400000x16xf32, #tpu.memory_space<hbm>>) target(%dma_start3A_240 : memref<128x16xf32, #tpu.memory_space<vmem>>) offsets(%dma_start3A_243 : memref<128xi32, #tpu.memory_space<vmem>>) semaphore(%arg10 : memref<!tpu.dma_semaphore, #tpu.memory_space<semaphore_mem>>)
      %add3A_247 = arith.constant 4 : i32
      %add3A_248 = arith.addi %mul3A_33, %add3A_247 : i32
      %jit3A_249 = arith.constant 8 : i32
      %div3A_250 = arith.divsi %add3A_248, %jit3A_249 : i32
      %sign3A_251 = arith.constant 0 : i32
      %sign3A_252 = arith.cmpi sgt, %add3A_248, %sign3A_251 : i32
      %sign3A_253 = arith.extui %sign3A_252 : i1 to i32
      %sign3A_254 = arith.constant 0 : i32
      %sign3A_255 = arith.cmpi slt, %add3A_248, %sign3A_254 : i32
      %sign3A_256 = arith.extui %sign3A_255 : i1 to i32
      %sign3A_257 = arith.subi %sign3A_253, %sign3A_256 : i32
      %sign3A_258 = arith.constant 0 : i32
      %sign3A_259 = arith.cmpi sgt, %jit3A_249, %sign3A_258 : i32
      %sign3A_260 = arith.extui %sign3A_259 : i1 to i32
      %sign3A_261 = arith.constant 0 : i32
      %sign3A_262 = arith.cmpi slt, %jit3A_249, %sign3A_261 : i32
      %sign3A_263 = arith.extui %sign3A_262 : i1 to i32
      %sign3A_264 = arith.subi %sign3A_260, %sign3A_263 : i32
      %ne3A_265 = arith.cmpi ne, %sign3A_257, %sign3A_264 : i32
      %rem3A_266 = arith.remsi %add3A_248, %jit3A_249 : i32
      %ne3A_267 = arith.constant 0 : i32
      %ne3A_268 = arith.cmpi ne, %rem3A_266, %ne3A_267 : i32
      %and3A_269 = arith.andi %ne3A_265, %ne3A_268 : i1
      %sub3A_270 = arith.constant 1 : i32
      %sub3A_271 = arith.subi %div3A_250, %sub3A_270 : i32
      %select_n3A_272 = arith.select %and3A_269, %sub3A_271, %div3A_250 : i32
      %add3A_273 = arith.constant 4 : i32
      %add3A_274 = arith.addi %mul3A_33, %add3A_273 : i32
      %jit3A_275 = arith.constant 8 : i32
      %eq3A_276 = arith.constant 0 : i32
      %eq3A_277 = arith.cmpi eq, %jit3A_275, %eq3A_276 : i32
      %jit3A_278 = arith.constant 1 : i32
      %select_n3A_279 = arith.select %eq3A_277, %jit3A_278, %jit3A_275 : i32
      %rem3A_280 = arith.remsi %add3A_274, %select_n3A_279 : i32
      %ne3A_281 = arith.constant 0 : i32
      %ne3A_282 = arith.cmpi ne, %rem3A_280, %ne3A_281 : i32
      %lt3A_283 = arith.constant 0 : i32
      %lt3A_284 = arith.cmpi slt, %rem3A_280, %lt3A_283 : i32
      %lt3A_285 = arith.constant 0 : i32
      %lt3A_286 = arith.cmpi slt, %select_n3A_279, %lt3A_285 : i32
      %ne3A_287 = arith.xori %lt3A_284, %lt3A_286 : i1
      %and3A_288 = arith.andi %ne3A_287, %ne3A_282 : i1
      %add3A_289 = arith.addi %rem3A_280, %select_n3A_279 : i32
      %select_n3A_290 = arith.select %and3A_288, %add3A_289, %rem3A_280 : i32
      %dma_start3A_291 = arith.constant 0 : i32
      %dma_start3A_292 = arith.constant 4 : i32
      %dma_start3A_293 = arith.constant 0 : i32
      %dma_start3A_294 = arith.constant 0 : i32
      %dma_start3A_295 = tpu.memref_slice %arg7[%dma_start3A_291, %dma_start3A_292, %dma_start3A_293, %dma_start3A_294] : memref<2x20x128x16xf32, #tpu.memory_space<vmem>> -> memref<1x1x128x16xf32, #tpu.memory_space<vmem>>
      %dma_start3A_296 = tpu.memref_squeeze %dma_start3A_295 : memref<1x1x128x16xf32, #tpu.memory_space<vmem>> -> memref<128x16xf32, #tpu.memory_space<vmem>>
      %dma_start3A_297 = arith.constant 0 : i32
      %dma_start3A_298 = tpu.memref_slice %arg6[%select_n3A_272, %select_n3A_290, %dma_start3A_297] : memref<25x8x128xi32, #tpu.memory_space<vmem>> -> memref<1x1x128xi32, #tpu.memory_space<vmem>>
      %dma_start3A_299 = tpu.memref_squeeze %dma_start3A_298 : memref<1x1x128xi32, #tpu.memory_space<vmem>> -> memref<128xi32, #tpu.memory_space<vmem>>
      %dma_start3A_300 = arith.constant 0 : i32
      %dma_start3A_301 = arith.constant 0 : i32
      %dma_start3A_302 = tpu.memref_slice %arg2[%dma_start3A_300, %dma_start3A_301] : memref<400000x16xf32, #tpu.memory_space<hbm>> -> memref<400000x16xf32, #tpu.memory_space<hbm>>
      tpu.enqueue_indirect_dma source(%dma_start3A_302 : memref<400000x16xf32, #tpu.memory_space<hbm>>) target(%dma_start3A_296 : memref<128x16xf32, #tpu.memory_space<vmem>>) offsets(%dma_start3A_299 : memref<128xi32, #tpu.memory_space<vmem>>) semaphore(%arg10 : memref<!tpu.dma_semaphore, #tpu.memory_space<semaphore_mem>>)
      %add3A_303 = arith.constant 5 : i32
      %add3A_304 = arith.addi %mul3A_33, %add3A_303 : i32
      %jit3A_305 = arith.constant 8 : i32
      %div3A_306 = arith.divsi %add3A_304, %jit3A_305 : i32
      %sign3A_307 = arith.constant 0 : i32
      %sign3A_308 = arith.cmpi sgt, %add3A_304, %sign3A_307 : i32
      %sign3A_309 = arith.extui %sign3A_308 : i1 to i32
      %sign3A_310 = arith.constant 0 : i32
      %sign3A_311 = arith.cmpi slt, %add3A_304, %sign3A_310 : i32
      %sign3A_312 = arith.extui %sign3A_311 : i1 to i32
      %sign3A_313 = arith.subi %sign3A_309, %sign3A_312 : i32
      %sign3A_314 = arith.constant 0 : i32
      %sign3A_315 = arith.cmpi sgt, %jit3A_305, %sign3A_314 : i32
      %sign3A_316 = arith.extui %sign3A_315 : i1 to i32
      %sign3A_317 = arith.constant 0 : i32
      %sign3A_318 = arith.cmpi slt, %jit3A_305, %sign3A_317 : i32
      %sign3A_319 = arith.extui %sign3A_318 : i1 to i32
      %sign3A_320 = arith.subi %sign3A_316, %sign3A_319 : i32
      %ne3A_321 = arith.cmpi ne, %sign3A_313, %sign3A_320 : i32
      %rem3A_322 = arith.remsi %add3A_304, %jit3A_305 : i32
      %ne3A_323 = arith.constant 0 : i32
      %ne3A_324 = arith.cmpi ne, %rem3A_322, %ne3A_323 : i32
      %and3A_325 = arith.andi %ne3A_321, %ne3A_324 : i1
      %sub3A_326 = arith.constant 1 : i32
      %sub3A_327 = arith.subi %div3A_306, %sub3A_326 : i32
      %select_n3A_328 = arith.select %and3A_325, %sub3A_327, %div3A_306 : i32
      %add3A_329 = arith.constant 5 : i32
      %add3A_330 = arith.addi %mul3A_33, %add3A_329 : i32
      %jit3A_331 = arith.constant 8 : i32
      %eq3A_332 = arith.constant 0 : i32
      %eq3A_333 = arith.cmpi eq, %jit3A_331, %eq3A_332 : i32
      %jit3A_334 = arith.constant 1 : i32
      %select_n3A_335 = arith.select %eq3A_333, %jit3A_334, %jit3A_331 : i32
      %rem3A_336 = arith.remsi %add3A_330, %select_n3A_335 : i32
      %ne3A_337 = arith.constant 0 : i32
      %ne3A_338 = arith.cmpi ne, %rem3A_336, %ne3A_337 : i32
      %lt3A_339 = arith.constant 0 : i32
      %lt3A_340 = arith.cmpi slt, %rem3A_336, %lt3A_339 : i32
      %lt3A_341 = arith.constant 0 : i32
      %lt3A_342 = arith.cmpi slt, %select_n3A_335, %lt3A_341 : i32
      %ne3A_343 = arith.xori %lt3A_340, %lt3A_342 : i1
      %and3A_344 = arith.andi %ne3A_343, %ne3A_338 : i1
      %add3A_345 = arith.addi %rem3A_336, %select_n3A_335 : i32
      %select_n3A_346 = arith.select %and3A_344, %add3A_345, %rem3A_336 : i32
      %dma_start3A_347 = arith.constant 0 : i32
      %dma_start3A_348 = arith.constant 5 : i32
      %dma_start3A_349 = arith.constant 0 : i32
      %dma_start3A_350 = arith.constant 0 : i32
      %dma_start3A_351 = tpu.memref_slice %arg7[%dma_start3A_347, %dma_start3A_348, %dma_start3A_349, %dma_start3A_350] : memref<2x20x128x16xf32, #tpu.memory_space<vmem>> -> memref<1x1x128x16xf32, #tpu.memory_space<vmem>>
      %dma_start3A_352 = tpu.memref_squeeze %dma_start3A_351 : memref<1x1x128x16xf32, #tpu.memory_space<vmem>> -> memref<128x16xf32, #tpu.memory_space<vmem>>
      %dma_start3A_353 = arith.constant 0 : i32
      %dma_start3A_354 = tpu.memref_slice %arg6[%select_n3A_328, %select_n3A_346, %dma_start3A_353] : memref<25x8x128xi32, #tpu.memory_space<vmem>> -> memref<1x1x128xi32, #tpu.memory_space<vmem>>
      %dma_start3A_355 = tpu.memref_squeeze %dma_start3A_354 : memref<1x1x128xi32, #tpu.memory_space<vmem>> -> memref<128xi32, #tpu.memory_space<vmem>>
      %dma_start3A_356 = arith.constant 0 : i32
      %dma_start3A_357 = arith.constant 0 : i32
      %dma_start3A_358 = tpu.memref_slice %arg2[%dma_start3A_356, %dma_start3A_357] : memref<400000x16xf32, #tpu.memory_space<hbm>> -> memref<400000x16xf32, #tpu.memory_space<hbm>>
      tpu.enqueue_indirect_dma source(%dma_start3A_358 : memref<400000x16xf32, #tpu.memory_space<hbm>>) target(%dma_start3A_352 : memref<128x16xf32, #tpu.memory_space<vmem>>) offsets(%dma_start3A_355 : memref<128xi32, #tpu.memory_space<vmem>>) semaphore(%arg10 : memref<!tpu.dma_semaphore, #tpu.memory_space<semaphore_mem>>)
      %add3A_359 = arith.constant 6 : i32
      %add3A_360 = arith.addi %mul3A_33, %add3A_359 : i32
      %jit3A_361 = arith.constant 8 : i32
      %div3A_362 = arith.divsi %add3A_360, %jit3A_361 : i32
      %sign3A_363 = arith.constant 0 : i32
      %sign3A_364 = arith.cmpi sgt, %add3A_360, %sign3A_363 : i32
      %sign3A_365 = arith.extui %sign3A_364 : i1 to i32
      %sign3A_366 = arith.constant 0 : i32
      %sign3A_367 = arith.cmpi slt, %add3A_360, %sign3A_366 : i32
      %sign3A_368 = arith.extui %sign3A_367 : i1 to i32
      %sign3A_369 = arith.subi %sign3A_365, %sign3A_368 : i32
      %sign3A_370 = arith.constant 0 : i32
      %sign3A_371 = arith.cmpi sgt, %jit3A_361, %sign3A_370 : i32
      %sign3A_372 = arith.extui %sign3A_371 : i1 to i32
      %sign3A_373 = arith.constant 0 : i32
      %sign3A_374 = arith.cmpi slt, %jit3A_361, %sign3A_373 : i32
      %sign3A_375 = arith.extui %sign3A_374 : i1 to i32
      %sign3A_376 = arith.subi %sign3A_372, %sign3A_375 : i32
      %ne3A_377 = arith.cmpi ne, %sign3A_369, %sign3A_376 : i32
      %rem3A_378 = arith.remsi %add3A_360, %jit3A_361 : i32
      %ne3A_379 = arith.constant 0 : i32
      %ne3A_380 = arith.cmpi ne, %rem3A_378, %ne3A_379 : i32
      %and3A_381 = arith.andi %ne3A_377, %ne3A_380 : i1
      %sub3A_382 = arith.constant 1 : i32
      %sub3A_383 = arith.subi %div3A_362, %sub3A_382 : i32
      %select_n3A_384 = arith.select %and3A_381, %sub3A_383, %div3A_362 : i32
      %add3A_385 = arith.constant 6 : i32
      %add3A_386 = arith.addi %mul3A_33, %add3A_385 : i32
      %jit3A_387 = arith.constant 8 : i32
      %eq3A_388 = arith.constant 0 : i32
      %eq3A_389 = arith.cmpi eq, %jit3A_387, %eq3A_388 : i32
      %jit3A_390 = arith.constant 1 : i32
      %select_n3A_391 = arith.select %eq3A_389, %jit3A_390, %jit3A_387 : i32
      %rem3A_392 = arith.remsi %add3A_386, %select_n3A_391 : i32
      %ne3A_393 = arith.constant 0 : i32
      %ne3A_394 = arith.cmpi ne, %rem3A_392, %ne3A_393 : i32
      %lt3A_395 = arith.constant 0 : i32
      %lt3A_396 = arith.cmpi slt, %rem3A_392, %lt3A_395 : i32
      %lt3A_397 = arith.constant 0 : i32
      %lt3A_398 = arith.cmpi slt, %select_n3A_391, %lt3A_397 : i32
      %ne3A_399 = arith.xori %lt3A_396, %lt3A_398 : i1
      %and3A_400 = arith.andi %ne3A_399, %ne3A_394 : i1
      %add3A_401 = arith.addi %rem3A_392, %select_n3A_391 : i32
      %select_n3A_402 = arith.select %and3A_400, %add3A_401, %rem3A_392 : i32
      %dma_start3A_403 = arith.constant 0 : i32
      %dma_start3A_404 = arith.constant 6 : i32
      %dma_start3A_405 = arith.constant 0 : i32
      %dma_start3A_406 = arith.constant 0 : i32
      %dma_start3A_407 = tpu.memref_slice %arg7[%dma_start3A_403, %dma_start3A_404, %dma_start3A_405, %dma_start3A_406] : memref<2x20x128x16xf32, #tpu.memory_space<vmem>> -> memref<1x1x128x16xf32, #tpu.memory_space<vmem>>
      %dma_start3A_408 = tpu.memref_squeeze %dma_start3A_407 : memref<1x1x128x16xf32, #tpu.memory_space<vmem>> -> memref<128x16xf32, #tpu.memory_space<vmem>>
      %dma_start3A_409 = arith.constant 0 : i32
      %dma_start3A_410 = tpu.memref_slice %arg6[%select_n3A_384, %select_n3A_402, %dma_start3A_409] : memref<25x8x128xi32, #tpu.memory_space<vmem>> -> memref<1x1x128xi32, #tpu.memory_space<vmem>>
      %dma_start3A_411 = tpu.memref_squeeze %dma_start3A_410 : memref<1x1x128xi32, #tpu.memory_space<vmem>> -> memref<128xi32, #tpu.memory_space<vmem>>
      %dma_start3A_412 = arith.constant 0 : i32
      %dma_start3A_413 = arith.constant 0 : i32
      %dma_start3A_414 = tpu.memref_slice %arg2[%dma_start3A_412, %dma_start3A_413] : memref<400000x16xf32, #tpu.memory_space<hbm>> -> memref<400000x16xf32, #tpu.memory_space<hbm>>
      tpu.enqueue_indirect_dma source(%dma_start3A_414 : memref<400000x16xf32, #tpu.memory_space<hbm>>) target(%dma_start3A_408 : memref<128x16xf32, #tpu.memory_space<vmem>>) offsets(%dma_start3A_411 : memref<128xi32, #tpu.memory_space<vmem>>) semaphore(%arg10 : memref<!tpu.dma_semaphore, #tpu.memory_space<semaphore_mem>>)
      %add3A_415 = arith.constant 7 : i32
      %add3A_416 = arith.addi %mul3A_33, %add3A_415 : i32
      %jit3A_417 = arith.constant 8 : i32
      %div3A_418 = arith.divsi %add3A_416, %jit3A_417 : i32
      %sign3A_419 = arith.constant 0 : i32
      %sign3A_420 = arith.cmpi sgt, %add3A_416, %sign3A_419 : i32
      %sign3A_421 = arith.extui %sign3A_420 : i1 to i32
      %sign3A_422 = arith.constant 0 : i32
      %sign3A_423 = arith.cmpi slt, %add3A_416, %sign3A_422 : i32
      %sign3A_424 = arith.extui %sign3A_423 : i1 to i32
      %sign3A_425 = arith.subi %sign3A_421, %sign3A_424 : i32
      %sign3A_426 = arith.constant 0 : i32
      %sign3A_427 = arith.cmpi sgt, %jit3A_417, %sign3A_426 : i32
      %sign3A_428 = arith.extui %sign3A_427 : i1 to i32
      %sign3A_429 = arith.constant 0 : i32
      %sign3A_430 = arith.cmpi slt, %jit3A_417, %sign3A_429 : i32
      %sign3A_431 = arith.extui %sign3A_430 : i1 to i32
      %sign3A_432 = arith.subi %sign3A_428, %sign3A_431 : i32
      %ne3A_433 = arith.cmpi ne, %sign3A_425, %sign3A_432 : i32
      %rem3A_434 = arith.remsi %add3A_416, %jit3A_417 : i32
      %ne3A_435 = arith.constant 0 : i32
      %ne3A_436 = arith.cmpi ne, %rem3A_434, %ne3A_435 : i32
      %and3A_437 = arith.andi %ne3A_433, %ne3A_436 : i1
      %sub3A_438 = arith.constant 1 : i32
      %sub3A_439 = arith.subi %div3A_418, %sub3A_438 : i32
      %select_n3A_440 = arith.select %and3A_437, %sub3A_439, %div3A_418 : i32
      %add3A_441 = arith.constant 7 : i32
      %add3A_442 = arith.addi %mul3A_33, %add3A_441 : i32
      %jit3A_443 = arith.constant 8 : i32
      %eq3A_444 = arith.constant 0 : i32
      %eq3A_445 = arith.cmpi eq, %jit3A_443, %eq3A_444 : i32
      %jit3A_446 = arith.constant 1 : i32
      %select_n3A_447 = arith.select %eq3A_445, %jit3A_446, %jit3A_443 : i32
      %rem3A_448 = arith.remsi %add3A_442, %select_n3A_447 : i32
      %ne3A_449 = arith.constant 0 : i32
      %ne3A_450 = arith.cmpi ne, %rem3A_448, %ne3A_449 : i32
      %lt3A_451 = arith.constant 0 : i32
      %lt3A_452 = arith.cmpi slt, %rem3A_448, %lt3A_451 : i32
      %lt3A_453 = arith.constant 0 : i32
      %lt3A_454 = arith.cmpi slt, %select_n3A_447, %lt3A_453 : i32
      %ne3A_455 = arith.xori %lt3A_452, %lt3A_454 : i1
      %and3A_456 = arith.andi %ne3A_455, %ne3A_450 : i1
      %add3A_457 = arith.addi %rem3A_448, %select_n3A_447 : i32
      %select_n3A_458 = arith.select %and3A_456, %add3A_457, %rem3A_448 : i32
      %dma_start3A_459 = arith.constant 0 : i32
      %dma_start3A_460 = arith.constant 7 : i32
      %dma_start3A_461 = arith.constant 0 : i32
      %dma_start3A_462 = arith.constant 0 : i32
      %dma_start3A_463 = tpu.memref_slice %arg7[%dma_start3A_459, %dma_start3A_460, %dma_start3A_461, %dma_start3A_462] : memref<2x20x128x16xf32, #tpu.memory_space<vmem>> -> memref<1x1x128x16xf32, #tpu.memory_space<vmem>>
      %dma_start3A_464 = tpu.memref_squeeze %dma_start3A_463 : memref<1x1x128x16xf32, #tpu.memory_space<vmem>> -> memref<128x16xf32, #tpu.memory_space<vmem>>
      %dma_start3A_465 = arith.constant 0 : i32
      %dma_start3A_466 = tpu.memref_slice %arg6[%select_n3A_440, %select_n3A_458, %dma_start3A_465] : memref<25x8x128xi32, #tpu.memory_space<vmem>> -> memref<1x1x128xi32, #tpu.memory_space<vmem>>
      %dma_start3A_467 = tpu.memref_squeeze %dma_start3A_466 : memref<1x1x128xi32, #tpu.memory_space<vmem>> -> memref<128xi32, #tpu.memory_space<vmem>>
      %dma_start3A_468 = arith.constant 0 : i32
      %dma_start3A_469 = arith.constant 0 : i32
      %dma_start3A_470 = tpu.memref_slice %arg2[%dma_start3A_468, %dma_start3A_469] : memref<400000x16xf32, #tpu.memory_space<hbm>> -> memref<400000x16xf32, #tpu.memory_space<hbm>>
      tpu.enqueue_indirect_dma source(%dma_start3A_470 : memref<400000x16xf32, #tpu.memory_space<hbm>>) target(%dma_start3A_464 : memref<128x16xf32, #tpu.memory_space<vmem>>) offsets(%dma_start3A_467 : memref<128xi32, #tpu.memory_space<vmem>>) semaphore(%arg10 : memref<!tpu.dma_semaphore, #tpu.memory_space<semaphore_mem>>)
      %add3A_471 = arith.constant 8 : i32
      %add3A_472 = arith.addi %mul3A_33, %add3A_471 : i32
      %jit3A_473 = arith.constant 8 : i32
      %div3A_474 = arith.divsi %add3A_472, %jit3A_473 : i32
      %sign3A_475 = arith.constant 0 : i32
      %sign3A_476 = arith.cmpi sgt, %add3A_472, %sign3A_475 : i32
      %sign3A_477 = arith.extui %sign3A_476 : i1 to i32
      %sign3A_478 = arith.constant 0 : i32
      %sign3A_479 = arith.cmpi slt, %add3A_472, %sign3A_478 : i32
      %sign3A_480 = arith.extui %sign3A_479 : i1 to i32
      %sign3A_481 = arith.subi %sign3A_477, %sign3A_480 : i32
      %sign3A_482 = arith.constant 0 : i32
      %sign3A_483 = arith.cmpi sgt, %jit3A_473, %sign3A_482 : i32
      %sign3A_484 = arith.extui %sign3A_483 : i1 to i32
      %sign3A_485 = arith.constant 0 : i32
      %sign3A_486 = arith.cmpi slt, %jit3A_473, %sign3A_485 : i32
      %sign3A_487 = arith.extui %sign3A_486 : i1 to i32
      %sign3A_488 = arith.subi %sign3A_484, %sign3A_487 : i32
      %ne3A_489 = arith.cmpi ne, %sign3A_481, %sign3A_488 : i32
      %rem3A_490 = arith.remsi %add3A_472, %jit3A_473 : i32
      %ne3A_491 = arith.constant 0 : i32
      %ne3A_492 = arith.cmpi ne, %rem3A_490, %ne3A_491 : i32
      %and3A_493 = arith.andi %ne3A_489, %ne3A_492 : i1
      %sub3A_494 = arith.constant 1 : i32
      %sub3A_495 = arith.subi %div3A_474, %sub3A_494 : i32
      %select_n3A_496 = arith.select %and3A_493, %sub3A_495, %div3A_474 : i32
      %add3A_497 = arith.constant 8 : i32
      %add3A_498 = arith.addi %mul3A_33, %add3A_497 : i32
      %jit3A_499 = arith.constant 8 : i32
      %eq3A_500 = arith.constant 0 : i32
      %eq3A_501 = arith.cmpi eq, %jit3A_499, %eq3A_500 : i32
      %jit3A_502 = arith.constant 1 : i32
      %select_n3A_503 = arith.select %eq3A_501, %jit3A_502, %jit3A_499 : i32
      %rem3A_504 = arith.remsi %add3A_498, %select_n3A_503 : i32
      %ne3A_505 = arith.constant 0 : i32
      %ne3A_506 = arith.cmpi ne, %rem3A_504, %ne3A_505 : i32
      %lt3A_507 = arith.constant 0 : i32
      %lt3A_508 = arith.cmpi slt, %rem3A_504, %lt3A_507 : i32
      %lt3A_509 = arith.constant 0 : i32
      %lt3A_510 = arith.cmpi slt, %select_n3A_503, %lt3A_509 : i32
      %ne3A_511 = arith.xori %lt3A_508, %lt3A_510 : i1
      %and3A_512 = arith.andi %ne3A_511, %ne3A_506 : i1
      %add3A_513 = arith.addi %rem3A_504, %select_n3A_503 : i32
      %select_n3A_514 = arith.select %and3A_512, %add3A_513, %rem3A_504 : i32
      %dma_start3A_515 = arith.constant 0 : i32
      %dma_start3A_516 = arith.constant 8 : i32
      %dma_start3A_517 = arith.constant 0 : i32
      %dma_start3A_518 = arith.constant 0 : i32
      %dma_start3A_519 = tpu.memref_slice %arg7[%dma_start3A_515, %dma_start3A_516, %dma_start3A_517, %dma_start3A_518] : memref<2x20x128x16xf32, #tpu.memory_space<vmem>> -> memref<1x1x128x16xf32, #tpu.memory_space<vmem>>
      %dma_start3A_520 = tpu.memref_squeeze %dma_start3A_519 : memref<1x1x128x16xf32, #tpu.memory_space<vmem>> -> memref<128x16xf32, #tpu.memory_space<vmem>>
      %dma_start3A_521 = arith.constant 0 : i32
      %dma_start3A_522 = tpu.memref_slice %arg6[%select_n3A_496, %select_n3A_514, %dma_start3A_521] : memref<25x8x128xi32, #tpu.memory_space<vmem>> -> memref<1x1x128xi32, #tpu.memory_space<vmem>>
      %dma_start3A_523 = tpu.memref_squeeze %dma_start3A_522 : memref<1x1x128xi32, #tpu.memory_space<vmem>> -> memref<128xi32, #tpu.memory_space<vmem>>
      %dma_start3A_524 = arith.constant 0 : i32
      %dma_start3A_525 = arith.constant 0 : i32
      %dma_start3A_526 = tpu.memref_slice %arg2[%dma_start3A_524, %dma_start3A_525] : memref<400000x16xf32, #tpu.memory_space<hbm>> -> memref<400000x16xf32, #tpu.memory_space<hbm>>
      tpu.enqueue_indirect_dma source(%dma_start3A_526 : memref<400000x16xf32, #tpu.memory_space<hbm>>) target(%dma_start3A_520 : memref<128x16xf32, #tpu.memory_space<vmem>>) offsets(%dma_start3A_523 : memref<128xi32, #tpu.memory_space<vmem>>) semaphore(%arg10 : memref<!tpu.dma_semaphore, #tpu.memory_space<semaphore_mem>>)
      %add3A_527 = arith.constant 9 : i32
      %add3A_528 = arith.addi %mul3A_33, %add3A_527 : i32
      %jit3A_529 = arith.constant 8 : i32
      %div3A_530 = arith.divsi %add3A_528, %jit3A_529 : i32
      %sign3A_531 = arith.constant 0 : i32
      %sign3A_532 = arith.cmpi sgt, %add3A_528, %sign3A_531 : i32
      %sign3A_533 = arith.extui %sign3A_532 : i1 to i32
      %sign3A_534 = arith.constant 0 : i32
      %sign3A_535 = arith.cmpi slt, %add3A_528, %sign3A_534 : i32
      %sign3A_536 = arith.extui %sign3A_535 : i1 to i32
      %sign3A_537 = arith.subi %sign3A_533, %sign3A_536 : i32
      %sign3A_538 = arith.constant 0 : i32
      %sign3A_539 = arith.cmpi sgt, %jit3A_529, %sign3A_538 : i32
      %sign3A_540 = arith.extui %sign3A_539 : i1 to i32
      %sign3A_541 = arith.constant 0 : i32
      %sign3A_542 = arith.cmpi slt, %jit3A_529, %sign3A_541 : i32
      %sign3A_543 = arith.extui %sign3A_542 : i1 to i32
      %sign3A_544 = arith.subi %sign3A_540, %sign3A_543 : i32
      %ne3A_545 = arith.cmpi ne, %sign3A_537, %sign3A_544 : i32
      %rem3A_546 = arith.remsi %add3A_528, %jit3A_529 : i32
      %ne3A_547 = arith.constant 0 : i32
      %ne3A_548 = arith.cmpi ne, %rem3A_546, %ne3A_547 : i32
      %and3A_549 = arith.andi %ne3A_545, %ne3A_548 : i1
      %sub3A_550 = arith.constant 1 : i32
      %sub3A_551 = arith.subi %div3A_530, %sub3A_550 : i32
      %select_n3A_552 = arith.select %and3A_549, %sub3A_551, %div3A_530 : i32
      %add3A_553 = arith.constant 9 : i32
      %add3A_554 = arith.addi %mul3A_33, %add3A_553 : i32
      %jit3A_555 = arith.constant 8 : i32
      %eq3A_556 = arith.constant 0 : i32
      %eq3A_557 = arith.cmpi eq, %jit3A_555, %eq3A_556 : i32
      %jit3A_558 = arith.constant 1 : i32
      %select_n3A_559 = arith.select %eq3A_557, %jit3A_558, %jit3A_555 : i32
      %rem3A_560 = arith.remsi %add3A_554, %select_n3A_559 : i32
      %ne3A_561 = arith.constant 0 : i32
      %ne3A_562 = arith.cmpi ne, %rem3A_560, %ne3A_561 : i32
      %lt3A_563 = arith.constant 0 : i32
      %lt3A_564 = arith.cmpi slt, %rem3A_560, %lt3A_563 : i32
      %lt3A_565 = arith.constant 0 : i32
      %lt3A_566 = arith.cmpi slt, %select_n3A_559, %lt3A_565 : i32
      %ne3A_567 = arith.xori %lt3A_564, %lt3A_566 : i1
      %and3A_568 = arith.andi %ne3A_567, %ne3A_562 : i1
      %add3A_569 = arith.addi %rem3A_560, %select_n3A_559 : i32
      %select_n3A_570 = arith.select %and3A_568, %add3A_569, %rem3A_560 : i32
      %dma_start3A_571 = arith.constant 0 : i32
      %dma_start3A_572 = arith.constant 9 : i32
      %dma_start3A_573 = arith.constant 0 : i32
      %dma_start3A_574 = arith.constant 0 : i32
      %dma_start3A_575 = tpu.memref_slice %arg7[%dma_start3A_571, %dma_start3A_572, %dma_start3A_573, %dma_start3A_574] : memref<2x20x128x16xf32, #tpu.memory_space<vmem>> -> memref<1x1x128x16xf32, #tpu.memory_space<vmem>>
      %dma_start3A_576 = tpu.memref_squeeze %dma_start3A_575 : memref<1x1x128x16xf32, #tpu.memory_space<vmem>> -> memref<128x16xf32, #tpu.memory_space<vmem>>
      %dma_start3A_577 = arith.constant 0 : i32
      %dma_start3A_578 = tpu.memref_slice %arg6[%select_n3A_552, %select_n3A_570, %dma_start3A_577] : memref<25x8x128xi32, #tpu.memory_space<vmem>> -> memref<1x1x128xi32, #tpu.memory_space<vmem>>
      %dma_start3A_579 = tpu.memref_squeeze %dma_start3A_578 : memref<1x1x128xi32, #tpu.memory_space<vmem>> -> memref<128xi32, #tpu.memory_space<vmem>>
      %dma_start3A_580 = arith.constant 0 : i32
      %dma_start3A_581 = arith.constant 0 : i32
      %dma_start3A_582 = tpu.memref_slice %arg2[%dma_start3A_580, %dma_start3A_581] : memref<400000x16xf32, #tpu.memory_space<hbm>> -> memref<400000x16xf32, #tpu.memory_space<hbm>>
      tpu.enqueue_indirect_dma source(%dma_start3A_582 : memref<400000x16xf32, #tpu.memory_space<hbm>>) target(%dma_start3A_576 : memref<128x16xf32, #tpu.memory_space<vmem>>) offsets(%dma_start3A_579 : memref<128xi32, #tpu.memory_space<vmem>>) semaphore(%arg10 : memref<!tpu.dma_semaphore, #tpu.memory_space<semaphore_mem>>)
      %add3A_583 = arith.constant 10 : i32
      %add3A_584 = arith.addi %mul3A_33, %add3A_583 : i32
      %jit3A_585 = arith.constant 8 : i32
      %div3A_586 = arith.divsi %add3A_584, %jit3A_585 : i32
      %sign3A_587 = arith.constant 0 : i32
      %sign3A_588 = arith.cmpi sgt, %add3A_584, %sign3A_587 : i32
      %sign3A_589 = arith.extui %sign3A_588 : i1 to i32
      %sign3A_590 = arith.constant 0 : i32
      %sign3A_591 = arith.cmpi slt, %add3A_584, %sign3A_590 : i32
      %sign3A_592 = arith.extui %sign3A_591 : i1 to i32
      %sign3A_593 = arith.subi %sign3A_589, %sign3A_592 : i32
      %sign3A_594 = arith.constant 0 : i32
      %sign3A_595 = arith.cmpi sgt, %jit3A_585, %sign3A_594 : i32
      %sign3A_596 = arith.extui %sign3A_595 : i1 to i32
      %sign3A_597 = arith.constant 0 : i32
      %sign3A_598 = arith.cmpi slt, %jit3A_585, %sign3A_597 : i32
      %sign3A_599 = arith.extui %sign3A_598 : i1 to i32
      %sign3A_600 = arith.subi %sign3A_596, %sign3A_599 : i32
      %ne3A_601 = arith.cmpi ne, %sign3A_593, %sign3A_600 : i32
      %rem3A_602 = arith.remsi %add3A_584, %jit3A_585 : i32
      %ne3A_603 = arith.constant 0 : i32
      %ne3A_604 = arith.cmpi ne, %rem3A_602, %ne3A_603 : i32
      %and3A_605 = arith.andi %ne3A_601, %ne3A_604 : i1
      %sub3A_606 = arith.constant 1 : i32
      %sub3A_607 = arith.subi %div3A_586, %sub3A_606 : i32
      %select_n3A_608 = arith.select %and3A_605, %sub3A_607, %div3A_586 : i32
      %add3A_609 = arith.constant 10 : i32
      %add3A_610 = arith.addi %mul3A_33, %add3A_609 : i32
      %jit3A_611 = arith.constant 8 : i32
      %eq3A_612 = arith.constant 0 : i32
      %eq3A_613 = arith.cmpi eq, %jit3A_611, %eq3A_612 : i32
      %jit3A_614 = arith.constant 1 : i32
      %select_n3A_615 = arith.select %eq3A_613, %jit3A_614, %jit3A_611 : i32
      %rem3A_616 = arith.remsi %add3A_610, %select_n3A_615 : i32
      %ne3A_617 = arith.constant 0 : i32
      %ne3A_618 = arith.cmpi ne, %rem3A_616, %ne3A_617 : i32
      %lt3A_619 = arith.constant 0 : i32
      %lt3A_620 = arith.cmpi slt, %rem3A_616, %lt3A_619 : i32
      %lt3A_621 = arith.constant 0 : i32
      %lt3A_622 = arith.cmpi slt, %select_n3A_615, %lt3A_621 : i32
      %ne3A_623 = arith.xori %lt3A_620, %lt3A_622 : i1
      %and3A_624 = arith.andi %ne3A_623, %ne3A_618 : i1
      %add3A_625 = arith.addi %rem3A_616, %select_n3A_615 : i32
      %select_n3A_626 = arith.select %and3A_624, %add3A_625, %rem3A_616 : i32
      %dma_start3A_627 = arith.constant 0 : i32
      %dma_start3A_628 = arith.constant 10 : i32
      %dma_start3A_629 = arith.constant 0 : i32
      %dma_start3A_630 = arith.constant 0 : i32
      %dma_start3A_631 = tpu.memref_slice %arg7[%dma_start3A_627, %dma_start3A_628, %dma_start3A_629, %dma_start3A_630] : memref<2x20x128x16xf32, #tpu.memory_space<vmem>> -> memref<1x1x128x16xf32, #tpu.memory_space<vmem>>
      %dma_start3A_632 = tpu.memref_squeeze %dma_start3A_631 : memref<1x1x128x16xf32, #tpu.memory_space<vmem>> -> memref<128x16xf32, #tpu.memory_space<vmem>>
      %dma_start3A_633 = arith.constant 0 : i32
      %dma_start3A_634 = tpu.memref_slice %arg6[%select_n3A_608, %select_n3A_626, %dma_start3A_633] : memref<25x8x128xi32, #tpu.memory_space<vmem>> -> memref<1x1x128xi32, #tpu.memory_space<vmem>>
      %dma_start3A_635 = tpu.memref_squeeze %dma_start3A_634 : memref<1x1x128xi32, #tpu.memory_space<vmem>> -> memref<128xi32, #tpu.memory_space<vmem>>
      %dma_start3A_636 = arith.constant 0 : i32
      %dma_start3A_637 = arith.constant 0 : i32
      %dma_start3A_638 = tpu.memref_slice %arg2[%dma_start3A_636, %dma_start3A_637] : memref<400000x16xf32, #tpu.memory_space<hbm>> -> memref<400000x16xf32, #tpu.memory_space<hbm>>
      tpu.enqueue_indirect_dma source(%dma_start3A_638 : memref<400000x16xf32, #tpu.memory_space<hbm>>) target(%dma_start3A_632 : memref<128x16xf32, #tpu.memory_space<vmem>>) offsets(%dma_start3A_635 : memref<128xi32, #tpu.memory_space<vmem>>) semaphore(%arg10 : memref<!tpu.dma_semaphore, #tpu.memory_space<semaphore_mem>>)
      %add3A_639 = arith.constant 11 : i32
      %add3A_640 = arith.addi %mul3A_33, %add3A_639 : i32
      %jit3A_641 = arith.constant 8 : i32
      %div3A_642 = arith.divsi %add3A_640, %jit3A_641 : i32
      %sign3A_643 = arith.constant 0 : i32
      %sign3A_644 = arith.cmpi sgt, %add3A_640, %sign3A_643 : i32
      %sign3A_645 = arith.extui %sign3A_644 : i1 to i32
      %sign3A_646 = arith.constant 0 : i32
      %sign3A_647 = arith.cmpi slt, %add3A_640, %sign3A_646 : i32
      %sign3A_648 = arith.extui %sign3A_647 : i1 to i32
      %sign3A_649 = arith.subi %sign3A_645, %sign3A_648 : i32
      %sign3A_650 = arith.constant 0 : i32
      %sign3A_651 = arith.cmpi sgt, %jit3A_641, %sign3A_650 : i32
      %sign3A_652 = arith.extui %sign3A_651 : i1 to i32
      %sign3A_653 = arith.constant 0 : i32
      %sign3A_654 = arith.cmpi slt, %jit3A_641, %sign3A_653 : i32
      %sign3A_655 = arith.extui %sign3A_654 : i1 to i32
      %sign3A_656 = arith.subi %sign3A_652, %sign3A_655 : i32
      %ne3A_657 = arith.cmpi ne, %sign3A_649, %sign3A_656 : i32
      %rem3A_658 = arith.remsi %add3A_640, %jit3A_641 : i32
      %ne3A_659 = arith.constant 0 : i32
      %ne3A_660 = arith.cmpi ne, %rem3A_658, %ne3A_659 : i32
      %and3A_661 = arith.andi %ne3A_657, %ne3A_660 : i1
      %sub3A_662 = arith.constant 1 : i32
      %sub3A_663 = arith.subi %div3A_642, %sub3A_662 : i32
      %select_n3A_664 = arith.select %and3A_661, %sub3A_663, %div3A_642 : i32
      %add3A_665 = arith.constant 11 : i32
      %add3A_666 = arith.addi %mul3A_33, %add3A_665 : i32
      %jit3A_667 = arith.constant 8 : i32
      %eq3A_668 = arith.constant 0 : i32
      %eq3A_669 = arith.cmpi eq, %jit3A_667, %eq3A_668 : i32
      %jit3A_670 = arith.constant 1 : i32
      %select_n3A_671 = arith.select %eq3A_669, %jit3A_670, %jit3A_667 : i32
      %rem3A_672 = arith.remsi %add3A_666, %select_n3A_671 : i32
      %ne3A_673 = arith.constant 0 : i32
      %ne3A_674 = arith.cmpi ne, %rem3A_672, %ne3A_673 : i32
      %lt3A_675 = arith.constant 0 : i32
      %lt3A_676 = arith.cmpi slt, %rem3A_672, %lt3A_675 : i32
      %lt3A_677 = arith.constant 0 : i32
      %lt3A_678 = arith.cmpi slt, %select_n3A_671, %lt3A_677 : i32
      %ne3A_679 = arith.xori %lt3A_676, %lt3A_678 : i1
      %and3A_680 = arith.andi %ne3A_679, %ne3A_674 : i1
      %add3A_681 = arith.addi %rem3A_672, %select_n3A_671 : i32
      %select_n3A_682 = arith.select %and3A_680, %add3A_681, %rem3A_672 : i32
      %dma_start3A_683 = arith.constant 0 : i32
      %dma_start3A_684 = arith.constant 11 : i32
      %dma_start3A_685 = arith.constant 0 : i32
      %dma_start3A_686 = arith.constant 0 : i32
      %dma_start3A_687 = tpu.memref_slice %arg7[%dma_start3A_683, %dma_start3A_684, %dma_start3A_685, %dma_start3A_686] : memref<2x20x128x16xf32, #tpu.memory_space<vmem>> -> memref<1x1x128x16xf32, #tpu.memory_space<vmem>>
      %dma_start3A_688 = tpu.memref_squeeze %dma_start3A_687 : memref<1x1x128x16xf32, #tpu.memory_space<vmem>> -> memref<128x16xf32, #tpu.memory_space<vmem>>
      %dma_start3A_689 = arith.constant 0 : i32
      %dma_start3A_690 = tpu.memref_slice %arg6[%select_n3A_664, %select_n3A_682, %dma_start3A_689] : memref<25x8x128xi32, #tpu.memory_space<vmem>> -> memref<1x1x128xi32, #tpu.memory_space<vmem>>
      %dma_start3A_691 = tpu.memref_squeeze %dma_start3A_690 : memref<1x1x128xi32, #tpu.memory_space<vmem>> -> memref<128xi32, #tpu.memory_space<vmem>>
      %dma_start3A_692 = arith.constant 0 : i32
      %dma_start3A_693 = arith.constant 0 : i32
      %dma_start3A_694 = tpu.memref_slice %arg2[%dma_start3A_692, %dma_start3A_693] : memref<400000x16xf32, #tpu.memory_space<hbm>> -> memref<400000x16xf32, #tpu.memory_space<hbm>>
      tpu.enqueue_indirect_dma source(%dma_start3A_694 : memref<400000x16xf32, #tpu.memory_space<hbm>>) target(%dma_start3A_688 : memref<128x16xf32, #tpu.memory_space<vmem>>) offsets(%dma_start3A_691 : memref<128xi32, #tpu.memory_space<vmem>>) semaphore(%arg10 : memref<!tpu.dma_semaphore, #tpu.memory_space<semaphore_mem>>)
      %add3A_695 = arith.constant 12 : i32
      %add3A_696 = arith.addi %mul3A_33, %add3A_695 : i32
      %jit3A_697 = arith.constant 8 : i32
      %div3A_698 = arith.divsi %add3A_696, %jit3A_697 : i32
      %sign3A_699 = arith.constant 0 : i32
      %sign3A_700 = arith.cmpi sgt, %add3A_696, %sign3A_699 : i32
      %sign3A_701 = arith.extui %sign3A_700 : i1 to i32
      %sign3A_702 = arith.constant 0 : i32
      %sign3A_703 = arith.cmpi slt, %add3A_696, %sign3A_702 : i32
      %sign3A_704 = arith.extui %sign3A_703 : i1 to i32
      %sign3A_705 = arith.subi %sign3A_701, %sign3A_704 : i32
      %sign3A_706 = arith.constant 0 : i32
      %sign3A_707 = arith.cmpi sgt, %jit3A_697, %sign3A_706 : i32
      %sign3A_708 = arith.extui %sign3A_707 : i1 to i32
      %sign3A_709 = arith.constant 0 : i32
      %sign3A_710 = arith.cmpi slt, %jit3A_697, %sign3A_709 : i32
      %sign3A_711 = arith.extui %sign3A_710 : i1 to i32
      %sign3A_712 = arith.subi %sign3A_708, %sign3A_711 : i32
      %ne3A_713 = arith.cmpi ne, %sign3A_705, %sign3A_712 : i32
      %rem3A_714 = arith.remsi %add3A_696, %jit3A_697 : i32
      %ne3A_715 = arith.constant 0 : i32
      %ne3A_716 = arith.cmpi ne, %rem3A_714, %ne3A_715 : i32
      %and3A_717 = arith.andi %ne3A_713, %ne3A_716 : i1
      %sub3A_718 = arith.constant 1 : i32
      %sub3A_719 = arith.subi %div3A_698, %sub3A_718 : i32
      %select_n3A_720 = arith.select %and3A_717, %sub3A_719, %div3A_698 : i32
      %add3A_721 = arith.constant 12 : i32
      %add3A_722 = arith.addi %mul3A_33, %add3A_721 : i32
      %jit3A_723 = arith.constant 8 : i32
      %eq3A_724 = arith.constant 0 : i32
      %eq3A_725 = arith.cmpi eq, %jit3A_723, %eq3A_724 : i32
      %jit3A_726 = arith.constant 1 : i32
      %select_n3A_727 = arith.select %eq3A_725, %jit3A_726, %jit3A_723 : i32
      %rem3A_728 = arith.remsi %add3A_722, %select_n3A_727 : i32
      %ne3A_729 = arith.constant 0 : i32
      %ne3A_730 = arith.cmpi ne, %rem3A_728, %ne3A_729 : i32
      %lt3A_731 = arith.constant 0 : i32
      %lt3A_732 = arith.cmpi slt, %rem3A_728, %lt3A_731 : i32
      %lt3A_733 = arith.constant 0 : i32
      %lt3A_734 = arith.cmpi slt, %select_n3A_727, %lt3A_733 : i32
      %ne3A_735 = arith.xori %lt3A_732, %lt3A_734 : i1
      %and3A_736 = arith.andi %ne3A_735, %ne3A_730 : i1
      %add3A_737 = arith.addi %rem3A_728, %select_n3A_727 : i32
      %select_n3A_738 = arith.select %and3A_736, %add3A_737, %rem3A_728 : i32
      %dma_start3A_739 = arith.constant 0 : i32
      %dma_start3A_740 = arith.constant 12 : i32
      %dma_start3A_741 = arith.constant 0 : i32
      %dma_start3A_742 = arith.constant 0 : i32
      %dma_start3A_743 = tpu.memref_slice %arg7[%dma_start3A_739, %dma_start3A_740, %dma_start3A_741, %dma_start3A_742] : memref<2x20x128x16xf32, #tpu.memory_space<vmem>> -> memref<1x1x128x16xf32, #tpu.memory_space<vmem>>
      %dma_start3A_744 = tpu.memref_squeeze %dma_start3A_743 : memref<1x1x128x16xf32, #tpu.memory_space<vmem>> -> memref<128x16xf32, #tpu.memory_space<vmem>>
      %dma_start3A_745 = arith.constant 0 : i32
      %dma_start3A_746 = tpu.memref_slice %arg6[%select_n3A_720, %select_n3A_738, %dma_start3A_745] : memref<25x8x128xi32, #tpu.memory_space<vmem>> -> memref<1x1x128xi32, #tpu.memory_space<vmem>>
      %dma_start3A_747 = tpu.memref_squeeze %dma_start3A_746 : memref<1x1x128xi32, #tpu.memory_space<vmem>> -> memref<128xi32, #tpu.memory_space<vmem>>
      %dma_start3A_748 = arith.constant 0 : i32
      %dma_start3A_749 = arith.constant 0 : i32
      %dma_start3A_750 = tpu.memref_slice %arg2[%dma_start3A_748, %dma_start3A_749] : memref<400000x16xf32, #tpu.memory_space<hbm>> -> memref<400000x16xf32, #tpu.memory_space<hbm>>
      tpu.enqueue_indirect_dma source(%dma_start3A_750 : memref<400000x16xf32, #tpu.memory_space<hbm>>) target(%dma_start3A_744 : memref<128x16xf32, #tpu.memory_space<vmem>>) offsets(%dma_start3A_747 : memref<128xi32, #tpu.memory_space<vmem>>) semaphore(%arg10 : memref<!tpu.dma_semaphore, #tpu.memory_space<semaphore_mem>>)
      %add3A_751 = arith.constant 13 : i32
      %add3A_752 = arith.addi %mul3A_33, %add3A_751 : i32
      %jit3A_753 = arith.constant 8 : i32
      %div3A_754 = arith.divsi %add3A_752, %jit3A_753 : i32
      %sign3A_755 = arith.constant 0 : i32
      %sign3A_756 = arith.cmpi sgt, %add3A_752, %sign3A_755 : i32
      %sign3A_757 = arith.extui %sign3A_756 : i1 to i32
      %sign3A_758 = arith.constant 0 : i32
      %sign3A_759 = arith.cmpi slt, %add3A_752, %sign3A_758 : i32
      %sign3A_760 = arith.extui %sign3A_759 : i1 to i32
      %sign3A_761 = arith.subi %sign3A_757, %sign3A_760 : i32
      %sign3A_762 = arith.constant 0 : i32
      %sign3A_763 = arith.cmpi sgt, %jit3A_753, %sign3A_762 : i32
      %sign3A_764 = arith.extui %sign3A_763 : i1 to i32
      %sign3A_765 = arith.constant 0 : i32
      %sign3A_766 = arith.cmpi slt, %jit3A_753, %sign3A_765 : i32
      %sign3A_767 = arith.extui %sign3A_766 : i1 to i32
      %sign3A_768 = arith.subi %sign3A_764, %sign3A_767 : i32
      %ne3A_769 = arith.cmpi ne, %sign3A_761, %sign3A_768 : i32
      %rem3A_770 = arith.remsi %add3A_752, %jit3A_753 : i32
      %ne3A_771 = arith.constant 0 : i32
      %ne3A_772 = arith.cmpi ne, %rem3A_770, %ne3A_771 : i32
      %and3A_773 = arith.andi %ne3A_769, %ne3A_772 : i1
      %sub3A_774 = arith.constant 1 : i32
      %sub3A_775 = arith.subi %div3A_754, %sub3A_774 : i32
      %select_n3A_776 = arith.select %and3A_773, %sub3A_775, %div3A_754 : i32
      %add3A_777 = arith.constant 13 : i32
      %add3A_778 = arith.addi %mul3A_33, %add3A_777 : i32
      %jit3A_779 = arith.constant 8 : i32
      %eq3A_780 = arith.constant 0 : i32
      %eq3A_781 = arith.cmpi eq, %jit3A_779, %eq3A_780 : i32
      %jit3A_782 = arith.constant 1 : i32
      %select_n3A_783 = arith.select %eq3A_781, %jit3A_782, %jit3A_779 : i32
      %rem3A_784 = arith.remsi %add3A_778, %select_n3A_783 : i32
      %ne3A_785 = arith.constant 0 : i32
      %ne3A_786 = arith.cmpi ne, %rem3A_784, %ne3A_785 : i32
      %lt3A_787 = arith.constant 0 : i32
      %lt3A_788 = arith.cmpi slt, %rem3A_784, %lt3A_787 : i32
      %lt3A_789 = arith.constant 0 : i32
      %lt3A_790 = arith.cmpi slt, %select_n3A_783, %lt3A_789 : i32
      %ne3A_791 = arith.xori %lt3A_788, %lt3A_790 : i1
      %and3A_792 = arith.andi %ne3A_791, %ne3A_786 : i1
      %add3A_793 = arith.addi %rem3A_784, %select_n3A_783 : i32
      %select_n3A_794 = arith.select %and3A_792, %add3A_793, %rem3A_784 : i32
      %dma_start3A_795 = arith.constant 0 : i32
      %dma_start3A_796 = arith.constant 13 : i32
      %dma_start3A_797 = arith.constant 0 : i32
      %dma_start3A_798 = arith.constant 0 : i32
      %dma_start3A_799 = tpu.memref_slice %arg7[%dma_start3A_795, %dma_start3A_796, %dma_start3A_797, %dma_start3A_798] : memref<2x20x128x16xf32, #tpu.memory_space<vmem>> -> memref<1x1x128x16xf32, #tpu.memory_space<vmem>>
      %dma_start3A_800 = tpu.memref_squeeze %dma_start3A_799 : memref<1x1x128x16xf32, #tpu.memory_space<vmem>> -> memref<128x16xf32, #tpu.memory_space<vmem>>
      %dma_start3A_801 = arith.constant 0 : i32
      %dma_start3A_802 = tpu.memref_slice %arg6[%select_n3A_776, %select_n3A_794, %dma_start3A_801] : memref<25x8x128xi32, #tpu.memory_space<vmem>> -> memref<1x1x128xi32, #tpu.memory_space<vmem>>
      %dma_start3A_803 = tpu.memref_squeeze %dma_start3A_802 : memref<1x1x128xi32, #tpu.memory_space<vmem>> -> memref<128xi32, #tpu.memory_space<vmem>>
      %dma_start3A_804 = arith.constant 0 : i32
      %dma_start3A_805 = arith.constant 0 : i32
      %dma_start3A_806 = tpu.memref_slice %arg2[%dma_start3A_804, %dma_start3A_805] : memref<400000x16xf32, #tpu.memory_space<hbm>> -> memref<400000x16xf32, #tpu.memory_space<hbm>>
      tpu.enqueue_indirect_dma source(%dma_start3A_806 : memref<400000x16xf32, #tpu.memory_space<hbm>>) target(%dma_start3A_800 : memref<128x16xf32, #tpu.memory_space<vmem>>) offsets(%dma_start3A_803 : memref<128xi32, #tpu.memory_space<vmem>>) semaphore(%arg10 : memref<!tpu.dma_semaphore, #tpu.memory_space<semaphore_mem>>)
      %add3A_807 = arith.constant 14 : i32
      %add3A_808 = arith.addi %mul3A_33, %add3A_807 : i32
      %jit3A_809 = arith.constant 8 : i32
      %div3A_810 = arith.divsi %add3A_808, %jit3A_809 : i32
      %sign3A_811 = arith.constant 0 : i32
      %sign3A_812 = arith.cmpi sgt, %add3A_808, %sign3A_811 : i32
      %sign3A_813 = arith.extui %sign3A_812 : i1 to i32
      %sign3A_814 = arith.constant 0 : i32
      %sign3A_815 = arith.cmpi slt, %add3A_808, %sign3A_814 : i32
      %sign3A_816 = arith.extui %sign3A_815 : i1 to i32
      %sign3A_817 = arith.subi %sign3A_813, %sign3A_816 : i32
      %sign3A_818 = arith.constant 0 : i32
      %sign3A_819 = arith.cmpi sgt, %jit3A_809, %sign3A_818 : i32
      %sign3A_820 = arith.extui %sign3A_819 : i1 to i32
      %sign3A_821 = arith.constant 0 : i32
      %sign3A_822 = arith.cmpi slt, %jit3A_809, %sign3A_821 : i32
      %sign3A_823 = arith.extui %sign3A_822 : i1 to i32
      %sign3A_824 = arith.subi %sign3A_820, %sign3A_823 : i32
      %ne3A_825 = arith.cmpi ne, %sign3A_817, %sign3A_824 : i32
      %rem3A_826 = arith.remsi %add3A_808, %jit3A_809 : i32
      %ne3A_827 = arith.constant 0 : i32
      %ne3A_828 = arith.cmpi ne, %rem3A_826, %ne3A_827 : i32
      %and3A_829 = arith.andi %ne3A_825, %ne3A_828 : i1
      %sub3A_830 = arith.constant 1 : i32
      %sub3A_831 = arith.subi %div3A_810, %sub3A_830 : i32
      %select_n3A_832 = arith.select %and3A_829, %sub3A_831, %div3A_810 : i32
      %add3A_833 = arith.constant 14 : i32
      %add3A_834 = arith.addi %mul3A_33, %add3A_833 : i32
      %jit3A_835 = arith.constant 8 : i32
      %eq3A_836 = arith.constant 0 : i32
      %eq3A_837 = arith.cmpi eq, %jit3A_835, %eq3A_836 : i32
      %jit3A_838 = arith.constant 1 : i32
      %select_n3A_839 = arith.select %eq3A_837, %jit3A_838, %jit3A_835 : i32
      %rem3A_840 = arith.remsi %add3A_834, %select_n3A_839 : i32
      %ne3A_841 = arith.constant 0 : i32
      %ne3A_842 = arith.cmpi ne, %rem3A_840, %ne3A_841 : i32
      %lt3A_843 = arith.constant 0 : i32
      %lt3A_844 = arith.cmpi slt, %rem3A_840, %lt3A_843 : i32
      %lt3A_845 = arith.constant 0 : i32
      %lt3A_846 = arith.cmpi slt, %select_n3A_839, %lt3A_845 : i32
      %ne3A_847 = arith.xori %lt3A_844, %lt3A_846 : i1
      %and3A_848 = arith.andi %ne3A_847, %ne3A_842 : i1
      %add3A_849 = arith.addi %rem3A_840, %select_n3A_839 : i32
      %select_n3A_850 = arith.select %and3A_848, %add3A_849, %rem3A_840 : i32
      %dma_start3A_851 = arith.constant 0 : i32
      %dma_start3A_852 = arith.constant 14 : i32
      %dma_start3A_853 = arith.constant 0 : i32
      %dma_start3A_854 = arith.constant 0 : i32
      %dma_start3A_855 = tpu.memref_slice %arg7[%dma_start3A_851, %dma_start3A_852, %dma_start3A_853, %dma_start3A_854] : memref<2x20x128x16xf32, #tpu.memory_space<vmem>> -> memref<1x1x128x16xf32, #tpu.memory_space<vmem>>
      %dma_start3A_856 = tpu.memref_squeeze %dma_start3A_855 : memref<1x1x128x16xf32, #tpu.memory_space<vmem>> -> memref<128x16xf32, #tpu.memory_space<vmem>>
      %dma_start3A_857 = arith.constant 0 : i32
      %dma_start3A_858 = tpu.memref_slice %arg6[%select_n3A_832, %select_n3A_850, %dma_start3A_857] : memref<25x8x128xi32, #tpu.memory_space<vmem>> -> memref<1x1x128xi32, #tpu.memory_space<vmem>>
      %dma_start3A_859 = tpu.memref_squeeze %dma_start3A_858 : memref<1x1x128xi32, #tpu.memory_space<vmem>> -> memref<128xi32, #tpu.memory_space<vmem>>
      %dma_start3A_860 = arith.constant 0 : i32
      %dma_start3A_861 = arith.constant 0 : i32
      %dma_start3A_862 = tpu.memref_slice %arg2[%dma_start3A_860, %dma_start3A_861] : memref<400000x16xf32, #tpu.memory_space<hbm>> -> memref<400000x16xf32, #tpu.memory_space<hbm>>
      tpu.enqueue_indirect_dma source(%dma_start3A_862 : memref<400000x16xf32, #tpu.memory_space<hbm>>) target(%dma_start3A_856 : memref<128x16xf32, #tpu.memory_space<vmem>>) offsets(%dma_start3A_859 : memref<128xi32, #tpu.memory_space<vmem>>) semaphore(%arg10 : memref<!tpu.dma_semaphore, #tpu.memory_space<semaphore_mem>>)
      %add3A_863 = arith.constant 15 : i32
      %add3A_864 = arith.addi %mul3A_33, %add3A_863 : i32
      %jit3A_865 = arith.constant 8 : i32
      %div3A_866 = arith.divsi %add3A_864, %jit3A_865 : i32
      %sign3A_867 = arith.constant 0 : i32
      %sign3A_868 = arith.cmpi sgt, %add3A_864, %sign3A_867 : i32
      %sign3A_869 = arith.extui %sign3A_868 : i1 to i32
      %sign3A_870 = arith.constant 0 : i32
      %sign3A_871 = arith.cmpi slt, %add3A_864, %sign3A_870 : i32
      %sign3A_872 = arith.extui %sign3A_871 : i1 to i32
      %sign3A_873 = arith.subi %sign3A_869, %sign3A_872 : i32
      %sign3A_874 = arith.constant 0 : i32
      %sign3A_875 = arith.cmpi sgt, %jit3A_865, %sign3A_874 : i32
      %sign3A_876 = arith.extui %sign3A_875 : i1 to i32
      %sign3A_877 = arith.constant 0 : i32
      %sign3A_878 = arith.cmpi slt, %jit3A_865, %sign3A_877 : i32
      %sign3A_879 = arith.extui %sign3A_878 : i1 to i32
      %sign3A_880 = arith.subi %sign3A_876, %sign3A_879 : i32
      %ne3A_881 = arith.cmpi ne, %sign3A_873, %sign3A_880 : i32
      %rem3A_882 = arith.remsi %add3A_864, %jit3A_865 : i32
      %ne3A_883 = arith.constant 0 : i32
      %ne3A_884 = arith.cmpi ne, %rem3A_882, %ne3A_883 : i32
      %and3A_885 = arith.andi %ne3A_881, %ne3A_884 : i1
      %sub3A_886 = arith.constant 1 : i32
      %sub3A_887 = arith.subi %div3A_866, %sub3A_886 : i32
      %select_n3A_888 = arith.select %and3A_885, %sub3A_887, %div3A_866 : i32
      %add3A_889 = arith.constant 15 : i32
      %add3A_890 = arith.addi %mul3A_33, %add3A_889 : i32
      %jit3A_891 = arith.constant 8 : i32
      %eq3A_892 = arith.constant 0 : i32
      %eq3A_893 = arith.cmpi eq, %jit3A_891, %eq3A_892 : i32
      %jit3A_894 = arith.constant 1 : i32
      %select_n3A_895 = arith.select %eq3A_893, %jit3A_894, %jit3A_891 : i32
      %rem3A_896 = arith.remsi %add3A_890, %select_n3A_895 : i32
      %ne3A_897 = arith.constant 0 : i32
      %ne3A_898 = arith.cmpi ne, %rem3A_896, %ne3A_897 : i32
      %lt3A_899 = arith.constant 0 : i32
      %lt3A_900 = arith.cmpi slt, %rem3A_896, %lt3A_899 : i32
      %lt3A_901 = arith.constant 0 : i32
      %lt3A_902 = arith.cmpi slt, %select_n3A_895, %lt3A_901 : i32
      %ne3A_903 = arith.xori %lt3A_900, %lt3A_902 : i1
      %and3A_904 = arith.andi %ne3A_903, %ne3A_898 : i1
      %add3A_905 = arith.addi %rem3A_896, %select_n3A_895 : i32
      %select_n3A_906 = arith.select %and3A_904, %add3A_905, %rem3A_896 : i32
      %dma_start3A_907 = arith.constant 0 : i32
      %dma_start3A_908 = arith.constant 15 : i32
      %dma_start3A_909 = arith.constant 0 : i32
      %dma_start3A_910 = arith.constant 0 : i32
      %dma_start3A_911 = tpu.memref_slice %arg7[%dma_start3A_907, %dma_start3A_908, %dma_start3A_909, %dma_start3A_910] : memref<2x20x128x16xf32, #tpu.memory_space<vmem>> -> memref<1x1x128x16xf32, #tpu.memory_space<vmem>>
      %dma_start3A_912 = tpu.memref_squeeze %dma_start3A_911 : memref<1x1x128x16xf32, #tpu.memory_space<vmem>> -> memref<128x16xf32, #tpu.memory_space<vmem>>
      %dma_start3A_913 = arith.constant 0 : i32
      %dma_start3A_914 = tpu.memref_slice %arg6[%select_n3A_888, %select_n3A_906, %dma_start3A_913] : memref<25x8x128xi32, #tpu.memory_space<vmem>> -> memref<1x1x128xi32, #tpu.memory_space<vmem>>
      %dma_start3A_915 = tpu.memref_squeeze %dma_start3A_914 : memref<1x1x128xi32, #tpu.memory_space<vmem>> -> memref<128xi32, #tpu.memory_space<vmem>>
      %dma_start3A_916 = arith.constant 0 : i32
      %dma_start3A_917 = arith.constant 0 : i32
      %dma_start3A_918 = tpu.memref_slice %arg2[%dma_start3A_916, %dma_start3A_917] : memref<400000x16xf32, #tpu.memory_space<hbm>> -> memref<400000x16xf32, #tpu.memory_space<hbm>>
      tpu.enqueue_indirect_dma source(%dma_start3A_918 : memref<400000x16xf32, #tpu.memory_space<hbm>>) target(%dma_start3A_912 : memref<128x16xf32, #tpu.memory_space<vmem>>) offsets(%dma_start3A_915 : memref<128xi32, #tpu.memory_space<vmem>>) semaphore(%arg10 : memref<!tpu.dma_semaphore, #tpu.memory_space<semaphore_mem>>)
      %add3A_919 = arith.constant 16 : i32
      %add3A_920 = arith.addi %mul3A_33, %add3A_919 : i32
      %jit3A_921 = arith.constant 8 : i32
      %div3A_922 = arith.divsi %add3A_920, %jit3A_921 : i32
      %sign3A_923 = arith.constant 0 : i32
      %sign3A_924 = arith.cmpi sgt, %add3A_920, %sign3A_923 : i32
      %sign3A_925 = arith.extui %sign3A_924 : i1 to i32
      %sign3A_926 = arith.constant 0 : i32
      %sign3A_927 = arith.cmpi slt, %add3A_920, %sign3A_926 : i32
      %sign3A_928 = arith.extui %sign3A_927 : i1 to i32
      %sign3A_929 = arith.subi %sign3A_925, %sign3A_928 : i32
      %sign3A_930 = arith.constant 0 : i32
      %sign3A_931 = arith.cmpi sgt, %jit3A_921, %sign3A_930 : i32
      %sign3A_932 = arith.extui %sign3A_931 : i1 to i32
      %sign3A_933 = arith.constant 0 : i32
      %sign3A_934 = arith.cmpi slt, %jit3A_921, %sign3A_933 : i32
      %sign3A_935 = arith.extui %sign3A_934 : i1 to i32
      %sign3A_936 = arith.subi %sign3A_932, %sign3A_935 : i32
      %ne3A_937 = arith.cmpi ne, %sign3A_929, %sign3A_936 : i32
      %rem3A_938 = arith.remsi %add3A_920, %jit3A_921 : i32
      %ne3A_939 = arith.constant 0 : i32
      %ne3A_940 = arith.cmpi ne, %rem3A_938, %ne3A_939 : i32
      %and3A_941 = arith.andi %ne3A_937, %ne3A_940 : i1
      %sub3A_942 = arith.constant 1 : i32
      %sub3A_943 = arith.subi %div3A_922, %sub3A_942 : i32
      %select_n3A_944 = arith.select %and3A_941, %sub3A_943, %div3A_922 : i32
      %add3A_945 = arith.constant 16 : i32
      %add3A_946 = arith.addi %mul3A_33, %add3A_945 : i32
      %jit3A_947 = arith.constant 8 : i32
      %eq3A_948 = arith.constant 0 : i32
      %eq3A_949 = arith.cmpi eq, %jit3A_947, %eq3A_948 : i32
      %jit3A_950 = arith.constant 1 : i32
      %select_n3A_951 = arith.select %eq3A_949, %jit3A_950, %jit3A_947 : i32
      %rem3A_952 = arith.remsi %add3A_946, %select_n3A_951 : i32
      %ne3A_953 = arith.constant 0 : i32
      %ne3A_954 = arith.cmpi ne, %rem3A_952, %ne3A_953 : i32
      %lt3A_955 = arith.constant 0 : i32
      %lt3A_956 = arith.cmpi slt, %rem3A_952, %lt3A_955 : i32
      %lt3A_957 = arith.constant 0 : i32
      %lt3A_958 = arith.cmpi slt, %select_n3A_951, %lt3A_957 : i32
      %ne3A_959 = arith.xori %lt3A_956, %lt3A_958 : i1
      %and3A_960 = arith.andi %ne3A_959, %ne3A_954 : i1
      %add3A_961 = arith.addi %rem3A_952, %select_n3A_951 : i32
      %select_n3A_962 = arith.select %and3A_960, %add3A_961, %rem3A_952 : i32
      %dma_start3A_963 = arith.constant 0 : i32
      %dma_start3A_964 = arith.constant 16 : i32
      %dma_start3A_965 = arith.constant 0 : i32
      %dma_start3A_966 = arith.constant 0 : i32
      %dma_start3A_967 = tpu.memref_slice %arg7[%dma_start3A_963, %dma_start3A_964, %dma_start3A_965, %dma_start3A_966] : memref<2x20x128x16xf32, #tpu.memory_space<vmem>> -> memref<1x1x128x16xf32, #tpu.memory_space<vmem>>
      %dma_start3A_968 = tpu.memref_squeeze %dma_start3A_967 : memref<1x1x128x16xf32, #tpu.memory_space<vmem>> -> memref<128x16xf32, #tpu.memory_space<vmem>>
      %dma_start3A_969 = arith.constant 0 : i32
      %dma_start3A_970 = tpu.memref_slice %arg6[%select_n3A_944, %select_n3A_962, %dma_start3A_969] : memref<25x8x128xi32, #tpu.memory_space<vmem>> -> memref<1x1x128xi32, #tpu.memory_space<vmem>>
      %dma_start3A_971 = tpu.memref_squeeze %dma_start3A_970 : memref<1x1x128xi32, #tpu.memory_space<vmem>> -> memref<128xi32, #tpu.memory_space<vmem>>
      %dma_start3A_972 = arith.constant 0 : i32
      %dma_start3A_973 = arith.constant 0 : i32
      %dma_start3A_974 = tpu.memref_slice %arg2[%dma_start3A_972, %dma_start3A_973] : memref<400000x16xf32, #tpu.memory_space<hbm>> -> memref<400000x16xf32, #tpu.memory_space<hbm>>
      tpu.enqueue_indirect_dma source(%dma_start3A_974 : memref<400000x16xf32, #tpu.memory_space<hbm>>) target(%dma_start3A_968 : memref<128x16xf32, #tpu.memory_space<vmem>>) offsets(%dma_start3A_971 : memref<128xi32, #tpu.memory_space<vmem>>) semaphore(%arg10 : memref<!tpu.dma_semaphore, #tpu.memory_space<semaphore_mem>>)
      %add3A_975 = arith.constant 17 : i32
      %add3A_976 = arith.addi %mul3A_33, %add3A_975 : i32
      %jit3A_977 = arith.constant 8 : i32
      %div3A_978 = arith.divsi %add3A_976, %jit3A_977 : i32
      %sign3A_979 = arith.constant 0 : i32
      %sign3A_980 = arith.cmpi sgt, %add3A_976, %sign3A_979 : i32
      %sign3A_981 = arith.extui %sign3A_980 : i1 to i32
      %sign3A_982 = arith.constant 0 : i32
      %sign3A_983 = arith.cmpi slt, %add3A_976, %sign3A_982 : i32
      %sign3A_984 = arith.extui %sign3A_983 : i1 to i32
      %sign3A_985 = arith.subi %sign3A_981, %sign3A_984 : i32
      %sign3A_986 = arith.constant 0 : i32
      %sign3A_987 = arith.cmpi sgt, %jit3A_977, %sign3A_986 : i32
      %sign3A_988 = arith.extui %sign3A_987 : i1 to i32
      %sign3A_989 = arith.constant 0 : i32
      %sign3A_990 = arith.cmpi slt, %jit3A_977, %sign3A_989 : i32
      %sign3A_991 = arith.extui %sign3A_990 : i1 to i32
      %sign3A_992 = arith.subi %sign3A_988, %sign3A_991 : i32
      %ne3A_993 = arith.cmpi ne, %sign3A_985, %sign3A_992 : i32
      %rem3A_994 = arith.remsi %add3A_976, %jit3A_977 : i32
      %ne3A_995 = arith.constant 0 : i32
      %ne3A_996 = arith.cmpi ne, %rem3A_994, %ne3A_995 : i32
      %and3A_997 = arith.andi %ne3A_993, %ne3A_996 : i1
      %sub3A_998 = arith.constant 1 : i32
      %sub3A_999 = arith.subi %div3A_978, %sub3A_998 : i32
      %select_n3A_1000 = arith.select %and3A_997, %sub3A_999, %div3A_978 : i32
      %add3A_1001 = arith.constant 17 : i32
      %add3A_1002 = arith.addi %mul3A_33, %add3A_1001 : i32
      %jit3A_1003 = arith.constant 8 : i32
      %eq3A_1004 = arith.constant 0 : i32
      %eq3A_1005 = arith.cmpi eq, %jit3A_1003, %eq3A_1004 : i32
      %jit3A_1006 = arith.constant 1 : i32
      %select_n3A_1007 = arith.select %eq3A_1005, %jit3A_1006, %jit3A_1003 : i32
      %rem3A_1008 = arith.remsi %add3A_1002, %select_n3A_1007 : i32
      %ne3A_1009 = arith.constant 0 : i32
      %ne3A_1010 = arith.cmpi ne, %rem3A_1008, %ne3A_1009 : i32
      %lt3A_1011 = arith.constant 0 : i32
      %lt3A_1012 = arith.cmpi slt, %rem3A_1008, %lt3A_1011 : i32
      %lt3A_1013 = arith.constant 0 : i32
      %lt3A_1014 = arith.cmpi slt, %select_n3A_1007, %lt3A_1013 : i32
      %ne3A_1015 = arith.xori %lt3A_1012, %lt3A_1014 : i1
      %and3A_1016 = arith.andi %ne3A_1015, %ne3A_1010 : i1
      %add3A_1017 = arith.addi %rem3A_1008, %select_n3A_1007 : i32
      %select_n3A_1018 = arith.select %and3A_1016, %add3A_1017, %rem3A_1008 : i32
      %dma_start3A_1019 = arith.constant 0 : i32
      %dma_start3A_1020 = arith.constant 17 : i32
      %dma_start3A_1021 = arith.constant 0 : i32
      %dma_start3A_1022 = arith.constant 0 : i32
      %dma_start3A_1023 = tpu.memref_slice %arg7[%dma_start3A_1019, %dma_start3A_1020, %dma_start3A_1021, %dma_start3A_1022] : memref<2x20x128x16xf32, #tpu.memory_space<vmem>> -> memref<1x1x128x16xf32, #tpu.memory_space<vmem>>
      %dma_start3A_1024 = tpu.memref_squeeze %dma_start3A_1023 : memref<1x1x128x16xf32, #tpu.memory_space<vmem>> -> memref<128x16xf32, #tpu.memory_space<vmem>>
      %dma_start3A_1025 = arith.constant 0 : i32
      %dma_start3A_1026 = tpu.memref_slice %arg6[%select_n3A_1000, %select_n3A_1018, %dma_start3A_1025] : memref<25x8x128xi32, #tpu.memory_space<vmem>> -> memref<1x1x128xi32, #tpu.memory_space<vmem>>
      %dma_start3A_1027 = tpu.memref_squeeze %dma_start3A_1026 : memref<1x1x128xi32, #tpu.memory_space<vmem>> -> memref<128xi32, #tpu.memory_space<vmem>>
      %dma_start3A_1028 = arith.constant 0 : i32
      %dma_start3A_1029 = arith.constant 0 : i32
      %dma_start3A_1030 = tpu.memref_slice %arg2[%dma_start3A_1028, %dma_start3A_1029] : memref<400000x16xf32, #tpu.memory_space<hbm>> -> memref<400000x16xf32, #tpu.memory_space<hbm>>
      tpu.enqueue_indirect_dma source(%dma_start3A_1030 : memref<400000x16xf32, #tpu.memory_space<hbm>>) target(%dma_start3A_1024 : memref<128x16xf32, #tpu.memory_space<vmem>>) offsets(%dma_start3A_1027 : memref<128xi32, #tpu.memory_space<vmem>>) semaphore(%arg10 : memref<!tpu.dma_semaphore, #tpu.memory_space<semaphore_mem>>)
      %add3A_1031 = arith.constant 18 : i32
      %add3A_1032 = arith.addi %mul3A_33, %add3A_1031 : i32
      %jit3A_1033 = arith.constant 8 : i32
      %div3A_1034 = arith.divsi %add3A_1032, %jit3A_1033 : i32
      %sign3A_1035 = arith.constant 0 : i32
      %sign3A_1036 = arith.cmpi sgt, %add3A_1032, %sign3A_1035 : i32
      %sign3A_1037 = arith.extui %sign3A_1036 : i1 to i32
      %sign3A_1038 = arith.constant 0 : i32
      %sign3A_1039 = arith.cmpi slt, %add3A_1032, %sign3A_1038 : i32
      %sign3A_1040 = arith.extui %sign3A_1039 : i1 to i32
      %sign3A_1041 = arith.subi %sign3A_1037, %sign3A_1040 : i32
      %sign3A_1042 = arith.constant 0 : i32
      %sign3A_1043 = arith.cmpi sgt, %jit3A_1033, %sign3A_1042 : i32
      %sign3A_1044 = arith.extui %sign3A_1043 : i1 to i32
      %sign3A_1045 = arith.constant 0 : i32
      %sign3A_1046 = arith.cmpi slt, %jit3A_1033, %sign3A_1045 : i32
      %sign3A_1047 = arith.extui %sign3A_1046 : i1 to i32
      %sign3A_1048 = arith.subi %sign3A_1044, %sign3A_1047 : i32
      %ne3A_1049 = arith.cmpi ne, %sign3A_1041, %sign3A_1048 : i32
      %rem3A_1050 = arith.remsi %add3A_1032, %jit3A_1033 : i32
      %ne3A_1051 = arith.constant 0 : i32
      %ne3A_1052 = arith.cmpi ne, %rem3A_1050, %ne3A_1051 : i32
      %and3A_1053 = arith.andi %ne3A_1049, %ne3A_1052 : i1
      %sub3A_1054 = arith.constant 1 : i32
      %sub3A_1055 = arith.subi %div3A_1034, %sub3A_1054 : i32
      %select_n3A_1056 = arith.select %and3A_1053, %sub3A_1055, %div3A_1034 : i32
      %add3A_1057 = arith.constant 18 : i32
      %add3A_1058 = arith.addi %mul3A_33, %add3A_1057 : i32
      %jit3A_1059 = arith.constant 8 : i32
      %eq3A_1060 = arith.constant 0 : i32
      %eq3A_1061 = arith.cmpi eq, %jit3A_1059, %eq3A_1060 : i32
      %jit3A_1062 = arith.constant 1 : i32
      %select_n3A_1063 = arith.select %eq3A_1061, %jit3A_1062, %jit3A_1059 : i32
      %rem3A_1064 = arith.remsi %add3A_1058, %select_n3A_1063 : i32
      %ne3A_1065 = arith.constant 0 : i32
      %ne3A_1066 = arith.cmpi ne, %rem3A_1064, %ne3A_1065 : i32
      %lt3A_1067 = arith.constant 0 : i32
      %lt3A_1068 = arith.cmpi slt, %rem3A_1064, %lt3A_1067 : i32
      %lt3A_1069 = arith.constant 0 : i32
      %lt3A_1070 = arith.cmpi slt, %select_n3A_1063, %lt3A_1069 : i32
      %ne3A_1071 = arith.xori %lt3A_1068, %lt3A_1070 : i1
      %and3A_1072 = arith.andi %ne3A_1071, %ne3A_1066 : i1
      %add3A_1073 = arith.addi %rem3A_1064, %select_n3A_1063 : i32
      %select_n3A_1074 = arith.select %and3A_1072, %add3A_1073, %rem3A_1064 : i32
      %dma_start3A_1075 = arith.constant 0 : i32
      %dma_start3A_1076 = arith.constant 18 : i32
      %dma_start3A_1077 = arith.constant 0 : i32
      %dma_start3A_1078 = arith.constant 0 : i32
      %dma_start3A_1079 = tpu.memref_slice %arg7[%dma_start3A_1075, %dma_start3A_1076, %dma_start3A_1077, %dma_start3A_1078] : memref<2x20x128x16xf32, #tpu.memory_space<vmem>> -> memref<1x1x128x16xf32, #tpu.memory_space<vmem>>
      %dma_start3A_1080 = tpu.memref_squeeze %dma_start3A_1079 : memref<1x1x128x16xf32, #tpu.memory_space<vmem>> -> memref<128x16xf32, #tpu.memory_space<vmem>>
      %dma_start3A_1081 = arith.constant 0 : i32
      %dma_start3A_1082 = tpu.memref_slice %arg6[%select_n3A_1056, %select_n3A_1074, %dma_start3A_1081] : memref<25x8x128xi32, #tpu.memory_space<vmem>> -> memref<1x1x128xi32, #tpu.memory_space<vmem>>
      %dma_start3A_1083 = tpu.memref_squeeze %dma_start3A_1082 : memref<1x1x128xi32, #tpu.memory_space<vmem>> -> memref<128xi32, #tpu.memory_space<vmem>>
      %dma_start3A_1084 = arith.constant 0 : i32
      %dma_start3A_1085 = arith.constant 0 : i32
      %dma_start3A_1086 = tpu.memref_slice %arg2[%dma_start3A_1084, %dma_start3A_1085] : memref<400000x16xf32, #tpu.memory_space<hbm>> -> memref<400000x16xf32, #tpu.memory_space<hbm>>
      tpu.enqueue_indirect_dma source(%dma_start3A_1086 : memref<400000x16xf32, #tpu.memory_space<hbm>>) target(%dma_start3A_1080 : memref<128x16xf32, #tpu.memory_space<vmem>>) offsets(%dma_start3A_1083 : memref<128xi32, #tpu.memory_space<vmem>>) semaphore(%arg10 : memref<!tpu.dma_semaphore, #tpu.memory_space<semaphore_mem>>)
      %add3A_1087 = arith.constant 19 : i32
      %add3A_1088 = arith.addi %mul3A_33, %add3A_1087 : i32
      %jit3A_1089 = arith.constant 8 : i32
      %div3A_1090 = arith.divsi %add3A_1088, %jit3A_1089 : i32
      %sign3A_1091 = arith.constant 0 : i32
      %sign3A_1092 = arith.cmpi sgt, %add3A_1088, %sign3A_1091 : i32
      %sign3A_1093 = arith.extui %sign3A_1092 : i1 to i32
      %sign3A_1094 = arith.constant 0 : i32
      %sign3A_1095 = arith.cmpi slt, %add3A_1088, %sign3A_1094 : i32
      %sign3A_1096 = arith.extui %sign3A_1095 : i1 to i32
      %sign3A_1097 = arith.subi %sign3A_1093, %sign3A_1096 : i32
      %sign3A_1098 = arith.constant 0 : i32
      %sign3A_1099 = arith.cmpi sgt, %jit3A_1089, %sign3A_1098 : i32
      %sign3A_1100 = arith.extui %sign3A_1099 : i1 to i32
      %sign3A_1101 = arith.constant 0 : i32
      %sign3A_1102 = arith.cmpi slt, %jit3A_1089, %sign3A_1101 : i32
      %sign3A_1103 = arith.extui %sign3A_1102 : i1 to i32
      %sign3A_1104 = arith.subi %sign3A_1100, %sign3A_1103 : i32
      %ne3A_1105 = arith.cmpi ne, %sign3A_1097, %sign3A_1104 : i32
      %rem3A_1106 = arith.remsi %add3A_1088, %jit3A_1089 : i32
      %ne3A_1107 = arith.constant 0 : i32
      %ne3A_1108 = arith.cmpi ne, %rem3A_1106, %ne3A_1107 : i32
      %and3A_1109 = arith.andi %ne3A_1105, %ne3A_1108 : i1
      %sub3A_1110 = arith.constant 1 : i32
      %sub3A_1111 = arith.subi %div3A_1090, %sub3A_1110 : i32
      %select_n3A_1112 = arith.select %and3A_1109, %sub3A_1111, %div3A_1090 : i32
      %add3A_1113 = arith.constant 19 : i32
      %add3A_1114 = arith.addi %mul3A_33, %add3A_1113 : i32
      %jit3A_1115 = arith.constant 8 : i32
      %eq3A_1116 = arith.constant 0 : i32
      %eq3A_1117 = arith.cmpi eq, %jit3A_1115, %eq3A_1116 : i32
      %jit3A_1118 = arith.constant 1 : i32
      %select_n3A_1119 = arith.select %eq3A_1117, %jit3A_1118, %jit3A_1115 : i32
      %rem3A_1120 = arith.remsi %add3A_1114, %select_n3A_1119 : i32
      %ne3A_1121 = arith.constant 0 : i32
      %ne3A_1122 = arith.cmpi ne, %rem3A_1120, %ne3A_1121 : i32
      %lt3A_1123 = arith.constant 0 : i32
      %lt3A_1124 = arith.cmpi slt, %rem3A_1120, %lt3A_1123 : i32
      %lt3A_1125 = arith.constant 0 : i32
      %lt3A_1126 = arith.cmpi slt, %select_n3A_1119, %lt3A_1125 : i32
      %ne3A_1127 = arith.xori %lt3A_1124, %lt3A_1126 : i1
      %and3A_1128 = arith.andi %ne3A_1127, %ne3A_1122 : i1
      %add3A_1129 = arith.addi %rem3A_1120, %select_n3A_1119 : i32
      %select_n3A_1130 = arith.select %and3A_1128, %add3A_1129, %rem3A_1120 : i32
      %dma_start3A_1131 = arith.constant 0 : i32
      %dma_start3A_1132 = arith.constant 19 : i32
      %dma_start3A_1133 = arith.constant 0 : i32
      %dma_start3A_1134 = arith.constant 0 : i32
      %dma_start3A_1135 = tpu.memref_slice %arg7[%dma_start3A_1131, %dma_start3A_1132, %dma_start3A_1133, %dma_start3A_1134] : memref<2x20x128x16xf32, #tpu.memory_space<vmem>> -> memref<1x1x128x16xf32, #tpu.memory_space<vmem>>
      %dma_start3A_1136 = tpu.memref_squeeze %dma_start3A_1135 : memref<1x1x128x16xf32, #tpu.memory_space<vmem>> -> memref<128x16xf32, #tpu.memory_space<vmem>>
      %dma_start3A_1137 = arith.constant 0 : i32
      %dma_start3A_1138 = tpu.memref_slice %arg6[%select_n3A_1112, %select_n3A_1130, %dma_start3A_1137] : memref<25x8x128xi32, #tpu.memory_space<vmem>> -> memref<1x1x128xi32, #tpu.memory_space<vmem>>
      %dma_start3A_1139 = tpu.memref_squeeze %dma_start3A_1138 : memref<1x1x128xi32, #tpu.memory_space<vmem>> -> memref<128xi32, #tpu.memory_space<vmem>>
      %dma_start3A_1140 = arith.constant 0 : i32
      %dma_start3A_1141 = arith.constant 0 : i32
      %dma_start3A_1142 = tpu.memref_slice %arg2[%dma_start3A_1140, %dma_start3A_1141] : memref<400000x16xf32, #tpu.memory_space<hbm>> -> memref<400000x16xf32, #tpu.memory_space<hbm>>
      tpu.enqueue_indirect_dma source(%dma_start3A_1142 : memref<400000x16xf32, #tpu.memory_space<hbm>>) target(%dma_start3A_1136 : memref<128x16xf32, #tpu.memory_space<vmem>>) offsets(%dma_start3A_1139 : memref<128xi32, #tpu.memory_space<vmem>>) semaphore(%arg10 : memref<!tpu.dma_semaphore, #tpu.memory_space<semaphore_mem>>)
      %add3A_1143 = arith.constant 20 : i32
      %add3A_1144 = arith.addi %mul3A_33, %add3A_1143 : i32
      %add3A_1145 = arith.constant 0 : i32
      %add3A_1146 = arith.addi %add3A_1144, %add3A_1145 : i32
      %jit3A_1147 = arith.constant 8 : i32
      %div3A_1148 = arith.divsi %add3A_1146, %jit3A_1147 : i32
      %sign3A_1149 = arith.constant 0 : i32
      %sign3A_1150 = arith.cmpi sgt, %add3A_1146, %sign3A_1149 : i32
      %sign3A_1151 = arith.extui %sign3A_1150 : i1 to i32
      %sign3A_1152 = arith.constant 0 : i32
      %sign3A_1153 = arith.cmpi slt, %add3A_1146, %sign3A_1152 : i32
      %sign3A_1154 = arith.extui %sign3A_1153 : i1 to i32
      %sign3A_1155 = arith.subi %sign3A_1151, %sign3A_1154 : i32
      %sign3A_1156 = arith.constant 0 : i32
      %sign3A_1157 = arith.cmpi sgt, %jit3A_1147, %sign3A_1156 : i32
      %sign3A_1158 = arith.extui %sign3A_1157 : i1 to i32
      %sign3A_1159 = arith.constant 0 : i32
      %sign3A_1160 = arith.cmpi slt, %jit3A_1147, %sign3A_1159 : i32
      %sign3A_1161 = arith.extui %sign3A_1160 : i1 to i32
      %sign3A_1162 = arith.subi %sign3A_1158, %sign3A_1161 : i32
      %ne3A_1163 = arith.cmpi ne, %sign3A_1155, %sign3A_1162 : i32
      %rem3A_1164 = arith.remsi %add3A_1146, %jit3A_1147 : i32
      %ne3A_1165 = arith.constant 0 : i32
      %ne3A_1166 = arith.cmpi ne, %rem3A_1164, %ne3A_1165 : i32
      %and3A_1167 = arith.andi %ne3A_1163, %ne3A_1166 : i1
      %sub3A_1168 = arith.constant 1 : i32
      %sub3A_1169 = arith.subi %div3A_1148, %sub3A_1168 : i32
      %select_n3A_1170 = arith.select %and3A_1167, %sub3A_1169, %div3A_1148 : i32
      %add3A_1171 = arith.constant 0 : i32
      %add3A_1172 = arith.addi %add3A_1144, %add3A_1171 : i32
      %jit3A_1173 = arith.constant 8 : i32
      %eq3A_1174 = arith.constant 0 : i32
      %eq3A_1175 = arith.cmpi eq, %jit3A_1173, %eq3A_1174 : i32
      %jit3A_1176 = arith.constant 1 : i32
      %select_n3A_1177 = arith.select %eq3A_1175, %jit3A_1176, %jit3A_1173 : i32
      %rem3A_1178 = arith.remsi %add3A_1172, %select_n3A_1177 : i32
      %ne3A_1179 = arith.constant 0 : i32
      %ne3A_1180 = arith.cmpi ne, %rem3A_1178, %ne3A_1179 : i32
      %lt3A_1181 = arith.constant 0 : i32
      %lt3A_1182 = arith.cmpi slt, %rem3A_1178, %lt3A_1181 : i32
      %lt3A_1183 = arith.constant 0 : i32
      %lt3A_1184 = arith.cmpi slt, %select_n3A_1177, %lt3A_1183 : i32
      %ne3A_1185 = arith.xori %lt3A_1182, %lt3A_1184 : i1
      %and3A_1186 = arith.andi %ne3A_1185, %ne3A_1180 : i1
      %add3A_1187 = arith.addi %rem3A_1178, %select_n3A_1177 : i32
      %select_n3A_1188 = arith.select %and3A_1186, %add3A_1187, %rem3A_1178 : i32
      %dma_start3A_1189 = arith.constant 1 : i32
      %dma_start3A_1190 = arith.constant 0 : i32
      %dma_start3A_1191 = arith.constant 0 : i32
      %dma_start3A_1192 = arith.constant 0 : i32
      %dma_start3A_1193 = tpu.memref_slice %arg7[%dma_start3A_1189, %dma_start3A_1190, %dma_start3A_1191, %dma_start3A_1192] : memref<2x20x128x16xf32, #tpu.memory_space<vmem>> -> memref<1x1x128x16xf32, #tpu.memory_space<vmem>>
      %dma_start3A_1194 = tpu.memref_squeeze %dma_start3A_1193 : memref<1x1x128x16xf32, #tpu.memory_space<vmem>> -> memref<128x16xf32, #tpu.memory_space<vmem>>
      %dma_start3A_1195 = arith.constant 0 : i32
      %dma_start3A_1196 = tpu.memref_slice %arg6[%select_n3A_1170, %select_n3A_1188, %dma_start3A_1195] : memref<25x8x128xi32, #tpu.memory_space<vmem>> -> memref<1x1x128xi32, #tpu.memory_space<vmem>>
      %dma_start3A_1197 = tpu.memref_squeeze %dma_start3A_1196 : memref<1x1x128xi32, #tpu.memory_space<vmem>> -> memref<128xi32, #tpu.memory_space<vmem>>
      %dma_start3A_1198 = arith.constant 0 : i32
      %dma_start3A_1199 = arith.constant 0 : i32
      %dma_start3A_1200 = tpu.memref_slice %arg2[%dma_start3A_1198, %dma_start3A_1199] : memref<400000x16xf32, #tpu.memory_space<hbm>> -> memref<400000x16xf32, #tpu.memory_space<hbm>>
      tpu.enqueue_indirect_dma source(%dma_start3A_1200 : memref<400000x16xf32, #tpu.memory_space<hbm>>) target(%dma_start3A_1194 : memref<128x16xf32, #tpu.memory_space<vmem>>) offsets(%dma_start3A_1197 : memref<128xi32, #tpu.memory_space<vmem>>) semaphore(%arg11 : memref<!tpu.dma_semaphore, #tpu.memory_space<semaphore_mem>>)
      %add3A_1201 = arith.constant 1 : i32
      %add3A_1202 = arith.addi %add3A_1144, %add3A_1201 : i32
      %jit3A_1203 = arith.constant 8 : i32
      %div3A_1204 = arith.divsi %add3A_1202, %jit3A_1203 : i32
      %sign3A_1205 = arith.constant 0 : i32
      %sign3A_1206 = arith.cmpi sgt, %add3A_1202, %sign3A_1205 : i32
      %sign3A_1207 = arith.extui %sign3A_1206 : i1 to i32
      %sign3A_1208 = arith.constant 0 : i32
      %sign3A_1209 = arith.cmpi slt, %add3A_1202, %sign3A_1208 : i32
      %sign3A_1210 = arith.extui %sign3A_1209 : i1 to i32
      %sign3A_1211 = arith.subi %sign3A_1207, %sign3A_1210 : i32
      %sign3A_1212 = arith.constant 0 : i32
      %sign3A_1213 = arith.cmpi sgt, %jit3A_1203, %sign3A_1212 : i32
      %sign3A_1214 = arith.extui %sign3A_1213 : i1 to i32
      %sign3A_1215 = arith.constant 0 : i32
      %sign3A_1216 = arith.cmpi slt, %jit3A_1203, %sign3A_1215 : i32
      %sign3A_1217 = arith.extui %sign3A_1216 : i1 to i32
      %sign3A_1218 = arith.subi %sign3A_1214, %sign3A_1217 : i32
      %ne3A_1219 = arith.cmpi ne, %sign3A_1211, %sign3A_1218 : i32
      %rem3A_1220 = arith.remsi %add3A_1202, %jit3A_1203 : i32
      %ne3A_1221 = arith.constant 0 : i32
      %ne3A_1222 = arith.cmpi ne, %rem3A_1220, %ne3A_1221 : i32
      %and3A_1223 = arith.andi %ne3A_1219, %ne3A_1222 : i1
      %sub3A_1224 = arith.constant 1 : i32
      %sub3A_1225 = arith.subi %div3A_1204, %sub3A_1224 : i32
      %select_n3A_1226 = arith.select %and3A_1223, %sub3A_1225, %div3A_1204 : i32
      %add3A_1227 = arith.constant 1 : i32
      %add3A_1228 = arith.addi %add3A_1144, %add3A_1227 : i32
      %jit3A_1229 = arith.constant 8 : i32
      %eq3A_1230 = arith.constant 0 : i32
      %eq3A_1231 = arith.cmpi eq, %jit3A_1229, %eq3A_1230 : i32
      %jit3A_1232 = arith.constant 1 : i32
      %select_n3A_1233 = arith.select %eq3A_1231, %jit3A_1232, %jit3A_1229 : i32
      %rem3A_1234 = arith.remsi %add3A_1228, %select_n3A_1233 : i32
      %ne3A_1235 = arith.constant 0 : i32
      %ne3A_1236 = arith.cmpi ne, %rem3A_1234, %ne3A_1235 : i32
      %lt3A_1237 = arith.constant 0 : i32
      %lt3A_1238 = arith.cmpi slt, %rem3A_1234, %lt3A_1237 : i32
      %lt3A_1239 = arith.constant 0 : i32
      %lt3A_1240 = arith.cmpi slt, %select_n3A_1233, %lt3A_1239 : i32
      %ne3A_1241 = arith.xori %lt3A_1238, %lt3A_1240 : i1
      %and3A_1242 = arith.andi %ne3A_1241, %ne3A_1236 : i1
      %add3A_1243 = arith.addi %rem3A_1234, %select_n3A_1233 : i32
      %select_n3A_1244 = arith.select %and3A_1242, %add3A_1243, %rem3A_1234 : i32
      %dma_start3A_1245 = arith.constant 1 : i32
      %dma_start3A_1246 = arith.constant 1 : i32
      %dma_start3A_1247 = arith.constant 0 : i32
      %dma_start3A_1248 = arith.constant 0 : i32
      %dma_start3A_1249 = tpu.memref_slice %arg7[%dma_start3A_1245, %dma_start3A_1246, %dma_start3A_1247, %dma_start3A_1248] : memref<2x20x128x16xf32, #tpu.memory_space<vmem>> -> memref<1x1x128x16xf32, #tpu.memory_space<vmem>>
      %dma_start3A_1250 = tpu.memref_squeeze %dma_start3A_1249 : memref<1x1x128x16xf32, #tpu.memory_space<vmem>> -> memref<128x16xf32, #tpu.memory_space<vmem>>
      %dma_start3A_1251 = arith.constant 0 : i32
      %dma_start3A_1252 = tpu.memref_slice %arg6[%select_n3A_1226, %select_n3A_1244, %dma_start3A_1251] : memref<25x8x128xi32, #tpu.memory_space<vmem>> -> memref<1x1x128xi32, #tpu.memory_space<vmem>>
      %dma_start3A_1253 = tpu.memref_squeeze %dma_start3A_1252 : memref<1x1x128xi32, #tpu.memory_space<vmem>> -> memref<128xi32, #tpu.memory_space<vmem>>
      %dma_start3A_1254 = arith.constant 0 : i32
      %dma_start3A_1255 = arith.constant 0 : i32
      %dma_start3A_1256 = tpu.memref_slice %arg2[%dma_start3A_1254, %dma_start3A_1255] : memref<400000x16xf32, #tpu.memory_space<hbm>> -> memref<400000x16xf32, #tpu.memory_space<hbm>>
      tpu.enqueue_indirect_dma source(%dma_start3A_1256 : memref<400000x16xf32, #tpu.memory_space<hbm>>) target(%dma_start3A_1250 : memref<128x16xf32, #tpu.memory_space<vmem>>) offsets(%dma_start3A_1253 : memref<128xi32, #tpu.memory_space<vmem>>) semaphore(%arg11 : memref<!tpu.dma_semaphore, #tpu.memory_space<semaphore_mem>>)
      %add3A_1257 = arith.constant 2 : i32
      %add3A_1258 = arith.addi %add3A_1144, %add3A_1257 : i32
      %jit3A_1259 = arith.constant 8 : i32
      %div3A_1260 = arith.divsi %add3A_1258, %jit3A_1259 : i32
      %sign3A_1261 = arith.constant 0 : i32
      %sign3A_1262 = arith.cmpi sgt, %add3A_1258, %sign3A_1261 : i32
      %sign3A_1263 = arith.extui %sign3A_1262 : i1 to i32
      %sign3A_1264 = arith.constant 0 : i32
      %sign3A_1265 = arith.cmpi slt, %add3A_1258, %sign3A_1264 : i32
      %sign3A_1266 = arith.extui %sign3A_1265 : i1 to i32
      %sign3A_1267 = arith.subi %sign3A_1263, %sign3A_1266 : i32
      %sign3A_1268 = arith.constant 0 : i32
      %sign3A_1269 = arith.cmpi sgt, %jit3A_1259, %sign3A_1268 : i32
      %sign3A_1270 = arith.extui %sign3A_1269 : i1 to i32
      %sign3A_1271 = arith.constant 0 : i32
      %sign3A_1272 = arith.cmpi slt, %jit3A_1259, %sign3A_1271 : i32
      %sign3A_1273 = arith.extui %sign3A_1272 : i1 to i32
      %sign3A_1274 = arith.subi %sign3A_1270, %sign3A_1273 : i32
      %ne3A_1275 = arith.cmpi ne, %sign3A_1267, %sign3A_1274 : i32
      %rem3A_1276 = arith.remsi %add3A_1258, %jit3A_1259 : i32
      %ne3A_1277 = arith.constant 0 : i32
      %ne3A_1278 = arith.cmpi ne, %rem3A_1276, %ne3A_1277 : i32
      %and3A_1279 = arith.andi %ne3A_1275, %ne3A_1278 : i1
      %sub3A_1280 = arith.constant 1 : i32
      %sub3A_1281 = arith.subi %div3A_1260, %sub3A_1280 : i32
      %select_n3A_1282 = arith.select %and3A_1279, %sub3A_1281, %div3A_1260 : i32
      %add3A_1283 = arith.constant 2 : i32
      %add3A_1284 = arith.addi %add3A_1144, %add3A_1283 : i32
      %jit3A_1285 = arith.constant 8 : i32
      %eq3A_1286 = arith.constant 0 : i32
      %eq3A_1287 = arith.cmpi eq, %jit3A_1285, %eq3A_1286 : i32
      %jit3A_1288 = arith.constant 1 : i32
      %select_n3A_1289 = arith.select %eq3A_1287, %jit3A_1288, %jit3A_1285 : i32
      %rem3A_1290 = arith.remsi %add3A_1284, %select_n3A_1289 : i32
      %ne3A_1291 = arith.constant 0 : i32
      %ne3A_1292 = arith.cmpi ne, %rem3A_1290, %ne3A_1291 : i32
      %lt3A_1293 = arith.constant 0 : i32
      %lt3A_1294 = arith.cmpi slt, %rem3A_1290, %lt3A_1293 : i32
      %lt3A_1295 = arith.constant 0 : i32
      %lt3A_1296 = arith.cmpi slt, %select_n3A_1289, %lt3A_1295 : i32
      %ne3A_1297 = arith.xori %lt3A_1294, %lt3A_1296 : i1
      %and3A_1298 = arith.andi %ne3A_1297, %ne3A_1292 : i1
      %add3A_1299 = arith.addi %rem3A_1290, %select_n3A_1289 : i32
      %select_n3A_1300 = arith.select %and3A_1298, %add3A_1299, %rem3A_1290 : i32
      %dma_start3A_1301 = arith.constant 1 : i32
      %dma_start3A_1302 = arith.constant 2 : i32
      %dma_start3A_1303 = arith.constant 0 : i32
      %dma_start3A_1304 = arith.constant 0 : i32
      %dma_start3A_1305 = tpu.memref_slice %arg7[%dma_start3A_1301, %dma_start3A_1302, %dma_start3A_1303, %dma_start3A_1304] : memref<2x20x128x16xf32, #tpu.memory_space<vmem>> -> memref<1x1x128x16xf32, #tpu.memory_space<vmem>>
      %dma_start3A_1306 = tpu.memref_squeeze %dma_start3A_1305 : memref<1x1x128x16xf32, #tpu.memory_space<vmem>> -> memref<128x16xf32, #tpu.memory_space<vmem>>
      %dma_start3A_1307 = arith.constant 0 : i32
      %dma_start3A_1308 = tpu.memref_slice %arg6[%select_n3A_1282, %select_n3A_1300, %dma_start3A_1307] : memref<25x8x128xi32, #tpu.memory_space<vmem>> -> memref<1x1x128xi32, #tpu.memory_space<vmem>>
      %dma_start3A_1309 = tpu.memref_squeeze %dma_start3A_1308 : memref<1x1x128xi32, #tpu.memory_space<vmem>> -> memref<128xi32, #tpu.memory_space<vmem>>
      %dma_start3A_1310 = arith.constant 0 : i32
      %dma_start3A_1311 = arith.constant 0 : i32
      %dma_start3A_1312 = tpu.memref_slice %arg2[%dma_start3A_1310, %dma_start3A_1311] : memref<400000x16xf32, #tpu.memory_space<hbm>> -> memref<400000x16xf32, #tpu.memory_space<hbm>>
      tpu.enqueue_indirect_dma source(%dma_start3A_1312 : memref<400000x16xf32, #tpu.memory_space<hbm>>) target(%dma_start3A_1306 : memref<128x16xf32, #tpu.memory_space<vmem>>) offsets(%dma_start3A_1309 : memref<128xi32, #tpu.memory_space<vmem>>) semaphore(%arg11 : memref<!tpu.dma_semaphore, #tpu.memory_space<semaphore_mem>>)
      %add3A_1313 = arith.constant 3 : i32
      %add3A_1314 = arith.addi %add3A_1144, %add3A_1313 : i32
      %jit3A_1315 = arith.constant 8 : i32
      %div3A_1316 = arith.divsi %add3A_1314, %jit3A_1315 : i32
      %sign3A_1317 = arith.constant 0 : i32
      %sign3A_1318 = arith.cmpi sgt, %add3A_1314, %sign3A_1317 : i32
      %sign3A_1319 = arith.extui %sign3A_1318 : i1 to i32
      %sign3A_1320 = arith.constant 0 : i32
      %sign3A_1321 = arith.cmpi slt, %add3A_1314, %sign3A_1320 : i32
      %sign3A_1322 = arith.extui %sign3A_1321 : i1 to i32
      %sign3A_1323 = arith.subi %sign3A_1319, %sign3A_1322 : i32
      %sign3A_1324 = arith.constant 0 : i32
      %sign3A_1325 = arith.cmpi sgt, %jit3A_1315, %sign3A_1324 : i32
      %sign3A_1326 = arith.extui %sign3A_1325 : i1 to i32
      %sign3A_1327 = arith.constant 0 : i32
      %sign3A_1328 = arith.cmpi slt, %jit3A_1315, %sign3A_1327 : i32
      %sign3A_1329 = arith.extui %sign3A_1328 : i1 to i32
      %sign3A_1330 = arith.subi %sign3A_1326, %sign3A_1329 : i32
      %ne3A_1331 = arith.cmpi ne, %sign3A_1323, %sign3A_1330 : i32
      %rem3A_1332 = arith.remsi %add3A_1314, %jit3A_1315 : i32
      %ne3A_1333 = arith.constant 0 : i32
      %ne3A_1334 = arith.cmpi ne, %rem3A_1332, %ne3A_1333 : i32
      %and3A_1335 = arith.andi %ne3A_1331, %ne3A_1334 : i1
      %sub3A_1336 = arith.constant 1 : i32
      %sub3A_1337 = arith.subi %div3A_1316, %sub3A_1336 : i32
      %select_n3A_1338 = arith.select %and3A_1335, %sub3A_1337, %div3A_1316 : i32
      %add3A_1339 = arith.constant 3 : i32
      %add3A_1340 = arith.addi %add3A_1144, %add3A_1339 : i32
      %jit3A_1341 = arith.constant 8 : i32
      %eq3A_1342 = arith.constant 0 : i32
      %eq3A_1343 = arith.cmpi eq, %jit3A_1341, %eq3A_1342 : i32
      %jit3A_1344 = arith.constant 1 : i32
      %select_n3A_1345 = arith.select %eq3A_1343, %jit3A_1344, %jit3A_1341 : i32
      %rem3A_1346 = arith.remsi %add3A_1340, %select_n3A_1345 : i32
      %ne3A_1347 = arith.constant 0 : i32
      %ne3A_1348 = arith.cmpi ne, %rem3A_1346, %ne3A_1347 : i32
      %lt3A_1349 = arith.constant 0 : i32
      %lt3A_1350 = arith.cmpi slt, %rem3A_1346, %lt3A_1349 : i32
      %lt3A_1351 = arith.constant 0 : i32
      %lt3A_1352 = arith.cmpi slt, %select_n3A_1345, %lt3A_1351 : i32
      %ne3A_1353 = arith.xori %lt3A_1350, %lt3A_1352 : i1
      %and3A_1354 = arith.andi %ne3A_1353, %ne3A_1348 : i1
      %add3A_1355 = arith.addi %rem3A_1346, %select_n3A_1345 : i32
      %select_n3A_1356 = arith.select %and3A_1354, %add3A_1355, %rem3A_1346 : i32
      %dma_start3A_1357 = arith.constant 1 : i32
      %dma_start3A_1358 = arith.constant 3 : i32
      %dma_start3A_1359 = arith.constant 0 : i32
      %dma_start3A_1360 = arith.constant 0 : i32
      %dma_start3A_1361 = tpu.memref_slice %arg7[%dma_start3A_1357, %dma_start3A_1358, %dma_start3A_1359, %dma_start3A_1360] : memref<2x20x128x16xf32, #tpu.memory_space<vmem>> -> memref<1x1x128x16xf32, #tpu.memory_space<vmem>>
      %dma_start3A_1362 = tpu.memref_squeeze %dma_start3A_1361 : memref<1x1x128x16xf32, #tpu.memory_space<vmem>> -> memref<128x16xf32, #tpu.memory_space<vmem>>
      %dma_start3A_1363 = arith.constant 0 : i32
      %dma_start3A_1364 = tpu.memref_slice %arg6[%select_n3A_1338, %select_n3A_1356, %dma_start3A_1363] : memref<25x8x128xi32, #tpu.memory_space<vmem>> -> memref<1x1x128xi32, #tpu.memory_space<vmem>>
      %dma_start3A_1365 = tpu.memref_squeeze %dma_start3A_1364 : memref<1x1x128xi32, #tpu.memory_space<vmem>> -> memref<128xi32, #tpu.memory_space<vmem>>
      %dma_start3A_1366 = arith.constant 0 : i32
      %dma_start3A_1367 = arith.constant 0 : i32
      %dma_start3A_1368 = tpu.memref_slice %arg2[%dma_start3A_1366, %dma_start3A_1367] : memref<400000x16xf32, #tpu.memory_space<hbm>> -> memref<400000x16xf32, #tpu.memory_space<hbm>>
      tpu.enqueue_indirect_dma source(%dma_start3A_1368 : memref<400000x16xf32, #tpu.memory_space<hbm>>) target(%dma_start3A_1362 : memref<128x16xf32, #tpu.memory_space<vmem>>) offsets(%dma_start3A_1365 : memref<128xi32, #tpu.memory_space<vmem>>) semaphore(%arg11 : memref<!tpu.dma_semaphore, #tpu.memory_space<semaphore_mem>>)
      %add3A_1369 = arith.constant 4 : i32
      %add3A_1370 = arith.addi %add3A_1144, %add3A_1369 : i32
      %jit3A_1371 = arith.constant 8 : i32
      %div3A_1372 = arith.divsi %add3A_1370, %jit3A_1371 : i32
      %sign3A_1373 = arith.constant 0 : i32
      %sign3A_1374 = arith.cmpi sgt, %add3A_1370, %sign3A_1373 : i32
      %sign3A_1375 = arith.extui %sign3A_1374 : i1 to i32
      %sign3A_1376 = arith.constant 0 : i32
      %sign3A_1377 = arith.cmpi slt, %add3A_1370, %sign3A_1376 : i32
      %sign3A_1378 = arith.extui %sign3A_1377 : i1 to i32
      %sign3A_1379 = arith.subi %sign3A_1375, %sign3A_1378 : i32
      %sign3A_1380 = arith.constant 0 : i32
      %sign3A_1381 = arith.cmpi sgt, %jit3A_1371, %sign3A_1380 : i32
      %sign3A_1382 = arith.extui %sign3A_1381 : i1 to i32
      %sign3A_1383 = arith.constant 0 : i32
      %sign3A_1384 = arith.cmpi slt, %jit3A_1371, %sign3A_1383 : i32
      %sign3A_1385 = arith.extui %sign3A_1384 : i1 to i32
      %sign3A_1386 = arith.subi %sign3A_1382, %sign3A_1385 : i32
      %ne3A_1387 = arith.cmpi ne, %sign3A_1379, %sign3A_1386 : i32
      %rem3A_1388 = arith.remsi %add3A_1370, %jit3A_1371 : i32
      %ne3A_1389 = arith.constant 0 : i32
      %ne3A_1390 = arith.cmpi ne, %rem3A_1388, %ne3A_1389 : i32
      %and3A_1391 = arith.andi %ne3A_1387, %ne3A_1390 : i1
      %sub3A_1392 = arith.constant 1 : i32
      %sub3A_1393 = arith.subi %div3A_1372, %sub3A_1392 : i32
      %select_n3A_1394 = arith.select %and3A_1391, %sub3A_1393, %div3A_1372 : i32
      %add3A_1395 = arith.constant 4 : i32
      %add3A_1396 = arith.addi %add3A_1144, %add3A_1395 : i32
      %jit3A_1397 = arith.constant 8 : i32
      %eq3A_1398 = arith.constant 0 : i32
      %eq3A_1399 = arith.cmpi eq, %jit3A_1397, %eq3A_1398 : i32
      %jit3A_1400 = arith.constant 1 : i32
      %select_n3A_1401 = arith.select %eq3A_1399, %jit3A_1400, %jit3A_1397 : i32
      %rem3A_1402 = arith.remsi %add3A_1396, %select_n3A_1401 : i32
      %ne3A_1403 = arith.constant 0 : i32
      %ne3A_1404 = arith.cmpi ne, %rem3A_1402, %ne3A_1403 : i32
      %lt3A_1405 = arith.constant 0 : i32
      %lt3A_1406 = arith.cmpi slt, %rem3A_1402, %lt3A_1405 : i32
      %lt3A_1407 = arith.constant 0 : i32
      %lt3A_1408 = arith.cmpi slt, %select_n3A_1401, %lt3A_1407 : i32
      %ne3A_1409 = arith.xori %lt3A_1406, %lt3A_1408 : i1
      %and3A_1410 = arith.andi %ne3A_1409, %ne3A_1404 : i1
      %add3A_1411 = arith.addi %rem3A_1402, %select_n3A_1401 : i32
      %select_n3A_1412 = arith.select %and3A_1410, %add3A_1411, %rem3A_1402 : i32
      %dma_start3A_1413 = arith.constant 1 : i32
      %dma_start3A_1414 = arith.constant 4 : i32
      %dma_start3A_1415 = arith.constant 0 : i32
      %dma_start3A_1416 = arith.constant 0 : i32
      %dma_start3A_1417 = tpu.memref_slice %arg7[%dma_start3A_1413, %dma_start3A_1414, %dma_start3A_1415, %dma_start3A_1416] : memref<2x20x128x16xf32, #tpu.memory_space<vmem>> -> memref<1x1x128x16xf32, #tpu.memory_space<vmem>>
      %dma_start3A_1418 = tpu.memref_squeeze %dma_start3A_1417 : memref<1x1x128x16xf32, #tpu.memory_space<vmem>> -> memref<128x16xf32, #tpu.memory_space<vmem>>
      %dma_start3A_1419 = arith.constant 0 : i32
      %dma_start3A_1420 = tpu.memref_slice %arg6[%select_n3A_1394, %select_n3A_1412, %dma_start3A_1419] : memref<25x8x128xi32, #tpu.memory_space<vmem>> -> memref<1x1x128xi32, #tpu.memory_space<vmem>>
      %dma_start3A_1421 = tpu.memref_squeeze %dma_start3A_1420 : memref<1x1x128xi32, #tpu.memory_space<vmem>> -> memref<128xi32, #tpu.memory_space<vmem>>
      %dma_start3A_1422 = arith.constant 0 : i32
      %dma_start3A_1423 = arith.constant 0 : i32
      %dma_start3A_1424 = tpu.memref_slice %arg2[%dma_start3A_1422, %dma_start3A_1423] : memref<400000x16xf32, #tpu.memory_space<hbm>> -> memref<400000x16xf32, #tpu.memory_space<hbm>>
      tpu.enqueue_indirect_dma source(%dma_start3A_1424 : memref<400000x16xf32, #tpu.memory_space<hbm>>) target(%dma_start3A_1418 : memref<128x16xf32, #tpu.memory_space<vmem>>) offsets(%dma_start3A_1421 : memref<128xi32, #tpu.memory_space<vmem>>) semaphore(%arg11 : memref<!tpu.dma_semaphore, #tpu.memory_space<semaphore_mem>>)
      %add3A_1425 = arith.constant 5 : i32
      %add3A_1426 = arith.addi %add3A_1144, %add3A_1425 : i32
      %jit3A_1427 = arith.constant 8 : i32
      %div3A_1428 = arith.divsi %add3A_1426, %jit3A_1427 : i32
      %sign3A_1429 = arith.constant 0 : i32
      %sign3A_1430 = arith.cmpi sgt, %add3A_1426, %sign3A_1429 : i32
      %sign3A_1431 = arith.extui %sign3A_1430 : i1 to i32
      %sign3A_1432 = arith.constant 0 : i32
      %sign3A_1433 = arith.cmpi slt, %add3A_1426, %sign3A_1432 : i32
      %sign3A_1434 = arith.extui %sign3A_1433 : i1 to i32
      %sign3A_1435 = arith.subi %sign3A_1431, %sign3A_1434 : i32
      %sign3A_1436 = arith.constant 0 : i32
      %sign3A_1437 = arith.cmpi sgt, %jit3A_1427, %sign3A_1436 : i32
      %sign3A_1438 = arith.extui %sign3A_1437 : i1 to i32
      %sign3A_1439 = arith.constant 0 : i32
      %sign3A_1440 = arith.cmpi slt, %jit3A_1427, %sign3A_1439 : i32
      %sign3A_1441 = arith.extui %sign3A_1440 : i1 to i32
      %sign3A_1442 = arith.subi %sign3A_1438, %sign3A_1441 : i32
      %ne3A_1443 = arith.cmpi ne, %sign3A_1435, %sign3A_1442 : i32
      %rem3A_1444 = arith.remsi %add3A_1426, %jit3A_1427 : i32
      %ne3A_1445 = arith.constant 0 : i32
      %ne3A_1446 = arith.cmpi ne, %rem3A_1444, %ne3A_1445 : i32
      %and3A_1447 = arith.andi %ne3A_1443, %ne3A_1446 : i1
      %sub3A_1448 = arith.constant 1 : i32
      %sub3A_1449 = arith.subi %div3A_1428, %sub3A_1448 : i32
      %select_n3A_1450 = arith.select %and3A_1447, %sub3A_1449, %div3A_1428 : i32
      %add3A_1451 = arith.constant 5 : i32
      %add3A_1452 = arith.addi %add3A_1144, %add3A_1451 : i32
      %jit3A_1453 = arith.constant 8 : i32
      %eq3A_1454 = arith.constant 0 : i32
      %eq3A_1455 = arith.cmpi eq, %jit3A_1453, %eq3A_1454 : i32
      %jit3A_1456 = arith.constant 1 : i32
      %select_n3A_1457 = arith.select %eq3A_1455, %jit3A_1456, %jit3A_1453 : i32
      %rem3A_1458 = arith.remsi %add3A_1452, %select_n3A_1457 : i32
      %ne3A_1459 = arith.constant 0 : i32
      %ne3A_1460 = arith.cmpi ne, %rem3A_1458, %ne3A_1459 : i32
      %lt3A_1461 = arith.constant 0 : i32
      %lt3A_1462 = arith.cmpi slt, %rem3A_1458, %lt3A_1461 : i32
      %lt3A_1463 = arith.constant 0 : i32
      %lt3A_1464 = arith.cmpi slt, %select_n3A_1457, %lt3A_1463 : i32
      %ne3A_1465 = arith.xori %lt3A_1462, %lt3A_1464 : i1
      %and3A_1466 = arith.andi %ne3A_1465, %ne3A_1460 : i1
      %add3A_1467 = arith.addi %rem3A_1458, %select_n3A_1457 : i32
      %select_n3A_1468 = arith.select %and3A_1466, %add3A_1467, %rem3A_1458 : i32
      %dma_start3A_1469 = arith.constant 1 : i32
      %dma_start3A_1470 = arith.constant 5 : i32
      %dma_start3A_1471 = arith.constant 0 : i32
      %dma_start3A_1472 = arith.constant 0 : i32
      %dma_start3A_1473 = tpu.memref_slice %arg7[%dma_start3A_1469, %dma_start3A_1470, %dma_start3A_1471, %dma_start3A_1472] : memref<2x20x128x16xf32, #tpu.memory_space<vmem>> -> memref<1x1x128x16xf32, #tpu.memory_space<vmem>>
      %dma_start3A_1474 = tpu.memref_squeeze %dma_start3A_1473 : memref<1x1x128x16xf32, #tpu.memory_space<vmem>> -> memref<128x16xf32, #tpu.memory_space<vmem>>
      %dma_start3A_1475 = arith.constant 0 : i32
      %dma_start3A_1476 = tpu.memref_slice %arg6[%select_n3A_1450, %select_n3A_1468, %dma_start3A_1475] : memref<25x8x128xi32, #tpu.memory_space<vmem>> -> memref<1x1x128xi32, #tpu.memory_space<vmem>>
      %dma_start3A_1477 = tpu.memref_squeeze %dma_start3A_1476 : memref<1x1x128xi32, #tpu.memory_space<vmem>> -> memref<128xi32, #tpu.memory_space<vmem>>
      %dma_start3A_1478 = arith.constant 0 : i32
      %dma_start3A_1479 = arith.constant 0 : i32
      %dma_start3A_1480 = tpu.memref_slice %arg2[%dma_start3A_1478, %dma_start3A_1479] : memref<400000x16xf32, #tpu.memory_space<hbm>> -> memref<400000x16xf32, #tpu.memory_space<hbm>>
      tpu.enqueue_indirect_dma source(%dma_start3A_1480 : memref<400000x16xf32, #tpu.memory_space<hbm>>) target(%dma_start3A_1474 : memref<128x16xf32, #tpu.memory_space<vmem>>) offsets(%dma_start3A_1477 : memref<128xi32, #tpu.memory_space<vmem>>) semaphore(%arg11 : memref<!tpu.dma_semaphore, #tpu.memory_space<semaphore_mem>>)
      %add3A_1481 = arith.constant 6 : i32
      %add3A_1482 = arith.addi %add3A_1144, %add3A_1481 : i32
      %jit3A_1483 = arith.constant 8 : i32
      %div3A_1484 = arith.divsi %add3A_1482, %jit3A_1483 : i32
      %sign3A_1485 = arith.constant 0 : i32
      %sign3A_1486 = arith.cmpi sgt, %add3A_1482, %sign3A_1485 : i32
      %sign3A_1487 = arith.extui %sign3A_1486 : i1 to i32
      %sign3A_1488 = arith.constant 0 : i32
      %sign3A_1489 = arith.cmpi slt, %add3A_1482, %sign3A_1488 : i32
      %sign3A_1490 = arith.extui %sign3A_1489 : i1 to i32
      %sign3A_1491 = arith.subi %sign3A_1487, %sign3A_1490 : i32
      %sign3A_1492 = arith.constant 0 : i32
      %sign3A_1493 = arith.cmpi sgt, %jit3A_1483, %sign3A_1492 : i32
      %sign3A_1494 = arith.extui %sign3A_1493 : i1 to i32
      %sign3A_1495 = arith.constant 0 : i32
      %sign3A_1496 = arith.cmpi slt, %jit3A_1483, %sign3A_1495 : i32
      %sign3A_1497 = arith.extui %sign3A_1496 : i1 to i32
      %sign3A_1498 = arith.subi %sign3A_1494, %sign3A_1497 : i32
      %ne3A_1499 = arith.cmpi ne, %sign3A_1491, %sign3A_1498 : i32
      %rem3A_1500 = arith.remsi %add3A_1482, %jit3A_1483 : i32
      %ne3A_1501 = arith.constant 0 : i32
      %ne3A_1502 = arith.cmpi ne, %rem3A_1500, %ne3A_1501 : i32
      %and3A_1503 = arith.andi %ne3A_1499, %ne3A_1502 : i1
      %sub3A_1504 = arith.constant 1 : i32
      %sub3A_1505 = arith.subi %div3A_1484, %sub3A_1504 : i32
      %select_n3A_1506 = arith.select %and3A_1503, %sub3A_1505, %div3A_1484 : i32
      %add3A_1507 = arith.constant 6 : i32
      %add3A_1508 = arith.addi %add3A_1144, %add3A_1507 : i32
      %jit3A_1509 = arith.constant 8 : i32
      %eq3A_1510 = arith.constant 0 : i32
      %eq3A_1511 = arith.cmpi eq, %jit3A_1509, %eq3A_1510 : i32
      %jit3A_1512 = arith.constant 1 : i32
      %select_n3A_1513 = arith.select %eq3A_1511, %jit3A_1512, %jit3A_1509 : i32
      %rem3A_1514 = arith.remsi %add3A_1508, %select_n3A_1513 : i32
      %ne3A_1515 = arith.constant 0 : i32
      %ne3A_1516 = arith.cmpi ne, %rem3A_1514, %ne3A_1515 : i32
      %lt3A_1517 = arith.constant 0 : i32
      %lt3A_1518 = arith.cmpi slt, %rem3A_1514, %lt3A_1517 : i32
      %lt3A_1519 = arith.constant 0 : i32
      %lt3A_1520 = arith.cmpi slt, %select_n3A_1513, %lt3A_1519 : i32
      %ne3A_1521 = arith.xori %lt3A_1518, %lt3A_1520 : i1
      %and3A_1522 = arith.andi %ne3A_1521, %ne3A_1516 : i1
      %add3A_1523 = arith.addi %rem3A_1514, %select_n3A_1513 : i32
      %select_n3A_1524 = arith.select %and3A_1522, %add3A_1523, %rem3A_1514 : i32
      %dma_start3A_1525 = arith.constant 1 : i32
      %dma_start3A_1526 = arith.constant 6 : i32
      %dma_start3A_1527 = arith.constant 0 : i32
      %dma_start3A_1528 = arith.constant 0 : i32
      %dma_start3A_1529 = tpu.memref_slice %arg7[%dma_start3A_1525, %dma_start3A_1526, %dma_start3A_1527, %dma_start3A_1528] : memref<2x20x128x16xf32, #tpu.memory_space<vmem>> -> memref<1x1x128x16xf32, #tpu.memory_space<vmem>>
      %dma_start3A_1530 = tpu.memref_squeeze %dma_start3A_1529 : memref<1x1x128x16xf32, #tpu.memory_space<vmem>> -> memref<128x16xf32, #tpu.memory_space<vmem>>
      %dma_start3A_1531 = arith.constant 0 : i32
      %dma_start3A_1532 = tpu.memref_slice %arg6[%select_n3A_1506, %select_n3A_1524, %dma_start3A_1531] : memref<25x8x128xi32, #tpu.memory_space<vmem>> -> memref<1x1x128xi32, #tpu.memory_space<vmem>>
      %dma_start3A_1533 = tpu.memref_squeeze %dma_start3A_1532 : memref<1x1x128xi32, #tpu.memory_space<vmem>> -> memref<128xi32, #tpu.memory_space<vmem>>
      %dma_start3A_1534 = arith.constant 0 : i32
      %dma_start3A_1535 = arith.constant 0 : i32
      %dma_start3A_1536 = tpu.memref_slice %arg2[%dma_start3A_1534, %dma_start3A_1535] : memref<400000x16xf32, #tpu.memory_space<hbm>> -> memref<400000x16xf32, #tpu.memory_space<hbm>>
      tpu.enqueue_indirect_dma source(%dma_start3A_1536 : memref<400000x16xf32, #tpu.memory_space<hbm>>) target(%dma_start3A_1530 : memref<128x16xf32, #tpu.memory_space<vmem>>) offsets(%dma_start3A_1533 : memref<128xi32, #tpu.memory_space<vmem>>) semaphore(%arg11 : memref<!tpu.dma_semaphore, #tpu.memory_space<semaphore_mem>>)
      %add3A_1537 = arith.constant 7 : i32
      %add3A_1538 = arith.addi %add3A_1144, %add3A_1537 : i32
      %jit3A_1539 = arith.constant 8 : i32
      %div3A_1540 = arith.divsi %add3A_1538, %jit3A_1539 : i32
      %sign3A_1541 = arith.constant 0 : i32
      %sign3A_1542 = arith.cmpi sgt, %add3A_1538, %sign3A_1541 : i32
      %sign3A_1543 = arith.extui %sign3A_1542 : i1 to i32
      %sign3A_1544 = arith.constant 0 : i32
      %sign3A_1545 = arith.cmpi slt, %add3A_1538, %sign3A_1544 : i32
      %sign3A_1546 = arith.extui %sign3A_1545 : i1 to i32
      %sign3A_1547 = arith.subi %sign3A_1543, %sign3A_1546 : i32
      %sign3A_1548 = arith.constant 0 : i32
      %sign3A_1549 = arith.cmpi sgt, %jit3A_1539, %sign3A_1548 : i32
      %sign3A_1550 = arith.extui %sign3A_1549 : i1 to i32
      %sign3A_1551 = arith.constant 0 : i32
      %sign3A_1552 = arith.cmpi slt, %jit3A_1539, %sign3A_1551 : i32
      %sign3A_1553 = arith.extui %sign3A_1552 : i1 to i32
      %sign3A_1554 = arith.subi %sign3A_1550, %sign3A_1553 : i32
      %ne3A_1555 = arith.cmpi ne, %sign3A_1547, %sign3A_1554 : i32
      %rem3A_1556 = arith.remsi %add3A_1538, %jit3A_1539 : i32
      %ne3A_1557 = arith.constant 0 : i32
      %ne3A_1558 = arith.cmpi ne, %rem3A_1556, %ne3A_1557 : i32
      %and3A_1559 = arith.andi %ne3A_1555, %ne3A_1558 : i1
      %sub3A_1560 = arith.constant 1 : i32
      %sub3A_1561 = arith.subi %div3A_1540, %sub3A_1560 : i32
      %select_n3A_1562 = arith.select %and3A_1559, %sub3A_1561, %div3A_1540 : i32
      %add3A_1563 = arith.constant 7 : i32
      %add3A_1564 = arith.addi %add3A_1144, %add3A_1563 : i32
      %jit3A_1565 = arith.constant 8 : i32
      %eq3A_1566 = arith.constant 0 : i32
      %eq3A_1567 = arith.cmpi eq, %jit3A_1565, %eq3A_1566 : i32
      %jit3A_1568 = arith.constant 1 : i32
      %select_n3A_1569 = arith.select %eq3A_1567, %jit3A_1568, %jit3A_1565 : i32
      %rem3A_1570 = arith.remsi %add3A_1564, %select_n3A_1569 : i32
      %ne3A_1571 = arith.constant 0 : i32
      %ne3A_1572 = arith.cmpi ne, %rem3A_1570, %ne3A_1571 : i32
      %lt3A_1573 = arith.constant 0 : i32
      %lt3A_1574 = arith.cmpi slt, %rem3A_1570, %lt3A_1573 : i32
      %lt3A_1575 = arith.constant 0 : i32
      %lt3A_1576 = arith.cmpi slt, %select_n3A_1569, %lt3A_1575 : i32
      %ne3A_1577 = arith.xori %lt3A_1574, %lt3A_1576 : i1
      %and3A_1578 = arith.andi %ne3A_1577, %ne3A_1572 : i1
      %add3A_1579 = arith.addi %rem3A_1570, %select_n3A_1569 : i32
      %select_n3A_1580 = arith.select %and3A_1578, %add3A_1579, %rem3A_1570 : i32
      %dma_start3A_1581 = arith.constant 1 : i32
      %dma_start3A_1582 = arith.constant 7 : i32
      %dma_start3A_1583 = arith.constant 0 : i32
      %dma_start3A_1584 = arith.constant 0 : i32
      %dma_start3A_1585 = tpu.memref_slice %arg7[%dma_start3A_1581, %dma_start3A_1582, %dma_start3A_1583, %dma_start3A_1584] : memref<2x20x128x16xf32, #tpu.memory_space<vmem>> -> memref<1x1x128x16xf32, #tpu.memory_space<vmem>>
      %dma_start3A_1586 = tpu.memref_squeeze %dma_start3A_1585 : memref<1x1x128x16xf32, #tpu.memory_space<vmem>> -> memref<128x16xf32, #tpu.memory_space<vmem>>
      %dma_start3A_1587 = arith.constant 0 : i32
      %dma_start3A_1588 = tpu.memref_slice %arg6[%select_n3A_1562, %select_n3A_1580, %dma_start3A_1587] : memref<25x8x128xi32, #tpu.memory_space<vmem>> -> memref<1x1x128xi32, #tpu.memory_space<vmem>>
      %dma_start3A_1589 = tpu.memref_squeeze %dma_start3A_1588 : memref<1x1x128xi32, #tpu.memory_space<vmem>> -> memref<128xi32, #tpu.memory_space<vmem>>
      %dma_start3A_1590 = arith.constant 0 : i32
      %dma_start3A_1591 = arith.constant 0 : i32
      %dma_start3A_1592 = tpu.memref_slice %arg2[%dma_start3A_1590, %dma_start3A_1591] : memref<400000x16xf32, #tpu.memory_space<hbm>> -> memref<400000x16xf32, #tpu.memory_space<hbm>>
      tpu.enqueue_indirect_dma source(%dma_start3A_1592 : memref<400000x16xf32, #tpu.memory_space<hbm>>) target(%dma_start3A_1586 : memref<128x16xf32, #tpu.memory_space<vmem>>) offsets(%dma_start3A_1589 : memref<128xi32, #tpu.memory_space<vmem>>) semaphore(%arg11 : memref<!tpu.dma_semaphore, #tpu.memory_space<semaphore_mem>>)
      %add3A_1593 = arith.constant 8 : i32
      %add3A_1594 = arith.addi %add3A_1144, %add3A_1593 : i32
      %jit3A_1595 = arith.constant 8 : i32
      %div3A_1596 = arith.divsi %add3A_1594, %jit3A_1595 : i32
      %sign3A_1597 = arith.constant 0 : i32
      %sign3A_1598 = arith.cmpi sgt, %add3A_1594, %sign3A_1597 : i32
      %sign3A_1599 = arith.extui %sign3A_1598 : i1 to i32
      %sign3A_1600 = arith.constant 0 : i32
      %sign3A_1601 = arith.cmpi slt, %add3A_1594, %sign3A_1600 : i32
      %sign3A_1602 = arith.extui %sign3A_1601 : i1 to i32
      %sign3A_1603 = arith.subi %sign3A_1599, %sign3A_1602 : i32
      %sign3A_1604 = arith.constant 0 : i32
      %sign3A_1605 = arith.cmpi sgt, %jit3A_1595, %sign3A_1604 : i32
      %sign3A_1606 = arith.extui %sign3A_1605 : i1 to i32
      %sign3A_1607 = arith.constant 0 : i32
      %sign3A_1608 = arith.cmpi slt, %jit3A_1595, %sign3A_1607 : i32
      %sign3A_1609 = arith.extui %sign3A_1608 : i1 to i32
      %sign3A_1610 = arith.subi %sign3A_1606, %sign3A_1609 : i32
      %ne3A_1611 = arith.cmpi ne, %sign3A_1603, %sign3A_1610 : i32
      %rem3A_1612 = arith.remsi %add3A_1594, %jit3A_1595 : i32
      %ne3A_1613 = arith.constant 0 : i32
      %ne3A_1614 = arith.cmpi ne, %rem3A_1612, %ne3A_1613 : i32
      %and3A_1615 = arith.andi %ne3A_1611, %ne3A_1614 : i1
      %sub3A_1616 = arith.constant 1 : i32
      %sub3A_1617 = arith.subi %div3A_1596, %sub3A_1616 : i32
      %select_n3A_1618 = arith.select %and3A_1615, %sub3A_1617, %div3A_1596 : i32
      %add3A_1619 = arith.constant 8 : i32
      %add3A_1620 = arith.addi %add3A_1144, %add3A_1619 : i32
      %jit3A_1621 = arith.constant 8 : i32
      %eq3A_1622 = arith.constant 0 : i32
      %eq3A_1623 = arith.cmpi eq, %jit3A_1621, %eq3A_1622 : i32
      %jit3A_1624 = arith.constant 1 : i32
      %select_n3A_1625 = arith.select %eq3A_1623, %jit3A_1624, %jit3A_1621 : i32
      %rem3A_1626 = arith.remsi %add3A_1620, %select_n3A_1625 : i32
      %ne3A_1627 = arith.constant 0 : i32
      %ne3A_1628 = arith.cmpi ne, %rem3A_1626, %ne3A_1627 : i32
      %lt3A_1629 = arith.constant 0 : i32
      %lt3A_1630 = arith.cmpi slt, %rem3A_1626, %lt3A_1629 : i32
      %lt3A_1631 = arith.constant 0 : i32
      %lt3A_1632 = arith.cmpi slt, %select_n3A_1625, %lt3A_1631 : i32
      %ne3A_1633 = arith.xori %lt3A_1630, %lt3A_1632 : i1
      %and3A_1634 = arith.andi %ne3A_1633, %ne3A_1628 : i1
      %add3A_1635 = arith.addi %rem3A_1626, %select_n3A_1625 : i32
      %select_n3A_1636 = arith.select %and3A_1634, %add3A_1635, %rem3A_1626 : i32
      %dma_start3A_1637 = arith.constant 1 : i32
      %dma_start3A_1638 = arith.constant 8 : i32
      %dma_start3A_1639 = arith.constant 0 : i32
      %dma_start3A_1640 = arith.constant 0 : i32
      %dma_start3A_1641 = tpu.memref_slice %arg7[%dma_start3A_1637, %dma_start3A_1638, %dma_start3A_1639, %dma_start3A_1640] : memref<2x20x128x16xf32, #tpu.memory_space<vmem>> -> memref<1x1x128x16xf32, #tpu.memory_space<vmem>>
      %dma_start3A_1642 = tpu.memref_squeeze %dma_start3A_1641 : memref<1x1x128x16xf32, #tpu.memory_space<vmem>> -> memref<128x16xf32, #tpu.memory_space<vmem>>
      %dma_start3A_1643 = arith.constant 0 : i32
      %dma_start3A_1644 = tpu.memref_slice %arg6[%select_n3A_1618, %select_n3A_1636, %dma_start3A_1643] : memref<25x8x128xi32, #tpu.memory_space<vmem>> -> memref<1x1x128xi32, #tpu.memory_space<vmem>>
      %dma_start3A_1645 = tpu.memref_squeeze %dma_start3A_1644 : memref<1x1x128xi32, #tpu.memory_space<vmem>> -> memref<128xi32, #tpu.memory_space<vmem>>
      %dma_start3A_1646 = arith.constant 0 : i32
      %dma_start3A_1647 = arith.constant 0 : i32
      %dma_start3A_1648 = tpu.memref_slice %arg2[%dma_start3A_1646, %dma_start3A_1647] : memref<400000x16xf32, #tpu.memory_space<hbm>> -> memref<400000x16xf32, #tpu.memory_space<hbm>>
      tpu.enqueue_indirect_dma source(%dma_start3A_1648 : memref<400000x16xf32, #tpu.memory_space<hbm>>) target(%dma_start3A_1642 : memref<128x16xf32, #tpu.memory_space<vmem>>) offsets(%dma_start3A_1645 : memref<128xi32, #tpu.memory_space<vmem>>) semaphore(%arg11 : memref<!tpu.dma_semaphore, #tpu.memory_space<semaphore_mem>>)
      %add3A_1649 = arith.constant 9 : i32
      %add3A_1650 = arith.addi %add3A_1144, %add3A_1649 : i32
      %jit3A_1651 = arith.constant 8 : i32
      %div3A_1652 = arith.divsi %add3A_1650, %jit3A_1651 : i32
      %sign3A_1653 = arith.constant 0 : i32
      %sign3A_1654 = arith.cmpi sgt, %add3A_1650, %sign3A_1653 : i32
      %sign3A_1655 = arith.extui %sign3A_1654 : i1 to i32
      %sign3A_1656 = arith.constant 0 : i32
      %sign3A_1657 = arith.cmpi slt, %add3A_1650, %sign3A_1656 : i32
      %sign3A_1658 = arith.extui %sign3A_1657 : i1 to i32
      %sign3A_1659 = arith.subi %sign3A_1655, %sign3A_1658 : i32
      %sign3A_1660 = arith.constant 0 : i32
      %sign3A_1661 = arith.cmpi sgt, %jit3A_1651, %sign3A_1660 : i32
      %sign3A_1662 = arith.extui %sign3A_1661 : i1 to i32
      %sign3A_1663 = arith.constant 0 : i32
      %sign3A_1664 = arith.cmpi slt, %jit3A_1651, %sign3A_1663 : i32
      %sign3A_1665 = arith.extui %sign3A_1664 : i1 to i32
      %sign3A_1666 = arith.subi %sign3A_1662, %sign3A_1665 : i32
      %ne3A_1667 = arith.cmpi ne, %sign3A_1659, %sign3A_1666 : i32
      %rem3A_1668 = arith.remsi %add3A_1650, %jit3A_1651 : i32
      %ne3A_1669 = arith.constant 0 : i32
      %ne3A_1670 = arith.cmpi ne, %rem3A_1668, %ne3A_1669 : i32
      %and3A_1671 = arith.andi %ne3A_1667, %ne3A_1670 : i1
      %sub3A_1672 = arith.constant 1 : i32
      %sub3A_1673 = arith.subi %div3A_1652, %sub3A_1672 : i32
      %select_n3A_1674 = arith.select %and3A_1671, %sub3A_1673, %div3A_1652 : i32
      %add3A_1675 = arith.constant 9 : i32
      %add3A_1676 = arith.addi %add3A_1144, %add3A_1675 : i32
      %jit3A_1677 = arith.constant 8 : i32
      %eq3A_1678 = arith.constant 0 : i32
      %eq3A_1679 = arith.cmpi eq, %jit3A_1677, %eq3A_1678 : i32
      %jit3A_1680 = arith.constant 1 : i32
      %select_n3A_1681 = arith.select %eq3A_1679, %jit3A_1680, %jit3A_1677 : i32
      %rem3A_1682 = arith.remsi %add3A_1676, %select_n3A_1681 : i32
      %ne3A_1683 = arith.constant 0 : i32
      %ne3A_1684 = arith.cmpi ne, %rem3A_1682, %ne3A_1683 : i32
      %lt3A_1685 = arith.constant 0 : i32
      %lt3A_1686 = arith.cmpi slt, %rem3A_1682, %lt3A_1685 : i32
      %lt3A_1687 = arith.constant 0 : i32
      %lt3A_1688 = arith.cmpi slt, %select_n3A_1681, %lt3A_1687 : i32
      %ne3A_1689 = arith.xori %lt3A_1686, %lt3A_1688 : i1
      %and3A_1690 = arith.andi %ne3A_1689, %ne3A_1684 : i1
      %add3A_1691 = arith.addi %rem3A_1682, %select_n3A_1681 : i32
      %select_n3A_1692 = arith.select %and3A_1690, %add3A_1691, %rem3A_1682 : i32
      %dma_start3A_1693 = arith.constant 1 : i32
      %dma_start3A_1694 = arith.constant 9 : i32
      %dma_start3A_1695 = arith.constant 0 : i32
      %dma_start3A_1696 = arith.constant 0 : i32
      %dma_start3A_1697 = tpu.memref_slice %arg7[%dma_start3A_1693, %dma_start3A_1694, %dma_start3A_1695, %dma_start3A_1696] : memref<2x20x128x16xf32, #tpu.memory_space<vmem>> -> memref<1x1x128x16xf32, #tpu.memory_space<vmem>>
      %dma_start3A_1698 = tpu.memref_squeeze %dma_start3A_1697 : memref<1x1x128x16xf32, #tpu.memory_space<vmem>> -> memref<128x16xf32, #tpu.memory_space<vmem>>
      %dma_start3A_1699 = arith.constant 0 : i32
      %dma_start3A_1700 = tpu.memref_slice %arg6[%select_n3A_1674, %select_n3A_1692, %dma_start3A_1699] : memref<25x8x128xi32, #tpu.memory_space<vmem>> -> memref<1x1x128xi32, #tpu.memory_space<vmem>>
      %dma_start3A_1701 = tpu.memref_squeeze %dma_start3A_1700 : memref<1x1x128xi32, #tpu.memory_space<vmem>> -> memref<128xi32, #tpu.memory_space<vmem>>
      %dma_start3A_1702 = arith.constant 0 : i32
      %dma_start3A_1703 = arith.constant 0 : i32
      %dma_start3A_1704 = tpu.memref_slice %arg2[%dma_start3A_1702, %dma_start3A_1703] : memref<400000x16xf32, #tpu.memory_space<hbm>> -> memref<400000x16xf32, #tpu.memory_space<hbm>>
      tpu.enqueue_indirect_dma source(%dma_start3A_1704 : memref<400000x16xf32, #tpu.memory_space<hbm>>) target(%dma_start3A_1698 : memref<128x16xf32, #tpu.memory_space<vmem>>) offsets(%dma_start3A_1701 : memref<128xi32, #tpu.memory_space<vmem>>) semaphore(%arg11 : memref<!tpu.dma_semaphore, #tpu.memory_space<semaphore_mem>>)
      %add3A_1705 = arith.constant 10 : i32
      %add3A_1706 = arith.addi %add3A_1144, %add3A_1705 : i32
      %jit3A_1707 = arith.constant 8 : i32
      %div3A_1708 = arith.divsi %add3A_1706, %jit3A_1707 : i32
      %sign3A_1709 = arith.constant 0 : i32
      %sign3A_1710 = arith.cmpi sgt, %add3A_1706, %sign3A_1709 : i32
      %sign3A_1711 = arith.extui %sign3A_1710 : i1 to i32
      %sign3A_1712 = arith.constant 0 : i32
      %sign3A_1713 = arith.cmpi slt, %add3A_1706, %sign3A_1712 : i32
      %sign3A_1714 = arith.extui %sign3A_1713 : i1 to i32
      %sign3A_1715 = arith.subi %sign3A_1711, %sign3A_1714 : i32
      %sign3A_1716 = arith.constant 0 : i32
      %sign3A_1717 = arith.cmpi sgt, %jit3A_1707, %sign3A_1716 : i32
      %sign3A_1718 = arith.extui %sign3A_1717 : i1 to i32
      %sign3A_1719 = arith.constant 0 : i32
      %sign3A_1720 = arith.cmpi slt, %jit3A_1707, %sign3A_1719 : i32
      %sign3A_1721 = arith.extui %sign3A_1720 : i1 to i32
      %sign3A_1722 = arith.subi %sign3A_1718, %sign3A_1721 : i32
      %ne3A_1723 = arith.cmpi ne, %sign3A_1715, %sign3A_1722 : i32
      %rem3A_1724 = arith.remsi %add3A_1706, %jit3A_1707 : i32
      %ne3A_1725 = arith.constant 0 : i32
      %ne3A_1726 = arith.cmpi ne, %rem3A_1724, %ne3A_1725 : i32
      %and3A_1727 = arith.andi %ne3A_1723, %ne3A_1726 : i1
      %sub3A_1728 = arith.constant 1 : i32
      %sub3A_1729 = arith.subi %div3A_1708, %sub3A_1728 : i32
      %select_n3A_1730 = arith.select %and3A_1727, %sub3A_1729, %div3A_1708 : i32
      %add3A_1731 = arith.constant 10 : i32
      %add3A_1732 = arith.addi %add3A_1144, %add3A_1731 : i32
      %jit3A_1733 = arith.constant 8 : i32
      %eq3A_1734 = arith.constant 0 : i32
      %eq3A_1735 = arith.cmpi eq, %jit3A_1733, %eq3A_1734 : i32
      %jit3A_1736 = arith.constant 1 : i32
      %select_n3A_1737 = arith.select %eq3A_1735, %jit3A_1736, %jit3A_1733 : i32
      %rem3A_1738 = arith.remsi %add3A_1732, %select_n3A_1737 : i32
      %ne3A_1739 = arith.constant 0 : i32
      %ne3A_1740 = arith.cmpi ne, %rem3A_1738, %ne3A_1739 : i32
      %lt3A_1741 = arith.constant 0 : i32
      %lt3A_1742 = arith.cmpi slt, %rem3A_1738, %lt3A_1741 : i32
      %lt3A_1743 = arith.constant 0 : i32
      %lt3A_1744 = arith.cmpi slt, %select_n3A_1737, %lt3A_1743 : i32
      %ne3A_1745 = arith.xori %lt3A_1742, %lt3A_1744 : i1
      %and3A_1746 = arith.andi %ne3A_1745, %ne3A_1740 : i1
      %add3A_1747 = arith.addi %rem3A_1738, %select_n3A_1737 : i32
      %select_n3A_1748 = arith.select %and3A_1746, %add3A_1747, %rem3A_1738 : i32
      %dma_start3A_1749 = arith.constant 1 : i32
      %dma_start3A_1750 = arith.constant 10 : i32
      %dma_start3A_1751 = arith.constant 0 : i32
      %dma_start3A_1752 = arith.constant 0 : i32
      %dma_start3A_1753 = tpu.memref_slice %arg7[%dma_start3A_1749, %dma_start3A_1750, %dma_start3A_1751, %dma_start3A_1752] : memref<2x20x128x16xf32, #tpu.memory_space<vmem>> -> memref<1x1x128x16xf32, #tpu.memory_space<vmem>>
      %dma_start3A_1754 = tpu.memref_squeeze %dma_start3A_1753 : memref<1x1x128x16xf32, #tpu.memory_space<vmem>> -> memref<128x16xf32, #tpu.memory_space<vmem>>
      %dma_start3A_1755 = arith.constant 0 : i32
      %dma_start3A_1756 = tpu.memref_slice %arg6[%select_n3A_1730, %select_n3A_1748, %dma_start3A_1755] : memref<25x8x128xi32, #tpu.memory_space<vmem>> -> memref<1x1x128xi32, #tpu.memory_space<vmem>>
      %dma_start3A_1757 = tpu.memref_squeeze %dma_start3A_1756 : memref<1x1x128xi32, #tpu.memory_space<vmem>> -> memref<128xi32, #tpu.memory_space<vmem>>
      %dma_start3A_1758 = arith.constant 0 : i32
      %dma_start3A_1759 = arith.constant 0 : i32
      %dma_start3A_1760 = tpu.memref_slice %arg2[%dma_start3A_1758, %dma_start3A_1759] : memref<400000x16xf32, #tpu.memory_space<hbm>> -> memref<400000x16xf32, #tpu.memory_space<hbm>>
      tpu.enqueue_indirect_dma source(%dma_start3A_1760 : memref<400000x16xf32, #tpu.memory_space<hbm>>) target(%dma_start3A_1754 : memref<128x16xf32, #tpu.memory_space<vmem>>) offsets(%dma_start3A_1757 : memref<128xi32, #tpu.memory_space<vmem>>) semaphore(%arg11 : memref<!tpu.dma_semaphore, #tpu.memory_space<semaphore_mem>>)
      %add3A_1761 = arith.constant 11 : i32
      %add3A_1762 = arith.addi %add3A_1144, %add3A_1761 : i32
      %jit3A_1763 = arith.constant 8 : i32
      %div3A_1764 = arith.divsi %add3A_1762, %jit3A_1763 : i32
      %sign3A_1765 = arith.constant 0 : i32
      %sign3A_1766 = arith.cmpi sgt, %add3A_1762, %sign3A_1765 : i32
      %sign3A_1767 = arith.extui %sign3A_1766 : i1 to i32
      %sign3A_1768 = arith.constant 0 : i32
      %sign3A_1769 = arith.cmpi slt, %add3A_1762, %sign3A_1768 : i32
      %sign3A_1770 = arith.extui %sign3A_1769 : i1 to i32
      %sign3A_1771 = arith.subi %sign3A_1767, %sign3A_1770 : i32
      %sign3A_1772 = arith.constant 0 : i32
      %sign3A_1773 = arith.cmpi sgt, %jit3A_1763, %sign3A_1772 : i32
      %sign3A_1774 = arith.extui %sign3A_1773 : i1 to i32
      %sign3A_1775 = arith.constant 0 : i32
      %sign3A_1776 = arith.cmpi slt, %jit3A_1763, %sign3A_1775 : i32
      %sign3A_1777 = arith.extui %sign3A_1776 : i1 to i32
      %sign3A_1778 = arith.subi %sign3A_1774, %sign3A_1777 : i32
      %ne3A_1779 = arith.cmpi ne, %sign3A_1771, %sign3A_1778 : i32
      %rem3A_1780 = arith.remsi %add3A_1762, %jit3A_1763 : i32
      %ne3A_1781 = arith.constant 0 : i32
      %ne3A_1782 = arith.cmpi ne, %rem3A_1780, %ne3A_1781 : i32
      %and3A_1783 = arith.andi %ne3A_1779, %ne3A_1782 : i1
      %sub3A_1784 = arith.constant 1 : i32
      %sub3A_1785 = arith.subi %div3A_1764, %sub3A_1784 : i32
      %select_n3A_1786 = arith.select %and3A_1783, %sub3A_1785, %div3A_1764 : i32
      %add3A_1787 = arith.constant 11 : i32
      %add3A_1788 = arith.addi %add3A_1144, %add3A_1787 : i32
      %jit3A_1789 = arith.constant 8 : i32
      %eq3A_1790 = arith.constant 0 : i32
      %eq3A_1791 = arith.cmpi eq, %jit3A_1789, %eq3A_1790 : i32
      %jit3A_1792 = arith.constant 1 : i32
      %select_n3A_1793 = arith.select %eq3A_1791, %jit3A_1792, %jit3A_1789 : i32
      %rem3A_1794 = arith.remsi %add3A_1788, %select_n3A_1793 : i32
      %ne3A_1795 = arith.constant 0 : i32
      %ne3A_1796 = arith.cmpi ne, %rem3A_1794, %ne3A_1795 : i32
      %lt3A_1797 = arith.constant 0 : i32
      %lt3A_1798 = arith.cmpi slt, %rem3A_1794, %lt3A_1797 : i32
      %lt3A_1799 = arith.constant 0 : i32
      %lt3A_1800 = arith.cmpi slt, %select_n3A_1793, %lt3A_1799 : i32
      %ne3A_1801 = arith.xori %lt3A_1798, %lt3A_1800 : i1
      %and3A_1802 = arith.andi %ne3A_1801, %ne3A_1796 : i1
      %add3A_1803 = arith.addi %rem3A_1794, %select_n3A_1793 : i32
      %select_n3A_1804 = arith.select %and3A_1802, %add3A_1803, %rem3A_1794 : i32
      %dma_start3A_1805 = arith.constant 1 : i32
      %dma_start3A_1806 = arith.constant 11 : i32
      %dma_start3A_1807 = arith.constant 0 : i32
      %dma_start3A_1808 = arith.constant 0 : i32
      %dma_start3A_1809 = tpu.memref_slice %arg7[%dma_start3A_1805, %dma_start3A_1806, %dma_start3A_1807, %dma_start3A_1808] : memref<2x20x128x16xf32, #tpu.memory_space<vmem>> -> memref<1x1x128x16xf32, #tpu.memory_space<vmem>>
      %dma_start3A_1810 = tpu.memref_squeeze %dma_start3A_1809 : memref<1x1x128x16xf32, #tpu.memory_space<vmem>> -> memref<128x16xf32, #tpu.memory_space<vmem>>
      %dma_start3A_1811 = arith.constant 0 : i32
      %dma_start3A_1812 = tpu.memref_slice %arg6[%select_n3A_1786, %select_n3A_1804, %dma_start3A_1811] : memref<25x8x128xi32, #tpu.memory_space<vmem>> -> memref<1x1x128xi32, #tpu.memory_space<vmem>>
      %dma_start3A_1813 = tpu.memref_squeeze %dma_start3A_1812 : memref<1x1x128xi32, #tpu.memory_space<vmem>> -> memref<128xi32, #tpu.memory_space<vmem>>
      %dma_start3A_1814 = arith.constant 0 : i32
      %dma_start3A_1815 = arith.constant 0 : i32
      %dma_start3A_1816 = tpu.memref_slice %arg2[%dma_start3A_1814, %dma_start3A_1815] : memref<400000x16xf32, #tpu.memory_space<hbm>> -> memref<400000x16xf32, #tpu.memory_space<hbm>>
      tpu.enqueue_indirect_dma source(%dma_start3A_1816 : memref<400000x16xf32, #tpu.memory_space<hbm>>) target(%dma_start3A_1810 : memref<128x16xf32, #tpu.memory_space<vmem>>) offsets(%dma_start3A_1813 : memref<128xi32, #tpu.memory_space<vmem>>) semaphore(%arg11 : memref<!tpu.dma_semaphore, #tpu.memory_space<semaphore_mem>>)
      %add3A_1817 = arith.constant 12 : i32
      %add3A_1818 = arith.addi %add3A_1144, %add3A_1817 : i32
      %jit3A_1819 = arith.constant 8 : i32
      %div3A_1820 = arith.divsi %add3A_1818, %jit3A_1819 : i32
      %sign3A_1821 = arith.constant 0 : i32
      %sign3A_1822 = arith.cmpi sgt, %add3A_1818, %sign3A_1821 : i32
      %sign3A_1823 = arith.extui %sign3A_1822 : i1 to i32
      %sign3A_1824 = arith.constant 0 : i32
      %sign3A_1825 = arith.cmpi slt, %add3A_1818, %sign3A_1824 : i32
      %sign3A_1826 = arith.extui %sign3A_1825 : i1 to i32
      %sign3A_1827 = arith.subi %sign3A_1823, %sign3A_1826 : i32
      %sign3A_1828 = arith.constant 0 : i32
      %sign3A_1829 = arith.cmpi sgt, %jit3A_1819, %sign3A_1828 : i32
      %sign3A_1830 = arith.extui %sign3A_1829 : i1 to i32
      %sign3A_1831 = arith.constant 0 : i32
      %sign3A_1832 = arith.cmpi slt, %jit3A_1819, %sign3A_1831 : i32
      %sign3A_1833 = arith.extui %sign3A_1832 : i1 to i32
      %sign3A_1834 = arith.subi %sign3A_1830, %sign3A_1833 : i32
      %ne3A_1835 = arith.cmpi ne, %sign3A_1827, %sign3A_1834 : i32
      %rem3A_1836 = arith.remsi %add3A_1818, %jit3A_1819 : i32
      %ne3A_1837 = arith.constant 0 : i32
      %ne3A_1838 = arith.cmpi ne, %rem3A_1836, %ne3A_1837 : i32
      %and3A_1839 = arith.andi %ne3A_1835, %ne3A_1838 : i1
      %sub3A_1840 = arith.constant 1 : i32
      %sub3A_1841 = arith.subi %div3A_1820, %sub3A_1840 : i32
      %select_n3A_1842 = arith.select %and3A_1839, %sub3A_1841, %div3A_1820 : i32
      %add3A_1843 = arith.constant 12 : i32
      %add3A_1844 = arith.addi %add3A_1144, %add3A_1843 : i32
      %jit3A_1845 = arith.constant 8 : i32
      %eq3A_1846 = arith.constant 0 : i32
      %eq3A_1847 = arith.cmpi eq, %jit3A_1845, %eq3A_1846 : i32
      %jit3A_1848 = arith.constant 1 : i32
      %select_n3A_1849 = arith.select %eq3A_1847, %jit3A_1848, %jit3A_1845 : i32
      %rem3A_1850 = arith.remsi %add3A_1844, %select_n3A_1849 : i32
      %ne3A_1851 = arith.constant 0 : i32
      %ne3A_1852 = arith.cmpi ne, %rem3A_1850, %ne3A_1851 : i32
      %lt3A_1853 = arith.constant 0 : i32
      %lt3A_1854 = arith.cmpi slt, %rem3A_1850, %lt3A_1853 : i32
      %lt3A_1855 = arith.constant 0 : i32
      %lt3A_1856 = arith.cmpi slt, %select_n3A_1849, %lt3A_1855 : i32
      %ne3A_1857 = arith.xori %lt3A_1854, %lt3A_1856 : i1
      %and3A_1858 = arith.andi %ne3A_1857, %ne3A_1852 : i1
      %add3A_1859 = arith.addi %rem3A_1850, %select_n3A_1849 : i32
      %select_n3A_1860 = arith.select %and3A_1858, %add3A_1859, %rem3A_1850 : i32
      %dma_start3A_1861 = arith.constant 1 : i32
      %dma_start3A_1862 = arith.constant 12 : i32
      %dma_start3A_1863 = arith.constant 0 : i32
      %dma_start3A_1864 = arith.constant 0 : i32
      %dma_start3A_1865 = tpu.memref_slice %arg7[%dma_start3A_1861, %dma_start3A_1862, %dma_start3A_1863, %dma_start3A_1864] : memref<2x20x128x16xf32, #tpu.memory_space<vmem>> -> memref<1x1x128x16xf32, #tpu.memory_space<vmem>>
      %dma_start3A_1866 = tpu.memref_squeeze %dma_start3A_1865 : memref<1x1x128x16xf32, #tpu.memory_space<vmem>> -> memref<128x16xf32, #tpu.memory_space<vmem>>
      %dma_start3A_1867 = arith.constant 0 : i32
      %dma_start3A_1868 = tpu.memref_slice %arg6[%select_n3A_1842, %select_n3A_1860, %dma_start3A_1867] : memref<25x8x128xi32, #tpu.memory_space<vmem>> -> memref<1x1x128xi32, #tpu.memory_space<vmem>>
      %dma_start3A_1869 = tpu.memref_squeeze %dma_start3A_1868 : memref<1x1x128xi32, #tpu.memory_space<vmem>> -> memref<128xi32, #tpu.memory_space<vmem>>
      %dma_start3A_1870 = arith.constant 0 : i32
      %dma_start3A_1871 = arith.constant 0 : i32
      %dma_start3A_1872 = tpu.memref_slice %arg2[%dma_start3A_1870, %dma_start3A_1871] : memref<400000x16xf32, #tpu.memory_space<hbm>> -> memref<400000x16xf32, #tpu.memory_space<hbm>>
      tpu.enqueue_indirect_dma source(%dma_start3A_1872 : memref<400000x16xf32, #tpu.memory_space<hbm>>) target(%dma_start3A_1866 : memref<128x16xf32, #tpu.memory_space<vmem>>) offsets(%dma_start3A_1869 : memref<128xi32, #tpu.memory_space<vmem>>) semaphore(%arg11 : memref<!tpu.dma_semaphore, #tpu.memory_space<semaphore_mem>>)
      %add3A_1873 = arith.constant 13 : i32
      %add3A_1874 = arith.addi %add3A_1144, %add3A_1873 : i32
      %jit3A_1875 = arith.constant 8 : i32
      %div3A_1876 = arith.divsi %add3A_1874, %jit3A_1875 : i32
      %sign3A_1877 = arith.constant 0 : i32
      %sign3A_1878 = arith.cmpi sgt, %add3A_1874, %sign3A_1877 : i32
      %sign3A_1879 = arith.extui %sign3A_1878 : i1 to i32
      %sign3A_1880 = arith.constant 0 : i32
      %sign3A_1881 = arith.cmpi slt, %add3A_1874, %sign3A_1880 : i32
      %sign3A_1882 = arith.extui %sign3A_1881 : i1 to i32
      %sign3A_1883 = arith.subi %sign3A_1879, %sign3A_1882 : i32
      %sign3A_1884 = arith.constant 0 : i32
      %sign3A_1885 = arith.cmpi sgt, %jit3A_1875, %sign3A_1884 : i32
      %sign3A_1886 = arith.extui %sign3A_1885 : i1 to i32
      %sign3A_1887 = arith.constant 0 : i32
      %sign3A_1888 = arith.cmpi slt, %jit3A_1875, %sign3A_1887 : i32
      %sign3A_1889 = arith.extui %sign3A_1888 : i1 to i32
      %sign3A_1890 = arith.subi %sign3A_1886, %sign3A_1889 : i32
      %ne3A_1891 = arith.cmpi ne, %sign3A_1883, %sign3A_1890 : i32
      %rem3A_1892 = arith.remsi %add3A_1874, %jit3A_1875 : i32
      %ne3A_1893 = arith.constant 0 : i32
      %ne3A_1894 = arith.cmpi ne, %rem3A_1892, %ne3A_1893 : i32
      %and3A_1895 = arith.andi %ne3A_1891, %ne3A_1894 : i1
      %sub3A_1896 = arith.constant 1 : i32
      %sub3A_1897 = arith.subi %div3A_1876, %sub3A_1896 : i32
      %select_n3A_1898 = arith.select %and3A_1895, %sub3A_1897, %div3A_1876 : i32
      %add3A_1899 = arith.constant 13 : i32
      %add3A_1900 = arith.addi %add3A_1144, %add3A_1899 : i32
      %jit3A_1901 = arith.constant 8 : i32
      %eq3A_1902 = arith.constant 0 : i32
      %eq3A_1903 = arith.cmpi eq, %jit3A_1901, %eq3A_1902 : i32
      %jit3A_1904 = arith.constant 1 : i32
      %select_n3A_1905 = arith.select %eq3A_1903, %jit3A_1904, %jit3A_1901 : i32
      %rem3A_1906 = arith.remsi %add3A_1900, %select_n3A_1905 : i32
      %ne3A_1907 = arith.constant 0 : i32
      %ne3A_1908 = arith.cmpi ne, %rem3A_1906, %ne3A_1907 : i32
      %lt3A_1909 = arith.constant 0 : i32
      %lt3A_1910 = arith.cmpi slt, %rem3A_1906, %lt3A_1909 : i32
      %lt3A_1911 = arith.constant 0 : i32
      %lt3A_1912 = arith.cmpi slt, %select_n3A_1905, %lt3A_1911 : i32
      %ne3A_1913 = arith.xori %lt3A_1910, %lt3A_1912 : i1
      %and3A_1914 = arith.andi %ne3A_1913, %ne3A_1908 : i1
      %add3A_1915 = arith.addi %rem3A_1906, %select_n3A_1905 : i32
      %select_n3A_1916 = arith.select %and3A_1914, %add3A_1915, %rem3A_1906 : i32
      %dma_start3A_1917 = arith.constant 1 : i32
      %dma_start3A_1918 = arith.constant 13 : i32
      %dma_start3A_1919 = arith.constant 0 : i32
      %dma_start3A_1920 = arith.constant 0 : i32
      %dma_start3A_1921 = tpu.memref_slice %arg7[%dma_start3A_1917, %dma_start3A_1918, %dma_start3A_1919, %dma_start3A_1920] : memref<2x20x128x16xf32, #tpu.memory_space<vmem>> -> memref<1x1x128x16xf32, #tpu.memory_space<vmem>>
      %dma_start3A_1922 = tpu.memref_squeeze %dma_start3A_1921 : memref<1x1x128x16xf32, #tpu.memory_space<vmem>> -> memref<128x16xf32, #tpu.memory_space<vmem>>
      %dma_start3A_1923 = arith.constant 0 : i32
      %dma_start3A_1924 = tpu.memref_slice %arg6[%select_n3A_1898, %select_n3A_1916, %dma_start3A_1923] : memref<25x8x128xi32, #tpu.memory_space<vmem>> -> memref<1x1x128xi32, #tpu.memory_space<vmem>>
      %dma_start3A_1925 = tpu.memref_squeeze %dma_start3A_1924 : memref<1x1x128xi32, #tpu.memory_space<vmem>> -> memref<128xi32, #tpu.memory_space<vmem>>
      %dma_start3A_1926 = arith.constant 0 : i32
      %dma_start3A_1927 = arith.constant 0 : i32
      %dma_start3A_1928 = tpu.memref_slice %arg2[%dma_start3A_1926, %dma_start3A_1927] : memref<400000x16xf32, #tpu.memory_space<hbm>> -> memref<400000x16xf32, #tpu.memory_space<hbm>>
      tpu.enqueue_indirect_dma source(%dma_start3A_1928 : memref<400000x16xf32, #tpu.memory_space<hbm>>) target(%dma_start3A_1922 : memref<128x16xf32, #tpu.memory_space<vmem>>) offsets(%dma_start3A_1925 : memref<128xi32, #tpu.memory_space<vmem>>) semaphore(%arg11 : memref<!tpu.dma_semaphore, #tpu.memory_space<semaphore_mem>>)
      %add3A_1929 = arith.constant 14 : i32
      %add3A_1930 = arith.addi %add3A_1144, %add3A_1929 : i32
      %jit3A_1931 = arith.constant 8 : i32
      %div3A_1932 = arith.divsi %add3A_1930, %jit3A_1931 : i32
      %sign3A_1933 = arith.constant 0 : i32
      %sign3A_1934 = arith.cmpi sgt, %add3A_1930, %sign3A_1933 : i32
      %sign3A_1935 = arith.extui %sign3A_1934 : i1 to i32
      %sign3A_1936 = arith.constant 0 : i32
      %sign3A_1937 = arith.cmpi slt, %add3A_1930, %sign3A_1936 : i32
      %sign3A_1938 = arith.extui %sign3A_1937 : i1 to i32
      %sign3A_1939 = arith.subi %sign3A_1935, %sign3A_1938 : i32
      %sign3A_1940 = arith.constant 0 : i32
      %sign3A_1941 = arith.cmpi sgt, %jit3A_1931, %sign3A_1940 : i32
      %sign3A_1942 = arith.extui %sign3A_1941 : i1 to i32
      %sign3A_1943 = arith.constant 0 : i32
      %sign3A_1944 = arith.cmpi slt, %jit3A_1931, %sign3A_1943 : i32
      %sign3A_1945 = arith.extui %sign3A_1944 : i1 to i32
      %sign3A_1946 = arith.subi %sign3A_1942, %sign3A_1945 : i32
      %ne3A_1947 = arith.cmpi ne, %sign3A_1939, %sign3A_1946 : i32
      %rem3A_1948 = arith.remsi %add3A_1930, %jit3A_1931 : i32
      %ne3A_1949 = arith.constant 0 : i32
      %ne3A_1950 = arith.cmpi ne, %rem3A_1948, %ne3A_1949 : i32
      %and3A_1951 = arith.andi %ne3A_1947, %ne3A_1950 : i1
      %sub3A_1952 = arith.constant 1 : i32
      %sub3A_1953 = arith.subi %div3A_1932, %sub3A_1952 : i32
      %select_n3A_1954 = arith.select %and3A_1951, %sub3A_1953, %div3A_1932 : i32
      %add3A_1955 = arith.constant 14 : i32
      %add3A_1956 = arith.addi %add3A_1144, %add3A_1955 : i32
      %jit3A_1957 = arith.constant 8 : i32
      %eq3A_1958 = arith.constant 0 : i32
      %eq3A_1959 = arith.cmpi eq, %jit3A_1957, %eq3A_1958 : i32
      %jit3A_1960 = arith.constant 1 : i32
      %select_n3A_1961 = arith.select %eq3A_1959, %jit3A_1960, %jit3A_1957 : i32
      %rem3A_1962 = arith.remsi %add3A_1956, %select_n3A_1961 : i32
      %ne3A_1963 = arith.constant 0 : i32
      %ne3A_1964 = arith.cmpi ne, %rem3A_1962, %ne3A_1963 : i32
      %lt3A_1965 = arith.constant 0 : i32
      %lt3A_1966 = arith.cmpi slt, %rem3A_1962, %lt3A_1965 : i32
      %lt3A_1967 = arith.constant 0 : i32
      %lt3A_1968 = arith.cmpi slt, %select_n3A_1961, %lt3A_1967 : i32
      %ne3A_1969 = arith.xori %lt3A_1966, %lt3A_1968 : i1
      %and3A_1970 = arith.andi %ne3A_1969, %ne3A_1964 : i1
      %add3A_1971 = arith.addi %rem3A_1962, %select_n3A_1961 : i32
      %select_n3A_1972 = arith.select %and3A_1970, %add3A_1971, %rem3A_1962 : i32
      %dma_start3A_1973 = arith.constant 1 : i32
      %dma_start3A_1974 = arith.constant 14 : i32
      %dma_start3A_1975 = arith.constant 0 : i32
      %dma_start3A_1976 = arith.constant 0 : i32
      %dma_start3A_1977 = tpu.memref_slice %arg7[%dma_start3A_1973, %dma_start3A_1974, %dma_start3A_1975, %dma_start3A_1976] : memref<2x20x128x16xf32, #tpu.memory_space<vmem>> -> memref<1x1x128x16xf32, #tpu.memory_space<vmem>>
      %dma_start3A_1978 = tpu.memref_squeeze %dma_start3A_1977 : memref<1x1x128x16xf32, #tpu.memory_space<vmem>> -> memref<128x16xf32, #tpu.memory_space<vmem>>
      %dma_start3A_1979 = arith.constant 0 : i32
      %dma_start3A_1980 = tpu.memref_slice %arg6[%select_n3A_1954, %select_n3A_1972, %dma_start3A_1979] : memref<25x8x128xi32, #tpu.memory_space<vmem>> -> memref<1x1x128xi32, #tpu.memory_space<vmem>>
      %dma_start3A_1981 = tpu.memref_squeeze %dma_start3A_1980 : memref<1x1x128xi32, #tpu.memory_space<vmem>> -> memref<128xi32, #tpu.memory_space<vmem>>
      %dma_start3A_1982 = arith.constant 0 : i32
      %dma_start3A_1983 = arith.constant 0 : i32
      %dma_start3A_1984 = tpu.memref_slice %arg2[%dma_start3A_1982, %dma_start3A_1983] : memref<400000x16xf32, #tpu.memory_space<hbm>> -> memref<400000x16xf32, #tpu.memory_space<hbm>>
      tpu.enqueue_indirect_dma source(%dma_start3A_1984 : memref<400000x16xf32, #tpu.memory_space<hbm>>) target(%dma_start3A_1978 : memref<128x16xf32, #tpu.memory_space<vmem>>) offsets(%dma_start3A_1981 : memref<128xi32, #tpu.memory_space<vmem>>) semaphore(%arg11 : memref<!tpu.dma_semaphore, #tpu.memory_space<semaphore_mem>>)
      %add3A_1985 = arith.constant 15 : i32
      %add3A_1986 = arith.addi %add3A_1144, %add3A_1985 : i32
      %jit3A_1987 = arith.constant 8 : i32
      %div3A_1988 = arith.divsi %add3A_1986, %jit3A_1987 : i32
      %sign3A_1989 = arith.constant 0 : i32
      %sign3A_1990 = arith.cmpi sgt, %add3A_1986, %sign3A_1989 : i32
      %sign3A_1991 = arith.extui %sign3A_1990 : i1 to i32
      %sign3A_1992 = arith.constant 0 : i32
      %sign3A_1993 = arith.cmpi slt, %add3A_1986, %sign3A_1992 : i32
      %sign3A_1994 = arith.extui %sign3A_1993 : i1 to i32
      %sign3A_1995 = arith.subi %sign3A_1991, %sign3A_1994 : i32
      %sign3A_1996 = arith.constant 0 : i32
      %sign3A_1997 = arith.cmpi sgt, %jit3A_1987, %sign3A_1996 : i32
      %sign3A_1998 = arith.extui %sign3A_1997 : i1 to i32
      %sign3A_1999 = arith.constant 0 : i32
      %sign3A_2000 = arith.cmpi slt, %jit3A_1987, %sign3A_1999 : i32
      %sign3A_2001 = arith.extui %sign3A_2000 : i1 to i32
      %sign3A_2002 = arith.subi %sign3A_1998, %sign3A_2001 : i32
      %ne3A_2003 = arith.cmpi ne, %sign3A_1995, %sign3A_2002 : i32
      %rem3A_2004 = arith.remsi %add3A_1986, %jit3A_1987 : i32
      %ne3A_2005 = arith.constant 0 : i32
      %ne3A_2006 = arith.cmpi ne, %rem3A_2004, %ne3A_2005 : i32
      %and3A_2007 = arith.andi %ne3A_2003, %ne3A_2006 : i1
      %sub3A_2008 = arith.constant 1 : i32
      %sub3A_2009 = arith.subi %div3A_1988, %sub3A_2008 : i32
      %select_n3A_2010 = arith.select %and3A_2007, %sub3A_2009, %div3A_1988 : i32
      %add3A_2011 = arith.constant 15 : i32
      %add3A_2012 = arith.addi %add3A_1144, %add3A_2011 : i32
      %jit3A_2013 = arith.constant 8 : i32
      %eq3A_2014 = arith.constant 0 : i32
      %eq3A_2015 = arith.cmpi eq, %jit3A_2013, %eq3A_2014 : i32
      %jit3A_2016 = arith.constant 1 : i32
      %select_n3A_2017 = arith.select %eq3A_2015, %jit3A_2016, %jit3A_2013 : i32
      %rem3A_2018 = arith.remsi %add3A_2012, %select_n3A_2017 : i32
      %ne3A_2019 = arith.constant 0 : i32
      %ne3A_2020 = arith.cmpi ne, %rem3A_2018, %ne3A_2019 : i32
      %lt3A_2021 = arith.constant 0 : i32
      %lt3A_2022 = arith.cmpi slt, %rem3A_2018, %lt3A_2021 : i32
      %lt3A_2023 = arith.constant 0 : i32
      %lt3A_2024 = arith.cmpi slt, %select_n3A_2017, %lt3A_2023 : i32
      %ne3A_2025 = arith.xori %lt3A_2022, %lt3A_2024 : i1
      %and3A_2026 = arith.andi %ne3A_2025, %ne3A_2020 : i1
      %add3A_2027 = arith.addi %rem3A_2018, %select_n3A_2017 : i32
      %select_n3A_2028 = arith.select %and3A_2026, %add3A_2027, %rem3A_2018 : i32
      %dma_start3A_2029 = arith.constant 1 : i32
      %dma_start3A_2030 = arith.constant 15 : i32
      %dma_start3A_2031 = arith.constant 0 : i32
      %dma_start3A_2032 = arith.constant 0 : i32
      %dma_start3A_2033 = tpu.memref_slice %arg7[%dma_start3A_2029, %dma_start3A_2030, %dma_start3A_2031, %dma_start3A_2032] : memref<2x20x128x16xf32, #tpu.memory_space<vmem>> -> memref<1x1x128x16xf32, #tpu.memory_space<vmem>>
      %dma_start3A_2034 = tpu.memref_squeeze %dma_start3A_2033 : memref<1x1x128x16xf32, #tpu.memory_space<vmem>> -> memref<128x16xf32, #tpu.memory_space<vmem>>
      %dma_start3A_2035 = arith.constant 0 : i32
      %dma_start3A_2036 = tpu.memref_slice %arg6[%select_n3A_2010, %select_n3A_2028, %dma_start3A_2035] : memref<25x8x128xi32, #tpu.memory_space<vmem>> -> memref<1x1x128xi32, #tpu.memory_space<vmem>>
      %dma_start3A_2037 = tpu.memref_squeeze %dma_start3A_2036 : memref<1x1x128xi32, #tpu.memory_space<vmem>> -> memref<128xi32, #tpu.memory_space<vmem>>
      %dma_start3A_2038 = arith.constant 0 : i32
      %dma_start3A_2039 = arith.constant 0 : i32
      %dma_start3A_2040 = tpu.memref_slice %arg2[%dma_start3A_2038, %dma_start3A_2039] : memref<400000x16xf32, #tpu.memory_space<hbm>> -> memref<400000x16xf32, #tpu.memory_space<hbm>>
      tpu.enqueue_indirect_dma source(%dma_start3A_2040 : memref<400000x16xf32, #tpu.memory_space<hbm>>) target(%dma_start3A_2034 : memref<128x16xf32, #tpu.memory_space<vmem>>) offsets(%dma_start3A_2037 : memref<128xi32, #tpu.memory_space<vmem>>) semaphore(%arg11 : memref<!tpu.dma_semaphore, #tpu.memory_space<semaphore_mem>>)
      %add3A_2041 = arith.constant 16 : i32
      %add3A_2042 = arith.addi %add3A_1144, %add3A_2041 : i32
      %jit3A_2043 = arith.constant 8 : i32
      %div3A_2044 = arith.divsi %add3A_2042, %jit3A_2043 : i32
      %sign3A_2045 = arith.constant 0 : i32
      %sign3A_2046 = arith.cmpi sgt, %add3A_2042, %sign3A_2045 : i32
      %sign3A_2047 = arith.extui %sign3A_2046 : i1 to i32
      %sign3A_2048 = arith.constant 0 : i32
      %sign3A_2049 = arith.cmpi slt, %add3A_2042, %sign3A_2048 : i32
      %sign3A_2050 = arith.extui %sign3A_2049 : i1 to i32
      %sign3A_2051 = arith.subi %sign3A_2047, %sign3A_2050 : i32
      %sign3A_2052 = arith.constant 0 : i32
      %sign3A_2053 = arith.cmpi sgt, %jit3A_2043, %sign3A_2052 : i32
      %sign3A_2054 = arith.extui %sign3A_2053 : i1 to i32
      %sign3A_2055 = arith.constant 0 : i32
      %sign3A_2056 = arith.cmpi slt, %jit3A_2043, %sign3A_2055 : i32
      %sign3A_2057 = arith.extui %sign3A_2056 : i1 to i32
      %sign3A_2058 = arith.subi %sign3A_2054, %sign3A_2057 : i32
      %ne3A_2059 = arith.cmpi ne, %sign3A_2051, %sign3A_2058 : i32
      %rem3A_2060 = arith.remsi %add3A_2042, %jit3A_2043 : i32
      %ne3A_2061 = arith.constant 0 : i32
      %ne3A_2062 = arith.cmpi ne, %rem3A_2060, %ne3A_2061 : i32
      %and3A_2063 = arith.andi %ne3A_2059, %ne3A_2062 : i1
      %sub3A_2064 = arith.constant 1 : i32
      %sub3A_2065 = arith.subi %div3A_2044, %sub3A_2064 : i32
      %select_n3A_2066 = arith.select %and3A_2063, %sub3A_2065, %div3A_2044 : i32
      %add3A_2067 = arith.constant 16 : i32
      %add3A_2068 = arith.addi %add3A_1144, %add3A_2067 : i32
      %jit3A_2069 = arith.constant 8 : i32
      %eq3A_2070 = arith.constant 0 : i32
      %eq3A_2071 = arith.cmpi eq, %jit3A_2069, %eq3A_2070 : i32
      %jit3A_2072 = arith.constant 1 : i32
      %select_n3A_2073 = arith.select %eq3A_2071, %jit3A_2072, %jit3A_2069 : i32
      %rem3A_2074 = arith.remsi %add3A_2068, %select_n3A_2073 : i32
      %ne3A_2075 = arith.constant 0 : i32
      %ne3A_2076 = arith.cmpi ne, %rem3A_2074, %ne3A_2075 : i32
      %lt3A_2077 = arith.constant 0 : i32
      %lt3A_2078 = arith.cmpi slt, %rem3A_2074, %lt3A_2077 : i32
      %lt3A_2079 = arith.constant 0 : i32
      %lt3A_2080 = arith.cmpi slt, %select_n3A_2073, %lt3A_2079 : i32
      %ne3A_2081 = arith.xori %lt3A_2078, %lt3A_2080 : i1
      %and3A_2082 = arith.andi %ne3A_2081, %ne3A_2076 : i1
      %add3A_2083 = arith.addi %rem3A_2074, %select_n3A_2073 : i32
      %select_n3A_2084 = arith.select %and3A_2082, %add3A_2083, %rem3A_2074 : i32
      %dma_start3A_2085 = arith.constant 1 : i32
      %dma_start3A_2086 = arith.constant 16 : i32
      %dma_start3A_2087 = arith.constant 0 : i32
      %dma_start3A_2088 = arith.constant 0 : i32
      %dma_start3A_2089 = tpu.memref_slice %arg7[%dma_start3A_2085, %dma_start3A_2086, %dma_start3A_2087, %dma_start3A_2088] : memref<2x20x128x16xf32, #tpu.memory_space<vmem>> -> memref<1x1x128x16xf32, #tpu.memory_space<vmem>>
      %dma_start3A_2090 = tpu.memref_squeeze %dma_start3A_2089 : memref<1x1x128x16xf32, #tpu.memory_space<vmem>> -> memref<128x16xf32, #tpu.memory_space<vmem>>
      %dma_start3A_2091 = arith.constant 0 : i32
      %dma_start3A_2092 = tpu.memref_slice %arg6[%select_n3A_2066, %select_n3A_2084, %dma_start3A_2091] : memref<25x8x128xi32, #tpu.memory_space<vmem>> -> memref<1x1x128xi32, #tpu.memory_space<vmem>>
      %dma_start3A_2093 = tpu.memref_squeeze %dma_start3A_2092 : memref<1x1x128xi32, #tpu.memory_space<vmem>> -> memref<128xi32, #tpu.memory_space<vmem>>
      %dma_start3A_2094 = arith.constant 0 : i32
      %dma_start3A_2095 = arith.constant 0 : i32
      %dma_start3A_2096 = tpu.memref_slice %arg2[%dma_start3A_2094, %dma_start3A_2095] : memref<400000x16xf32, #tpu.memory_space<hbm>> -> memref<400000x16xf32, #tpu.memory_space<hbm>>
      tpu.enqueue_indirect_dma source(%dma_start3A_2096 : memref<400000x16xf32, #tpu.memory_space<hbm>>) target(%dma_start3A_2090 : memref<128x16xf32, #tpu.memory_space<vmem>>) offsets(%dma_start3A_2093 : memref<128xi32, #tpu.memory_space<vmem>>) semaphore(%arg11 : memref<!tpu.dma_semaphore, #tpu.memory_space<semaphore_mem>>)
      %add3A_2097 = arith.constant 17 : i32
      %add3A_2098 = arith.addi %add3A_1144, %add3A_2097 : i32
      %jit3A_2099 = arith.constant 8 : i32
      %div3A_2100 = arith.divsi %add3A_2098, %jit3A_2099 : i32
      %sign3A_2101 = arith.constant 0 : i32
      %sign3A_2102 = arith.cmpi sgt, %add3A_2098, %sign3A_2101 : i32
      %sign3A_2103 = arith.extui %sign3A_2102 : i1 to i32
      %sign3A_2104 = arith.constant 0 : i32
      %sign3A_2105 = arith.cmpi slt, %add3A_2098, %sign3A_2104 : i32
      %sign3A_2106 = arith.extui %sign3A_2105 : i1 to i32
      %sign3A_2107 = arith.subi %sign3A_2103, %sign3A_2106 : i32
      %sign3A_2108 = arith.constant 0 : i32
      %sign3A_2109 = arith.cmpi sgt, %jit3A_2099, %sign3A_2108 : i32
      %sign3A_2110 = arith.extui %sign3A_2109 : i1 to i32
      %sign3A_2111 = arith.constant 0 : i32
      %sign3A_2112 = arith.cmpi slt, %jit3A_2099, %sign3A_2111 : i32
      %sign3A_2113 = arith.extui %sign3A_2112 : i1 to i32
      %sign3A_2114 = arith.subi %sign3A_2110, %sign3A_2113 : i32
      %ne3A_2115 = arith.cmpi ne, %sign3A_2107, %sign3A_2114 : i32
      %rem3A_2116 = arith.remsi %add3A_2098, %jit3A_2099 : i32
      %ne3A_2117 = arith.constant 0 : i32
      %ne3A_2118 = arith.cmpi ne, %rem3A_2116, %ne3A_2117 : i32
      %and3A_2119 = arith.andi %ne3A_2115, %ne3A_2118 : i1
      %sub3A_2120 = arith.constant 1 : i32
      %sub3A_2121 = arith.subi %div3A_2100, %sub3A_2120 : i32
      %select_n3A_2122 = arith.select %and3A_2119, %sub3A_2121, %div3A_2100 : i32
      %add3A_2123 = arith.constant 17 : i32
      %add3A_2124 = arith.addi %add3A_1144, %add3A_2123 : i32
      %jit3A_2125 = arith.constant 8 : i32
      %eq3A_2126 = arith.constant 0 : i32
      %eq3A_2127 = arith.cmpi eq, %jit3A_2125, %eq3A_2126 : i32
      %jit3A_2128 = arith.constant 1 : i32
      %select_n3A_2129 = arith.select %eq3A_2127, %jit3A_2128, %jit3A_2125 : i32
      %rem3A_2130 = arith.remsi %add3A_2124, %select_n3A_2129 : i32
      %ne3A_2131 = arith.constant 0 : i32
      %ne3A_2132 = arith.cmpi ne, %rem3A_2130, %ne3A_2131 : i32
      %lt3A_2133 = arith.constant 0 : i32
      %lt3A_2134 = arith.cmpi slt, %rem3A_2130, %lt3A_2133 : i32
      %lt3A_2135 = arith.constant 0 : i32
      %lt3A_2136 = arith.cmpi slt, %select_n3A_2129, %lt3A_2135 : i32
      %ne3A_2137 = arith.xori %lt3A_2134, %lt3A_2136 : i1
      %and3A_2138 = arith.andi %ne3A_2137, %ne3A_2132 : i1
      %add3A_2139 = arith.addi %rem3A_2130, %select_n3A_2129 : i32
      %select_n3A_2140 = arith.select %and3A_2138, %add3A_2139, %rem3A_2130 : i32
      %dma_start3A_2141 = arith.constant 1 : i32
      %dma_start3A_2142 = arith.constant 17 : i32
      %dma_start3A_2143 = arith.constant 0 : i32
      %dma_start3A_2144 = arith.constant 0 : i32
      %dma_start3A_2145 = tpu.memref_slice %arg7[%dma_start3A_2141, %dma_start3A_2142, %dma_start3A_2143, %dma_start3A_2144] : memref<2x20x128x16xf32, #tpu.memory_space<vmem>> -> memref<1x1x128x16xf32, #tpu.memory_space<vmem>>
      %dma_start3A_2146 = tpu.memref_squeeze %dma_start3A_2145 : memref<1x1x128x16xf32, #tpu.memory_space<vmem>> -> memref<128x16xf32, #tpu.memory_space<vmem>>
      %dma_start3A_2147 = arith.constant 0 : i32
      %dma_start3A_2148 = tpu.memref_slice %arg6[%select_n3A_2122, %select_n3A_2140, %dma_start3A_2147] : memref<25x8x128xi32, #tpu.memory_space<vmem>> -> memref<1x1x128xi32, #tpu.memory_space<vmem>>
      %dma_start3A_2149 = tpu.memref_squeeze %dma_start3A_2148 : memref<1x1x128xi32, #tpu.memory_space<vmem>> -> memref<128xi32, #tpu.memory_space<vmem>>
      %dma_start3A_2150 = arith.constant 0 : i32
      %dma_start3A_2151 = arith.constant 0 : i32
      %dma_start3A_2152 = tpu.memref_slice %arg2[%dma_start3A_2150, %dma_start3A_2151] : memref<400000x16xf32, #tpu.memory_space<hbm>> -> memref<400000x16xf32, #tpu.memory_space<hbm>>
      tpu.enqueue_indirect_dma source(%dma_start3A_2152 : memref<400000x16xf32, #tpu.memory_space<hbm>>) target(%dma_start3A_2146 : memref<128x16xf32, #tpu.memory_space<vmem>>) offsets(%dma_start3A_2149 : memref<128xi32, #tpu.memory_space<vmem>>) semaphore(%arg11 : memref<!tpu.dma_semaphore, #tpu.memory_space<semaphore_mem>>)
      %add3A_2153 = arith.constant 18 : i32
      %add3A_2154 = arith.addi %add3A_1144, %add3A_2153 : i32
      %jit3A_2155 = arith.constant 8 : i32
      %div3A_2156 = arith.divsi %add3A_2154, %jit3A_2155 : i32
      %sign3A_2157 = arith.constant 0 : i32
      %sign3A_2158 = arith.cmpi sgt, %add3A_2154, %sign3A_2157 : i32
      %sign3A_2159 = arith.extui %sign3A_2158 : i1 to i32
      %sign3A_2160 = arith.constant 0 : i32
      %sign3A_2161 = arith.cmpi slt, %add3A_2154, %sign3A_2160 : i32
      %sign3A_2162 = arith.extui %sign3A_2161 : i1 to i32
      %sign3A_2163 = arith.subi %sign3A_2159, %sign3A_2162 : i32
      %sign3A_2164 = arith.constant 0 : i32
      %sign3A_2165 = arith.cmpi sgt, %jit3A_2155, %sign3A_2164 : i32
      %sign3A_2166 = arith.extui %sign3A_2165 : i1 to i32
      %sign3A_2167 = arith.constant 0 : i32
      %sign3A_2168 = arith.cmpi slt, %jit3A_2155, %sign3A_2167 : i32
      %sign3A_2169 = arith.extui %sign3A_2168 : i1 to i32
      %sign3A_2170 = arith.subi %sign3A_2166, %sign3A_2169 : i32
      %ne3A_2171 = arith.cmpi ne, %sign3A_2163, %sign3A_2170 : i32
      %rem3A_2172 = arith.remsi %add3A_2154, %jit3A_2155 : i32
      %ne3A_2173 = arith.constant 0 : i32
      %ne3A_2174 = arith.cmpi ne, %rem3A_2172, %ne3A_2173 : i32
      %and3A_2175 = arith.andi %ne3A_2171, %ne3A_2174 : i1
      %sub3A_2176 = arith.constant 1 : i32
      %sub3A_2177 = arith.subi %div3A_2156, %sub3A_2176 : i32
      %select_n3A_2178 = arith.select %and3A_2175, %sub3A_2177, %div3A_2156 : i32
      %add3A_2179 = arith.constant 18 : i32
      %add3A_2180 = arith.addi %add3A_1144, %add3A_2179 : i32
      %jit3A_2181 = arith.constant 8 : i32
      %eq3A_2182 = arith.constant 0 : i32
      %eq3A_2183 = arith.cmpi eq, %jit3A_2181, %eq3A_2182 : i32
      %jit3A_2184 = arith.constant 1 : i32
      %select_n3A_2185 = arith.select %eq3A_2183, %jit3A_2184, %jit3A_2181 : i32
      %rem3A_2186 = arith.remsi %add3A_2180, %select_n3A_2185 : i32
      %ne3A_2187 = arith.constant 0 : i32
      %ne3A_2188 = arith.cmpi ne, %rem3A_2186, %ne3A_2187 : i32
      %lt3A_2189 = arith.constant 0 : i32
      %lt3A_2190 = arith.cmpi slt, %rem3A_2186, %lt3A_2189 : i32
      %lt3A_2191 = arith.constant 0 : i32
      %lt3A_2192 = arith.cmpi slt, %select_n3A_2185, %lt3A_2191 : i32
      %ne3A_2193 = arith.xori %lt3A_2190, %lt3A_2192 : i1
      %and3A_2194 = arith.andi %ne3A_2193, %ne3A_2188 : i1
      %add3A_2195 = arith.addi %rem3A_2186, %select_n3A_2185 : i32
      %select_n3A_2196 = arith.select %and3A_2194, %add3A_2195, %rem3A_2186 : i32
      %dma_start3A_2197 = arith.constant 1 : i32
      %dma_start3A_2198 = arith.constant 18 : i32
      %dma_start3A_2199 = arith.constant 0 : i32
      %dma_start3A_2200 = arith.constant 0 : i32
      %dma_start3A_2201 = tpu.memref_slice %arg7[%dma_start3A_2197, %dma_start3A_2198, %dma_start3A_2199, %dma_start3A_2200] : memref<2x20x128x16xf32, #tpu.memory_space<vmem>> -> memref<1x1x128x16xf32, #tpu.memory_space<vmem>>
      %dma_start3A_2202 = tpu.memref_squeeze %dma_start3A_2201 : memref<1x1x128x16xf32, #tpu.memory_space<vmem>> -> memref<128x16xf32, #tpu.memory_space<vmem>>
      %dma_start3A_2203 = arith.constant 0 : i32
      %dma_start3A_2204 = tpu.memref_slice %arg6[%select_n3A_2178, %select_n3A_2196, %dma_start3A_2203] : memref<25x8x128xi32, #tpu.memory_space<vmem>> -> memref<1x1x128xi32, #tpu.memory_space<vmem>>
      %dma_start3A_2205 = tpu.memref_squeeze %dma_start3A_2204 : memref<1x1x128xi32, #tpu.memory_space<vmem>> -> memref<128xi32, #tpu.memory_space<vmem>>
      %dma_start3A_2206 = arith.constant 0 : i32
      %dma_start3A_2207 = arith.constant 0 : i32
      %dma_start3A_2208 = tpu.memref_slice %arg2[%dma_start3A_2206, %dma_start3A_2207] : memref<400000x16xf32, #tpu.memory_space<hbm>> -> memref<400000x16xf32, #tpu.memory_space<hbm>>
      tpu.enqueue_indirect_dma source(%dma_start3A_2208 : memref<400000x16xf32, #tpu.memory_space<hbm>>) target(%dma_start3A_2202 : memref<128x16xf32, #tpu.memory_space<vmem>>) offsets(%dma_start3A_2205 : memref<128xi32, #tpu.memory_space<vmem>>) semaphore(%arg11 : memref<!tpu.dma_semaphore, #tpu.memory_space<semaphore_mem>>)
      %add3A_2209 = arith.constant 19 : i32
      %add3A_2210 = arith.addi %add3A_1144, %add3A_2209 : i32
      %jit3A_2211 = arith.constant 8 : i32
      %div3A_2212 = arith.divsi %add3A_2210, %jit3A_2211 : i32
      %sign3A_2213 = arith.constant 0 : i32
      %sign3A_2214 = arith.cmpi sgt, %add3A_2210, %sign3A_2213 : i32
      %sign3A_2215 = arith.extui %sign3A_2214 : i1 to i32
      %sign3A_2216 = arith.constant 0 : i32
      %sign3A_2217 = arith.cmpi slt, %add3A_2210, %sign3A_2216 : i32
      %sign3A_2218 = arith.extui %sign3A_2217 : i1 to i32
      %sign3A_2219 = arith.subi %sign3A_2215, %sign3A_2218 : i32
      %sign3A_2220 = arith.constant 0 : i32
      %sign3A_2221 = arith.cmpi sgt, %jit3A_2211, %sign3A_2220 : i32
      %sign3A_2222 = arith.extui %sign3A_2221 : i1 to i32
      %sign3A_2223 = arith.constant 0 : i32
      %sign3A_2224 = arith.cmpi slt, %jit3A_2211, %sign3A_2223 : i32
      %sign3A_2225 = arith.extui %sign3A_2224 : i1 to i32
      %sign3A_2226 = arith.subi %sign3A_2222, %sign3A_2225 : i32
      %ne3A_2227 = arith.cmpi ne, %sign3A_2219, %sign3A_2226 : i32
      %rem3A_2228 = arith.remsi %add3A_2210, %jit3A_2211 : i32
      %ne3A_2229 = arith.constant 0 : i32
      %ne3A_2230 = arith.cmpi ne, %rem3A_2228, %ne3A_2229 : i32
      %and3A_2231 = arith.andi %ne3A_2227, %ne3A_2230 : i1
      %sub3A_2232 = arith.constant 1 : i32
      %sub3A_2233 = arith.subi %div3A_2212, %sub3A_2232 : i32
      %select_n3A_2234 = arith.select %and3A_2231, %sub3A_2233, %div3A_2212 : i32
      %add3A_2235 = arith.constant 19 : i32
      %add3A_2236 = arith.addi %add3A_1144, %add3A_2235 : i32
      %jit3A_2237 = arith.constant 8 : i32
      %eq3A_2238 = arith.constant 0 : i32
      %eq3A_2239 = arith.cmpi eq, %jit3A_2237, %eq3A_2238 : i32
      %jit3A_2240 = arith.constant 1 : i32
      %select_n3A_2241 = arith.select %eq3A_2239, %jit3A_2240, %jit3A_2237 : i32
      %rem3A_2242 = arith.remsi %add3A_2236, %select_n3A_2241 : i32
      %ne3A_2243 = arith.constant 0 : i32
      %ne3A_2244 = arith.cmpi ne, %rem3A_2242, %ne3A_2243 : i32
      %lt3A_2245 = arith.constant 0 : i32
      %lt3A_2246 = arith.cmpi slt, %rem3A_2242, %lt3A_2245 : i32
      %lt3A_2247 = arith.constant 0 : i32
      %lt3A_2248 = arith.cmpi slt, %select_n3A_2241, %lt3A_2247 : i32
      %ne3A_2249 = arith.xori %lt3A_2246, %lt3A_2248 : i1
      %and3A_2250 = arith.andi %ne3A_2249, %ne3A_2244 : i1
      %add3A_2251 = arith.addi %rem3A_2242, %select_n3A_2241 : i32
      %select_n3A_2252 = arith.select %and3A_2250, %add3A_2251, %rem3A_2242 : i32
      %dma_start3A_2253 = arith.constant 1 : i32
      %dma_start3A_2254 = arith.constant 19 : i32
      %dma_start3A_2255 = arith.constant 0 : i32
      %dma_start3A_2256 = arith.constant 0 : i32
      %dma_start3A_2257 = tpu.memref_slice %arg7[%dma_start3A_2253, %dma_start3A_2254, %dma_start3A_2255, %dma_start3A_2256] : memref<2x20x128x16xf32, #tpu.memory_space<vmem>> -> memref<1x1x128x16xf32, #tpu.memory_space<vmem>>
      %dma_start3A_2258 = tpu.memref_squeeze %dma_start3A_2257 : memref<1x1x128x16xf32, #tpu.memory_space<vmem>> -> memref<128x16xf32, #tpu.memory_space<vmem>>
      %dma_start3A_2259 = arith.constant 0 : i32
      %dma_start3A_2260 = tpu.memref_slice %arg6[%select_n3A_2234, %select_n3A_2252, %dma_start3A_2259] : memref<25x8x128xi32, #tpu.memory_space<vmem>> -> memref<1x1x128xi32, #tpu.memory_space<vmem>>
      %dma_start3A_2261 = tpu.memref_squeeze %dma_start3A_2260 : memref<1x1x128xi32, #tpu.memory_space<vmem>> -> memref<128xi32, #tpu.memory_space<vmem>>
      %dma_start3A_2262 = arith.constant 0 : i32
      %dma_start3A_2263 = arith.constant 0 : i32
      %dma_start3A_2264 = tpu.memref_slice %arg2[%dma_start3A_2262, %dma_start3A_2263] : memref<400000x16xf32, #tpu.memory_space<hbm>> -> memref<400000x16xf32, #tpu.memory_space<hbm>>
      tpu.enqueue_indirect_dma source(%dma_start3A_2264 : memref<400000x16xf32, #tpu.memory_space<hbm>>) target(%dma_start3A_2258 : memref<128x16xf32, #tpu.memory_space<vmem>>) offsets(%dma_start3A_2261 : memref<128xi32, #tpu.memory_space<vmem>>) semaphore(%arg11 : memref<!tpu.dma_semaphore, #tpu.memory_space<semaphore_mem>>)
      %dma_wait3A = arith.constant 0 : i32
      %dma_wait3A_2265 = arith.constant 0 : i32
      %dma_wait3A_2266 = arith.constant 0 : i32
      %dma_wait3A_2267 = arith.constant 0 : i32
      %dma_wait3A_2268 = tpu.memref_slice %arg7[%dma_wait3A, %dma_wait3A_2265, %dma_wait3A_2266, %dma_wait3A_2267] : memref<2x20x128x16xf32, #tpu.memory_space<vmem>> -> memref<1x1x128x16xf32, #tpu.memory_space<vmem>>
      %dma_wait3A_2269 = tpu.memref_squeeze %dma_wait3A_2268 : memref<1x1x128x16xf32, #tpu.memory_space<vmem>> -> memref<128x16xf32, #tpu.memory_space<vmem>>
      %dma_wait3A_2270 = arith.constant 0 : i32
      %dma_wait3A_2271 = tpu.memref_slice %arg6[%select_n3A, %select_n3A_67, %dma_wait3A_2270] : memref<25x8x128xi32, #tpu.memory_space<vmem>> -> memref<1x1x128xi32, #tpu.memory_space<vmem>>
      %dma_wait3A_2272 = tpu.memref_squeeze %dma_wait3A_2271 : memref<1x1x128xi32, #tpu.memory_space<vmem>> -> memref<128xi32, #tpu.memory_space<vmem>>
      %dma_wait3A_2273 = arith.constant 0 : i32
      %dma_wait3A_2274 = arith.constant 0 : i32
      %dma_wait3A_2275 = tpu.memref_slice %arg2[%dma_wait3A_2273, %dma_wait3A_2274] : memref<400000x16xf32, #tpu.memory_space<hbm>> -> memref<400000x16xf32, #tpu.memory_space<hbm>>
      tpu.wait_indirect_dma semaphore(%arg10 : memref<!tpu.dma_semaphore, #tpu.memory_space<semaphore_mem>>) src(%dma_wait3A_2275 : memref<400000x16xf32, #tpu.memory_space<hbm>>) dst(%dma_wait3A_2269 : memref<128x16xf32, #tpu.memory_space<vmem>>)
      %dma_wait3A_2276 = arith.constant 0 : i32
      %dma_wait3A_2277 = arith.constant 1 : i32
      %dma_wait3A_2278 = arith.constant 0 : i32
      %dma_wait3A_2279 = arith.constant 0 : i32
      %dma_wait3A_2280 = tpu.memref_slice %arg7[%dma_wait3A_2276, %dma_wait3A_2277, %dma_wait3A_2278, %dma_wait3A_2279] : memref<2x20x128x16xf32, #tpu.memory_space<vmem>> -> memref<1x1x128x16xf32, #tpu.memory_space<vmem>>
      %dma_wait3A_2281 = tpu.memref_squeeze %dma_wait3A_2280 : memref<1x1x128x16xf32, #tpu.memory_space<vmem>> -> memref<128x16xf32, #tpu.memory_space<vmem>>
      %dma_wait3A_2282 = arith.constant 0 : i32
      %dma_wait3A_2283 = tpu.memref_slice %arg6[%select_n3A_104, %select_n3A_122, %dma_wait3A_2282] : memref<25x8x128xi32, #tpu.memory_space<vmem>> -> memref<1x1x128xi32, #tpu.memory_space<vmem>>
      %dma_wait3A_2284 = tpu.memref_squeeze %dma_wait3A_2283 : memref<1x1x128xi32, #tpu.memory_space<vmem>> -> memref<128xi32, #tpu.memory_space<vmem>>
      %dma_wait3A_2285 = arith.constant 0 : i32
      %dma_wait3A_2286 = arith.constant 0 : i32
      %dma_wait3A_2287 = tpu.memref_slice %arg2[%dma_wait3A_2285, %dma_wait3A_2286] : memref<400000x16xf32, #tpu.memory_space<hbm>> -> memref<400000x16xf32, #tpu.memory_space<hbm>>
      tpu.wait_indirect_dma semaphore(%arg10 : memref<!tpu.dma_semaphore, #tpu.memory_space<semaphore_mem>>) src(%dma_wait3A_2287 : memref<400000x16xf32, #tpu.memory_space<hbm>>) dst(%dma_wait3A_2281 : memref<128x16xf32, #tpu.memory_space<vmem>>)
      %dma_wait3A_2288 = arith.constant 0 : i32
      %dma_wait3A_2289 = arith.constant 2 : i32
      %dma_wait3A_2290 = arith.constant 0 : i32
      %dma_wait3A_2291 = arith.constant 0 : i32
      %dma_wait3A_2292 = tpu.memref_slice %arg7[%dma_wait3A_2288, %dma_wait3A_2289, %dma_wait3A_2290, %dma_wait3A_2291] : memref<2x20x128x16xf32, #tpu.memory_space<vmem>> -> memref<1x1x128x16xf32, #tpu.memory_space<vmem>>
      %dma_wait3A_2293 = tpu.memref_squeeze %dma_wait3A_2292 : memref<1x1x128x16xf32, #tpu.memory_space<vmem>> -> memref<128x16xf32, #tpu.memory_space<vmem>>
      %dma_wait3A_2294 = arith.constant 0 : i32
      %dma_wait3A_2295 = tpu.memref_slice %arg6[%select_n3A_160, %select_n3A_178, %dma_wait3A_2294] : memref<25x8x128xi32, #tpu.memory_space<vmem>> -> memref<1x1x128xi32, #tpu.memory_space<vmem>>
      %dma_wait3A_2296 = tpu.memref_squeeze %dma_wait3A_2295 : memref<1x1x128xi32, #tpu.memory_space<vmem>> -> memref<128xi32, #tpu.memory_space<vmem>>
      %dma_wait3A_2297 = arith.constant 0 : i32
      %dma_wait3A_2298 = arith.constant 0 : i32
      %dma_wait3A_2299 = tpu.memref_slice %arg2[%dma_wait3A_2297, %dma_wait3A_2298] : memref<400000x16xf32, #tpu.memory_space<hbm>> -> memref<400000x16xf32, #tpu.memory_space<hbm>>
      tpu.wait_indirect_dma semaphore(%arg10 : memref<!tpu.dma_semaphore, #tpu.memory_space<semaphore_mem>>) src(%dma_wait3A_2299 : memref<400000x16xf32, #tpu.memory_space<hbm>>) dst(%dma_wait3A_2293 : memref<128x16xf32, #tpu.memory_space<vmem>>)
      %dma_wait3A_2300 = arith.constant 0 : i32
      %dma_wait3A_2301 = arith.constant 3 : i32
      %dma_wait3A_2302 = arith.constant 0 : i32
      %dma_wait3A_2303 = arith.constant 0 : i32
      %dma_wait3A_2304 = tpu.memref_slice %arg7[%dma_wait3A_2300, %dma_wait3A_2301, %dma_wait3A_2302, %dma_wait3A_2303] : memref<2x20x128x16xf32, #tpu.memory_space<vmem>> -> memref<1x1x128x16xf32, #tpu.memory_space<vmem>>
      %dma_wait3A_2305 = tpu.memref_squeeze %dma_wait3A_2304 : memref<1x1x128x16xf32, #tpu.memory_space<vmem>> -> memref<128x16xf32, #tpu.memory_space<vmem>>
      %dma_wait3A_2306 = arith.constant 0 : i32
      %dma_wait3A_2307 = tpu.memref_slice %arg6[%select_n3A_216, %select_n3A_234, %dma_wait3A_2306] : memref<25x8x128xi32, #tpu.memory_space<vmem>> -> memref<1x1x128xi32, #tpu.memory_space<vmem>>
      %dma_wait3A_2308 = tpu.memref_squeeze %dma_wait3A_2307 : memref<1x1x128xi32, #tpu.memory_space<vmem>> -> memref<128xi32, #tpu.memory_space<vmem>>
      %dma_wait3A_2309 = arith.constant 0 : i32
      %dma_wait3A_2310 = arith.constant 0 : i32
      %dma_wait3A_2311 = tpu.memref_slice %arg2[%dma_wait3A_2309, %dma_wait3A_2310] : memref<400000x16xf32, #tpu.memory_space<hbm>> -> memref<400000x16xf32, #tpu.memory_space<hbm>>
      tpu.wait_indirect_dma semaphore(%arg10 : memref<!tpu.dma_semaphore, #tpu.memory_space<semaphore_mem>>) src(%dma_wait3A_2311 : memref<400000x16xf32, #tpu.memory_space<hbm>>) dst(%dma_wait3A_2305 : memref<128x16xf32, #tpu.memory_space<vmem>>)
      %dma_wait3A_2312 = arith.constant 0 : i32
      %dma_wait3A_2313 = arith.constant 4 : i32
      %dma_wait3A_2314 = arith.constant 0 : i32
      %dma_wait3A_2315 = arith.constant 0 : i32
      %dma_wait3A_2316 = tpu.memref_slice %arg7[%dma_wait3A_2312, %dma_wait3A_2313, %dma_wait3A_2314, %dma_wait3A_2315] : memref<2x20x128x16xf32, #tpu.memory_space<vmem>> -> memref<1x1x128x16xf32, #tpu.memory_space<vmem>>
      %dma_wait3A_2317 = tpu.memref_squeeze %dma_wait3A_2316 : memref<1x1x128x16xf32, #tpu.memory_space<vmem>> -> memref<128x16xf32, #tpu.memory_space<vmem>>
      %dma_wait3A_2318 = arith.constant 0 : i32
      %dma_wait3A_2319 = tpu.memref_slice %arg6[%select_n3A_272, %select_n3A_290, %dma_wait3A_2318] : memref<25x8x128xi32, #tpu.memory_space<vmem>> -> memref<1x1x128xi32, #tpu.memory_space<vmem>>
      %dma_wait3A_2320 = tpu.memref_squeeze %dma_wait3A_2319 : memref<1x1x128xi32, #tpu.memory_space<vmem>> -> memref<128xi32, #tpu.memory_space<vmem>>
      %dma_wait3A_2321 = arith.constant 0 : i32
      %dma_wait3A_2322 = arith.constant 0 : i32
      %dma_wait3A_2323 = tpu.memref_slice %arg2[%dma_wait3A_2321, %dma_wait3A_2322] : memref<400000x16xf32, #tpu.memory_space<hbm>> -> memref<400000x16xf32, #tpu.memory_space<hbm>>
      tpu.wait_indirect_dma semaphore(%arg10 : memref<!tpu.dma_semaphore, #tpu.memory_space<semaphore_mem>>) src(%dma_wait3A_2323 : memref<400000x16xf32, #tpu.memory_space<hbm>>) dst(%dma_wait3A_2317 : memref<128x16xf32, #tpu.memory_space<vmem>>)
      %dma_wait3A_2324 = arith.constant 0 : i32
      %dma_wait3A_2325 = arith.constant 5 : i32
      %dma_wait3A_2326 = arith.constant 0 : i32
      %dma_wait3A_2327 = arith.constant 0 : i32
      %dma_wait3A_2328 = tpu.memref_slice %arg7[%dma_wait3A_2324, %dma_wait3A_2325, %dma_wait3A_2326, %dma_wait3A_2327] : memref<2x20x128x16xf32, #tpu.memory_space<vmem>> -> memref<1x1x128x16xf32, #tpu.memory_space<vmem>>
      %dma_wait3A_2329 = tpu.memref_squeeze %dma_wait3A_2328 : memref<1x1x128x16xf32, #tpu.memory_space<vmem>> -> memref<128x16xf32, #tpu.memory_space<vmem>>
      %dma_wait3A_2330 = arith.constant 0 : i32
      %dma_wait3A_2331 = tpu.memref_slice %arg6[%select_n3A_328, %select_n3A_346, %dma_wait3A_2330] : memref<25x8x128xi32, #tpu.memory_space<vmem>> -> memref<1x1x128xi32, #tpu.memory_space<vmem>>
      %dma_wait3A_2332 = tpu.memref_squeeze %dma_wait3A_2331 : memref<1x1x128xi32, #tpu.memory_space<vmem>> -> memref<128xi32, #tpu.memory_space<vmem>>
      %dma_wait3A_2333 = arith.constant 0 : i32
      %dma_wait3A_2334 = arith.constant 0 : i32
      %dma_wait3A_2335 = tpu.memref_slice %arg2[%dma_wait3A_2333, %dma_wait3A_2334] : memref<400000x16xf32, #tpu.memory_space<hbm>> -> memref<400000x16xf32, #tpu.memory_space<hbm>>
      tpu.wait_indirect_dma semaphore(%arg10 : memref<!tpu.dma_semaphore, #tpu.memory_space<semaphore_mem>>) src(%dma_wait3A_2335 : memref<400000x16xf32, #tpu.memory_space<hbm>>) dst(%dma_wait3A_2329 : memref<128x16xf32, #tpu.memory_space<vmem>>)
      %dma_wait3A_2336 = arith.constant 0 : i32
      %dma_wait3A_2337 = arith.constant 6 : i32
      %dma_wait3A_2338 = arith.constant 0 : i32
      %dma_wait3A_2339 = arith.constant 0 : i32
      %dma_wait3A_2340 = tpu.memref_slice %arg7[%dma_wait3A_2336, %dma_wait3A_2337, %dma_wait3A_2338, %dma_wait3A_2339] : memref<2x20x128x16xf32, #tpu.memory_space<vmem>> -> memref<1x1x128x16xf32, #tpu.memory_space<vmem>>
      %dma_wait3A_2341 = tpu.memref_squeeze %dma_wait3A_2340 : memref<1x1x128x16xf32, #tpu.memory_space<vmem>> -> memref<128x16xf32, #tpu.memory_space<vmem>>
      %dma_wait3A_2342 = arith.constant 0 : i32
      %dma_wait3A_2343 = tpu.memref_slice %arg6[%select_n3A_384, %select_n3A_402, %dma_wait3A_2342] : memref<25x8x128xi32, #tpu.memory_space<vmem>> -> memref<1x1x128xi32, #tpu.memory_space<vmem>>
      %dma_wait3A_2344 = tpu.memref_squeeze %dma_wait3A_2343 : memref<1x1x128xi32, #tpu.memory_space<vmem>> -> memref<128xi32, #tpu.memory_space<vmem>>
      %dma_wait3A_2345 = arith.constant 0 : i32
      %dma_wait3A_2346 = arith.constant 0 : i32
      %dma_wait3A_2347 = tpu.memref_slice %arg2[%dma_wait3A_2345, %dma_wait3A_2346] : memref<400000x16xf32, #tpu.memory_space<hbm>> -> memref<400000x16xf32, #tpu.memory_space<hbm>>
      tpu.wait_indirect_dma semaphore(%arg10 : memref<!tpu.dma_semaphore, #tpu.memory_space<semaphore_mem>>) src(%dma_wait3A_2347 : memref<400000x16xf32, #tpu.memory_space<hbm>>) dst(%dma_wait3A_2341 : memref<128x16xf32, #tpu.memory_space<vmem>>)
      %dma_wait3A_2348 = arith.constant 0 : i32
      %dma_wait3A_2349 = arith.constant 7 : i32
      %dma_wait3A_2350 = arith.constant 0 : i32
      %dma_wait3A_2351 = arith.constant 0 : i32
      %dma_wait3A_2352 = tpu.memref_slice %arg7[%dma_wait3A_2348, %dma_wait3A_2349, %dma_wait3A_2350, %dma_wait3A_2351] : memref<2x20x128x16xf32, #tpu.memory_space<vmem>> -> memref<1x1x128x16xf32, #tpu.memory_space<vmem>>
      %dma_wait3A_2353 = tpu.memref_squeeze %dma_wait3A_2352 : memref<1x1x128x16xf32, #tpu.memory_space<vmem>> -> memref<128x16xf32, #tpu.memory_space<vmem>>
      %dma_wait3A_2354 = arith.constant 0 : i32
      %dma_wait3A_2355 = tpu.memref_slice %arg6[%select_n3A_440, %select_n3A_458, %dma_wait3A_2354] : memref<25x8x128xi32, #tpu.memory_space<vmem>> -> memref<1x1x128xi32, #tpu.memory_space<vmem>>
      %dma_wait3A_2356 = tpu.memref_squeeze %dma_wait3A_2355 : memref<1x1x128xi32, #tpu.memory_space<vmem>> -> memref<128xi32, #tpu.memory_space<vmem>>
      %dma_wait3A_2357 = arith.constant 0 : i32
      %dma_wait3A_2358 = arith.constant 0 : i32
      %dma_wait3A_2359 = tpu.memref_slice %arg2[%dma_wait3A_2357, %dma_wait3A_2358] : memref<400000x16xf32, #tpu.memory_space<hbm>> -> memref<400000x16xf32, #tpu.memory_space<hbm>>
      tpu.wait_indirect_dma semaphore(%arg10 : memref<!tpu.dma_semaphore, #tpu.memory_space<semaphore_mem>>) src(%dma_wait3A_2359 : memref<400000x16xf32, #tpu.memory_space<hbm>>) dst(%dma_wait3A_2353 : memref<128x16xf32, #tpu.memory_space<vmem>>)
      %dma_wait3A_2360 = arith.constant 0 : i32
      %dma_wait3A_2361 = arith.constant 8 : i32
      %dma_wait3A_2362 = arith.constant 0 : i32
      %dma_wait3A_2363 = arith.constant 0 : i32
      %dma_wait3A_2364 = tpu.memref_slice %arg7[%dma_wait3A_2360, %dma_wait3A_2361, %dma_wait3A_2362, %dma_wait3A_2363] : memref<2x20x128x16xf32, #tpu.memory_space<vmem>> -> memref<1x1x128x16xf32, #tpu.memory_space<vmem>>
      %dma_wait3A_2365 = tpu.memref_squeeze %dma_wait3A_2364 : memref<1x1x128x16xf32, #tpu.memory_space<vmem>> -> memref<128x16xf32, #tpu.memory_space<vmem>>
      %dma_wait3A_2366 = arith.constant 0 : i32
      %dma_wait3A_2367 = tpu.memref_slice %arg6[%select_n3A_496, %select_n3A_514, %dma_wait3A_2366] : memref<25x8x128xi32, #tpu.memory_space<vmem>> -> memref<1x1x128xi32, #tpu.memory_space<vmem>>
      %dma_wait3A_2368 = tpu.memref_squeeze %dma_wait3A_2367 : memref<1x1x128xi32, #tpu.memory_space<vmem>> -> memref<128xi32, #tpu.memory_space<vmem>>
      %dma_wait3A_2369 = arith.constant 0 : i32
      %dma_wait3A_2370 = arith.constant 0 : i32
      %dma_wait3A_2371 = tpu.memref_slice %arg2[%dma_wait3A_2369, %dma_wait3A_2370] : memref<400000x16xf32, #tpu.memory_space<hbm>> -> memref<400000x16xf32, #tpu.memory_space<hbm>>
      tpu.wait_indirect_dma semaphore(%arg10 : memref<!tpu.dma_semaphore, #tpu.memory_space<semaphore_mem>>) src(%dma_wait3A_2371 : memref<400000x16xf32, #tpu.memory_space<hbm>>) dst(%dma_wait3A_2365 : memref<128x16xf32, #tpu.memory_space<vmem>>)
      %dma_wait3A_2372 = arith.constant 0 : i32
      %dma_wait3A_2373 = arith.constant 9 : i32
      %dma_wait3A_2374 = arith.constant 0 : i32
      %dma_wait3A_2375 = arith.constant 0 : i32
      %dma_wait3A_2376 = tpu.memref_slice %arg7[%dma_wait3A_2372, %dma_wait3A_2373, %dma_wait3A_2374, %dma_wait3A_2375] : memref<2x20x128x16xf32, #tpu.memory_space<vmem>> -> memref<1x1x128x16xf32, #tpu.memory_space<vmem>>
      %dma_wait3A_2377 = tpu.memref_squeeze %dma_wait3A_2376 : memref<1x1x128x16xf32, #tpu.memory_space<vmem>> -> memref<128x16xf32, #tpu.memory_space<vmem>>
      %dma_wait3A_2378 = arith.constant 0 : i32
      %dma_wait3A_2379 = tpu.memref_slice %arg6[%select_n3A_552, %select_n3A_570, %dma_wait3A_2378] : memref<25x8x128xi32, #tpu.memory_space<vmem>> -> memref<1x1x128xi32, #tpu.memory_space<vmem>>
      %dma_wait3A_2380 = tpu.memref_squeeze %dma_wait3A_2379 : memref<1x1x128xi32, #tpu.memory_space<vmem>> -> memref<128xi32, #tpu.memory_space<vmem>>
      %dma_wait3A_2381 = arith.constant 0 : i32
      %dma_wait3A_2382 = arith.constant 0 : i32
      %dma_wait3A_2383 = tpu.memref_slice %arg2[%dma_wait3A_2381, %dma_wait3A_2382] : memref<400000x16xf32, #tpu.memory_space<hbm>> -> memref<400000x16xf32, #tpu.memory_space<hbm>>
      tpu.wait_indirect_dma semaphore(%arg10 : memref<!tpu.dma_semaphore, #tpu.memory_space<semaphore_mem>>) src(%dma_wait3A_2383 : memref<400000x16xf32, #tpu.memory_space<hbm>>) dst(%dma_wait3A_2377 : memref<128x16xf32, #tpu.memory_space<vmem>>)
      %dma_wait3A_2384 = arith.constant 0 : i32
      %dma_wait3A_2385 = arith.constant 10 : i32
      %dma_wait3A_2386 = arith.constant 0 : i32
      %dma_wait3A_2387 = arith.constant 0 : i32
      %dma_wait3A_2388 = tpu.memref_slice %arg7[%dma_wait3A_2384, %dma_wait3A_2385, %dma_wait3A_2386, %dma_wait3A_2387] : memref<2x20x128x16xf32, #tpu.memory_space<vmem>> -> memref<1x1x128x16xf32, #tpu.memory_space<vmem>>
      %dma_wait3A_2389 = tpu.memref_squeeze %dma_wait3A_2388 : memref<1x1x128x16xf32, #tpu.memory_space<vmem>> -> memref<128x16xf32, #tpu.memory_space<vmem>>
      %dma_wait3A_2390 = arith.constant 0 : i32
      %dma_wait3A_2391 = tpu.memref_slice %arg6[%select_n3A_608, %select_n3A_626, %dma_wait3A_2390] : memref<25x8x128xi32, #tpu.memory_space<vmem>> -> memref<1x1x128xi32, #tpu.memory_space<vmem>>
      %dma_wait3A_2392 = tpu.memref_squeeze %dma_wait3A_2391 : memref<1x1x128xi32, #tpu.memory_space<vmem>> -> memref<128xi32, #tpu.memory_space<vmem>>
      %dma_wait3A_2393 = arith.constant 0 : i32
      %dma_wait3A_2394 = arith.constant 0 : i32
      %dma_wait3A_2395 = tpu.memref_slice %arg2[%dma_wait3A_2393, %dma_wait3A_2394] : memref<400000x16xf32, #tpu.memory_space<hbm>> -> memref<400000x16xf32, #tpu.memory_space<hbm>>
      tpu.wait_indirect_dma semaphore(%arg10 : memref<!tpu.dma_semaphore, #tpu.memory_space<semaphore_mem>>) src(%dma_wait3A_2395 : memref<400000x16xf32, #tpu.memory_space<hbm>>) dst(%dma_wait3A_2389 : memref<128x16xf32, #tpu.memory_space<vmem>>)
      %dma_wait3A_2396 = arith.constant 0 : i32
      %dma_wait3A_2397 = arith.constant 11 : i32
      %dma_wait3A_2398 = arith.constant 0 : i32
      %dma_wait3A_2399 = arith.constant 0 : i32
      %dma_wait3A_2400 = tpu.memref_slice %arg7[%dma_wait3A_2396, %dma_wait3A_2397, %dma_wait3A_2398, %dma_wait3A_2399] : memref<2x20x128x16xf32, #tpu.memory_space<vmem>> -> memref<1x1x128x16xf32, #tpu.memory_space<vmem>>
      %dma_wait3A_2401 = tpu.memref_squeeze %dma_wait3A_2400 : memref<1x1x128x16xf32, #tpu.memory_space<vmem>> -> memref<128x16xf32, #tpu.memory_space<vmem>>
      %dma_wait3A_2402 = arith.constant 0 : i32
      %dma_wait3A_2403 = tpu.memref_slice %arg6[%select_n3A_664, %select_n3A_682, %dma_wait3A_2402] : memref<25x8x128xi32, #tpu.memory_space<vmem>> -> memref<1x1x128xi32, #tpu.memory_space<vmem>>
      %dma_wait3A_2404 = tpu.memref_squeeze %dma_wait3A_2403 : memref<1x1x128xi32, #tpu.memory_space<vmem>> -> memref<128xi32, #tpu.memory_space<vmem>>
      %dma_wait3A_2405 = arith.constant 0 : i32
      %dma_wait3A_2406 = arith.constant 0 : i32
      %dma_wait3A_2407 = tpu.memref_slice %arg2[%dma_wait3A_2405, %dma_wait3A_2406] : memref<400000x16xf32, #tpu.memory_space<hbm>> -> memref<400000x16xf32, #tpu.memory_space<hbm>>
      tpu.wait_indirect_dma semaphore(%arg10 : memref<!tpu.dma_semaphore, #tpu.memory_space<semaphore_mem>>) src(%dma_wait3A_2407 : memref<400000x16xf32, #tpu.memory_space<hbm>>) dst(%dma_wait3A_2401 : memref<128x16xf32, #tpu.memory_space<vmem>>)
      %dma_wait3A_2408 = arith.constant 0 : i32
      %dma_wait3A_2409 = arith.constant 12 : i32
      %dma_wait3A_2410 = arith.constant 0 : i32
      %dma_wait3A_2411 = arith.constant 0 : i32
      %dma_wait3A_2412 = tpu.memref_slice %arg7[%dma_wait3A_2408, %dma_wait3A_2409, %dma_wait3A_2410, %dma_wait3A_2411] : memref<2x20x128x16xf32, #tpu.memory_space<vmem>> -> memref<1x1x128x16xf32, #tpu.memory_space<vmem>>
      %dma_wait3A_2413 = tpu.memref_squeeze %dma_wait3A_2412 : memref<1x1x128x16xf32, #tpu.memory_space<vmem>> -> memref<128x16xf32, #tpu.memory_space<vmem>>
      %dma_wait3A_2414 = arith.constant 0 : i32
      %dma_wait3A_2415 = tpu.memref_slice %arg6[%select_n3A_720, %select_n3A_738, %dma_wait3A_2414] : memref<25x8x128xi32, #tpu.memory_space<vmem>> -> memref<1x1x128xi32, #tpu.memory_space<vmem>>
      %dma_wait3A_2416 = tpu.memref_squeeze %dma_wait3A_2415 : memref<1x1x128xi32, #tpu.memory_space<vmem>> -> memref<128xi32, #tpu.memory_space<vmem>>
      %dma_wait3A_2417 = arith.constant 0 : i32
      %dma_wait3A_2418 = arith.constant 0 : i32
      %dma_wait3A_2419 = tpu.memref_slice %arg2[%dma_wait3A_2417, %dma_wait3A_2418] : memref<400000x16xf32, #tpu.memory_space<hbm>> -> memref<400000x16xf32, #tpu.memory_space<hbm>>
      tpu.wait_indirect_dma semaphore(%arg10 : memref<!tpu.dma_semaphore, #tpu.memory_space<semaphore_mem>>) src(%dma_wait3A_2419 : memref<400000x16xf32, #tpu.memory_space<hbm>>) dst(%dma_wait3A_2413 : memref<128x16xf32, #tpu.memory_space<vmem>>)
      %dma_wait3A_2420 = arith.constant 0 : i32
      %dma_wait3A_2421 = arith.constant 13 : i32
      %dma_wait3A_2422 = arith.constant 0 : i32
      %dma_wait3A_2423 = arith.constant 0 : i32
      %dma_wait3A_2424 = tpu.memref_slice %arg7[%dma_wait3A_2420, %dma_wait3A_2421, %dma_wait3A_2422, %dma_wait3A_2423] : memref<2x20x128x16xf32, #tpu.memory_space<vmem>> -> memref<1x1x128x16xf32, #tpu.memory_space<vmem>>
      %dma_wait3A_2425 = tpu.memref_squeeze %dma_wait3A_2424 : memref<1x1x128x16xf32, #tpu.memory_space<vmem>> -> memref<128x16xf32, #tpu.memory_space<vmem>>
      %dma_wait3A_2426 = arith.constant 0 : i32
      %dma_wait3A_2427 = tpu.memref_slice %arg6[%select_n3A_776, %select_n3A_794, %dma_wait3A_2426] : memref<25x8x128xi32, #tpu.memory_space<vmem>> -> memref<1x1x128xi32, #tpu.memory_space<vmem>>
      %dma_wait3A_2428 = tpu.memref_squeeze %dma_wait3A_2427 : memref<1x1x128xi32, #tpu.memory_space<vmem>> -> memref<128xi32, #tpu.memory_space<vmem>>
      %dma_wait3A_2429 = arith.constant 0 : i32
      %dma_wait3A_2430 = arith.constant 0 : i32
      %dma_wait3A_2431 = tpu.memref_slice %arg2[%dma_wait3A_2429, %dma_wait3A_2430] : memref<400000x16xf32, #tpu.memory_space<hbm>> -> memref<400000x16xf32, #tpu.memory_space<hbm>>
      tpu.wait_indirect_dma semaphore(%arg10 : memref<!tpu.dma_semaphore, #tpu.memory_space<semaphore_mem>>) src(%dma_wait3A_2431 : memref<400000x16xf32, #tpu.memory_space<hbm>>) dst(%dma_wait3A_2425 : memref<128x16xf32, #tpu.memory_space<vmem>>)
      %dma_wait3A_2432 = arith.constant 0 : i32
      %dma_wait3A_2433 = arith.constant 14 : i32
      %dma_wait3A_2434 = arith.constant 0 : i32
      %dma_wait3A_2435 = arith.constant 0 : i32
      %dma_wait3A_2436 = tpu.memref_slice %arg7[%dma_wait3A_2432, %dma_wait3A_2433, %dma_wait3A_2434, %dma_wait3A_2435] : memref<2x20x128x16xf32, #tpu.memory_space<vmem>> -> memref<1x1x128x16xf32, #tpu.memory_space<vmem>>
      %dma_wait3A_2437 = tpu.memref_squeeze %dma_wait3A_2436 : memref<1x1x128x16xf32, #tpu.memory_space<vmem>> -> memref<128x16xf32, #tpu.memory_space<vmem>>
      %dma_wait3A_2438 = arith.constant 0 : i32
      %dma_wait3A_2439 = tpu.memref_slice %arg6[%select_n3A_832, %select_n3A_850, %dma_wait3A_2438] : memref<25x8x128xi32, #tpu.memory_space<vmem>> -> memref<1x1x128xi32, #tpu.memory_space<vmem>>
      %dma_wait3A_2440 = tpu.memref_squeeze %dma_wait3A_2439 : memref<1x1x128xi32, #tpu.memory_space<vmem>> -> memref<128xi32, #tpu.memory_space<vmem>>
      %dma_wait3A_2441 = arith.constant 0 : i32
      %dma_wait3A_2442 = arith.constant 0 : i32
      %dma_wait3A_2443 = tpu.memref_slice %arg2[%dma_wait3A_2441, %dma_wait3A_2442] : memref<400000x16xf32, #tpu.memory_space<hbm>> -> memref<400000x16xf32, #tpu.memory_space<hbm>>
      tpu.wait_indirect_dma semaphore(%arg10 : memref<!tpu.dma_semaphore, #tpu.memory_space<semaphore_mem>>) src(%dma_wait3A_2443 : memref<400000x16xf32, #tpu.memory_space<hbm>>) dst(%dma_wait3A_2437 : memref<128x16xf32, #tpu.memory_space<vmem>>)
      %dma_wait3A_2444 = arith.constant 0 : i32
      %dma_wait3A_2445 = arith.constant 15 : i32
      %dma_wait3A_2446 = arith.constant 0 : i32
      %dma_wait3A_2447 = arith.constant 0 : i32
      %dma_wait3A_2448 = tpu.memref_slice %arg7[%dma_wait3A_2444, %dma_wait3A_2445, %dma_wait3A_2446, %dma_wait3A_2447] : memref<2x20x128x16xf32, #tpu.memory_space<vmem>> -> memref<1x1x128x16xf32, #tpu.memory_space<vmem>>
      %dma_wait3A_2449 = tpu.memref_squeeze %dma_wait3A_2448 : memref<1x1x128x16xf32, #tpu.memory_space<vmem>> -> memref<128x16xf32, #tpu.memory_space<vmem>>
      %dma_wait3A_2450 = arith.constant 0 : i32
      %dma_wait3A_2451 = tpu.memref_slice %arg6[%select_n3A_888, %select_n3A_906, %dma_wait3A_2450] : memref<25x8x128xi32, #tpu.memory_space<vmem>> -> memref<1x1x128xi32, #tpu.memory_space<vmem>>
      %dma_wait3A_2452 = tpu.memref_squeeze %dma_wait3A_2451 : memref<1x1x128xi32, #tpu.memory_space<vmem>> -> memref<128xi32, #tpu.memory_space<vmem>>
      %dma_wait3A_2453 = arith.constant 0 : i32
      %dma_wait3A_2454 = arith.constant 0 : i32
      %dma_wait3A_2455 = tpu.memref_slice %arg2[%dma_wait3A_2453, %dma_wait3A_2454] : memref<400000x16xf32, #tpu.memory_space<hbm>> -> memref<400000x16xf32, #tpu.memory_space<hbm>>
      tpu.wait_indirect_dma semaphore(%arg10 : memref<!tpu.dma_semaphore, #tpu.memory_space<semaphore_mem>>) src(%dma_wait3A_2455 : memref<400000x16xf32, #tpu.memory_space<hbm>>) dst(%dma_wait3A_2449 : memref<128x16xf32, #tpu.memory_space<vmem>>)
      %dma_wait3A_2456 = arith.constant 0 : i32
      %dma_wait3A_2457 = arith.constant 16 : i32
      %dma_wait3A_2458 = arith.constant 0 : i32
      %dma_wait3A_2459 = arith.constant 0 : i32
      %dma_wait3A_2460 = tpu.memref_slice %arg7[%dma_wait3A_2456, %dma_wait3A_2457, %dma_wait3A_2458, %dma_wait3A_2459] : memref<2x20x128x16xf32, #tpu.memory_space<vmem>> -> memref<1x1x128x16xf32, #tpu.memory_space<vmem>>
      %dma_wait3A_2461 = tpu.memref_squeeze %dma_wait3A_2460 : memref<1x1x128x16xf32, #tpu.memory_space<vmem>> -> memref<128x16xf32, #tpu.memory_space<vmem>>
      %dma_wait3A_2462 = arith.constant 0 : i32
      %dma_wait3A_2463 = tpu.memref_slice %arg6[%select_n3A_944, %select_n3A_962, %dma_wait3A_2462] : memref<25x8x128xi32, #tpu.memory_space<vmem>> -> memref<1x1x128xi32, #tpu.memory_space<vmem>>
      %dma_wait3A_2464 = tpu.memref_squeeze %dma_wait3A_2463 : memref<1x1x128xi32, #tpu.memory_space<vmem>> -> memref<128xi32, #tpu.memory_space<vmem>>
      %dma_wait3A_2465 = arith.constant 0 : i32
      %dma_wait3A_2466 = arith.constant 0 : i32
      %dma_wait3A_2467 = tpu.memref_slice %arg2[%dma_wait3A_2465, %dma_wait3A_2466] : memref<400000x16xf32, #tpu.memory_space<hbm>> -> memref<400000x16xf32, #tpu.memory_space<hbm>>
      tpu.wait_indirect_dma semaphore(%arg10 : memref<!tpu.dma_semaphore, #tpu.memory_space<semaphore_mem>>) src(%dma_wait3A_2467 : memref<400000x16xf32, #tpu.memory_space<hbm>>) dst(%dma_wait3A_2461 : memref<128x16xf32, #tpu.memory_space<vmem>>)
      %dma_wait3A_2468 = arith.constant 0 : i32
      %dma_wait3A_2469 = arith.constant 17 : i32
      %dma_wait3A_2470 = arith.constant 0 : i32
      %dma_wait3A_2471 = arith.constant 0 : i32
      %dma_wait3A_2472 = tpu.memref_slice %arg7[%dma_wait3A_2468, %dma_wait3A_2469, %dma_wait3A_2470, %dma_wait3A_2471] : memref<2x20x128x16xf32, #tpu.memory_space<vmem>> -> memref<1x1x128x16xf32, #tpu.memory_space<vmem>>
      %dma_wait3A_2473 = tpu.memref_squeeze %dma_wait3A_2472 : memref<1x1x128x16xf32, #tpu.memory_space<vmem>> -> memref<128x16xf32, #tpu.memory_space<vmem>>
      %dma_wait3A_2474 = arith.constant 0 : i32
      %dma_wait3A_2475 = tpu.memref_slice %arg6[%select_n3A_1000, %select_n3A_1018, %dma_wait3A_2474] : memref<25x8x128xi32, #tpu.memory_space<vmem>> -> memref<1x1x128xi32, #tpu.memory_space<vmem>>
      %dma_wait3A_2476 = tpu.memref_squeeze %dma_wait3A_2475 : memref<1x1x128xi32, #tpu.memory_space<vmem>> -> memref<128xi32, #tpu.memory_space<vmem>>
      %dma_wait3A_2477 = arith.constant 0 : i32
      %dma_wait3A_2478 = arith.constant 0 : i32
      %dma_wait3A_2479 = tpu.memref_slice %arg2[%dma_wait3A_2477, %dma_wait3A_2478] : memref<400000x16xf32, #tpu.memory_space<hbm>> -> memref<400000x16xf32, #tpu.memory_space<hbm>>
      tpu.wait_indirect_dma semaphore(%arg10 : memref<!tpu.dma_semaphore, #tpu.memory_space<semaphore_mem>>) src(%dma_wait3A_2479 : memref<400000x16xf32, #tpu.memory_space<hbm>>) dst(%dma_wait3A_2473 : memref<128x16xf32, #tpu.memory_space<vmem>>)
      %dma_wait3A_2480 = arith.constant 0 : i32
      %dma_wait3A_2481 = arith.constant 18 : i32
      %dma_wait3A_2482 = arith.constant 0 : i32
      %dma_wait3A_2483 = arith.constant 0 : i32
      %dma_wait3A_2484 = tpu.memref_slice %arg7[%dma_wait3A_2480, %dma_wait3A_2481, %dma_wait3A_2482, %dma_wait3A_2483] : memref<2x20x128x16xf32, #tpu.memory_space<vmem>> -> memref<1x1x128x16xf32, #tpu.memory_space<vmem>>
      %dma_wait3A_2485 = tpu.memref_squeeze %dma_wait3A_2484 : memref<1x1x128x16xf32, #tpu.memory_space<vmem>> -> memref<128x16xf32, #tpu.memory_space<vmem>>
      %dma_wait3A_2486 = arith.constant 0 : i32
      %dma_wait3A_2487 = tpu.memref_slice %arg6[%select_n3A_1056, %select_n3A_1074, %dma_wait3A_2486] : memref<25x8x128xi32, #tpu.memory_space<vmem>> -> memref<1x1x128xi32, #tpu.memory_space<vmem>>
      %dma_wait3A_2488 = tpu.memref_squeeze %dma_wait3A_2487 : memref<1x1x128xi32, #tpu.memory_space<vmem>> -> memref<128xi32, #tpu.memory_space<vmem>>
      %dma_wait3A_2489 = arith.constant 0 : i32
      %dma_wait3A_2490 = arith.constant 0 : i32
      %dma_wait3A_2491 = tpu.memref_slice %arg2[%dma_wait3A_2489, %dma_wait3A_2490] : memref<400000x16xf32, #tpu.memory_space<hbm>> -> memref<400000x16xf32, #tpu.memory_space<hbm>>
      tpu.wait_indirect_dma semaphore(%arg10 : memref<!tpu.dma_semaphore, #tpu.memory_space<semaphore_mem>>) src(%dma_wait3A_2491 : memref<400000x16xf32, #tpu.memory_space<hbm>>) dst(%dma_wait3A_2485 : memref<128x16xf32, #tpu.memory_space<vmem>>)
      %dma_wait3A_2492 = arith.constant 0 : i32
      %dma_wait3A_2493 = arith.constant 19 : i32
      %dma_wait3A_2494 = arith.constant 0 : i32
      %dma_wait3A_2495 = arith.constant 0 : i32
      %dma_wait3A_2496 = tpu.memref_slice %arg7[%dma_wait3A_2492, %dma_wait3A_2493, %dma_wait3A_2494, %dma_wait3A_2495] : memref<2x20x128x16xf32, #tpu.memory_space<vmem>> -> memref<1x1x128x16xf32, #tpu.memory_space<vmem>>
      %dma_wait3A_2497 = tpu.memref_squeeze %dma_wait3A_2496 : memref<1x1x128x16xf32, #tpu.memory_space<vmem>> -> memref<128x16xf32, #tpu.memory_space<vmem>>
      %dma_wait3A_2498 = arith.constant 0 : i32
      %dma_wait3A_2499 = tpu.memref_slice %arg6[%select_n3A_1112, %select_n3A_1130, %dma_wait3A_2498] : memref<25x8x128xi32, #tpu.memory_space<vmem>> -> memref<1x1x128xi32, #tpu.memory_space<vmem>>
      %dma_wait3A_2500 = tpu.memref_squeeze %dma_wait3A_2499 : memref<1x1x128xi32, #tpu.memory_space<vmem>> -> memref<128xi32, #tpu.memory_space<vmem>>
      %dma_wait3A_2501 = arith.constant 0 : i32
      %dma_wait3A_2502 = arith.constant 0 : i32
      %dma_wait3A_2503 = tpu.memref_slice %arg2[%dma_wait3A_2501, %dma_wait3A_2502] : memref<400000x16xf32, #tpu.memory_space<hbm>> -> memref<400000x16xf32, #tpu.memory_space<hbm>>
      tpu.wait_indirect_dma semaphore(%arg10 : memref<!tpu.dma_semaphore, #tpu.memory_space<semaphore_mem>>) src(%dma_wait3A_2503 : memref<400000x16xf32, #tpu.memory_space<hbm>>) dst(%dma_wait3A_2497 : memref<128x16xf32, #tpu.memory_space<vmem>>)
      %scan3A_2504 = arith.constant 0 : i32
      %scan3A_2505 = arith.constant 0 : i32
      %scan3A_2506 = arith.constant 128 : i32
      %scan3A_2507 = arith.addi %scan3A_2505, %scan3A_2506 : i32
      %scan3A_2508 = arith.constant 1 : i32
      scf.for %scan3A_2756 = %scan3A_2505 to %scan3A_2507 step %scan3A_2508  : i32 {
        %get3A_2757 = arith.constant 0 : i32
        %get3A_2758 = arith.constant 0 : i32
        %get3A_2759 = arith.index_cast %get3A_2757 : i32 to index
        %get3A_2760 = arith.index_cast %get3A_2758 : i32 to index
        %get3A_2761 = arith.index_cast %scan3A_2756 : i32 to index
        %get3A_2762 = arith.constant 0 : index
        %get3A_2763 = tpu.vector_load %arg7[%get3A_2759, %get3A_2760, %get3A_2761, %get3A_2762] {strides = array<i32>} : memref<2x20x128x16xf32, #tpu.memory_space<vmem>>, vector<1x1x1x16xf32>,
        %get3A_2764 = vector.shape_cast %get3A_2763 : vector<1x1x1x16xf32> to vector<16xf32>
        %get3A_2765 = arith.constant 0 : i32
        %get3A_2766 = arith.constant 1 : i32
        %get3A_2767 = arith.index_cast %get3A_2765 : i32 to index
        %get3A_2768 = arith.index_cast %get3A_2766 : i32 to index
        %get3A_2769 = arith.index_cast %scan3A_2756 : i32 to index
        %get3A_2770 = arith.constant 0 : index
        %get3A_2771 = tpu.vector_load %arg7[%get3A_2767, %get3A_2768, %get3A_2769, %get3A_2770] {strides = array<i32>} : memref<2x20x128x16xf32, #tpu.memory_space<vmem>>, vector<1x1x1x16xf32>,
        %get3A_2772 = vector.shape_cast %get3A_2771 : vector<1x1x1x16xf32> to vector<16xf32>
        %add3A_2773 = arith.addf %get3A_2764, %get3A_2772 : vector<16xf32>
        %get3A_2774 = arith.constant 0 : i32
        %get3A_2775 = arith.constant 2 : i32
        %get3A_2776 = arith.index_cast %get3A_2774 : i32 to index
        %get3A_2777 = arith.index_cast %get3A_2775 : i32 to index
        %get3A_2778 = arith.index_cast %scan3A_2756 : i32 to index
        %get3A_2779 = arith.constant 0 : index
        %get3A_2780 = tpu.vector_load %arg7[%get3A_2776, %get3A_2777, %get3A_2778, %get3A_2779] {strides = array<i32>} : memref<2x20x128x16xf32, #tpu.memory_space<vmem>>, vector<1x1x1x16xf32>,
        %get3A_2781 = vector.shape_cast %get3A_2780 : vector<1x1x1x16xf32> to vector<16xf32>
        %add3A_2782 = arith.addf %add3A_2773, %get3A_2781 : vector<16xf32>
        %get3A_2783 = arith.constant 0 : i32
        %get3A_2784 = arith.constant 3 : i32
        %get3A_2785 = arith.index_cast %get3A_2783 : i32 to index
        %get3A_2786 = arith.index_cast %get3A_2784 : i32 to index
        %get3A_2787 = arith.index_cast %scan3A_2756 : i32 to index
        %get3A_2788 = arith.constant 0 : index
        %get3A_2789 = tpu.vector_load %arg7[%get3A_2785, %get3A_2786, %get3A_2787, %get3A_2788] {strides = array<i32>} : memref<2x20x128x16xf32, #tpu.memory_space<vmem>>, vector<1x1x1x16xf32>,
        %get3A_2790 = vector.shape_cast %get3A_2789 : vector<1x1x1x16xf32> to vector<16xf32>
        %add3A_2791 = arith.addf %add3A_2782, %get3A_2790 : vector<16xf32>
        %get3A_2792 = arith.constant 0 : i32
        %get3A_2793 = arith.constant 4 : i32
        %get3A_2794 = arith.index_cast %get3A_2792 : i32 to index
        %get3A_2795 = arith.index_cast %get3A_2793 : i32 to index
        %get3A_2796 = arith.index_cast %scan3A_2756 : i32 to index
        %get3A_2797 = arith.constant 0 : index
        %get3A_2798 = tpu.vector_load %arg7[%get3A_2794, %get3A_2795, %get3A_2796, %get3A_2797] {strides = array<i32>} : memref<2x20x128x16xf32, #tpu.memory_space<vmem>>, vector<1x1x1x16xf32>,
        %get3A_2799 = vector.shape_cast %get3A_2798 : vector<1x1x1x16xf32> to vector<16xf32>
        %add3A_2800 = arith.addf %add3A_2791, %get3A_2799 : vector<16xf32>
        %get3A_2801 = arith.constant 0 : i32
        %get3A_2802 = arith.constant 5 : i32
        %get3A_2803 = arith.index_cast %get3A_2801 : i32 to index
        %get3A_2804 = arith.index_cast %get3A_2802 : i32 to index
        %get3A_2805 = arith.index_cast %scan3A_2756 : i32 to index
        %get3A_2806 = arith.constant 0 : index
        %get3A_2807 = tpu.vector_load %arg7[%get3A_2803, %get3A_2804, %get3A_2805, %get3A_2806] {strides = array<i32>} : memref<2x20x128x16xf32, #tpu.memory_space<vmem>>, vector<1x1x1x16xf32>,
        %get3A_2808 = vector.shape_cast %get3A_2807 : vector<1x1x1x16xf32> to vector<16xf32>
        %add3A_2809 = arith.addf %add3A_2800, %get3A_2808 : vector<16xf32>
        %get3A_2810 = arith.constant 0 : i32
        %get3A_2811 = arith.constant 6 : i32
        %get3A_2812 = arith.index_cast %get3A_2810 : i32 to index
        %get3A_2813 = arith.index_cast %get3A_2811 : i32 to index
        %get3A_2814 = arith.index_cast %scan3A_2756 : i32 to index
        %get3A_2815 = arith.constant 0 : index
        %get3A_2816 = tpu.vector_load %arg7[%get3A_2812, %get3A_2813, %get3A_2814, %get3A_2815] {strides = array<i32>} : memref<2x20x128x16xf32, #tpu.memory_space<vmem>>, vector<1x1x1x16xf32>,
        %get3A_2817 = vector.shape_cast %get3A_2816 : vector<1x1x1x16xf32> to vector<16xf32>
        %add3A_2818 = arith.addf %add3A_2809, %get3A_2817 : vector<16xf32>
        %get3A_2819 = arith.constant 0 : i32
        %get3A_2820 = arith.constant 7 : i32
        %get3A_2821 = arith.index_cast %get3A_2819 : i32 to index
        %get3A_2822 = arith.index_cast %get3A_2820 : i32 to index
        %get3A_2823 = arith.index_cast %scan3A_2756 : i32 to index
        %get3A_2824 = arith.constant 0 : index
        %get3A_2825 = tpu.vector_load %arg7[%get3A_2821, %get3A_2822, %get3A_2823, %get3A_2824] {strides = array<i32>} : memref<2x20x128x16xf32, #tpu.memory_space<vmem>>, vector<1x1x1x16xf32>,
        %get3A_2826 = vector.shape_cast %get3A_2825 : vector<1x1x1x16xf32> to vector<16xf32>
        %add3A_2827 = arith.addf %add3A_2818, %get3A_2826 : vector<16xf32>
        %get3A_2828 = arith.constant 0 : i32
        %get3A_2829 = arith.constant 8 : i32
        %get3A_2830 = arith.index_cast %get3A_2828 : i32 to index
        %get3A_2831 = arith.index_cast %get3A_2829 : i32 to index
        %get3A_2832 = arith.index_cast %scan3A_2756 : i32 to index
        %get3A_2833 = arith.constant 0 : index
        %get3A_2834 = tpu.vector_load %arg7[%get3A_2830, %get3A_2831, %get3A_2832, %get3A_2833] {strides = array<i32>} : memref<2x20x128x16xf32, #tpu.memory_space<vmem>>, vector<1x1x1x16xf32>,
        %get3A_2835 = vector.shape_cast %get3A_2834 : vector<1x1x1x16xf32> to vector<16xf32>
        %add3A_2836 = arith.addf %add3A_2827, %get3A_2835 : vector<16xf32>
        %get3A_2837 = arith.constant 0 : i32
        %get3A_2838 = arith.constant 9 : i32
        %get3A_2839 = arith.index_cast %get3A_2837 : i32 to index
        %get3A_2840 = arith.index_cast %get3A_2838 : i32 to index
        %get3A_2841 = arith.index_cast %scan3A_2756 : i32 to index
        %get3A_2842 = arith.constant 0 : index
        %get3A_2843 = tpu.vector_load %arg7[%get3A_2839, %get3A_2840, %get3A_2841, %get3A_2842] {strides = array<i32>} : memref<2x20x128x16xf32, #tpu.memory_space<vmem>>, vector<1x1x1x16xf32>,
        %get3A_2844 = vector.shape_cast %get3A_2843 : vector<1x1x1x16xf32> to vector<16xf32>
        %add3A_2845 = arith.addf %add3A_2836, %get3A_2844 : vector<16xf32>
        %get3A_2846 = arith.constant 0 : i32
        %get3A_2847 = arith.constant 10 : i32
        %get3A_2848 = arith.index_cast %get3A_2846 : i32 to index
        %get3A_2849 = arith.index_cast %get3A_2847 : i32 to index
        %get3A_2850 = arith.index_cast %scan3A_2756 : i32 to index
        %get3A_2851 = arith.constant 0 : index
        %get3A_2852 = tpu.vector_load %arg7[%get3A_2848, %get3A_2849, %get3A_2850, %get3A_2851] {strides = array<i32>} : memref<2x20x128x16xf32, #tpu.memory_space<vmem>>, vector<1x1x1x16xf32>,
        %get3A_2853 = vector.shape_cast %get3A_2852 : vector<1x1x1x16xf32> to vector<16xf32>
        %add3A_2854 = arith.addf %add3A_2845, %get3A_2853 : vector<16xf32>
        %get3A_2855 = arith.constant 0 : i32
        %get3A_2856 = arith.constant 11 : i32
        %get3A_2857 = arith.index_cast %get3A_2855 : i32 to index
        %get3A_2858 = arith.index_cast %get3A_2856 : i32 to index
        %get3A_2859 = arith.index_cast %scan3A_2756 : i32 to index
        %get3A_2860 = arith.constant 0 : index
        %get3A_2861 = tpu.vector_load %arg7[%get3A_2857, %get3A_2858, %get3A_2859, %get3A_2860] {strides = array<i32>} : memref<2x20x128x16xf32, #tpu.memory_space<vmem>>, vector<1x1x1x16xf32>,
        %get3A_2862 = vector.shape_cast %get3A_2861 : vector<1x1x1x16xf32> to vector<16xf32>
        %add3A_2863 = arith.addf %add3A_2854, %get3A_2862 : vector<16xf32>
        %get3A_2864 = arith.constant 0 : i32
        %get3A_2865 = arith.constant 12 : i32
        %get3A_2866 = arith.index_cast %get3A_2864 : i32 to index
        %get3A_2867 = arith.index_cast %get3A_2865 : i32 to index
        %get3A_2868 = arith.index_cast %scan3A_2756 : i32 to index
        %get3A_2869 = arith.constant 0 : index
        %get3A_2870 = tpu.vector_load %arg7[%get3A_2866, %get3A_2867, %get3A_2868, %get3A_2869] {strides = array<i32>} : memref<2x20x128x16xf32, #tpu.memory_space<vmem>>, vector<1x1x1x16xf32>,
        %get3A_2871 = vector.shape_cast %get3A_2870 : vector<1x1x1x16xf32> to vector<16xf32>
        %add3A_2872 = arith.addf %add3A_2863, %get3A_2871 : vector<16xf32>
        %get3A_2873 = arith.constant 0 : i32
        %get3A_2874 = arith.constant 13 : i32
        %get3A_2875 = arith.index_cast %get3A_2873 : i32 to index
        %get3A_2876 = arith.index_cast %get3A_2874 : i32 to index
        %get3A_2877 = arith.index_cast %scan3A_2756 : i32 to index
        %get3A_2878 = arith.constant 0 : index
        %get3A_2879 = tpu.vector_load %arg7[%get3A_2875, %get3A_2876, %get3A_2877, %get3A_2878] {strides = array<i32>} : memref<2x20x128x16xf32, #tpu.memory_space<vmem>>, vector<1x1x1x16xf32>,
        %get3A_2880 = vector.shape_cast %get3A_2879 : vector<1x1x1x16xf32> to vector<16xf32>
        %add3A_2881 = arith.addf %add3A_2872, %get3A_2880 : vector<16xf32>
        %get3A_2882 = arith.constant 0 : i32
        %get3A_2883 = arith.constant 14 : i32
        %get3A_2884 = arith.index_cast %get3A_2882 : i32 to index
        %get3A_2885 = arith.index_cast %get3A_2883 : i32 to index
        %get3A_2886 = arith.index_cast %scan3A_2756 : i32 to index
        %get3A_2887 = arith.constant 0 : index
        %get3A_2888 = tpu.vector_load %arg7[%get3A_2884, %get3A_2885, %get3A_2886, %get3A_2887] {strides = array<i32>} : memref<2x20x128x16xf32, #tpu.memory_space<vmem>>, vector<1x1x1x16xf32>,
        %get3A_2889 = vector.shape_cast %get3A_2888 : vector<1x1x1x16xf32> to vector<16xf32>
        %add3A_2890 = arith.addf %add3A_2881, %get3A_2889 : vector<16xf32>
        %get3A_2891 = arith.constant 0 : i32
        %get3A_2892 = arith.constant 15 : i32
        %get3A_2893 = arith.index_cast %get3A_2891 : i32 to index
        %get3A_2894 = arith.index_cast %get3A_2892 : i32 to index
        %get3A_2895 = arith.index_cast %scan3A_2756 : i32 to index
        %get3A_2896 = arith.constant 0 : index
        %get3A_2897 = tpu.vector_load %arg7[%get3A_2893, %get3A_2894, %get3A_2895, %get3A_2896] {strides = array<i32>} : memref<2x20x128x16xf32, #tpu.memory_space<vmem>>, vector<1x1x1x16xf32>,
        %get3A_2898 = vector.shape_cast %get3A_2897 : vector<1x1x1x16xf32> to vector<16xf32>
        %add3A_2899 = arith.addf %add3A_2890, %get3A_2898 : vector<16xf32>
        %get3A_2900 = arith.constant 0 : i32
        %get3A_2901 = arith.constant 16 : i32
        %get3A_2902 = arith.index_cast %get3A_2900 : i32 to index
        %get3A_2903 = arith.index_cast %get3A_2901 : i32 to index
        %get3A_2904 = arith.index_cast %scan3A_2756 : i32 to index
        %get3A_2905 = arith.constant 0 : index
        %get3A_2906 = tpu.vector_load %arg7[%get3A_2902, %get3A_2903, %get3A_2904, %get3A_2905] {strides = array<i32>} : memref<2x20x128x16xf32, #tpu.memory_space<vmem>>, vector<1x1x1x16xf32>,
        %get3A_2907 = vector.shape_cast %get3A_2906 : vector<1x1x1x16xf32> to vector<16xf32>
        %add3A_2908 = arith.addf %add3A_2899, %get3A_2907 : vector<16xf32>
        %get3A_2909 = arith.constant 0 : i32
        %get3A_2910 = arith.constant 17 : i32
        %get3A_2911 = arith.index_cast %get3A_2909 : i32 to index
        %get3A_2912 = arith.index_cast %get3A_2910 : i32 to index
        %get3A_2913 = arith.index_cast %scan3A_2756 : i32 to index
        %get3A_2914 = arith.constant 0 : index
        %get3A_2915 = tpu.vector_load %arg7[%get3A_2911, %get3A_2912, %get3A_2913, %get3A_2914] {strides = array<i32>} : memref<2x20x128x16xf32, #tpu.memory_space<vmem>>, vector<1x1x1x16xf32>,
        %get3A_2916 = vector.shape_cast %get3A_2915 : vector<1x1x1x16xf32> to vector<16xf32>
        %add3A_2917 = arith.addf %add3A_2908, %get3A_2916 : vector<16xf32>
        %get3A_2918 = arith.constant 0 : i32
        %get3A_2919 = arith.constant 18 : i32
        %get3A_2920 = arith.index_cast %get3A_2918 : i32 to index
        %get3A_2921 = arith.index_cast %get3A_2919 : i32 to index
        %get3A_2922 = arith.index_cast %scan3A_2756 : i32 to index
        %get3A_2923 = arith.constant 0 : index
        %get3A_2924 = tpu.vector_load %arg7[%get3A_2920, %get3A_2921, %get3A_2922, %get3A_2923] {strides = array<i32>} : memref<2x20x128x16xf32, #tpu.memory_space<vmem>>, vector<1x1x1x16xf32>,
        %get3A_2925 = vector.shape_cast %get3A_2924 : vector<1x1x1x16xf32> to vector<16xf32>
        %add3A_2926 = arith.addf %add3A_2917, %get3A_2925 : vector<16xf32>
        %get3A_2927 = arith.constant 0 : i32
        %get3A_2928 = arith.constant 19 : i32
        %get3A_2929 = arith.index_cast %get3A_2927 : i32 to index
        %get3A_2930 = arith.index_cast %get3A_2928 : i32 to index
        %get3A_2931 = arith.index_cast %scan3A_2756 : i32 to index
        %get3A_2932 = arith.constant 0 : index
        %get3A_2933 = tpu.vector_load %arg7[%get3A_2929, %get3A_2930, %get3A_2931, %get3A_2932] {strides = array<i32>} : memref<2x20x128x16xf32, #tpu.memory_space<vmem>>, vector<1x1x1x16xf32>,
        %get3A_2934 = vector.shape_cast %get3A_2933 : vector<1x1x1x16xf32> to vector<16xf32>
        %add3A_2935 = arith.addf %add3A_2926, %get3A_2934 : vector<16xf32>
        %get3A_2936 = arith.index_cast %scan3A_2756 : i32 to index
        %get3A_2937 = arith.constant 0 : index
        %get3A_2938 = tpu.vector_load %arg8[%get3A_2936, %get3A_2937] {strides = array<i32>} : memref<128x16xf32, #tpu.memory_space<vmem>>, vector<1x16xf32>,
        %get3A_2939 = vector.shape_cast %get3A_2938 : vector<1x16xf32> to vector<16xf32>
        %add3A_2940 = arith.addf %get3A_2939, %add3A_2935 : vector<16xf32>
        %swap3A = arith.index_cast %scan3A_2756 : i32 to index
        %swap3A_2941 = arith.constant 0 : index
        %swap3A_2942 = tpu.vector_load %arg8[%swap3A, %swap3A_2941] {strides = array<i32>} : memref<128x16xf32, #tpu.memory_space<vmem>>, vector<1x16xf32>,
        %swap3A_2943 = vector.shape_cast %swap3A_2942 : vector<1x16xf32> to vector<16xf32>
        %swap3A_2944 = vector.shape_cast %add3A_2940 : vector<16xf32> to vector<1x16xf32>
        tpu.vector_store %arg8[%swap3A, %swap3A_2941], %swap3A_2944 {strides = array<i32>} : memref<128x16xf32, #tpu.memory_space<vmem>>, vector<1x16xf32>,
      }
      %scan3A_2509 = arith.constant 128 : i32
      %dma_wait3A_2510 = arith.constant 1 : i32
      %dma_wait3A_2511 = arith.constant 0 : i32
      %dma_wait3A_2512 = arith.constant 0 : i32
      %dma_wait3A_2513 = arith.constant 0 : i32
      %dma_wait3A_2514 = tpu.memref_slice %arg7[%dma_wait3A_2510, %dma_wait3A_2511, %dma_wait3A_2512, %dma_wait3A_2513] : memref<2x20x128x16xf32, #tpu.memory_space<vmem>> -> memref<1x1x128x16xf32, #tpu.memory_space<vmem>>
      %dma_wait3A_2515 = tpu.memref_squeeze %dma_wait3A_2514 : memref<1x1x128x16xf32, #tpu.memory_space<vmem>> -> memref<128x16xf32, #tpu.memory_space<vmem>>
      %dma_wait3A_2516 = arith.constant 0 : i32
      %dma_wait3A_2517 = tpu.memref_slice %arg6[%select_n3A_1170, %select_n3A_1188, %dma_wait3A_2516] : memref<25x8x128xi32, #tpu.memory_space<vmem>> -> memref<1x1x128xi32, #tpu.memory_space<vmem>>
      %dma_wait3A_2518 = tpu.memref_squeeze %dma_wait3A_2517 : memref<1x1x128xi32, #tpu.memory_space<vmem>> -> memref<128xi32, #tpu.memory_space<vmem>>
      %dma_wait3A_2519 = arith.constant 0 : i32
      %dma_wait3A_2520 = arith.constant 0 : i32
      %dma_wait3A_2521 = tpu.memref_slice %arg2[%dma_wait3A_2519, %dma_wait3A_2520] : memref<400000x16xf32, #tpu.memory_space<hbm>> -> memref<400000x16xf32, #tpu.memory_space<hbm>>
      tpu.wait_indirect_dma semaphore(%arg11 : memref<!tpu.dma_semaphore, #tpu.memory_space<semaphore_mem>>) src(%dma_wait3A_2521 : memref<400000x16xf32, #tpu.memory_space<hbm>>) dst(%dma_wait3A_2515 : memref<128x16xf32, #tpu.memory_space<vmem>>)
      %dma_wait3A_2522 = arith.constant 1 : i32
      %dma_wait3A_2523 = arith.constant 1 : i32
      %dma_wait3A_2524 = arith.constant 0 : i32
      %dma_wait3A_2525 = arith.constant 0 : i32
      %dma_wait3A_2526 = tpu.memref_slice %arg7[%dma_wait3A_2522, %dma_wait3A_2523, %dma_wait3A_2524, %dma_wait3A_2525] : memref<2x20x128x16xf32, #tpu.memory_space<vmem>> -> memref<1x1x128x16xf32, #tpu.memory_space<vmem>>
      %dma_wait3A_2527 = tpu.memref_squeeze %dma_wait3A_2526 : memref<1x1x128x16xf32, #tpu.memory_space<vmem>> -> memref<128x16xf32, #tpu.memory_space<vmem>>
      %dma_wait3A_2528 = arith.constant 0 : i32
      %dma_wait3A_2529 = tpu.memref_slice %arg6[%select_n3A_1226, %select_n3A_1244, %dma_wait3A_2528] : memref<25x8x128xi32, #tpu.memory_space<vmem>> -> memref<1x1x128xi32, #tpu.memory_space<vmem>>
      %dma_wait3A_2530 = tpu.memref_squeeze %dma_wait3A_2529 : memref<1x1x128xi32, #tpu.memory_space<vmem>> -> memref<128xi32, #tpu.memory_space<vmem>>
      %dma_wait3A_2531 = arith.constant 0 : i32
      %dma_wait3A_2532 = arith.constant 0 : i32
      %dma_wait3A_2533 = tpu.memref_slice %arg2[%dma_wait3A_2531, %dma_wait3A_2532] : memref<400000x16xf32, #tpu.memory_space<hbm>> -> memref<400000x16xf32, #tpu.memory_space<hbm>>
      tpu.wait_indirect_dma semaphore(%arg11 : memref<!tpu.dma_semaphore, #tpu.memory_space<semaphore_mem>>) src(%dma_wait3A_2533 : memref<400000x16xf32, #tpu.memory_space<hbm>>) dst(%dma_wait3A_2527 : memref<128x16xf32, #tpu.memory_space<vmem>>)
      %dma_wait3A_2534 = arith.constant 1 : i32
      %dma_wait3A_2535 = arith.constant 2 : i32
      %dma_wait3A_2536 = arith.constant 0 : i32
      %dma_wait3A_2537 = arith.constant 0 : i32
      %dma_wait3A_2538 = tpu.memref_slice %arg7[%dma_wait3A_2534, %dma_wait3A_2535, %dma_wait3A_2536, %dma_wait3A_2537] : memref<2x20x128x16xf32, #tpu.memory_space<vmem>> -> memref<1x1x128x16xf32, #tpu.memory_space<vmem>>
      %dma_wait3A_2539 = tpu.memref_squeeze %dma_wait3A_2538 : memref<1x1x128x16xf32, #tpu.memory_space<vmem>> -> memref<128x16xf32, #tpu.memory_space<vmem>>
      %dma_wait3A_2540 = arith.constant 0 : i32
      %dma_wait3A_2541 = tpu.memref_slice %arg6[%select_n3A_1282, %select_n3A_1300, %dma_wait3A_2540] : memref<25x8x128xi32, #tpu.memory_space<vmem>> -> memref<1x1x128xi32, #tpu.memory_space<vmem>>
      %dma_wait3A_2542 = tpu.memref_squeeze %dma_wait3A_2541 : memref<1x1x128xi32, #tpu.memory_space<vmem>> -> memref<128xi32, #tpu.memory_space<vmem>>
      %dma_wait3A_2543 = arith.constant 0 : i32
      %dma_wait3A_2544 = arith.constant 0 : i32
      %dma_wait3A_2545 = tpu.memref_slice %arg2[%dma_wait3A_2543, %dma_wait3A_2544] : memref<400000x16xf32, #tpu.memory_space<hbm>> -> memref<400000x16xf32, #tpu.memory_space<hbm>>
      tpu.wait_indirect_dma semaphore(%arg11 : memref<!tpu.dma_semaphore, #tpu.memory_space<semaphore_mem>>) src(%dma_wait3A_2545 : memref<400000x16xf32, #tpu.memory_space<hbm>>) dst(%dma_wait3A_2539 : memref<128x16xf32, #tpu.memory_space<vmem>>)
      %dma_wait3A_2546 = arith.constant 1 : i32
      %dma_wait3A_2547 = arith.constant 3 : i32
      %dma_wait3A_2548 = arith.constant 0 : i32
      %dma_wait3A_2549 = arith.constant 0 : i32
      %dma_wait3A_2550 = tpu.memref_slice %arg7[%dma_wait3A_2546, %dma_wait3A_2547, %dma_wait3A_2548, %dma_wait3A_2549] : memref<2x20x128x16xf32, #tpu.memory_space<vmem>> -> memref<1x1x128x16xf32, #tpu.memory_space<vmem>>
      %dma_wait3A_2551 = tpu.memref_squeeze %dma_wait3A_2550 : memref<1x1x128x16xf32, #tpu.memory_space<vmem>> -> memref<128x16xf32, #tpu.memory_space<vmem>>
      %dma_wait3A_2552 = arith.constant 0 : i32
      %dma_wait3A_2553 = tpu.memref_slice %arg6[%select_n3A_1338, %select_n3A_1356, %dma_wait3A_2552] : memref<25x8x128xi32, #tpu.memory_space<vmem>> -> memref<1x1x128xi32, #tpu.memory_space<vmem>>
      %dma_wait3A_2554 = tpu.memref_squeeze %dma_wait3A_2553 : memref<1x1x128xi32, #tpu.memory_space<vmem>> -> memref<128xi32, #tpu.memory_space<vmem>>
      %dma_wait3A_2555 = arith.constant 0 : i32
      %dma_wait3A_2556 = arith.constant 0 : i32
      %dma_wait3A_2557 = tpu.memref_slice %arg2[%dma_wait3A_2555, %dma_wait3A_2556] : memref<400000x16xf32, #tpu.memory_space<hbm>> -> memref<400000x16xf32, #tpu.memory_space<hbm>>
      tpu.wait_indirect_dma semaphore(%arg11 : memref<!tpu.dma_semaphore, #tpu.memory_space<semaphore_mem>>) src(%dma_wait3A_2557 : memref<400000x16xf32, #tpu.memory_space<hbm>>) dst(%dma_wait3A_2551 : memref<128x16xf32, #tpu.memory_space<vmem>>)
      %dma_wait3A_2558 = arith.constant 1 : i32
      %dma_wait3A_2559 = arith.constant 4 : i32
      %dma_wait3A_2560 = arith.constant 0 : i32
      %dma_wait3A_2561 = arith.constant 0 : i32
      %dma_wait3A_2562 = tpu.memref_slice %arg7[%dma_wait3A_2558, %dma_wait3A_2559, %dma_wait3A_2560, %dma_wait3A_2561] : memref<2x20x128x16xf32, #tpu.memory_space<vmem>> -> memref<1x1x128x16xf32, #tpu.memory_space<vmem>>
      %dma_wait3A_2563 = tpu.memref_squeeze %dma_wait3A_2562 : memref<1x1x128x16xf32, #tpu.memory_space<vmem>> -> memref<128x16xf32, #tpu.memory_space<vmem>>
      %dma_wait3A_2564 = arith.constant 0 : i32
      %dma_wait3A_2565 = tpu.memref_slice %arg6[%select_n3A_1394, %select_n3A_1412, %dma_wait3A_2564] : memref<25x8x128xi32, #tpu.memory_space<vmem>> -> memref<1x1x128xi32, #tpu.memory_space<vmem>>
      %dma_wait3A_2566 = tpu.memref_squeeze %dma_wait3A_2565 : memref<1x1x128xi32, #tpu.memory_space<vmem>> -> memref<128xi32, #tpu.memory_space<vmem>>
      %dma_wait3A_2567 = arith.constant 0 : i32
      %dma_wait3A_2568 = arith.constant 0 : i32
      %dma_wait3A_2569 = tpu.memref_slice %arg2[%dma_wait3A_2567, %dma_wait3A_2568] : memref<400000x16xf32, #tpu.memory_space<hbm>> -> memref<400000x16xf32, #tpu.memory_space<hbm>>
      tpu.wait_indirect_dma semaphore(%arg11 : memref<!tpu.dma_semaphore, #tpu.memory_space<semaphore_mem>>) src(%dma_wait3A_2569 : memref<400000x16xf32, #tpu.memory_space<hbm>>) dst(%dma_wait3A_2563 : memref<128x16xf32, #tpu.memory_space<vmem>>)
      %dma_wait3A_2570 = arith.constant 1 : i32
      %dma_wait3A_2571 = arith.constant 5 : i32
      %dma_wait3A_2572 = arith.constant 0 : i32
      %dma_wait3A_2573 = arith.constant 0 : i32
      %dma_wait3A_2574 = tpu.memref_slice %arg7[%dma_wait3A_2570, %dma_wait3A_2571, %dma_wait3A_2572, %dma_wait3A_2573] : memref<2x20x128x16xf32, #tpu.memory_space<vmem>> -> memref<1x1x128x16xf32, #tpu.memory_space<vmem>>
      %dma_wait3A_2575 = tpu.memref_squeeze %dma_wait3A_2574 : memref<1x1x128x16xf32, #tpu.memory_space<vmem>> -> memref<128x16xf32, #tpu.memory_space<vmem>>
      %dma_wait3A_2576 = arith.constant 0 : i32
      %dma_wait3A_2577 = tpu.memref_slice %arg6[%select_n3A_1450, %select_n3A_1468, %dma_wait3A_2576] : memref<25x8x128xi32, #tpu.memory_space<vmem>> -> memref<1x1x128xi32, #tpu.memory_space<vmem>>
      %dma_wait3A_2578 = tpu.memref_squeeze %dma_wait3A_2577 : memref<1x1x128xi32, #tpu.memory_space<vmem>> -> memref<128xi32, #tpu.memory_space<vmem>>
      %dma_wait3A_2579 = arith.constant 0 : i32
      %dma_wait3A_2580 = arith.constant 0 : i32
      %dma_wait3A_2581 = tpu.memref_slice %arg2[%dma_wait3A_2579, %dma_wait3A_2580] : memref<400000x16xf32, #tpu.memory_space<hbm>> -> memref<400000x16xf32, #tpu.memory_space<hbm>>
      tpu.wait_indirect_dma semaphore(%arg11 : memref<!tpu.dma_semaphore, #tpu.memory_space<semaphore_mem>>) src(%dma_wait3A_2581 : memref<400000x16xf32, #tpu.memory_space<hbm>>) dst(%dma_wait3A_2575 : memref<128x16xf32, #tpu.memory_space<vmem>>)
      %dma_wait3A_2582 = arith.constant 1 : i32
      %dma_wait3A_2583 = arith.constant 6 : i32
      %dma_wait3A_2584 = arith.constant 0 : i32
      %dma_wait3A_2585 = arith.constant 0 : i32
      %dma_wait3A_2586 = tpu.memref_slice %arg7[%dma_wait3A_2582, %dma_wait3A_2583, %dma_wait3A_2584, %dma_wait3A_2585] : memref<2x20x128x16xf32, #tpu.memory_space<vmem>> -> memref<1x1x128x16xf32, #tpu.memory_space<vmem>>
      %dma_wait3A_2587 = tpu.memref_squeeze %dma_wait3A_2586 : memref<1x1x128x16xf32, #tpu.memory_space<vmem>> -> memref<128x16xf32, #tpu.memory_space<vmem>>
      %dma_wait3A_2588 = arith.constant 0 : i32
      %dma_wait3A_2589 = tpu.memref_slice %arg6[%select_n3A_1506, %select_n3A_1524, %dma_wait3A_2588] : memref<25x8x128xi32, #tpu.memory_space<vmem>> -> memref<1x1x128xi32, #tpu.memory_space<vmem>>
      %dma_wait3A_2590 = tpu.memref_squeeze %dma_wait3A_2589 : memref<1x1x128xi32, #tpu.memory_space<vmem>> -> memref<128xi32, #tpu.memory_space<vmem>>
      %dma_wait3A_2591 = arith.constant 0 : i32
      %dma_wait3A_2592 = arith.constant 0 : i32
      %dma_wait3A_2593 = tpu.memref_slice %arg2[%dma_wait3A_2591, %dma_wait3A_2592] : memref<400000x16xf32, #tpu.memory_space<hbm>> -> memref<400000x16xf32, #tpu.memory_space<hbm>>
      tpu.wait_indirect_dma semaphore(%arg11 : memref<!tpu.dma_semaphore, #tpu.memory_space<semaphore_mem>>) src(%dma_wait3A_2593 : memref<400000x16xf32, #tpu.memory_space<hbm>>) dst(%dma_wait3A_2587 : memref<128x16xf32, #tpu.memory_space<vmem>>)
      %dma_wait3A_2594 = arith.constant 1 : i32
      %dma_wait3A_2595 = arith.constant 7 : i32
      %dma_wait3A_2596 = arith.constant 0 : i32
      %dma_wait3A_2597 = arith.constant 0 : i32
      %dma_wait3A_2598 = tpu.memref_slice %arg7[%dma_wait3A_2594, %dma_wait3A_2595, %dma_wait3A_2596, %dma_wait3A_2597] : memref<2x20x128x16xf32, #tpu.memory_space<vmem>> -> memref<1x1x128x16xf32, #tpu.memory_space<vmem>>
      %dma_wait3A_2599 = tpu.memref_squeeze %dma_wait3A_2598 : memref<1x1x128x16xf32, #tpu.memory_space<vmem>> -> memref<128x16xf32, #tpu.memory_space<vmem>>
      %dma_wait3A_2600 = arith.constant 0 : i32
      %dma_wait3A_2601 = tpu.memref_slice %arg6[%select_n3A_1562, %select_n3A_1580, %dma_wait3A_2600] : memref<25x8x128xi32, #tpu.memory_space<vmem>> -> memref<1x1x128xi32, #tpu.memory_space<vmem>>
      %dma_wait3A_2602 = tpu.memref_squeeze %dma_wait3A_2601 : memref<1x1x128xi32, #tpu.memory_space<vmem>> -> memref<128xi32, #tpu.memory_space<vmem>>
      %dma_wait3A_2603 = arith.constant 0 : i32
      %dma_wait3A_2604 = arith.constant 0 : i32
      %dma_wait3A_2605 = tpu.memref_slice %arg2[%dma_wait3A_2603, %dma_wait3A_2604] : memref<400000x16xf32, #tpu.memory_space<hbm>> -> memref<400000x16xf32, #tpu.memory_space<hbm>>
      tpu.wait_indirect_dma semaphore(%arg11 : memref<!tpu.dma_semaphore, #tpu.memory_space<semaphore_mem>>) src(%dma_wait3A_2605 : memref<400000x16xf32, #tpu.memory_space<hbm>>) dst(%dma_wait3A_2599 : memref<128x16xf32, #tpu.memory_space<vmem>>)
      %dma_wait3A_2606 = arith.constant 1 : i32
      %dma_wait3A_2607 = arith.constant 8 : i32
      %dma_wait3A_2608 = arith.constant 0 : i32
      %dma_wait3A_2609 = arith.constant 0 : i32
      %dma_wait3A_2610 = tpu.memref_slice %arg7[%dma_wait3A_2606, %dma_wait3A_2607, %dma_wait3A_2608, %dma_wait3A_2609] : memref<2x20x128x16xf32, #tpu.memory_space<vmem>> -> memref<1x1x128x16xf32, #tpu.memory_space<vmem>>
      %dma_wait3A_2611 = tpu.memref_squeeze %dma_wait3A_2610 : memref<1x1x128x16xf32, #tpu.memory_space<vmem>> -> memref<128x16xf32, #tpu.memory_space<vmem>>
      %dma_wait3A_2612 = arith.constant 0 : i32
      %dma_wait3A_2613 = tpu.memref_slice %arg6[%select_n3A_1618, %select_n3A_1636, %dma_wait3A_2612] : memref<25x8x128xi32, #tpu.memory_space<vmem>> -> memref<1x1x128xi32, #tpu.memory_space<vmem>>
      %dma_wait3A_2614 = tpu.memref_squeeze %dma_wait3A_2613 : memref<1x1x128xi32, #tpu.memory_space<vmem>> -> memref<128xi32, #tpu.memory_space<vmem>>
      %dma_wait3A_2615 = arith.constant 0 : i32
      %dma_wait3A_2616 = arith.constant 0 : i32
      %dma_wait3A_2617 = tpu.memref_slice %arg2[%dma_wait3A_2615, %dma_wait3A_2616] : memref<400000x16xf32, #tpu.memory_space<hbm>> -> memref<400000x16xf32, #tpu.memory_space<hbm>>
      tpu.wait_indirect_dma semaphore(%arg11 : memref<!tpu.dma_semaphore, #tpu.memory_space<semaphore_mem>>) src(%dma_wait3A_2617 : memref<400000x16xf32, #tpu.memory_space<hbm>>) dst(%dma_wait3A_2611 : memref<128x16xf32, #tpu.memory_space<vmem>>)
      %dma_wait3A_2618 = arith.constant 1 : i32
      %dma_wait3A_2619 = arith.constant 9 : i32
      %dma_wait3A_2620 = arith.constant 0 : i32
      %dma_wait3A_2621 = arith.constant 0 : i32
      %dma_wait3A_2622 = tpu.memref_slice %arg7[%dma_wait3A_2618, %dma_wait3A_2619, %dma_wait3A_2620, %dma_wait3A_2621] : memref<2x20x128x16xf32, #tpu.memory_space<vmem>> -> memref<1x1x128x16xf32, #tpu.memory_space<vmem>>
      %dma_wait3A_2623 = tpu.memref_squeeze %dma_wait3A_2622 : memref<1x1x128x16xf32, #tpu.memory_space<vmem>> -> memref<128x16xf32, #tpu.memory_space<vmem>>
      %dma_wait3A_2624 = arith.constant 0 : i32
      %dma_wait3A_2625 = tpu.memref_slice %arg6[%select_n3A_1674, %select_n3A_1692, %dma_wait3A_2624] : memref<25x8x128xi32, #tpu.memory_space<vmem>> -> memref<1x1x128xi32, #tpu.memory_space<vmem>>
      %dma_wait3A_2626 = tpu.memref_squeeze %dma_wait3A_2625 : memref<1x1x128xi32, #tpu.memory_space<vmem>> -> memref<128xi32, #tpu.memory_space<vmem>>
      %dma_wait3A_2627 = arith.constant 0 : i32
      %dma_wait3A_2628 = arith.constant 0 : i32
      %dma_wait3A_2629 = tpu.memref_slice %arg2[%dma_wait3A_2627, %dma_wait3A_2628] : memref<400000x16xf32, #tpu.memory_space<hbm>> -> memref<400000x16xf32, #tpu.memory_space<hbm>>
      tpu.wait_indirect_dma semaphore(%arg11 : memref<!tpu.dma_semaphore, #tpu.memory_space<semaphore_mem>>) src(%dma_wait3A_2629 : memref<400000x16xf32, #tpu.memory_space<hbm>>) dst(%dma_wait3A_2623 : memref<128x16xf32, #tpu.memory_space<vmem>>)
      %dma_wait3A_2630 = arith.constant 1 : i32
      %dma_wait3A_2631 = arith.constant 10 : i32
      %dma_wait3A_2632 = arith.constant 0 : i32
      %dma_wait3A_2633 = arith.constant 0 : i32
      %dma_wait3A_2634 = tpu.memref_slice %arg7[%dma_wait3A_2630, %dma_wait3A_2631, %dma_wait3A_2632, %dma_wait3A_2633] : memref<2x20x128x16xf32, #tpu.memory_space<vmem>> -> memref<1x1x128x16xf32, #tpu.memory_space<vmem>>
      %dma_wait3A_2635 = tpu.memref_squeeze %dma_wait3A_2634 : memref<1x1x128x16xf32, #tpu.memory_space<vmem>> -> memref<128x16xf32, #tpu.memory_space<vmem>>
      %dma_wait3A_2636 = arith.constant 0 : i32
      %dma_wait3A_2637 = tpu.memref_slice %arg6[%select_n3A_1730, %select_n3A_1748, %dma_wait3A_2636] : memref<25x8x128xi32, #tpu.memory_space<vmem>> -> memref<1x1x128xi32, #tpu.memory_space<vmem>>
      %dma_wait3A_2638 = tpu.memref_squeeze %dma_wait3A_2637 : memref<1x1x128xi32, #tpu.memory_space<vmem>> -> memref<128xi32, #tpu.memory_space<vmem>>
      %dma_wait3A_2639 = arith.constant 0 : i32
      %dma_wait3A_2640 = arith.constant 0 : i32
      %dma_wait3A_2641 = tpu.memref_slice %arg2[%dma_wait3A_2639, %dma_wait3A_2640] : memref<400000x16xf32, #tpu.memory_space<hbm>> -> memref<400000x16xf32, #tpu.memory_space<hbm>>
      tpu.wait_indirect_dma semaphore(%arg11 : memref<!tpu.dma_semaphore, #tpu.memory_space<semaphore_mem>>) src(%dma_wait3A_2641 : memref<400000x16xf32, #tpu.memory_space<hbm>>) dst(%dma_wait3A_2635 : memref<128x16xf32, #tpu.memory_space<vmem>>)
      %dma_wait3A_2642 = arith.constant 1 : i32
      %dma_wait3A_2643 = arith.constant 11 : i32
      %dma_wait3A_2644 = arith.constant 0 : i32
      %dma_wait3A_2645 = arith.constant 0 : i32
      %dma_wait3A_2646 = tpu.memref_slice %arg7[%dma_wait3A_2642, %dma_wait3A_2643, %dma_wait3A_2644, %dma_wait3A_2645] : memref<2x20x128x16xf32, #tpu.memory_space<vmem>> -> memref<1x1x128x16xf32, #tpu.memory_space<vmem>>
      %dma_wait3A_2647 = tpu.memref_squeeze %dma_wait3A_2646 : memref<1x1x128x16xf32, #tpu.memory_space<vmem>> -> memref<128x16xf32, #tpu.memory_space<vmem>>
      %dma_wait3A_2648 = arith.constant 0 : i32
      %dma_wait3A_2649 = tpu.memref_slice %arg6[%select_n3A_1786, %select_n3A_1804, %dma_wait3A_2648] : memref<25x8x128xi32, #tpu.memory_space<vmem>> -> memref<1x1x128xi32, #tpu.memory_space<vmem>>
      %dma_wait3A_2650 = tpu.memref_squeeze %dma_wait3A_2649 : memref<1x1x128xi32, #tpu.memory_space<vmem>> -> memref<128xi32, #tpu.memory_space<vmem>>
      %dma_wait3A_2651 = arith.constant 0 : i32
      %dma_wait3A_2652 = arith.constant 0 : i32
      %dma_wait3A_2653 = tpu.memref_slice %arg2[%dma_wait3A_2651, %dma_wait3A_2652] : memref<400000x16xf32, #tpu.memory_space<hbm>> -> memref<400000x16xf32, #tpu.memory_space<hbm>>
      tpu.wait_indirect_dma semaphore(%arg11 : memref<!tpu.dma_semaphore, #tpu.memory_space<semaphore_mem>>) src(%dma_wait3A_2653 : memref<400000x16xf32, #tpu.memory_space<hbm>>) dst(%dma_wait3A_2647 : memref<128x16xf32, #tpu.memory_space<vmem>>)
      %dma_wait3A_2654 = arith.constant 1 : i32
      %dma_wait3A_2655 = arith.constant 12 : i32
      %dma_wait3A_2656 = arith.constant 0 : i32
      %dma_wait3A_2657 = arith.constant 0 : i32
      %dma_wait3A_2658 = tpu.memref_slice %arg7[%dma_wait3A_2654, %dma_wait3A_2655, %dma_wait3A_2656, %dma_wait3A_2657] : memref<2x20x128x16xf32, #tpu.memory_space<vmem>> -> memref<1x1x128x16xf32, #tpu.memory_space<vmem>>
      %dma_wait3A_2659 = tpu.memref_squeeze %dma_wait3A_2658 : memref<1x1x128x16xf32, #tpu.memory_space<vmem>> -> memref<128x16xf32, #tpu.memory_space<vmem>>
      %dma_wait3A_2660 = arith.constant 0 : i32
      %dma_wait3A_2661 = tpu.memref_slice %arg6[%select_n3A_1842, %select_n3A_1860, %dma_wait3A_2660] : memref<25x8x128xi32, #tpu.memory_space<vmem>> -> memref<1x1x128xi32, #tpu.memory_space<vmem>>
      %dma_wait3A_2662 = tpu.memref_squeeze %dma_wait3A_2661 : memref<1x1x128xi32, #tpu.memory_space<vmem>> -> memref<128xi32, #tpu.memory_space<vmem>>
      %dma_wait3A_2663 = arith.constant 0 : i32
      %dma_wait3A_2664 = arith.constant 0 : i32
      %dma_wait3A_2665 = tpu.memref_slice %arg2[%dma_wait3A_2663, %dma_wait3A_2664] : memref<400000x16xf32, #tpu.memory_space<hbm>> -> memref<400000x16xf32, #tpu.memory_space<hbm>>
      tpu.wait_indirect_dma semaphore(%arg11 : memref<!tpu.dma_semaphore, #tpu.memory_space<semaphore_mem>>) src(%dma_wait3A_2665 : memref<400000x16xf32, #tpu.memory_space<hbm>>) dst(%dma_wait3A_2659 : memref<128x16xf32, #tpu.memory_space<vmem>>)
      %dma_wait3A_2666 = arith.constant 1 : i32
      %dma_wait3A_2667 = arith.constant 13 : i32
      %dma_wait3A_2668 = arith.constant 0 : i32
      %dma_wait3A_2669 = arith.constant 0 : i32
      %dma_wait3A_2670 = tpu.memref_slice %arg7[%dma_wait3A_2666, %dma_wait3A_2667, %dma_wait3A_2668, %dma_wait3A_2669] : memref<2x20x128x16xf32, #tpu.memory_space<vmem>> -> memref<1x1x128x16xf32, #tpu.memory_space<vmem>>
      %dma_wait3A_2671 = tpu.memref_squeeze %dma_wait3A_2670 : memref<1x1x128x16xf32, #tpu.memory_space<vmem>> -> memref<128x16xf32, #tpu.memory_space<vmem>>
      %dma_wait3A_2672 = arith.constant 0 : i32
      %dma_wait3A_2673 = tpu.memref_slice %arg6[%select_n3A_1898, %select_n3A_1916, %dma_wait3A_2672] : memref<25x8x128xi32, #tpu.memory_space<vmem>> -> memref<1x1x128xi32, #tpu.memory_space<vmem>>
      %dma_wait3A_2674 = tpu.memref_squeeze %dma_wait3A_2673 : memref<1x1x128xi32, #tpu.memory_space<vmem>> -> memref<128xi32, #tpu.memory_space<vmem>>
      %dma_wait3A_2675 = arith.constant 0 : i32
      %dma_wait3A_2676 = arith.constant 0 : i32
      %dma_wait3A_2677 = tpu.memref_slice %arg2[%dma_wait3A_2675, %dma_wait3A_2676] : memref<400000x16xf32, #tpu.memory_space<hbm>> -> memref<400000x16xf32, #tpu.memory_space<hbm>>
      tpu.wait_indirect_dma semaphore(%arg11 : memref<!tpu.dma_semaphore, #tpu.memory_space<semaphore_mem>>) src(%dma_wait3A_2677 : memref<400000x16xf32, #tpu.memory_space<hbm>>) dst(%dma_wait3A_2671 : memref<128x16xf32, #tpu.memory_space<vmem>>)
      %dma_wait3A_2678 = arith.constant 1 : i32
      %dma_wait3A_2679 = arith.constant 14 : i32
      %dma_wait3A_2680 = arith.constant 0 : i32
      %dma_wait3A_2681 = arith.constant 0 : i32
      %dma_wait3A_2682 = tpu.memref_slice %arg7[%dma_wait3A_2678, %dma_wait3A_2679, %dma_wait3A_2680, %dma_wait3A_2681] : memref<2x20x128x16xf32, #tpu.memory_space<vmem>> -> memref<1x1x128x16xf32, #tpu.memory_space<vmem>>
      %dma_wait3A_2683 = tpu.memref_squeeze %dma_wait3A_2682 : memref<1x1x128x16xf32, #tpu.memory_space<vmem>> -> memref<128x16xf32, #tpu.memory_space<vmem>>
      %dma_wait3A_2684 = arith.constant 0 : i32
      %dma_wait3A_2685 = tpu.memref_slice %arg6[%select_n3A_1954, %select_n3A_1972, %dma_wait3A_2684] : memref<25x8x128xi32, #tpu.memory_space<vmem>> -> memref<1x1x128xi32, #tpu.memory_space<vmem>>
      %dma_wait3A_2686 = tpu.memref_squeeze %dma_wait3A_2685 : memref<1x1x128xi32, #tpu.memory_space<vmem>> -> memref<128xi32, #tpu.memory_space<vmem>>
      %dma_wait3A_2687 = arith.constant 0 : i32
      %dma_wait3A_2688 = arith.constant 0 : i32
      %dma_wait3A_2689 = tpu.memref_slice %arg2[%dma_wait3A_2687, %dma_wait3A_2688] : memref<400000x16xf32, #tpu.memory_space<hbm>> -> memref<400000x16xf32, #tpu.memory_space<hbm>>
      tpu.wait_indirect_dma semaphore(%arg11 : memref<!tpu.dma_semaphore, #tpu.memory_space<semaphore_mem>>) src(%dma_wait3A_2689 : memref<400000x16xf32, #tpu.memory_space<hbm>>) dst(%dma_wait3A_2683 : memref<128x16xf32, #tpu.memory_space<vmem>>)
      %dma_wait3A_2690 = arith.constant 1 : i32
      %dma_wait3A_2691 = arith.constant 15 : i32
      %dma_wait3A_2692 = arith.constant 0 : i32
      %dma_wait3A_2693 = arith.constant 0 : i32
      %dma_wait3A_2694 = tpu.memref_slice %arg7[%dma_wait3A_2690, %dma_wait3A_2691, %dma_wait3A_2692, %dma_wait3A_2693] : memref<2x20x128x16xf32, #tpu.memory_space<vmem>> -> memref<1x1x128x16xf32, #tpu.memory_space<vmem>>
      %dma_wait3A_2695 = tpu.memref_squeeze %dma_wait3A_2694 : memref<1x1x128x16xf32, #tpu.memory_space<vmem>> -> memref<128x16xf32, #tpu.memory_space<vmem>>
      %dma_wait3A_2696 = arith.constant 0 : i32
      %dma_wait3A_2697 = tpu.memref_slice %arg6[%select_n3A_2010, %select_n3A_2028, %dma_wait3A_2696] : memref<25x8x128xi32, #tpu.memory_space<vmem>> -> memref<1x1x128xi32, #tpu.memory_space<vmem>>
      %dma_wait3A_2698 = tpu.memref_squeeze %dma_wait3A_2697 : memref<1x1x128xi32, #tpu.memory_space<vmem>> -> memref<128xi32, #tpu.memory_space<vmem>>
      %dma_wait3A_2699 = arith.constant 0 : i32
      %dma_wait3A_2700 = arith.constant 0 : i32
      %dma_wait3A_2701 = tpu.memref_slice %arg2[%dma_wait3A_2699, %dma_wait3A_2700] : memref<400000x16xf32, #tpu.memory_space<hbm>> -> memref<400000x16xf32, #tpu.memory_space<hbm>>
      tpu.wait_indirect_dma semaphore(%arg11 : memref<!tpu.dma_semaphore, #tpu.memory_space<semaphore_mem>>) src(%dma_wait3A_2701 : memref<400000x16xf32, #tpu.memory_space<hbm>>) dst(%dma_wait3A_2695 : memref<128x16xf32, #tpu.memory_space<vmem>>)
      %dma_wait3A_2702 = arith.constant 1 : i32
      %dma_wait3A_2703 = arith.constant 16 : i32
      %dma_wait3A_2704 = arith.constant 0 : i32
      %dma_wait3A_2705 = arith.constant 0 : i32
      %dma_wait3A_2706 = tpu.memref_slice %arg7[%dma_wait3A_2702, %dma_wait3A_2703, %dma_wait3A_2704, %dma_wait3A_2705] : memref<2x20x128x16xf32, #tpu.memory_space<vmem>> -> memref<1x1x128x16xf32, #tpu.memory_space<vmem>>
      %dma_wait3A_2707 = tpu.memref_squeeze %dma_wait3A_2706 : memref<1x1x128x16xf32, #tpu.memory_space<vmem>> -> memref<128x16xf32, #tpu.memory_space<vmem>>
      %dma_wait3A_2708 = arith.constant 0 : i32
      %dma_wait3A_2709 = tpu.memref_slice %arg6[%select_n3A_2066, %select_n3A_2084, %dma_wait3A_2708] : memref<25x8x128xi32, #tpu.memory_space<vmem>> -> memref<1x1x128xi32, #tpu.memory_space<vmem>>
      %dma_wait3A_2710 = tpu.memref_squeeze %dma_wait3A_2709 : memref<1x1x128xi32, #tpu.memory_space<vmem>> -> memref<128xi32, #tpu.memory_space<vmem>>
      %dma_wait3A_2711 = arith.constant 0 : i32
      %dma_wait3A_2712 = arith.constant 0 : i32
      %dma_wait3A_2713 = tpu.memref_slice %arg2[%dma_wait3A_2711, %dma_wait3A_2712] : memref<400000x16xf32, #tpu.memory_space<hbm>> -> memref<400000x16xf32, #tpu.memory_space<hbm>>
      tpu.wait_indirect_dma semaphore(%arg11 : memref<!tpu.dma_semaphore, #tpu.memory_space<semaphore_mem>>) src(%dma_wait3A_2713 : memref<400000x16xf32, #tpu.memory_space<hbm>>) dst(%dma_wait3A_2707 : memref<128x16xf32, #tpu.memory_space<vmem>>)
      %dma_wait3A_2714 = arith.constant 1 : i32
      %dma_wait3A_2715 = arith.constant 17 : i32
      %dma_wait3A_2716 = arith.constant 0 : i32
      %dma_wait3A_2717 = arith.constant 0 : i32
      %dma_wait3A_2718 = tpu.memref_slice %arg7[%dma_wait3A_2714, %dma_wait3A_2715, %dma_wait3A_2716, %dma_wait3A_2717] : memref<2x20x128x16xf32, #tpu.memory_space<vmem>> -> memref<1x1x128x16xf32, #tpu.memory_space<vmem>>
      %dma_wait3A_2719 = tpu.memref_squeeze %dma_wait3A_2718 : memref<1x1x128x16xf32, #tpu.memory_space<vmem>> -> memref<128x16xf32, #tpu.memory_space<vmem>>
      %dma_wait3A_2720 = arith.constant 0 : i32
      %dma_wait3A_2721 = tpu.memref_slice %arg6[%select_n3A_2122, %select_n3A_2140, %dma_wait3A_2720] : memref<25x8x128xi32, #tpu.memory_space<vmem>> -> memref<1x1x128xi32, #tpu.memory_space<vmem>>
      %dma_wait3A_2722 = tpu.memref_squeeze %dma_wait3A_2721 : memref<1x1x128xi32, #tpu.memory_space<vmem>> -> memref<128xi32, #tpu.memory_space<vmem>>
      %dma_wait3A_2723 = arith.constant 0 : i32
      %dma_wait3A_2724 = arith.constant 0 : i32
      %dma_wait3A_2725 = tpu.memref_slice %arg2[%dma_wait3A_2723, %dma_wait3A_2724] : memref<400000x16xf32, #tpu.memory_space<hbm>> -> memref<400000x16xf32, #tpu.memory_space<hbm>>
      tpu.wait_indirect_dma semaphore(%arg11 : memref<!tpu.dma_semaphore, #tpu.memory_space<semaphore_mem>>) src(%dma_wait3A_2725 : memref<400000x16xf32, #tpu.memory_space<hbm>>) dst(%dma_wait3A_2719 : memref<128x16xf32, #tpu.memory_space<vmem>>)
      %dma_wait3A_2726 = arith.constant 1 : i32
      %dma_wait3A_2727 = arith.constant 18 : i32
      %dma_wait3A_2728 = arith.constant 0 : i32
      %dma_wait3A_2729 = arith.constant 0 : i32
      %dma_wait3A_2730 = tpu.memref_slice %arg7[%dma_wait3A_2726, %dma_wait3A_2727, %dma_wait3A_2728, %dma_wait3A_2729] : memref<2x20x128x16xf32, #tpu.memory_space<vmem>> -> memref<1x1x128x16xf32, #tpu.memory_space<vmem>>
      %dma_wait3A_2731 = tpu.memref_squeeze %dma_wait3A_2730 : memref<1x1x128x16xf32, #tpu.memory_space<vmem>> -> memref<128x16xf32, #tpu.memory_space<vmem>>
      %dma_wait3A_2732 = arith.constant 0 : i32
      %dma_wait3A_2733 = tpu.memref_slice %arg6[%select_n3A_2178, %select_n3A_2196, %dma_wait3A_2732] : memref<25x8x128xi32, #tpu.memory_space<vmem>> -> memref<1x1x128xi32, #tpu.memory_space<vmem>>
      %dma_wait3A_2734 = tpu.memref_squeeze %dma_wait3A_2733 : memref<1x1x128xi32, #tpu.memory_space<vmem>> -> memref<128xi32, #tpu.memory_space<vmem>>
      %dma_wait3A_2735 = arith.constant 0 : i32
      %dma_wait3A_2736 = arith.constant 0 : i32
      %dma_wait3A_2737 = tpu.memref_slice %arg2[%dma_wait3A_2735, %dma_wait3A_2736] : memref<400000x16xf32, #tpu.memory_space<hbm>> -> memref<400000x16xf32, #tpu.memory_space<hbm>>
      tpu.wait_indirect_dma semaphore(%arg11 : memref<!tpu.dma_semaphore, #tpu.memory_space<semaphore_mem>>) src(%dma_wait3A_2737 : memref<400000x16xf32, #tpu.memory_space<hbm>>) dst(%dma_wait3A_2731 : memref<128x16xf32, #tpu.memory_space<vmem>>)
      %dma_wait3A_2738 = arith.constant 1 : i32
      %dma_wait3A_2739 = arith.constant 19 : i32
      %dma_wait3A_2740 = arith.constant 0 : i32
      %dma_wait3A_2741 = arith.constant 0 : i32
      %dma_wait3A_2742 = tpu.memref_slice %arg7[%dma_wait3A_2738, %dma_wait3A_2739, %dma_wait3A_2740, %dma_wait3A_2741] : memref<2x20x128x16xf32, #tpu.memory_space<vmem>> -> memref<1x1x128x16xf32, #tpu.memory_space<vmem>>
      %dma_wait3A_2743 = tpu.memref_squeeze %dma_wait3A_2742 : memref<1x1x128x16xf32, #tpu.memory_space<vmem>> -> memref<128x16xf32, #tpu.memory_space<vmem>>
      %dma_wait3A_2744 = arith.constant 0 : i32
      %dma_wait3A_2745 = tpu.memref_slice %arg6[%select_n3A_2234, %select_n3A_2252, %dma_wait3A_2744] : memref<25x8x128xi32, #tpu.memory_space<vmem>> -> memref<1x1x128xi32, #tpu.memory_space<vmem>>
      %dma_wait3A_2746 = tpu.memref_squeeze %dma_wait3A_2745 : memref<1x1x128xi32, #tpu.memory_space<vmem>> -> memref<128xi32, #tpu.memory_space<vmem>>
      %dma_wait3A_2747 = arith.constant 0 : i32
      %dma_wait3A_2748 = arith.constant 0 : i32
      %dma_wait3A_2749 = tpu.memref_slice %arg2[%dma_wait3A_2747, %dma_wait3A_2748] : memref<400000x16xf32, #tpu.memory_space<hbm>> -> memref<400000x16xf32, #tpu.memory_space<hbm>>
      tpu.wait_indirect_dma semaphore(%arg11 : memref<!tpu.dma_semaphore, #tpu.memory_space<semaphore_mem>>) src(%dma_wait3A_2749 : memref<400000x16xf32, #tpu.memory_space<hbm>>) dst(%dma_wait3A_2743 : memref<128x16xf32, #tpu.memory_space<vmem>>)
      %scan3A_2750 = arith.constant 0 : i32
      %scan3A_2751 = arith.constant 0 : i32
      %scan3A_2752 = arith.constant 128 : i32
      %scan3A_2753 = arith.addi %scan3A_2751, %scan3A_2752 : i32
      %scan3A_2754 = arith.constant 1 : i32
      scf.for %scan3A_2756 = %scan3A_2751 to %scan3A_2753 step %scan3A_2754  : i32 {
        %get3A_2757 = arith.constant 1 : i32
        %get3A_2758 = arith.constant 0 : i32
        %get3A_2759 = arith.index_cast %get3A_2757 : i32 to index
        %get3A_2760 = arith.index_cast %get3A_2758 : i32 to index
        %get3A_2761 = arith.index_cast %scan3A_2756 : i32 to index
        %get3A_2762 = arith.constant 0 : index
        %get3A_2763 = tpu.vector_load %arg7[%get3A_2759, %get3A_2760, %get3A_2761, %get3A_2762] {strides = array<i32>} : memref<2x20x128x16xf32, #tpu.memory_space<vmem>>, vector<1x1x1x16xf32>,
        %get3A_2764 = vector.shape_cast %get3A_2763 : vector<1x1x1x16xf32> to vector<16xf32>
        %get3A_2765 = arith.constant 1 : i32
        %get3A_2766 = arith.constant 1 : i32
        %get3A_2767 = arith.index_cast %get3A_2765 : i32 to index
        %get3A_2768 = arith.index_cast %get3A_2766 : i32 to index
        %get3A_2769 = arith.index_cast %scan3A_2756 : i32 to index
        %get3A_2770 = arith.constant 0 : index
        %get3A_2771 = tpu.vector_load %arg7[%get3A_2767, %get3A_2768, %get3A_2769, %get3A_2770] {strides = array<i32>} : memref<2x20x128x16xf32, #tpu.memory_space<vmem>>, vector<1x1x1x16xf32>,
        %get3A_2772 = vector.shape_cast %get3A_2771 : vector<1x1x1x16xf32> to vector<16xf32>
        %add3A_2773 = arith.addf %get3A_2764, %get3A_2772 : vector<16xf32>
        %get3A_2774 = arith.constant 1 : i32
        %get3A_2775 = arith.constant 2 : i32
        %get3A_2776 = arith.index_cast %get3A_2774 : i32 to index
        %get3A_2777 = arith.index_cast %get3A_2775 : i32 to index
        %get3A_2778 = arith.index_cast %scan3A_2756 : i32 to index
        %get3A_2779 = arith.constant 0 : index
        %get3A_2780 = tpu.vector_load %arg7[%get3A_2776, %get3A_2777, %get3A_2778, %get3A_2779] {strides = array<i32>} : memref<2x20x128x16xf32, #tpu.memory_space<vmem>>, vector<1x1x1x16xf32>,
        %get3A_2781 = vector.shape_cast %get3A_2780 : vector<1x1x1x16xf32> to vector<16xf32>
        %add3A_2782 = arith.addf %add3A_2773, %get3A_2781 : vector<16xf32>
        %get3A_2783 = arith.constant 1 : i32
        %get3A_2784 = arith.constant 3 : i32
        %get3A_2785 = arith.index_cast %get3A_2783 : i32 to index
        %get3A_2786 = arith.index_cast %get3A_2784 : i32 to index
        %get3A_2787 = arith.index_cast %scan3A_2756 : i32 to index
        %get3A_2788 = arith.constant 0 : index
        %get3A_2789 = tpu.vector_load %arg7[%get3A_2785, %get3A_2786, %get3A_2787, %get3A_2788] {strides = array<i32>} : memref<2x20x128x16xf32, #tpu.memory_space<vmem>>, vector<1x1x1x16xf32>,
        %get3A_2790 = vector.shape_cast %get3A_2789 : vector<1x1x1x16xf32> to vector<16xf32>
        %add3A_2791 = arith.addf %add3A_2782, %get3A_2790 : vector<16xf32>
        %get3A_2792 = arith.constant 1 : i32
        %get3A_2793 = arith.constant 4 : i32
        %get3A_2794 = arith.index_cast %get3A_2792 : i32 to index
        %get3A_2795 = arith.index_cast %get3A_2793 : i32 to index
        %get3A_2796 = arith.index_cast %scan3A_2756 : i32 to index
        %get3A_2797 = arith.constant 0 : index
        %get3A_2798 = tpu.vector_load %arg7[%get3A_2794, %get3A_2795, %get3A_2796, %get3A_2797] {strides = array<i32>} : memref<2x20x128x16xf32, #tpu.memory_space<vmem>>, vector<1x1x1x16xf32>,
        %get3A_2799 = vector.shape_cast %get3A_2798 : vector<1x1x1x16xf32> to vector<16xf32>
        %add3A_2800 = arith.addf %add3A_2791, %get3A_2799 : vector<16xf32>
        %get3A_2801 = arith.constant 1 : i32
        %get3A_2802 = arith.constant 5 : i32
        %get3A_2803 = arith.index_cast %get3A_2801 : i32 to index
        %get3A_2804 = arith.index_cast %get3A_2802 : i32 to index
        %get3A_2805 = arith.index_cast %scan3A_2756 : i32 to index
        %get3A_2806 = arith.constant 0 : index
        %get3A_2807 = tpu.vector_load %arg7[%get3A_2803, %get3A_2804, %get3A_2805, %get3A_2806] {strides = array<i32>} : memref<2x20x128x16xf32, #tpu.memory_space<vmem>>, vector<1x1x1x16xf32>,
        %get3A_2808 = vector.shape_cast %get3A_2807 : vector<1x1x1x16xf32> to vector<16xf32>
        %add3A_2809 = arith.addf %add3A_2800, %get3A_2808 : vector<16xf32>
        %get3A_2810 = arith.constant 1 : i32
        %get3A_2811 = arith.constant 6 : i32
        %get3A_2812 = arith.index_cast %get3A_2810 : i32 to index
        %get3A_2813 = arith.index_cast %get3A_2811 : i32 to index
        %get3A_2814 = arith.index_cast %scan3A_2756 : i32 to index
        %get3A_2815 = arith.constant 0 : index
        %get3A_2816 = tpu.vector_load %arg7[%get3A_2812, %get3A_2813, %get3A_2814, %get3A_2815] {strides = array<i32>} : memref<2x20x128x16xf32, #tpu.memory_space<vmem>>, vector<1x1x1x16xf32>,
        %get3A_2817 = vector.shape_cast %get3A_2816 : vector<1x1x1x16xf32> to vector<16xf32>
        %add3A_2818 = arith.addf %add3A_2809, %get3A_2817 : vector<16xf32>
        %get3A_2819 = arith.constant 1 : i32
        %get3A_2820 = arith.constant 7 : i32
        %get3A_2821 = arith.index_cast %get3A_2819 : i32 to index
        %get3A_2822 = arith.index_cast %get3A_2820 : i32 to index
        %get3A_2823 = arith.index_cast %scan3A_2756 : i32 to index
        %get3A_2824 = arith.constant 0 : index
        %get3A_2825 = tpu.vector_load %arg7[%get3A_2821, %get3A_2822, %get3A_2823, %get3A_2824] {strides = array<i32>} : memref<2x20x128x16xf32, #tpu.memory_space<vmem>>, vector<1x1x1x16xf32>,
        %get3A_2826 = vector.shape_cast %get3A_2825 : vector<1x1x1x16xf32> to vector<16xf32>
        %add3A_2827 = arith.addf %add3A_2818, %get3A_2826 : vector<16xf32>
        %get3A_2828 = arith.constant 1 : i32
        %get3A_2829 = arith.constant 8 : i32
        %get3A_2830 = arith.index_cast %get3A_2828 : i32 to index
        %get3A_2831 = arith.index_cast %get3A_2829 : i32 to index
        %get3A_2832 = arith.index_cast %scan3A_2756 : i32 to index
        %get3A_2833 = arith.constant 0 : index
        %get3A_2834 = tpu.vector_load %arg7[%get3A_2830, %get3A_2831, %get3A_2832, %get3A_2833] {strides = array<i32>} : memref<2x20x128x16xf32, #tpu.memory_space<vmem>>, vector<1x1x1x16xf32>,
        %get3A_2835 = vector.shape_cast %get3A_2834 : vector<1x1x1x16xf32> to vector<16xf32>
        %add3A_2836 = arith.addf %add3A_2827, %get3A_2835 : vector<16xf32>
        %get3A_2837 = arith.constant 1 : i32
        %get3A_2838 = arith.constant 9 : i32
        %get3A_2839 = arith.index_cast %get3A_2837 : i32 to index
        %get3A_2840 = arith.index_cast %get3A_2838 : i32 to index
        %get3A_2841 = arith.index_cast %scan3A_2756 : i32 to index
        %get3A_2842 = arith.constant 0 : index
        %get3A_2843 = tpu.vector_load %arg7[%get3A_2839, %get3A_2840, %get3A_2841, %get3A_2842] {strides = array<i32>} : memref<2x20x128x16xf32, #tpu.memory_space<vmem>>, vector<1x1x1x16xf32>,
        %get3A_2844 = vector.shape_cast %get3A_2843 : vector<1x1x1x16xf32> to vector<16xf32>
        %add3A_2845 = arith.addf %add3A_2836, %get3A_2844 : vector<16xf32>
        %get3A_2846 = arith.constant 1 : i32
        %get3A_2847 = arith.constant 10 : i32
        %get3A_2848 = arith.index_cast %get3A_2846 : i32 to index
        %get3A_2849 = arith.index_cast %get3A_2847 : i32 to index
        %get3A_2850 = arith.index_cast %scan3A_2756 : i32 to index
        %get3A_2851 = arith.constant 0 : index
        %get3A_2852 = tpu.vector_load %arg7[%get3A_2848, %get3A_2849, %get3A_2850, %get3A_2851] {strides = array<i32>} : memref<2x20x128x16xf32, #tpu.memory_space<vmem>>, vector<1x1x1x16xf32>,
        %get3A_2853 = vector.shape_cast %get3A_2852 : vector<1x1x1x16xf32> to vector<16xf32>
        %add3A_2854 = arith.addf %add3A_2845, %get3A_2853 : vector<16xf32>
        %get3A_2855 = arith.constant 1 : i32
        %get3A_2856 = arith.constant 11 : i32
        %get3A_2857 = arith.index_cast %get3A_2855 : i32 to index
        %get3A_2858 = arith.index_cast %get3A_2856 : i32 to index
        %get3A_2859 = arith.index_cast %scan3A_2756 : i32 to index
        %get3A_2860 = arith.constant 0 : index
        %get3A_2861 = tpu.vector_load %arg7[%get3A_2857, %get3A_2858, %get3A_2859, %get3A_2860] {strides = array<i32>} : memref<2x20x128x16xf32, #tpu.memory_space<vmem>>, vector<1x1x1x16xf32>,
        %get3A_2862 = vector.shape_cast %get3A_2861 : vector<1x1x1x16xf32> to vector<16xf32>
        %add3A_2863 = arith.addf %add3A_2854, %get3A_2862 : vector<16xf32>
        %get3A_2864 = arith.constant 1 : i32
        %get3A_2865 = arith.constant 12 : i32
        %get3A_2866 = arith.index_cast %get3A_2864 : i32 to index
        %get3A_2867 = arith.index_cast %get3A_2865 : i32 to index
        %get3A_2868 = arith.index_cast %scan3A_2756 : i32 to index
        %get3A_2869 = arith.constant 0 : index
        %get3A_2870 = tpu.vector_load %arg7[%get3A_2866, %get3A_2867, %get3A_2868, %get3A_2869] {strides = array<i32>} : memref<2x20x128x16xf32, #tpu.memory_space<vmem>>, vector<1x1x1x16xf32>,
        %get3A_2871 = vector.shape_cast %get3A_2870 : vector<1x1x1x16xf32> to vector<16xf32>
        %add3A_2872 = arith.addf %add3A_2863, %get3A_2871 : vector<16xf32>
        %get3A_2873 = arith.constant 1 : i32
        %get3A_2874 = arith.constant 13 : i32
        %get3A_2875 = arith.index_cast %get3A_2873 : i32 to index
        %get3A_2876 = arith.index_cast %get3A_2874 : i32 to index
        %get3A_2877 = arith.index_cast %scan3A_2756 : i32 to index
        %get3A_2878 = arith.constant 0 : index
        %get3A_2879 = tpu.vector_load %arg7[%get3A_2875, %get3A_2876, %get3A_2877, %get3A_2878] {strides = array<i32>} : memref<2x20x128x16xf32, #tpu.memory_space<vmem>>, vector<1x1x1x16xf32>,
        %get3A_2880 = vector.shape_cast %get3A_2879 : vector<1x1x1x16xf32> to vector<16xf32>
        %add3A_2881 = arith.addf %add3A_2872, %get3A_2880 : vector<16xf32>
        %get3A_2882 = arith.constant 1 : i32
        %get3A_2883 = arith.constant 14 : i32
        %get3A_2884 = arith.index_cast %get3A_2882 : i32 to index
        %get3A_2885 = arith.index_cast %get3A_2883 : i32 to index
        %get3A_2886 = arith.index_cast %scan3A_2756 : i32 to index
        %get3A_2887 = arith.constant 0 : index
        %get3A_2888 = tpu.vector_load %arg7[%get3A_2884, %get3A_2885, %get3A_2886, %get3A_2887] {strides = array<i32>} : memref<2x20x128x16xf32, #tpu.memory_space<vmem>>, vector<1x1x1x16xf32>,
        %get3A_2889 = vector.shape_cast %get3A_2888 : vector<1x1x1x16xf32> to vector<16xf32>
        %add3A_2890 = arith.addf %add3A_2881, %get3A_2889 : vector<16xf32>
        %get3A_2891 = arith.constant 1 : i32
        %get3A_2892 = arith.constant 15 : i32
        %get3A_2893 = arith.index_cast %get3A_2891 : i32 to index
        %get3A_2894 = arith.index_cast %get3A_2892 : i32 to index
        %get3A_2895 = arith.index_cast %scan3A_2756 : i32 to index
        %get3A_2896 = arith.constant 0 : index
        %get3A_2897 = tpu.vector_load %arg7[%get3A_2893, %get3A_2894, %get3A_2895, %get3A_2896] {strides = array<i32>} : memref<2x20x128x16xf32, #tpu.memory_space<vmem>>, vector<1x1x1x16xf32>,
        %get3A_2898 = vector.shape_cast %get3A_2897 : vector<1x1x1x16xf32> to vector<16xf32>
        %add3A_2899 = arith.addf %add3A_2890, %get3A_2898 : vector<16xf32>
        %get3A_2900 = arith.constant 1 : i32
        %get3A_2901 = arith.constant 16 : i32
        %get3A_2902 = arith.index_cast %get3A_2900 : i32 to index
        %get3A_2903 = arith.index_cast %get3A_2901 : i32 to index
        %get3A_2904 = arith.index_cast %scan3A_2756 : i32 to index
        %get3A_2905 = arith.constant 0 : index
        %get3A_2906 = tpu.vector_load %arg7[%get3A_2902, %get3A_2903, %get3A_2904, %get3A_2905] {strides = array<i32>} : memref<2x20x128x16xf32, #tpu.memory_space<vmem>>, vector<1x1x1x16xf32>,
        %get3A_2907 = vector.shape_cast %get3A_2906 : vector<1x1x1x16xf32> to vector<16xf32>
        %add3A_2908 = arith.addf %add3A_2899, %get3A_2907 : vector<16xf32>
        %get3A_2909 = arith.constant 1 : i32
        %get3A_2910 = arith.constant 17 : i32
        %get3A_2911 = arith.index_cast %get3A_2909 : i32 to index
        %get3A_2912 = arith.index_cast %get3A_2910 : i32 to index
        %get3A_2913 = arith.index_cast %scan3A_2756 : i32 to index
        %get3A_2914 = arith.constant 0 : index
        %get3A_2915 = tpu.vector_load %arg7[%get3A_2911, %get3A_2912, %get3A_2913, %get3A_2914] {strides = array<i32>} : memref<2x20x128x16xf32, #tpu.memory_space<vmem>>, vector<1x1x1x16xf32>,
        %get3A_2916 = vector.shape_cast %get3A_2915 : vector<1x1x1x16xf32> to vector<16xf32>
        %add3A_2917 = arith.addf %add3A_2908, %get3A_2916 : vector<16xf32>
        %get3A_2918 = arith.constant 1 : i32
        %get3A_2919 = arith.constant 18 : i32
        %get3A_2920 = arith.index_cast %get3A_2918 : i32 to index
        %get3A_2921 = arith.index_cast %get3A_2919 : i32 to index
        %get3A_2922 = arith.index_cast %scan3A_2756 : i32 to index
        %get3A_2923 = arith.constant 0 : index
        %get3A_2924 = tpu.vector_load %arg7[%get3A_2920, %get3A_2921, %get3A_2922, %get3A_2923] {strides = array<i32>} : memref<2x20x128x16xf32, #tpu.memory_space<vmem>>, vector<1x1x1x16xf32>,
        %get3A_2925 = vector.shape_cast %get3A_2924 : vector<1x1x1x16xf32> to vector<16xf32>
        %add3A_2926 = arith.addf %add3A_2917, %get3A_2925 : vector<16xf32>
        %get3A_2927 = arith.constant 1 : i32
        %get3A_2928 = arith.constant 19 : i32
        %get3A_2929 = arith.index_cast %get3A_2927 : i32 to index
        %get3A_2930 = arith.index_cast %get3A_2928 : i32 to index
        %get3A_2931 = arith.index_cast %scan3A_2756 : i32 to index
        %get3A_2932 = arith.constant 0 : index
        %get3A_2933 = tpu.vector_load %arg7[%get3A_2929, %get3A_2930, %get3A_2931, %get3A_2932] {strides = array<i32>} : memref<2x20x128x16xf32, #tpu.memory_space<vmem>>, vector<1x1x1x16xf32>,
        %get3A_2934 = vector.shape_cast %get3A_2933 : vector<1x1x1x16xf32> to vector<16xf32>
        %add3A_2935 = arith.addf %add3A_2926, %get3A_2934 : vector<16xf32>
        %get3A_2936 = arith.index_cast %scan3A_2756 : i32 to index
        %get3A_2937 = arith.constant 0 : index
        %get3A_2938 = tpu.vector_load %arg8[%get3A_2936, %get3A_2937] {strides = array<i32>} : memref<128x16xf32, #tpu.memory_space<vmem>>, vector<1x16xf32>,
        %get3A_2939 = vector.shape_cast %get3A_2938 : vector<1x16xf32> to vector<16xf32>
        %add3A_2940 = arith.addf %get3A_2939, %add3A_2935 : vector<16xf32>
        %swap3A = arith.index_cast %scan3A_2756 : i32 to index
        %swap3A_2941 = arith.constant 0 : index
        %swap3A_2942 = tpu.vector_load %arg8[%swap3A, %swap3A_2941] {strides = array<i32>} : memref<128x16xf32, #tpu.memory_space<vmem>>, vector<1x16xf32>,
        %swap3A_2943 = vector.shape_cast %swap3A_2942 : vector<1x16xf32> to vector<16xf32>
        %swap3A_2944 = vector.shape_cast %add3A_2940 : vector<16xf32> to vector<1x16xf32>
        tpu.vector_store %arg8[%swap3A, %swap3A_2941], %swap3A_2944 {strides = array<i32>} : memref<128x16xf32, #tpu.memory_space<vmem>>, vector<1x16xf32>,
      }
      %scan3A_2755 = arith.constant 128 : i32
    }
    %scan3A_12 = arith.constant 5 : i32
    %get3A = arith.constant 0 : i32
    %get3A_13 = arith.index_cast %get3A : i32 to index
    %get3A_14 = arith.constant 0 : index
    %get3A_15 = tpu.vector_load %arg9[%get3A_13, %get3A_14] {strides = array<i32>} : memref<12x16xf32, #tpu.memory_space<vmem>>, vector<1x16xf32>,
    %get3A_16 = vector.shape_cast %get3A_15 : vector<1x16xf32> to vector<16xf32>
    %get3A_17 = arith.constant 1 : i32
    %get3A_18 = arith.index_cast %get3A_17 : i32 to index
    %get3A_19 = arith.constant 0 : index
    %get3A_20 = tpu.vector_load %arg9[%get3A_18, %get3A_19] {strides = array<i32>} : memref<12x16xf32, #tpu.memory_space<vmem>>, vector<1x16xf32>,
    %get3A_21 = vector.shape_cast %get3A_20 : vector<1x16xf32> to vector<16xf32>
    %scan3A_22 = arith.constant 0 : i32
    %scan3A_23 = arith.constant 5.000000e-03 : f32
    %scan3A_24 = arith.constant 0 : i32
    %scan3A_25 = arith.constant 128 : i32
    %scan3A_26 = arith.addi %scan3A_24, %scan3A_25 : i32
    %scan3A_27 = arith.constant 1 : i32
    scf.for %scan3A_29 = %scan3A_24 to %scan3A_26 step %scan3A_27  : i32 {
      %get3A_30 = arith.index_cast %scan3A_29 : i32 to index
      %get3A_31 = arith.constant 0 : index
      %get3A_32 = tpu.vector_load %arg8[%get3A_30, %get3A_31] {strides = array<i32>} : memref<128x16xf32, #tpu.memory_space<vmem>>, vector<1x16xf32>,
      %get3A_33 = vector.shape_cast %get3A_32 : vector<1x16xf32> to vector<16xf32>
      %mul3A_34 = vector.broadcast %scan3A_23 : f32 to vector<16xf32>
      %mul3A_35 = arith.mulf %get3A_33, %mul3A_34 : vector<16xf32>
      %add3A_36 = arith.addf %mul3A_35, %get3A_16 : vector<16xf32>
      %max3A = arith.constant 0.000000e+00 : f32
      %max3A_37 = vector.broadcast %max3A : f32 to vector<16xf32>
      %max3A_38 = arith.maximumf %add3A_36, %max3A_37 : vector<16xf32>
      %slice3A = vector.extract_strided_slice %max3A_38 {offsets = [0], sizes = [1], strides = [1]} : vector<16xf32> to vector<1xf32>
      %squeeze3A = vector.extract %slice3A[0] : f32 from vector<1xf32>
      %get3A_39 = arith.constant 2 : i32
      %get3A_40 = arith.index_cast %get3A_39 : i32 to index
      %get3A_41 = arith.constant 0 : index
      %get3A_42 = tpu.vector_load %arg9[%get3A_40, %get3A_41] {strides = array<i32>} : memref<12x16xf32, #tpu.memory_space<vmem>>, vector<1x16xf32>,
      %get3A_43 = vector.shape_cast %get3A_42 : vector<1x16xf32> to vector<16xf32>
      %mul3A_44 = vector.broadcast %squeeze3A : f32 to vector<16xf32>
      %mul3A_45 = arith.mulf %mul3A_44, %get3A_43 : vector<16xf32>
      %add3A_46 = arith.addf %get3A_21, %mul3A_45 : vector<16xf32>
      %slice3A_47 = vector.extract_strided_slice %max3A_38 {offsets = [1], sizes = [1], strides = [1]} : vector<16xf32> to vector<1xf32>
      %squeeze3A_48 = vector.extract %slice3A_47[0] : f32 from vector<1xf32>
      %get3A_49 = arith.constant 3 : i32
      %get3A_50 = arith.index_cast %get3A_49 : i32 to index
      %get3A_51 = arith.constant 0 : index
      %get3A_52 = tpu.vector_load %arg9[%get3A_50, %get3A_51] {strides = array<i32>} : memref<12x16xf32, #tpu.memory_space<vmem>>, vector<1x16xf32>,
      %get3A_53 = vector.shape_cast %get3A_52 : vector<1x16xf32> to vector<16xf32>
      %mul3A_54 = vector.broadcast %squeeze3A_48 : f32 to vector<16xf32>
      %mul3A_55 = arith.mulf %mul3A_54, %get3A_53 : vector<16xf32>
      %add3A_56 = arith.addf %add3A_46, %mul3A_55 : vector<16xf32>
      %slice3A_57 = vector.extract_strided_slice %max3A_38 {offsets = [2], sizes = [1], strides = [1]} : vector<16xf32> to vector<1xf32>
      %squeeze3A_58 = vector.extract %slice3A_57[0] : f32 from vector<1xf32>
      %get3A_59 = arith.constant 4 : i32
      %get3A_60 = arith.index_cast %get3A_59 : i32 to index
      %get3A_61 = arith.constant 0 : index
      %get3A_62 = tpu.vector_load %arg9[%get3A_60, %get3A_61] {strides = array<i32>} : memref<12x16xf32, #tpu.memory_space<vmem>>, vector<1x16xf32>,
      %get3A_63 = vector.shape_cast %get3A_62 : vector<1x16xf32> to vector<16xf32>
      %mul3A_64 = vector.broadcast %squeeze3A_58 : f32 to vector<16xf32>
      %mul3A_65 = arith.mulf %mul3A_64, %get3A_63 : vector<16xf32>
      %add3A_66 = arith.addf %add3A_56, %mul3A_65 : vector<16xf32>
      %slice3A_67 = vector.extract_strided_slice %max3A_38 {offsets = [3], sizes = [1], strides = [1]} : vector<16xf32> to vector<1xf32>
      %squeeze3A_68 = vector.extract %slice3A_67[0] : f32 from vector<1xf32>
      %get3A_69 = arith.constant 5 : i32
      %get3A_70 = arith.index_cast %get3A_69 : i32 to index
      %get3A_71 = arith.constant 0 : index
      %get3A_72 = tpu.vector_load %arg9[%get3A_70, %get3A_71] {strides = array<i32>} : memref<12x16xf32, #tpu.memory_space<vmem>>, vector<1x16xf32>,
      %get3A_73 = vector.shape_cast %get3A_72 : vector<1x16xf32> to vector<16xf32>
      %mul3A_74 = vector.broadcast %squeeze3A_68 : f32 to vector<16xf32>
      %mul3A_75 = arith.mulf %mul3A_74, %get3A_73 : vector<16xf32>
      %add3A_76 = arith.addf %add3A_66, %mul3A_75 : vector<16xf32>
      %slice3A_77 = vector.extract_strided_slice %max3A_38 {offsets = [4], sizes = [1], strides = [1]} : vector<16xf32> to vector<1xf32>
      %squeeze3A_78 = vector.extract %slice3A_77[0] : f32 from vector<1xf32>
      %get3A_79 = arith.constant 6 : i32
      %get3A_80 = arith.index_cast %get3A_79 : i32 to index
      %get3A_81 = arith.constant 0 : index
      %get3A_82 = tpu.vector_load %arg9[%get3A_80, %get3A_81] {strides = array<i32>} : memref<12x16xf32, #tpu.memory_space<vmem>>, vector<1x16xf32>,
      %get3A_83 = vector.shape_cast %get3A_82 : vector<1x16xf32> to vector<16xf32>
      %mul3A_84 = vector.broadcast %squeeze3A_78 : f32 to vector<16xf32>
      %mul3A_85 = arith.mulf %mul3A_84, %get3A_83 : vector<16xf32>
      %add3A_86 = arith.addf %add3A_76, %mul3A_85 : vector<16xf32>
      %slice3A_87 = vector.extract_strided_slice %max3A_38 {offsets = [5], sizes = [1], strides = [1]} : vector<16xf32> to vector<1xf32>
      %squeeze3A_88 = vector.extract %slice3A_87[0] : f32 from vector<1xf32>
      %get3A_89 = arith.constant 7 : i32
      %get3A_90 = arith.index_cast %get3A_89 : i32 to index
      %get3A_91 = arith.constant 0 : index
      %get3A_92 = tpu.vector_load %arg9[%get3A_90, %get3A_91] {strides = array<i32>} : memref<12x16xf32, #tpu.memory_space<vmem>>, vector<1x16xf32>,
      %get3A_93 = vector.shape_cast %get3A_92 : vector<1x16xf32> to vector<16xf32>
      %mul3A_94 = vector.broadcast %squeeze3A_88 : f32 to vector<16xf32>
      %mul3A_95 = arith.mulf %mul3A_94, %get3A_93 : vector<16xf32>
      %add3A_96 = arith.addf %add3A_86, %mul3A_95 : vector<16xf32>
      %slice3A_97 = vector.extract_strided_slice %max3A_38 {offsets = [6], sizes = [1], strides = [1]} : vector<16xf32> to vector<1xf32>
      %squeeze3A_98 = vector.extract %slice3A_97[0] : f32 from vector<1xf32>
      %get3A_99 = arith.constant 8 : i32
      %get3A_100 = arith.index_cast %get3A_99 : i32 to index
      %get3A_101 = arith.constant 0 : index
      %get3A_102 = tpu.vector_load %arg9[%get3A_100, %get3A_101] {strides = array<i32>} : memref<12x16xf32, #tpu.memory_space<vmem>>, vector<1x16xf32>,
      %get3A_103 = vector.shape_cast %get3A_102 : vector<1x16xf32> to vector<16xf32>
      %mul3A_104 = vector.broadcast %squeeze3A_98 : f32 to vector<16xf32>
      %mul3A_105 = arith.mulf %mul3A_104, %get3A_103 : vector<16xf32>
      %add3A_106 = arith.addf %add3A_96, %mul3A_105 : vector<16xf32>
      %slice3A_107 = vector.extract_strided_slice %max3A_38 {offsets = [7], sizes = [1], strides = [1]} : vector<16xf32> to vector<1xf32>
      %squeeze3A_108 = vector.extract %slice3A_107[0] : f32 from vector<1xf32>
      %get3A_109 = arith.constant 9 : i32
      %get3A_110 = arith.index_cast %get3A_109 : i32 to index
      %get3A_111 = arith.constant 0 : index
      %get3A_112 = tpu.vector_load %arg9[%get3A_110, %get3A_111] {strides = array<i32>} : memref<12x16xf32, #tpu.memory_space<vmem>>, vector<1x16xf32>,
      %get3A_113 = vector.shape_cast %get3A_112 : vector<1x16xf32> to vector<16xf32>
      %mul3A_114 = vector.broadcast %squeeze3A_108 : f32 to vector<16xf32>
      %mul3A_115 = arith.mulf %mul3A_114, %get3A_113 : vector<16xf32>
      %add3A_116 = arith.addf %add3A_106, %mul3A_115 : vector<16xf32>
      %slice3A_117 = vector.extract_strided_slice %max3A_38 {offsets = [8], sizes = [1], strides = [1]} : vector<16xf32> to vector<1xf32>
      %squeeze3A_118 = vector.extract %slice3A_117[0] : f32 from vector<1xf32>
      %get3A_119 = arith.constant 10 : i32
      %get3A_120 = arith.index_cast %get3A_119 : i32 to index
      %get3A_121 = arith.constant 0 : index
      %get3A_122 = tpu.vector_load %arg9[%get3A_120, %get3A_121] {strides = array<i32>} : memref<12x16xf32, #tpu.memory_space<vmem>>, vector<1x16xf32>,
      %get3A_123 = vector.shape_cast %get3A_122 : vector<1x16xf32> to vector<16xf32>
      %mul3A_124 = vector.broadcast %squeeze3A_118 : f32 to vector<16xf32>
      %mul3A_125 = arith.mulf %mul3A_124, %get3A_123 : vector<16xf32>
      %add3A_126 = arith.addf %add3A_116, %mul3A_125 : vector<16xf32>
      %slice3A_127 = vector.extract_strided_slice %max3A_38 {offsets = [9], sizes = [1], strides = [1]} : vector<16xf32> to vector<1xf32>
      %squeeze3A_128 = vector.extract %slice3A_127[0] : f32 from vector<1xf32>
      %get3A_129 = arith.constant 11 : i32
      %get3A_130 = arith.index_cast %get3A_129 : i32 to index
      %get3A_131 = arith.constant 0 : index
      %get3A_132 = tpu.vector_load %arg9[%get3A_130, %get3A_131] {strides = array<i32>} : memref<12x16xf32, #tpu.memory_space<vmem>>, vector<1x16xf32>,
      %get3A_133 = vector.shape_cast %get3A_132 : vector<1x16xf32> to vector<16xf32>
      %mul3A_134 = vector.broadcast %squeeze3A_128 : f32 to vector<16xf32>
      %mul3A_135 = arith.mulf %mul3A_134, %get3A_133 : vector<16xf32>
      %add3A_136 = arith.addf %add3A_126, %mul3A_135 : vector<16xf32>
      %swap3A = arith.index_cast %scan3A_29 : i32 to index
      %swap3A_137 = arith.constant 0 : index
      %swap3A_138 = tpu.vector_load %arg8[%swap3A, %swap3A_137] {strides = array<i32>} : memref<128x16xf32, #tpu.memory_space<vmem>>, vector<1x16xf32>,
      %swap3A_139 = vector.shape_cast %swap3A_138 : vector<1x16xf32> to vector<16xf32>
      %swap3A_140 = vector.shape_cast %add3A_136 : vector<16xf32> to vector<1x16xf32>
      tpu.vector_store %arg8[%swap3A, %swap3A_137], %swap3A_140 {strides = array<i32>} : memref<128x16xf32, #tpu.memory_space<vmem>>, vector<1x16xf32>,
    }
    %scan3A_28 = arith.constant 128 : i32
    "tpu.region"() ({
      %run_scoped3A = tpu.sem_alloc : memref<!tpu.dma_semaphore, #tpu.memory_space<semaphore_mem>>
      %dma_start3A = arith.constant 0 : i32
      %dma_start3A_29 = arith.constant 0 : i32
      %dma_start3A_30 = tpu.memref_slice %arg5[%add3A, %dma_start3A, %dma_start3A_29] : memref<32x128x16xf32, #tpu.memory_space<hbm>> -> memref<1x128x16xf32, #tpu.memory_space<hbm>>
      %dma_start3A_31 = tpu.memref_squeeze %dma_start3A_30 : memref<1x128x16xf32, #tpu.memory_space<hbm>> -> memref<128x16xf32, #tpu.memory_space<hbm>>
      %dma_start3A_32 = arith.constant 0 : i32
      %dma_start3A_33 = arith.constant 0 : i32
      %dma_start3A_34 = tpu.memref_slice %arg5[%add3A, %dma_start3A_32, %dma_start3A_33] : memref<32x128x16xf32, #tpu.memory_space<hbm>> -> memref<1x128x16xf32, #tpu.memory_space<hbm>>
      %dma_start3A_35 = tpu.memref_squeeze %dma_start3A_34 : memref<1x128x16xf32, #tpu.memory_space<hbm>> -> memref<128x16xf32, #tpu.memory_space<hbm>>
      tpu.enqueue_dma source(%arg8 : memref<128x16xf32, #tpu.memory_space<vmem>>) target(%dma_start3A_35 : memref<128x16xf32, #tpu.memory_space<hbm>>) target_semaphore(%run_scoped3A : memref<!tpu.dma_semaphore, #tpu.memory_space<semaphore_mem>>)
      %dma_wait3A = arith.constant 0 : i32
      %dma_wait3A_36 = arith.constant 0 : i32
      %dma_wait3A_37 = tpu.memref_slice %arg5[%add3A, %dma_wait3A, %dma_wait3A_36] : memref<32x128x16xf32, #tpu.memory_space<hbm>> -> memref<1x128x16xf32, #tpu.memory_space<hbm>>
      %dma_wait3A_38 = tpu.memref_squeeze %dma_wait3A_37 : memref<1x128x16xf32, #tpu.memory_space<hbm>> -> memref<128x16xf32, #tpu.memory_space<hbm>>
      %dma_wait3A_39 = arith.constant 0 : i32
      %dma_wait3A_40 = arith.constant 0 : i32
      %dma_wait3A_41 = tpu.memref_slice %arg5[%add3A, %dma_wait3A_39, %dma_wait3A_40] : memref<32x128x16xf32, #tpu.memory_space<hbm>> -> memref<1x128x16xf32, #tpu.memory_space<hbm>>
      %dma_wait3A_42 = tpu.memref_squeeze %dma_wait3A_41 : memref<1x128x16xf32, #tpu.memory_space<hbm>> -> memref<128x16xf32, #tpu.memory_space<hbm>>
      tpu.wait_dma2 semaphore(%run_scoped3A : memref<!tpu.dma_semaphore, #tpu.memory_space<semaphore_mem>>) src(%arg8 : memref<128x16xf32, #tpu.memory_space<vmem>>) dst(%dma_wait3A_42 : memref<128x16xf32, #tpu.memory_space<hbm>>)
      tpu.yield
    }) : () -> ()
    return
  }
}

module attributes {stable_mosaic.version = 14 : i64} {
  func.func @_proj_body(%arg0: i32, %arg1: memref<100x16000xf32, #tpu.memory_space<vmem>>, %arg2: memref<100x16xf32, #tpu.memory_space<vmem>>, %arg3: memref<2000x128xf32, #tpu.memory_space<vmem>>) attributes {dimension_semantics = [#tpu.dimension_semantics<arbitrary>], iteration_bounds = array<i64: 25>, scalar_prefetch = 0 : i64, scratch_operands = 0 : i64, tpu.core_type = #tpu.core_type<tc>, window_params = [{transform_indices = @transform_0, window_bounds = array<i64: 100, 16000>}, {pipeline_mode = #tpu.pipeline_mode<synchronous>, transform_indices = @transform_1, window_bounds = array<i64: 100, 16>}, {transform_indices = @transform_2, window_bounds = array<i64: 2000, 128>}]} {
    %get3A = arith.constant 0 : index
    %get3A_0 = arith.constant 0 : index
    %get3A_1 = vector.load %arg1[%get3A, %get3A_0] : memref<100x16000xf32, #tpu.memory_space<vmem>>, vector<100x16000xf32>
    %get3A_2 = arith.constant 0 : index
    %get3A_3 = arith.constant 0 : index
    %get3A_4 = vector.load %arg2[%get3A_2, %get3A_3] : memref<100x16xf32, #tpu.memory_space<vmem>>, vector<100x16xf32>
    %dot_general3A = arith.constant dense<0.000000e+00> : vector<16000x16xf32>
    %dot_general3A_5 = tpu.matmul %get3A_1, %get3A_4, %dot_general3A {dimension_numbers = #tpu.dot_dimension_numbers<[0], [0], [1], [1], [0, 1, 1, 1], [], []>, transpose_lhs_hint = false} : vector<100x16000xf32>, vector<100x16xf32>, vector<16000x16xf32> -> vector<16000x16xf32>
    %reshape3A = vector.shape_cast %dot_general3A_5 : vector<16000x16xf32> to vector<2000x8x16xf32>
    %slice3A = vector.extract_strided_slice %reshape3A {offsets = [0, 0, 0], sizes = [2000, 1, 16], strides = [1, 1, 1]} : vector<2000x8x16xf32> to vector<2000x1x16xf32>
    %squeeze3A = vector.shape_cast %slice3A : vector<2000x1x16xf32> to vector<2000x16xf32>
    %slice3A_6 = vector.extract_strided_slice %reshape3A {offsets = [0, 1, 0], sizes = [2000, 1, 16], strides = [1, 1, 1]} : vector<2000x8x16xf32> to vector<2000x1x16xf32>
    %squeeze3A_7 = vector.shape_cast %slice3A_6 : vector<2000x1x16xf32> to vector<2000x16xf32>
    %slice3A_8 = vector.extract_strided_slice %reshape3A {offsets = [0, 2, 0], sizes = [2000, 1, 16], strides = [1, 1, 1]} : vector<2000x8x16xf32> to vector<2000x1x16xf32>
    %squeeze3A_9 = vector.shape_cast %slice3A_8 : vector<2000x1x16xf32> to vector<2000x16xf32>
    %slice3A_10 = vector.extract_strided_slice %reshape3A {offsets = [0, 3, 0], sizes = [2000, 1, 16], strides = [1, 1, 1]} : vector<2000x8x16xf32> to vector<2000x1x16xf32>
    %squeeze3A_11 = vector.shape_cast %slice3A_10 : vector<2000x1x16xf32> to vector<2000x16xf32>
    %slice3A_12 = vector.extract_strided_slice %reshape3A {offsets = [0, 4, 0], sizes = [2000, 1, 16], strides = [1, 1, 1]} : vector<2000x8x16xf32> to vector<2000x1x16xf32>
    %squeeze3A_13 = vector.shape_cast %slice3A_12 : vector<2000x1x16xf32> to vector<2000x16xf32>
    %slice3A_14 = vector.extract_strided_slice %reshape3A {offsets = [0, 5, 0], sizes = [2000, 1, 16], strides = [1, 1, 1]} : vector<2000x8x16xf32> to vector<2000x1x16xf32>
    %squeeze3A_15 = vector.shape_cast %slice3A_14 : vector<2000x1x16xf32> to vector<2000x16xf32>
    %slice3A_16 = vector.extract_strided_slice %reshape3A {offsets = [0, 6, 0], sizes = [2000, 1, 16], strides = [1, 1, 1]} : vector<2000x8x16xf32> to vector<2000x1x16xf32>
    %squeeze3A_17 = vector.shape_cast %slice3A_16 : vector<2000x1x16xf32> to vector<2000x16xf32>
    %slice3A_18 = vector.extract_strided_slice %reshape3A {offsets = [0, 7, 0], sizes = [2000, 1, 16], strides = [1, 1, 1]} : vector<2000x8x16xf32> to vector<2000x1x16xf32>
    %squeeze3A_19 = vector.shape_cast %slice3A_18 : vector<2000x1x16xf32> to vector<2000x16xf32>
    %concatenate3A = tpu.concatenate %squeeze3A, %squeeze3A_7, %squeeze3A_9, %squeeze3A_11, %squeeze3A_13, %squeeze3A_15, %squeeze3A_17, %squeeze3A_19 in 1 : vector<2000x16xf32>, vector<2000x16xf32>, vector<2000x16xf32>, vector<2000x16xf32>, vector<2000x16xf32>, vector<2000x16xf32>, vector<2000x16xf32>, vector<2000x16xf32> -> vector<2000x128xf32>
    %swap3A = arith.constant 0 : index
    %swap3A_20 = arith.constant 0 : index
    %swap3A_21 = vector.load %arg3[%swap3A, %swap3A_20] : memref<2000x128xf32, #tpu.memory_space<vmem>>, vector<2000x128xf32>
    tpu.vector_store %arg3[%swap3A, %swap3A_20], %concatenate3A {strides = array<i32>} : memref<2000x128xf32, #tpu.memory_space<vmem>>, vector<2000x128xf32>,
    return
  }
  func.func @transform_0(%arg0: i32) -> (i32, i32) {
    %c0_i32 = arith.constant 0 : i32
    %c0_i32_0 = arith.constant 0 : i32
    return %c0_i32, %arg0 : i32, i32
  }
  func.func @transform_1(%arg0: i32) -> (i32, i32) {
    %c0_i32 = arith.constant 0 : i32
    %c0_i32_0 = arith.constant 0 : i32
    %c0_i32_1 = arith.constant 0 : i32
    return %c0_i32, %c0_i32_0 : i32, i32
  }
  func.func @transform_2(%arg0: i32) -> (i32, i32) {
    %c0_i32 = arith.constant 0 : i32
    %c0_i32_0 = arith.constant 0 : i32
    return %arg0, %c0_i32 : i32, i32
  }
}

</mosaic_0001>

<sc_bundles>
// kernel: kernel.4.cloned.1.call-start
scs
__scs_entry_jumppad:
0x0: {  	(pc) =	sbr.rel $0x88, $3  }
0x1: {  	(tag) =	ssettag $0x0;
	lr =	simm.s32 $0x1  }
0x2: {  	[smem:$0x3F9B] =	sst lr;
	_ =	strace $0xD0000000  }
0x3: {  	_ = 	snop  }
0x4: {  	_ = 	snop  }
0x5: {  	_ = 	snop  }
0x6: {  	_ = 	snop  }
0x7: {  	_ = 	snop  }
__scs_overlays_trampoline_lowered:
0x8: {  	[smem:$0x3FAA] =	sst s0  }
0x9: {  	[smem:$0x3FAB] =	sst s1  }
0xa: {  	[smem:$0x3FAC] =	sst s2  }
0xb: {  	[smem:$0x3FAD] =	sst s3  }
0xc: {  	[smem:$0x3FAE] =	sst s4  }
0xd: {  	[smem:$0x3FAF] =	sst s5  }
0xe: {  	[smem:$0x3FB0] =	sst s6  }
0xf: {  	[smem:$0x3FB1] =	sst s7  }
0x10: {  	[smem:$0x3FB2] =	sst s8  }
0x11: {  	[smem:$0x3FB3] =	sst s9;
	s0 =	simm.s32 @!p0 $0x0  }
0x12: {  	s1 =	sld [smem:$0x3F99];
	s0 =	simm.s32 @p0 $0x1  }
0x13: {  	[smem:$0x3FB4] =	sst s0;
	s0 =	simm.s32 @!p1 $0x0  }
0x14: {  	s2 =	sld [smem:$0x3F98];
	s0 =	simm.s32 @p1 $0x1  }
0x15: {  	[smem:$0x3FB5] =	sst s0;
	s0 =	simm.s32 @!p2 $0x0  }
0x16: {  	s3 =	sld [smem:$0x3FDB];
	s0 =	simm.s32 @p2 $0x1  }
0x17: {  	s4 =	simm.s32 $0x1BF5;
	[smem:$0x3FB7] =	sst s0  }
0x18: {  	s0 =	sld [smem:$0x3F9A];
	_ =	swait.ge [sflag:s4], $0x0  }
0x19: {  	s7 =	sld [smem:$0x3F9B]  }
0x1a: {  	s8 =	sadd.s32 $0xFFFFE003, lr  }
0x1b: {  	s9 =	sadd.s32 $0xFFFFFEF7, lr;
	s5 =	simm.s32 $0xFFFFFFFF;
	p2 =	slt.u32 s8, $0xFFFFF086  }
0x1c: {  	p1 =	slt.u32 s9, $0xF7A;
	s5 =	simm.s32 @!p2 $0x0  }
0x1d: {  	s5 =	simm.s32 @p1 $0x1;
	p0 =	seq.s32 s7, s2  }
0x1e: {  	s7 =	smul.u32 @!p0 $0xF7A, s2;
	p2 =	seq.s32 @!p0 s5, $0x0  }
0x1f: {  	s9 =	smul.u32 $0xF7A, s1;
	s8 =	simm.s32 @!p0 $0x1BF5;
	p2 =	por !p2, p0  }
0x20: {  	[sflag:s8] =	ssyncset.s32 @!p0 $0xFFFFF086;
	s6 =	sadd.s32 @!p0 s3, s7;
	s7 =	simm.s32 @!p0 $0x108  }
0x21: {  	s3 =	sadd.s32 s3, s9;
	s6 =	sadd.s32 @!p0 $0x88, s6;
	s7 =	simm.s32 @p2 $0x1082  }
0x22: {  	[simem:s7], [sflag:s8] =	dma.local @!p0 [hbm:s6], $0xF7A  }
0x23: {  	s9 =	sor.u32 $0xD0000000, s2;
	s6 =	simm.s32 $0x108;
	_ =	swait.ge @!p0 [sflag:s8], $0x0  }
0x24: {  	s3 =	sadd.s32 $0x88, s3;
	s6 =	simm.s32 @!p1 $0x1082;
	[sflag:s4] =	ssyncset.s32 $0xFFFFF086  }
0x25: {  	[simem:s6], [sflag:s4] =	dma.local [hbm:s3], $0xF7A  }
0x26: {  	[smem:$0x3F9B] =	sst s1;
	(tag) =	ssettag s2;
	_ =	strace s9  }
0x27: {  	s1 =	sld [smem:$0x3FAB]  }
0x28: {  	s2 =	sld [smem:$0x3FAC]  }
0x29: {  	s4 =	sld [smem:$0x3FAE]  }
0x2a: {  	p0 =	seq.s32 s5, $0x0;
	s5 =	sld [smem:$0x3FAF]  }
0x2b: {  	s6 =	sld [smem:$0x3FB0]  }
0x2c: {  	s7 =	sld [smem:$0x3FB1]  }
0x2d: {  	s3 =	simm.s32 $0x108;
	s8 =	sld [smem:$0x3FB2]  }
0x2e: {  	s3 =	simm.s32 @!p0 $0x1082;
	s9 =	sld [smem:$0x3FB3]  }
0x2f: {  	lr =	sadd.s32 s0, s3;
	s0 =	sld [smem:$0x3FAA]  }
0x30: {  	s3 =	sld [smem:$0x3FAD]  }
0x31: {  	[smem:$0x3FB6] =	sst s10  }
0x32: {  	s10 =	sld [smem:$0x3FB4];
	_ =	sdelay $0x3  }
0x33: {  	p0 =	seq.s32 s10, $0x1;
	s10 =	sld [smem:$0x3FB6];
	_ =	sdelay $0x3  }
0x34: {  	[smem:$0x3FB6] =	sst s10  }
0x35: {  	s10 =	sld [smem:$0x3FB5];
	_ =	sdelay $0x3  }
0x36: {  	p1 =	seq.s32 s10, $0x1;
	s10 =	sld [smem:$0x3FB6];
	_ =	sdelay $0x3  }
0x37: {  	[smem:$0x3FB6] =	sst s10  }
0x38: {  	s10 =	sld [smem:$0x3FB7]  }
0x39: {  	_ = 	snop;
	(pc) =	sbr.ind lr, $3  }
0x3a: {  	_ = 	snop  }
0x3b: {  	_ = 	snop  }
0x3c: {  	p2 =	seq.s32 s10, $0x1;
	s10 =	sld [smem:$0x3FB6]  }
0x3d: {  	_ =	shalt  }
0x3e: {  	_ =	shalt  }
0x3f: {  	_ =	shalt  }
0x40: {  	_ =	shalt  }
0x41: {  	_ =	shalt  }
0x42: {  	_ =	shalt  }
0x43: {  	_ =	shalt  }
0x44: {  	_ =	shalt  }
0x45: {  	_ =	shalt  }
0x46: {  	_ =	shalt  }
0x47: {  	_ =	shalt  }
0x48: {  	_ =	shalt  }
0x49: {  	_ =	shalt  }
0x4a: {  	_ =	shalt  }
0x4b: {  	_ =	shalt  }
0x4c: {  	_ =	shalt  }
0x4d: {  	_ =	shalt  }
0x4e: {  	_ =	shalt  }
0x4f: {  	_ =	shalt  }
0x50: {  	_ =	shalt  }
0x51: {  	_ =	shalt  }
0x52: {  	_ =	shalt  }
0x53: {  	_ =	shalt  }
0x54: {  	_ =	shalt  }
0x55: {  	_ =	shalt  }
0x56: {  	_ =	shalt  }
0x57: {  	_ =	shalt  }
0x58: {  	_ =	shalt  }
0x59: {  	_ =	shalt  }
0x5a: {  	_ =	shalt  }
0x5b: {  	_ =	shalt  }
0x5c: {  	_ =	shalt  }
0x5d: {  	_ =	shalt  }
0x5e: {  	_ =	shalt  }
0x5f: {  	_ =	shalt  }
0x60: {  	_ =	shalt  }
0x61: {  	_ =	shalt  }
0x62: {  	_ =	shalt  }
0x63: {  	_ =	shalt  }
0x64: {  	_ =	shalt  }
0x65: {  	_ =	shalt  }
0x66: {  	_ =	shalt  }
0x67: {  	_ =	shalt  }
0x68: {  	_ =	shalt  }
0x69: {  	_ =	shalt  }
0x6a: {  	_ =	shalt  }
0x6b: {  	_ =	shalt  }
0x6c: {  	_ =	shalt  }
0x6d: {  	_ =	shalt  }
0x6e: {  	_ =	shalt  }
0x6f: {  	_ =	shalt  }
0x70: {  	_ =	shalt  }
0x71: {  	_ =	shalt  }
0x72: {  	_ =	shalt  }
0x73: {  	_ =	shalt  }
0x74: {  	_ =	shalt  }
0x75: {  	_ =	shalt  }
0x76: {  	_ =	shalt  }
0x77: {  	_ =	shalt  }
0x78: {  	_ =	shalt  }
0x79: {  	_ =	shalt  }
0x7a: {  	_ =	shalt  }
0x7b: {  	_ =	shalt  }
0x7c: {  	_ =	shalt  }
0x7d: {  	_ =	shalt  }
0x7e: {  	_ =	shalt  }
0x7f: {  	_ =	shalt  }
0x80: {  	_ =	shalt  }
0x81: {  	_ =	shalt  }
0x82: {  	_ =	shalt  }
0x83: {  	_ =	shalt  }
0x84: {  	_ =	shalt  }
0x85: {  	_ =	shalt  }
0x86: {  	_ =	shalt  }
0x87: {  	_ =	shalt  }
.Lfunc_end0:
.L_simem_size_0:
called_computation_lowered:
.L_overlay_start_0:
0x88: {  	s2 =	sld [smem:$0x3FD9]  }
0x89: {  	s3 =	sld [smem:$0x3FFE];
	_ =	sdelay $0x1  }
0x8a: {  	s1 =	srdreg.scid  }
0x8b: {  	s0 =	sand.u32 $0x1, s1  }
0x8c: {  	s17 =	sshll.u32 s0, $0xA;
	s2 =	sadd.s32 s3, s2  }
0x8d: {  	s2 =	sadd.s32 s2, s17  }
0x8e: {  	[smem:$0x3FC2] =	sst s2  }
0x8f: {  	_ = 	snop  }
0x90: {  	s2 =	sld [smem:$0x3FC9]  }
0x91: {  	s18 =	sld [smem:$0x3FD0];
	(tm) =	ssettm $0x1  }
0x92: {  	s4 =	sld [smem:$0x3FFB];
	_ =	sdelay $0x3  }
0x93: {  	_ =	strace s4  }
0x94: {  	s4 =	sld [smem:$0x3FFC];
	_ =	sdelay $0x3  }
0x95: {  	_ =	strace s4  }
0x96: {  	s4 =	sld [smem:$0x3FFD];
	_ =	sdelay $0x3  }
0x97: {  	_ =	strace s4  }
0x98: {  	_ =	strace $0x8FFFFFFF  }
0x99: {  	s19 =	sld [smem:$0x3FDB];
	_ =	sdelay $0x1  }
0x9a: {  	s5 =	simm.s32 $_scs_section_size  }
0x9b: {  	s6 =	simm.s32 $_size__tile_overlayer_lowered;
	s7 =	simm.s32 $_tile_overlayer_lowered  }
0x9c: {  	s22 =	simm.s32 $0x1BFF;
	s21 =	sshll.u32 s7, $0x1;
	s4 =	sadd.s32 s5, s19  }
0x9d: {  	s8 =	simm.s32 $0x0;
	s20 =	sshll.u32 s6, $0x1;
	s6 =	sadd.s32 s21, s4  }
0x9e: {  	[timem:s8], [sflag:s22] =	dma.local [hbm:s6], s20  }
0x9f: {  	_ =	swait.ge [sflag:s22], s20  }
0xa0: {  	s5 =	ssub.s32 $0x0, s20;
	[sflag:s22] =	ssyncset.done $0x0  }
0xa1: {  	[sflag:s22] =	ssyncadd.s32 s5;
	_ =	sdelay $0x1  }
0xa2: {  	s23 =	simm.s32 $0x1B8B  }
0xa3: {  	_ =	swait.ge [sflag:s23], $0x1  }
0xa4: {  	[sflag:s23] =	ssyncset.done $0x0  }
0xa5: {  	s25 =	simm.s32 $0x1B8E;
	s24 =	sld [smem:$0x3FFE];
	[sflag:s23] =	ssyncadd.s32 $0xFFFFFFFF  }
0xa6: {  	s26 =	simm.s32 $execute0_lowered;
	[smem:$0x3FD2] =	sst s25  }
0xa7: {  	s6 =	sshll.u32 s26, $0x1;
	_ =	strace $0x80000046;
	[dreg:$0x1] =	wrdreg $0xFFFFFFFF  }
0xa8: {  	s28 =	simm.s32 $_size_execute0_lowered;
	s4 =	sadd.s32 s4, s6;
	[dreg:$0x0] =	wrdreg $0x0  }
0xa9: {  	s6 =	sshll.u32 s28, $0x1;
	[dreg:$0x2] =	wrdreg s4  }
0xaa: {  	[dreg:$0x3] =	wrdreg s6  }
0xab: {  	[dreg:$0x4] =	wrdreg $0xC0  }
0xac: {  	_ =	task [dreg:s8], $0x5FFFF  }
0xad: {  	[dreg:$0x1] =	wrdreg $0xFFFFFFFF  }
0xae: {  	[dreg:$0x0] =	wrdreg $0x60  }
0xaf: {  	[dreg:$0x2] =	wrdreg s24  }
0xb0: {  	[dreg:$0x3] =	wrdreg s2  }
0xb1: {  	[dreg:$0x4] =	wrdreg s18  }
0xb2: {  	[dreg:$0x5] =	wrdreg $0x9  }
0xb3: {  	_ =	task.clear_ibuf [dreg:s8], $0x6FFFF;
	_ =	strace $0x90000046  }
0xb4: {  	s29 =	simm.s32 $0x9;
	_ =	strace $0x80000048  }
0xb5: {  	_ =	swait.ge [sflag:s29], $0x1  }
0xb6: {  	[sflag:s29] =	ssyncadd.s32 $0xFFFFFFFF  }
0xb7: {  	_ =	strace $0x90000048  }
0xb8: {  	_ =	sfence  }
0xb9: {  	s30 =	sld [smem:$0x0];
	_ =	sdelay $0x2  }
0xba: {  	s31 =	sshll.u32 s1, $0xD;
	s1 =	sshrl.u32 s1, $0x2  }
0xbb: {  	s3 =	sand.u32 $0x4000, s31;
	s1 =	sadd.s32 s1, s30  }
0xbc: {  	s0 =	sor.u32 s3, s0;
	s1 =	sshll.u32 s1, $0x11  }
0xbd: {  	s0 =	sor.u32 s1, s0  }
0xbe: {  	s0 =	sadd.s32 $0x8F2B, s0  }
0xbf: {  	[sflag:s0] =	ssyncadd.remote.s32 $0x1  }
0xc0: {  	_ =	sfence.sel $0xFFFF  }
0xc1: {  	[dreg:$0x0] =	wrdreg $0xFFFFFFFF;
	(pc) =	sbr.abs _section_cstart, $3  }
0xc2: {  	[dreg:$0x1] =	wrdreg $0xFFFFFFFF  }
0xc3: {  	_ =	task.clear_ibuf [dreg:s8], $0x2FFFF;
	_ =	strace $0x9FFFFFFF  }
0xc4: {  	(tm) =	ssettm $0x7FFFFFFF  }
0xc5: {  	_ =	shalt  }
tec
execute0_lowered:
.L_overlay_start_1:
0x0: {  	(tag) =	ssettag $0x1  }
0x1: {  	s1 =	rddreg [dreg:$0x0]  }
0x2: {  	s0 =	rddreg [dreg:$0x1];
	s2 =	srdreg.scid;
	s28 =	simm.s32 $0x0  }
0x3: {  	s4 =	stileid.u32;
	s31 =	simm.s32 $0x3;
	s12 =	simm.s32 $0x80  }
0x4: {  	s8 =	simm.s32 $0x10C00;
	s9 =	simm.s32 $0x11400;
	s11 =	simm.s32 $0x11C00  }
0x5: {  	s6 =	simm.s32 $0x12C00;
	s7 =	simm.s32 $0x13400;
	s10 =	simm.s32 $0x14400  }
0x6: {  	s13 =	simm.s32 $0x14C00;
	s14 =	simm.s32 $0x15400;
	s15 =	simm.s32 $0x15C00  }
0x7: {  	s16 =	simm.s32 $0x16400;
	s17 =	simm.s32 $0x16C00;
	s18 =	simm.s32 $0x17400  }
0x8: {  	s19 =	simm.s32 $0x17C00;
	s20 =	simm.s32 $0x18400;
	s21 =	simm.s32 $0x18C00  }
0x9: {  	s22 =	simm.s32 $0x19400;
	s23 =	simm.s32 $0x19C00;
	s24 =	simm.s32 $0x1  }
0xa: {  	s25 =	simm.s32 $0x2;
	s29 =	simm.s32 $0x0;
	s2 =	sand.u32 $0x1, s2  }
0xb: {  	[smem:$0x7FF] =	sst s28;
	s3 =	sshll.u32 s2, $0x4;
	s2 =	ssub.s32 $0x2, s2  }
0xc: {  	_ =	strace $0x80000047;
	s3 =	sor.u32 s4, s3;
	s5 =	sshrl.u32 s2, $0x1  }
0xd: {  	s4 =	sshll.u32 s3, $0x8;
	s3 =	sshll.u32 s3, $0x7;
	s2 =	ssub.s32 s2, s5  }
0xe: {  	s5 =	simm.s32 $0x12400;
	s4 =	sadd.s32 s4, s1;
	s0 =	sadd.s32 s0, s3  }
0xf: {  	s30 =	smax.u32 s2, $0x1;
	s3 =	simm.s32 $0xFC00;
	[dreg:$0x4] =	wrdreg s0  }
0x10: {  	s2 =	simm.s32 $0x10400;
	s26 =	sadd.s32 $0xC3600, s4;
	[dreg:$0x6] =	wrdreg s30  }
0x11: {  	v0 =	vimm.f32 $0.0e+00;
	s0 =	simm.s32 $0xF400;
	s4 =	simm.s32 $0x13C00;
	[dreg:$0x5] =	wrdreg s26  }
.LBB2_1:
0x12: {  	[dreg:$0x7] =	wrdreg s29  }
0x13: {  	s26 =	rddreg [dreg:$0x4];
	s29 =	simm.s32 $0x400;
	s30 =	simm.s32 $0x8000  }
0x14: {  	[tilespmem:s28], [sflag:$0x3] =	stream.strided.gather [hbm4b:s26+s29], $0x6400, s30, s29, $0x38;
	[tilespmem:$0x1ACC0] =	vst v63  }
0x15: {  	_ =	swait.ge [sflag:s31], $0x6400  }
0x16: {  	[sflag:s31] =	ssyncset.done $0x0  }
0x17: {  	[sflag:s31] =	ssyncadd.s32 $0xFFFF9C00  }
0x18: {  	s30 =	simm.s32 $0x1AC00;
	s26 =	rddreg [dreg:$0x2]  }
0x19: {  	[tilespmem:s30], [sflag:$0x3] =	stream.linear.gather [hbm4b:s26+s28], $0xC0, $0x38;
	[tilespmem:$0x1ACC0] =	vst v63  }
0x1a: {  	_ =	swait.ge [sflag:s31], $0xC0  }
0x1b: {  	[sflag:s31] =	ssyncset.done $0x0  }
0x1c: {  	s26 =	simm.s32 $0x40;
	s28 =	simm.s32 $0x0;
	[sflag:s31] =	ssyncadd.s32 $0xFFFFFF40  }
.LBB2_2:
0x1d: {  	p0 =	sne.s32 s26, $0x1FC0;
	[tilespmem:s28+$0x1A400] =	vst v0;
	s28 =	smov.u32 s26;
	s26 =	sadd.s32 $0x40, s26  }
.Ltmp0:
0x1e: {  	(pc) =	sbr.rel @p0 .LBB2_2-.Ltmp0, $2  }
0x1f: {  	_ =	sdelay $0x2  }
0x20: {  	s28 =	sshra.s32 s28, $0x2  }
0x21: {  	[tilespmem:s28+$0x1A400] =	vst v0;
	s26 =	simm.s32 $0x0  }
.LBB2_4:
0x22: {  	s28 =	smul.u32 $0x5000, s26;
	_ =	sdelay $0x1  }
0x23: {  	s29 =	simm.s32 $0x6400;
	s28 =	sshra.s32 s28, $0x2  }
0x24: {  	[tilespmem:s29], [sflag:$0x1] =	stream.indirect.gather [hbm4b:s1+s12], $0x10, s28, s12, $0xb8;
	[tilespmem:$0x1ACC0] =	vst v63  }
0x25: {  	s30 =	simm.s32 $0x6C00;
	s29 =	sor.u32 $0x80, s28  }
0x26: {  	[tilespmem:s30], [sflag:$0x1] =	stream.indirect.gather [hbm4b:s1+s12], $0x10, s29, s12, $0xb8;
	[tilespmem:$0x1ACC0] =	vst v63  }
0x27: {  	s29 =	sor.u32 $0x100, s28;
	s30 =	simm.s32 $0x7400  }
0x28: {  	[tilespmem:s30], [sflag:$0x1] =	stream.indirect.gather [hbm4b:s1+s12], $0x10, s29, s12, $0xb8;
	[tilespmem:$0x1ACC0] =	vst v63  }
0x29: {  	s29 =	sor.u32 $0x180, s28;
	s30 =	simm.s32 $0x7C00  }
0x2a: {  	[tilespmem:s30], [sflag:$0x1] =	stream.indirect.gather [hbm4b:s1+s12], $0x10, s29, s12, $0xb8;
	[tilespmem:$0x1ACC0] =	vst v63  }
0x2b: {  	s29 =	sor.u32 $0x200, s28;
	s30 =	simm.s32 $0x8400  }
0x2c: {  	[tilespmem:s30], [sflag:$0x1] =	stream.indirect.gather [hbm4b:s1+s12], $0x10, s29, s12, $0xb8;
	[tilespmem:$0x1ACC0] =	vst v63  }
0x2d: {  	s29 =	sor.u32 $0x280, s28;
	s30 =	simm.s32 $0x8C00  }
0x2e: {  	[tilespmem:s30], [sflag:$0x1] =	stream.indirect.gather [hbm4b:s1+s12], $0x10, s29, s12, $0xb8;
	[tilespmem:$0x1ACC0] =	vst v63  }
0x2f: {  	s29 =	sor.u32 $0x300, s28;
	s30 =	simm.s32 $0x9400  }
0x30: {  	[tilespmem:s30], [sflag:$0x1] =	stream.indirect.gather [hbm4b:s1+s12], $0x10, s29, s12, $0xb8;
	[tilespmem:$0x1ACC0] =	vst v63  }
0x31: {  	s29 =	sor.u32 $0x380, s28;
	s30 =	simm.s32 $0x9C00  }
0x32: {  	[tilespmem:s30], [sflag:$0x1] =	stream.indirect.gather [hbm4b:s1+s12], $0x10, s29, s12, $0xb8;
	[tilespmem:$0x1ACC0] =	vst v63  }
0x33: {  	s29 =	sadd.s32 $0x400, s28;
	s30 =	simm.s32 $0xA400  }
0x34: {  	[tilespmem:s30], [sflag:$0x1] =	stream.indirect.gather [hbm4b:s1+s12], $0x10, s29, s12, $0xb8;
	[tilespmem:$0x1ACC0] =	vst v63  }
0x35: {  	s29 =	sadd.s32 $0x480, s28;
	s30 =	simm.s32 $0xAC00  }
0x36: {  	[tilespmem:s30], [sflag:$0x1] =	stream.indirect.gather [hbm4b:s1+s12], $0x10, s29, s12, $0xb8;
	[tilespmem:$0x1ACC0] =	vst v63  }
0x37: {  	s29 =	sadd.s32 $0x500, s28;
	s30 =	simm.s32 $0xB400  }
0x38: {  	[tilespmem:s30], [sflag:$0x1] =	stream.indirect.gather [hbm4b:s1+s12], $0x10, s29, s12, $0xb8;
	[tilespmem:$0x1ACC0] =	vst v63  }
0x39: {  	s29 =	sadd.s32 $0x580, s28;
	s30 =	simm.s32 $0xBC00  }
0x3a: {  	[tilespmem:s30], [sflag:$0x1] =	stream.indirect.gather [hbm4b:s1+s12], $0x10, s29, s12, $0xb8;
	[tilespmem:$0x1ACC0] =	vst v63  }
0x3b: {  	s29 =	sadd.s32 $0x600, s28;
	s30 =	simm.s32 $0xC400  }
0x3c: {  	[tilespmem:s30], [sflag:$0x1] =	stream.indirect.gather [hbm4b:s1+s12], $0x10, s29, s12, $0xb8;
	[tilespmem:$0x1ACC0] =	vst v63  }
0x3d: {  	s29 =	sadd.s32 $0x680, s28;
	s30 =	simm.s32 $0xCC00  }
0x3e: {  	[tilespmem:s30], [sflag:$0x1] =	stream.indirect.gather [hbm4b:s1+s12], $0x10, s29, s12, $0xb8;
	[tilespmem:$0x1ACC0] =	vst v63  }
0x3f: {  	s29 =	sadd.s32 $0x700, s28;
	s30 =	simm.s32 $0xD400  }
0x40: {  	[tilespmem:s30], [sflag:$0x1] =	stream.indirect.gather [hbm4b:s1+s12], $0x10, s29, s12, $0xb8;
	[tilespmem:$0x1ACC0] =	vst v63  }
0x41: {  	s29 =	sadd.s32 $0x780, s28;
	s30 =	simm.s32 $0xDC00  }
0x42: {  	[tilespmem:s30], [sflag:$0x1] =	stream.indirect.gather [hbm4b:s1+s12], $0x10, s29, s12, $0xb8;
	[tilespmem:$0x1ACC0] =	vst v63  }
0x43: {  	s29 =	sadd.s32 $0x800, s28;
	s30 =	simm.s32 $0xE400  }
0x44: {  	[tilespmem:s30], [sflag:$0x1] =	stream.indirect.gather [hbm4b:s1+s12], $0x10, s29, s12, $0xb8;
	[tilespmem:$0x1ACC0] =	vst v63  }
0x45: {  	s29 =	sadd.s32 $0x880, s28;
	s30 =	simm.s32 $0xEC00  }
0x46: {  	[tilespmem:s30], [sflag:$0x1] =	stream.indirect.gather [hbm4b:s1+s12], $0x10, s29, s12, $0xb8;
	[tilespmem:$0x1ACC0] =	vst v63  }
0x47: {  	s29 =	sadd.s32 $0x900, s28  }
0x48: {  	[tilespmem:s0], [sflag:$0x1] =	stream.indirect.gather [hbm4b:s1+s12], $0x10, s29, s12, $0xb8;
	[tilespmem:$0x1ACC0] =	vst v63  }
0x49: {  	s29 =	sadd.s32 $0x980, s28  }
0x4a: {  	[tilespmem:s3], [sflag:$0x1] =	stream.indirect.gather [hbm4b:s1+s12], $0x10, s29, s12, $0xb8;
	[tilespmem:$0x1ACC0] =	vst v63  }
0x4b: {  	s29 =	sadd.s32 $0xA00, s28  }
0x4c: {  	[tilespmem:s2], [sflag:$0x2] =	stream.indirect.gather [hbm4b:s1+s12], $0x10, s29, s12, $0xb8;
	[tilespmem:$0x1ACC0] =	vst v63  }
0x4d: {  	s29 =	sadd.s32 $0xA80, s28  }
0x4e: {  	[tilespmem:s8], [sflag:$0x2] =	stream.indirect.gather [hbm4b:s1+s12], $0x10, s29, s12, $0xb8;
	[tilespmem:$0x1ACC0] =	vst v63  }
0x4f: {  	s29 =	sadd.s32 $0xB00, s28  }
0x50: {  	[tilespmem:s9], [sflag:$0x2] =	stream.indirect.gather [hbm4b:s1+s12], $0x10, s29, s12, $0xb8;
	[tilespmem:$0x1ACC0] =	vst v63  }
0x51: {  	s29 =	sadd.s32 $0xB80, s28  }
0x52: {  	[tilespmem:s11], [sflag:$0x2] =	stream.indirect.gather [hbm4b:s1+s12], $0x10, s29, s12, $0xb8;
	[tilespmem:$0x1ACC0] =	vst v63  }
0x53: {  	s29 =	sadd.s32 $0xC00, s28  }
0x54: {  	[tilespmem:s5], [sflag:$0x2] =	stream.indirect.gather [hbm4b:s1+s12], $0x10, s29, s12, $0xb8;
	[tilespmem:$0x1ACC0] =	vst v63  }
0x55: {  	s29 =	sadd.s32 $0xC80, s28  }
0x56: {  	[tilespmem:s6], [sflag:$0x2] =	stream.indirect.gather [hbm4b:s1+s12], $0x10, s29, s12, $0xb8;
	[tilespmem:$0x1ACC0] =	vst v63  }
0x57: {  	s29 =	sadd.s32 $0xD00, s28  }
0x58: {  	[tilespmem:s7], [sflag:$0x2] =	stream.indirect.gather [hbm4b:s1+s12], $0x10, s29, s12, $0xb8;
	[tilespmem:$0x1ACC0] =	vst v63  }
0x59: {  	s29 =	sadd.s32 $0xD80, s28  }
0x5a: {  	[tilespmem:s4], [sflag:$0x2] =	stream.indirect.gather [hbm4b:s1+s12], $0x10, s29, s12, $0xb8;
	[tilespmem:$0x1ACC0] =	vst v63  }
0x5b: {  	s29 =	sadd.s32 $0xE00, s28  }
0x5c: {  	[tilespmem:s10], [sflag:$0x2] =	stream.indirect.gather [hbm4b:s1+s12], $0x10, s29, s12, $0xb8;
	[tilespmem:$0x1ACC0] =	vst v63  }
0x5d: {  	s29 =	sadd.s32 $0xE80, s28  }
0x5e: {  	[tilespmem:s13], [sflag:$0x2] =	stream.indirect.gather [hbm4b:s1+s12], $0x10, s29, s12, $0xb8;
	[tilespmem:$0x1ACC0] =	vst v63  }
0x5f: {  	s29 =	sadd.s32 $0xF00, s28  }
0x60: {  	[tilespmem:s14], [sflag:$0x2] =	stream.indirect.gather [hbm4b:s1+s12], $0x10, s29, s12, $0xb8;
	[tilespmem:$0x1ACC0] =	vst v63  }
0x61: {  	s29 =	sadd.s32 $0xF80, s28  }
0x62: {  	[tilespmem:s15], [sflag:$0x2] =	stream.indirect.gather [hbm4b:s1+s12], $0x10, s29, s12, $0xb8;
	[tilespmem:$0x1ACC0] =	vst v63  }
0x63: {  	s29 =	sadd.s32 $0x1000, s28  }
0x64: {  	[tilespmem:s16], [sflag:$0x2] =	stream.indirect.gather [hbm4b:s1+s12], $0x10, s29, s12, $0xb8;
	[tilespmem:$0x1ACC0] =	vst v63  }
0x65: {  	s29 =	sadd.s32 $0x1080, s28  }
0x66: {  	[tilespmem:s17], [sflag:$0x2] =	stream.indirect.gather [hbm4b:s1+s12], $0x10, s29, s12, $0xb8;
	[tilespmem:$0x1ACC0] =	vst v63  }
0x67: {  	s29 =	sadd.s32 $0x1100, s28  }
0x68: {  	[tilespmem:s18], [sflag:$0x2] =	stream.indirect.gather [hbm4b:s1+s12], $0x10, s29, s12, $0xb8;
	[tilespmem:$0x1ACC0] =	vst v63  }
0x69: {  	s29 =	sadd.s32 $0x1180, s28  }
0x6a: {  	[tilespmem:s19], [sflag:$0x2] =	stream.indirect.gather [hbm4b:s1+s12], $0x10, s29, s12, $0xb8;
	[tilespmem:$0x1ACC0] =	vst v63  }
0x6b: {  	s29 =	sadd.s32 $0x1200, s28  }
0x6c: {  	[tilespmem:s20], [sflag:$0x2] =	stream.indirect.gather [hbm4b:s1+s12], $0x10, s29, s12, $0xb8;
	[tilespmem:$0x1ACC0] =	vst v63  }
0x6d: {  	s29 =	sadd.s32 $0x1280, s28  }
0x6e: {  	[tilespmem:s21], [sflag:$0x2] =	stream.indirect.gather [hbm4b:s1+s12], $0x10, s29, s12, $0xb8;
	[tilespmem:$0x1ACC0] =	vst v63  }
0x6f: {  	s29 =	sadd.s32 $0x1300, s28  }
0x70: {  	[tilespmem:s22], [sflag:$0x2] =	stream.indirect.gather [hbm4b:s1+s12], $0x10, s29, s12, $0xb8;
	[tilespmem:$0x1ACC0] =	vst v63  }
0x71: {  	s28 =	sadd.s32 $0x1380, s28  }
0x72: {  	[tilespmem:s23], [sflag:$0x2] =	stream.indirect.gather [hbm4b:s1+s12], $0x10, s28, s12, $0xb8;
	[tilespmem:$0x1ACC0] =	vst v63  }
0x73: {  	_ =	swait.ge [sflag:s24], $0x800  }
0x74: {  	[sflag:s24] =	ssyncset.done $0x0  }
0x75: {  	[sflag:s24] =	ssyncadd.s32 $0xFFFFF800  }
0x76: {  	_ =	swait.ge [sflag:s24], $0x800  }
0x77: {  	[sflag:s24] =	ssyncset.done $0x0  }
0x78: {  	[sflag:s24] =	ssyncadd.s32 $0xFFFFF800  }
0x79: {  	_ =	swait.ge [sflag:s24], $0x800  }
0x7a: {  	[sflag:s24] =	ssyncset.done $0x0  }
0x7b: {  	[sflag:s24] =	ssyncadd.s32 $0xFFFFF800  }
0x7c: {  	_ =	swait.ge [sflag:s24], $0x800  }
0x7d: {  	[sflag:s24] =	ssyncset.done $0x0  }
0x7e: {  	[sflag:s24] =	ssyncadd.s32 $0xFFFFF800  }
0x7f: {  	_ =	swait.ge [sflag:s24], $0x800  }
0x80: {  	[sflag:s24] =	ssyncset.done $0x0  }
0x81: {  	[sflag:s24] =	ssyncadd.s32 $0xFFFFF800  }
0x82: {  	_ =	swait.ge [sflag:s24], $0x800  }
0x83: {  	[sflag:s24] =	ssyncset.done $0x0  }
0x84: {  	[sflag:s24] =	ssyncadd.s32 $0xFFFFF800  }
0x85: {  	_ =	swait.ge [sflag:s24], $0x800  }
0x86: {  	[sflag:s24] =	ssyncset.done $0x0  }
0x87: {  	[sflag:s24] =	ssyncadd.s32 $0xFFFFF800  }
0x88: {  	_ =	swait.ge [sflag:s24], $0x800  }
0x89: {  	[sflag:s24] =	ssyncset.done $0x0  }
0x8a: {  	[sflag:s24] =	ssyncadd.s32 $0xFFFFF800  }
0x8b: {  	_ =	swait.ge [sflag:s24], $0x800  }
0x8c: {  	[sflag:s24] =	ssyncset.done $0x0  }
0x8d: {  	[sflag:s24] =	ssyncadd.s32 $0xFFFFF800  }
0x8e: {  	_ =	swait.ge [sflag:s24], $0x800  }
0x8f: {  	[sflag:s24] =	ssyncset.done $0x0  }
0x90: {  	[sflag:s24] =	ssyncadd.s32 $0xFFFFF800  }
0x91: {  	_ =	swait.ge [sflag:s24], $0x800  }
0x92: {  	[sflag:s24] =	ssyncset.done $0x0  }
0x93: {  	[sflag:s24] =	ssyncadd.s32 $0xFFFFF800  }
0x94: {  	_ =	swait.ge [sflag:s24], $0x800  }
0x95: {  	[sflag:s24] =	ssyncset.done $0x0  }
0x96: {  	[sflag:s24] =	ssyncadd.s32 $0xFFFFF800  }
0x97: {  	_ =	swait.ge [sflag:s24], $0x800  }
0x98: {  	[sflag:s24] =	ssyncset.done $0x0  }
0x99: {  	[sflag:s24] =	ssyncadd.s32 $0xFFFFF800  }
0x9a: {  	_ =	swait.ge [sflag:s24], $0x800  }
0x9b: {  	[sflag:s24] =	ssyncset.done $0x0  }
0x9c: {  	[sflag:s24] =	ssyncadd.s32 $0xFFFFF800  }
0x9d: {  	_ =	swait.ge [sflag:s24], $0x800  }
0x9e: {  	[sflag:s24] =	ssyncset.done $0x0  }
0x9f: {  	[sflag:s24] =	ssyncadd.s32 $0xFFFFF800  }
0xa0: {  	_ =	swait.ge [sflag:s24], $0x800  }
0xa1: {  	[sflag:s24] =	ssyncset.done $0x0  }
0xa2: {  	[sflag:s24] =	ssyncadd.s32 $0xFFFFF800  }
0xa3: {  	_ =	swait.ge [sflag:s24], $0x800  }
0xa4: {  	[sflag:s24] =	ssyncset.done $0x0  }
0xa5: {  	[sflag:s24] =	ssyncadd.s32 $0xFFFFF800  }
0xa6: {  	_ =	swait.ge [sflag:s24], $0x800  }
0xa7: {  	[sflag:s24] =	ssyncset.done $0x0  }
0xa8: {  	[sflag:s24] =	ssyncadd.s32 $0xFFFFF800  }
0xa9: {  	_ =	swait.ge [sflag:s24], $0x800  }
0xaa: {  	[sflag:s24] =	ssyncset.done $0x0  }
0xab: {  	[sflag:s24] =	ssyncadd.s32 $0xFFFFF800  }
0xac: {  	_ =	swait.ge [sflag:s24], $0x800  }
0xad: {  	[sflag:s24] =	ssyncset.done $0x0  }
0xae: {  	s29 =	simm.s32 $0x0;
	[sflag:s24] =	ssyncadd.s32 $0xFFFFF800  }
0xaf: {  	v1 =	vld [tilespmem:s29+$0x6400]  }
0xb0: {  	v2 =	vld [tilespmem:s29+$0x6C00];
	_ =	sdelay $0x1  }
0xb1: {  	v3 =	vld [tilespmem:s29+$0x7400];
	_ =	sdelay $0x1  }
0xb2: {  	v4 =	vld [tilespmem:s29+$0x7C00]  }
0xb3: {  	v1 =	vadd.f32 v2, v1  }
0xb4: {  	v2 =	vld [tilespmem:s29+$0x8400]  }
0xb5: {  	v1 =	vadd.f32 v3, v1  }
0xb6: {  	v3 =	vld [tilespmem:s29+$0x8C00]  }
0xb7: {  	v1 =	vadd.f32 v4, v1  }
0xb8: {  	v4 =	vld [tilespmem:s29+$0x9400]  }
0xb9: {  	v1 =	vadd.f32 v2, v1  }
0xba: {  	v2 =	vld [tilespmem:s29+$0x9C00]  }
0xbb: {  	v1 =	vadd.f32 v3, v1  }
0xbc: {  	v3 =	vld [tilespmem:s29+$0xA400]  }
0xbd: {  	v1 =	vadd.f32 v4, v1  }
0xbe: {  	v4 =	vld [tilespmem:s29+$0xAC00]  }
0xbf: {  	v1 =	vadd.f32 v2, v1  }
0xc0: {  	s28 =	simm.s32 $0x10;
	v2 =	vld [tilespmem:s29+$0xB400]  }
0xc1: {  	v5 =	vld [tilespmem:s28+$0x6400];
	v1 =	vadd.f32 v3, v1  }
0xc2: {  	v3 =	vld [tilespmem:s29+$0xBC00]  }
0xc3: {  	v6 =	vld [tilespmem:s28+$0x6C00];
	v1 =	vadd.f32 v4, v1  }
0xc4: {  	v4 =	vld [tilespmem:s29+$0xC400]  }
0xc5: {  	v7 =	vld [tilespmem:s28+$0x7400];
	v1 =	vadd.f32 v2, v1  }
0xc6: {  	v2 =	vld [tilespmem:s29+$0xCC00]  }
0xc7: {  	v8 =	vld [tilespmem:s28+$0x7C00];
	v1 =	vadd.f32 v3, v1  }
0xc8: {  	v5 =	vadd.f32 v6, v5;
	v3 =	vld [tilespmem:s29+$0xD400]  }
0xc9: {  	v6 =	vld [tilespmem:s28+$0x8400];
	v1 =	vadd.f32 v4, v1  }
0xca: {  	v5 =	vadd.f32 v7, v5;
	v4 =	vld [tilespmem:s29+$0xDC00]  }
0xcb: {  	v7 =	vld [tilespmem:s28+$0x8C00];
	v1 =	vadd.f32 v2, v1  }
0xcc: {  	v5 =	vadd.f32 v8, v5;
	v2 =	vld [tilespmem:s29+$0xE400]  }
0xcd: {  	v8 =	vld [tilespmem:s28+$0x9400];
	v1 =	vadd.f32 v3, v1  }
0xce: {  	v9 =	vld [tilespmem:s29+$0xEC00];
	v3 =	vadd.f32 v6, v5  }
0xcf: {  	v6 =	vld [tilespmem:s28+$0x9C00];
	v1 =	vadd.f32 v4, v1  }
0xd0: {  	v10 =	vld [tilespmem:s29+$0xF400];
	v3 =	vadd.f32 v7, v3  }
0xd1: {  	v7 =	vld [tilespmem:s28+$0xA400];
	v1 =	vadd.f32 v2, v1  }
0xd2: {  	v11 =	vld [tilespmem:s29+$0xFC00];
	v2 =	vadd.f32 v8, v3  }
0xd3: {  	v3 =	vld [tilespmem:s28+$0xAC00];
	v1 =	vadd.f32 v9, v1  }
0xd4: {  	v5 =	vld [tilespmem:s29+$0x1A400];
	v2 =	vadd.f32 v6, v2  }
0xd5: {  	v4 =	vld [tilespmem:s28+$0xB400];
	v8 =	vadd.f32 v10, v1  }
0xd6: {  	s30 =	simm.s32 $0x20;
	v1 =	vld [tilespmem:s28+$0xBC00];
	v6 =	vadd.f32 v7, v2  }
0xd7: {  	s31 =	simm.s32 $0xC0;
	v2 =	vld [tilespmem:s30+$0x6400];
	v7 =	vadd.f32 v11, v8  }
.LBB2_5:
0xd8: {  	p0 =	sne.s32 s31, $0x1FC0;
	v8 =	vld [tilespmem:s30+$0x6C00];
	v3 =	vadd.f32 v3, v6  }
0xd9: {  	v6 =	vld [tilespmem:s28+$0xC400];
	v5 =	vadd.f32 v7, v5  }
0xda: {  	v7 =	vld [tilespmem:s30+$0x7400];
	v3 =	vadd.f32 v4, v3  }
0xdb: {  	v4 =	vld [tilespmem:s28+$0xCC00];
	[tilespmem:s29+$0x1A400] =	vst v5;
	s29 =	smov.u32 s28;
	s28 =	smov.u32 s30  }
0xdc: {  	v5 =	vld [tilespmem:s28+$0x7C00];
	v1 =	vadd.f32 v1, v3  }
0xdd: {  	v2 =	vadd.f32 v8, v2;
	v3 =	vld [tilespmem:s29+$0xD400]  }
0xde: {  	v8 =	vld [tilespmem:s28+$0x8400];
	v1 =	vadd.f32 v6, v1  }
0xdf: {  	v2 =	vadd.f32 v7, v2;
	v6 =	vld [tilespmem:s29+$0xDC00]  }
0xe0: {  	v7 =	vld [tilespmem:s28+$0x8C00];
	v1 =	vadd.f32 v4, v1  }
0xe1: {  	v2 =	vadd.f32 v5, v2;
	v4 =	vld [tilespmem:s29+$0xE400]  }
0xe2: {  	v5 =	vld [tilespmem:s28+$0x9400];
	v1 =	vadd.f32 v3, v1  }
0xe3: {  	v2 =	vadd.f32 v8, v2;
	v8 =	vld [tilespmem:s29+$0xEC00]  }
0xe4: {  	v9 =	vld [tilespmem:s28+$0x9C00];
	v1 =	vadd.f32 v6, v1  }
0xe5: {  	v2 =	vadd.f32 v7, v2;
	v6 =	vld [tilespmem:s29+$0xF400]  }
0xe6: {  	v7 =	vld [tilespmem:s28+$0xA400];
	v1 =	vadd.f32 v4, v1  }
0xe7: {  	v2 =	vadd.f32 v5, v2;
	v10 =	vld [tilespmem:s29+$0xFC00]  }
.Ltmp1:
0xe8: {  	v3 =	vld [tilespmem:s28+$0xAC00];
	v1 =	vadd.f32 v8, v1;
	(pc) =	sbr.rel @p0 .LBB2_5-.Ltmp1, $4  }
0xe9: {  	v2 =	vadd.f32 v9, v2;
	v5 =	vld [tilespmem:s29+$0x1A400]  }
0xea: {  	v4 =	vld [tilespmem:s28+$0xB400];
	v8 =	vadd.f32 v6, v1  }
0xeb: {  	s30 =	sshra.s32 s31, $0x2;
	v6 =	vadd.f32 v7, v2;
	v1 =	vld [tilespmem:s28+$0xBC00]  }
0xec: {  	s31 =	sadd.s32 $0x40, s31;
	v2 =	vld [tilespmem:s30+$0x6400];
	v7 =	vadd.f32 v10, v8  }
0xed: {  	v8 =	vld [tilespmem:s30+$0x6C00]  }
0xee: {  	v9 =	vld [tilespmem:s28+$0xC400];
	v3 =	vadd.f32 v3, v6;
	v5 =	vadd.f32 v7, v5  }
0xef: {  	v6 =	vld [tilespmem:s30+$0x7400]  }
0xf0: {  	v7 =	vld [tilespmem:s28+$0xCC00];
	v3 =	vadd.f32 v4, v3;
	[tilespmem:s29+$0x1A400] =	vst v5  }
0xf1: {  	v4 =	vld [tilespmem:s30+$0x7C00]  }
0xf2: {  	v1 =	vadd.f32 v1, v3;
	v3 =	vld [tilespmem:s28+$0xD400];
	v2 =	vadd.f32 v8, v2  }
0xf3: {  	v5 =	vld [tilespmem:s30+$0x8400]  }
0xf4: {  	v8 =	vld [tilespmem:s30+$0x8C00];
	v1 =	vadd.f32 v9, v1;
	v2 =	vadd.f32 v6, v2  }
0xf5: {  	v6 =	vld [tilespmem:s28+$0xDC00]  }
0xf6: {  	v1 =	vadd.f32 v7, v1;
	v7 =	vld [tilespmem:s30+$0x9400];
	v2 =	vadd.f32 v4, v2  }
0xf7: {  	v4 =	vld [tilespmem:s28+$0xE400]  }
0xf8: {  	v1 =	vadd.f32 v3, v1;
	v3 =	vld [tilespmem:s28+$0xEC00];
	v2 =	vadd.f32 v5, v2  }
0xf9: {  	v5 =	vld [tilespmem:s30+$0x9C00]  }
0xfa: {  	v1 =	vadd.f32 v6, v1;
	v6 =	vld [tilespmem:s28+$0xF400];
	v2 =	vadd.f32 v8, v2  }
0xfb: {  	v8 =	vld [tilespmem:s30+$0xA400]  }
0xfc: {  	v1 =	vadd.f32 v4, v1;
	v4 =	vld [tilespmem:s28+$0xFC00];
	v2 =	vadd.f32 v7, v2  }
0xfd: {  	v7 =	vld [tilespmem:s30+$0xAC00]  }
0xfe: {  	v1 =	vadd.f32 v3, v1;
	v3 =	vld [tilespmem:s28+$0x1A400];
	v2 =	vadd.f32 v5, v2  }
0xff: {  	v5 =	vld [tilespmem:s30+$0xB400]  }
0x100: {  	v1 =	vadd.f32 v6, v1;
	v2 =	vadd.f32 v8, v2  }
0x101: {  	v6 =	vld [tilespmem:s30+$0xBC00]  }
0x102: {  	v1 =	vadd.f32 v4, v1;
	v2 =	vadd.f32 v7, v2  }
0x103: {  	v4 =	vld [tilespmem:s30+$0xC400]  }
0x104: {  	v1 =	vadd.f32 v1, v3;
	v2 =	vadd.f32 v5, v2  }
0x105: {  	v3 =	vld [tilespmem:s30+$0xCC00]  }
0x106: {  	[tilespmem:s28+$0x1A400] =	vst v1;
	v1 =	vadd.f32 v6, v2  }
0x107: {  	v2 =	vld [tilespmem:s30+$0xD400]  }
0x108: {  	v1 =	vadd.f32 v4, v1  }
0x109: {  	v4 =	vld [tilespmem:s30+$0xDC00]  }
0x10a: {  	v1 =	vadd.f32 v3, v1  }
0x10b: {  	v3 =	vld [tilespmem:s30+$0xE400]  }
0x10c: {  	v1 =	vadd.f32 v2, v1  }
0x10d: {  	v2 =	vld [tilespmem:s30+$0xEC00]  }
0x10e: {  	v1 =	vadd.f32 v4, v1  }
0x10f: {  	v4 =	vld [tilespmem:s30+$0xF400]  }
0x110: {  	v1 =	vadd.f32 v3, v1  }
0x111: {  	v3 =	vld [tilespmem:s30+$0xFC00]  }
0x112: {  	v1 =	vadd.f32 v2, v1  }
0x113: {  	v2 =	vld [tilespmem:s30+$0x1A400]  }
0x114: {  	v1 =	vadd.f32 v4, v1;
	_ =	sdelay $0x1  }
0x115: {  	v1 =	vadd.f32 v3, v1;
	_ =	sdelay $0x1  }
0x116: {  	v1 =	vadd.f32 v1, v2;
	_ =	sdelay $0x1  }
0x117: {  	[tilespmem:s30+$0x1A400] =	vst v1  }
0x118: {  	_ =	swait.ge [sflag:s25], $0x800  }
0x119: {  	[sflag:s25] =	ssyncset.done $0x0  }
0x11a: {  	[sflag:s25] =	ssyncadd.s32 $0xFFFFF800  }
0x11b: {  	_ =	swait.ge [sflag:s25], $0x800  }
0x11c: {  	[sflag:s25] =	ssyncset.done $0x0  }
0x11d: {  	[sflag:s25] =	ssyncadd.s32 $0xFFFFF800  }
0x11e: {  	_ =	swait.ge [sflag:s25], $0x800  }
0x11f: {  	[sflag:s25] =	ssyncset.done $0x0  }
0x120: {  	[sflag:s25] =	ssyncadd.s32 $0xFFFFF800  }
0x121: {  	_ =	swait.ge [sflag:s25], $0x800  }
0x122: {  	[sflag:s25] =	ssyncset.done $0x0  }
0x123: {  	[sflag:s25] =	ssyncadd.s32 $0xFFFFF800  }
0x124: {  	_ =	swait.ge [sflag:s25], $0x800  }
0x125: {  	[sflag:s25] =	ssyncset.done $0x0  }
0x126: {  	[sflag:s25] =	ssyncadd.s32 $0xFFFFF800  }
0x127: {  	_ =	swait.ge [sflag:s25], $0x800  }
0x128: {  	[sflag:s25] =	ssyncset.done $0x0  }
0x129: {  	[sflag:s25] =	ssyncadd.s32 $0xFFFFF800  }
0x12a: {  	_ =	swait.ge [sflag:s25], $0x800  }
0x12b: {  	[sflag:s25] =	ssyncset.done $0x0  }
0x12c: {  	[sflag:s25] =	ssyncadd.s32 $0xFFFFF800  }
0x12d: {  	_ =	swait.ge [sflag:s25], $0x800  }
0x12e: {  	[sflag:s25] =	ssyncset.done $0x0  }
0x12f: {  	[sflag:s25] =	ssyncadd.s32 $0xFFFFF800  }
0x130: {  	_ =	swait.ge [sflag:s25], $0x800  }
0x131: {  	[sflag:s25] =	ssyncset.done $0x0  }
0x132: {  	[sflag:s25] =	ssyncadd.s32 $0xFFFFF800  }
0x133: {  	_ =	swait.ge [sflag:s25], $0x800  }
0x134: {  	[sflag:s25] =	ssyncset.done $0x0  }
0x135: {  	[sflag:s25] =	ssyncadd.s32 $0xFFFFF800  }
0x136: {  	_ =	swait.ge [sflag:s25], $0x800  }
0x137: {  	[sflag:s25] =	ssyncset.done $0x0  }
0x138: {  	[sflag:s25] =	ssyncadd.s32 $0xFFFFF800  }
0x139: {  	_ =	swait.ge [sflag:s25], $0x800  }
0x13a: {  	[sflag:s25] =	ssyncset.done $0x0  }
0x13b: {  	[sflag:s25] =	ssyncadd.s32 $0xFFFFF800  }
0x13c: {  	_ =	swait.ge [sflag:s25], $0x800  }
0x13d: {  	[sflag:s25] =	ssyncset.done $0x0  }
0x13e: {  	[sflag:s25] =	ssyncadd.s32 $0xFFFFF800  }
0x13f: {  	_ =	swait.ge [sflag:s25], $0x800  }
0x140: {  	[sflag:s25] =	ssyncset.done $0x0  }
0x141: {  	[sflag:s25] =	ssyncadd.s32 $0xFFFFF800  }
0x142: {  	_ =	swait.ge [sflag:s25], $0x800  }
0x143: {  	[sflag:s25] =	ssyncset.done $0x0  }
0x144: {  	[sflag:s25] =	ssyncadd.s32 $0xFFFFF800  }
0x145: {  	_ =	swait.ge [sflag:s25], $0x800  }
0x146: {  	[sflag:s25] =	ssyncset.done $0x0  }
0x147: {  	[sflag:s25] =	ssyncadd.s32 $0xFFFFF800  }
0x148: {  	_ =	swait.ge [sflag:s25], $0x800  }
0x149: {  	[sflag:s25] =	ssyncset.done $0x0  }
0x14a: {  	[sflag:s25] =	ssyncadd.s32 $0xFFFFF800  }
0x14b: {  	_ =	swait.ge [sflag:s25], $0x800  }
0x14c: {  	[sflag:s25] =	ssyncset.done $0x0  }
0x14d: {  	[sflag:s25] =	ssyncadd.s32 $0xFFFFF800  }
0x14e: {  	_ =	swait.ge [sflag:s25], $0x800  }
0x14f: {  	[sflag:s25] =	ssyncset.done $0x0  }
0x150: {  	[sflag:s25] =	ssyncadd.s32 $0xFFFFF800  }
0x151: {  	_ =	swait.ge [sflag:s25], $0x800  }
0x152: {  	[sflag:s25] =	ssyncset.done $0x0  }
0x153: {  	s29 =	simm.s32 $0x0;
	[sflag:s25] =	ssyncadd.s32 $0xFFFFF800  }
0x154: {  	v1 =	vld [tilespmem:s29+$0x10400]  }
0x155: {  	v2 =	vld [tilespmem:s29+$0x10C00];
	_ =	sdelay $0x1  }
0x156: {  	v3 =	vld [tilespmem:s29+$0x11400];
	_ =	sdelay $0x1  }
0x157: {  	v4 =	vld [tilespmem:s29+$0x11C00]  }
0x158: {  	v1 =	vadd.f32 v2, v1  }
0x159: {  	v2 =	vld [tilespmem:s29+$0x12400]  }
0x15a: {  	v1 =	vadd.f32 v3, v1  }
0x15b: {  	v3 =	vld [tilespmem:s29+$0x12C00]  }
0x15c: {  	v1 =	vadd.f32 v4, v1  }
0x15d: {  	v4 =	vld [tilespmem:s29+$0x13400]  }
0x15e: {  	v1 =	vadd.f32 v2, v1  }
0x15f: {  	v2 =	vld [tilespmem:s29+$0x13C00]  }
0x160: {  	v1 =	vadd.f32 v3, v1  }
0x161: {  	v3 =	vld [tilespmem:s29+$0x14400]  }
0x162: {  	v1 =	vadd.f32 v4, v1  }
0x163: {  	v4 =	vld [tilespmem:s29+$0x14C00]  }
0x164: {  	v1 =	vadd.f32 v2, v1  }
0x165: {  	s28 =	simm.s32 $0x10;
	v2 =	vld [tilespmem:s29+$0x15400]  }
0x166: {  	v5 =	vld [tilespmem:s28+$0x10400];
	v1 =	vadd.f32 v3, v1  }
0x167: {  	v3 =	vld [tilespmem:s29+$0x15C00]  }
0x168: {  	v6 =	vld [tilespmem:s28+$0x10C00];
	v1 =	vadd.f32 v4, v1  }
0x169: {  	v4 =	vld [tilespmem:s29+$0x16400]  }
0x16a: {  	v7 =	vld [tilespmem:s28+$0x11400];
	v1 =	vadd.f32 v2, v1  }
0x16b: {  	v2 =	vld [tilespmem:s29+$0x16C00]  }
0x16c: {  	v8 =	vld [tilespmem:s28+$0x11C00];
	v1 =	vadd.f32 v3, v1  }
0x16d: {  	v5 =	vadd.f32 v6, v5;
	v3 =	vld [tilespmem:s29+$0x17400]  }
0x16e: {  	v6 =	vld [tilespmem:s28+$0x12400];
	v1 =	vadd.f32 v4, v1  }
0x16f: {  	v5 =	vadd.f32 v7, v5;
	v4 =	vld [tilespmem:s29+$0x17C00]  }
0x170: {  	v7 =	vld [tilespmem:s28+$0x12C00];
	v1 =	vadd.f32 v2, v1  }
0x171: {  	v5 =	vadd.f32 v8, v5;
	v2 =	vld [tilespmem:s29+$0x18400]  }
0x172: {  	v8 =	vld [tilespmem:s28+$0x13400];
	v1 =	vadd.f32 v3, v1  }
0x173: {  	v63 =	vld [tilespmem:s29+$0x18C00];
	v3 =	vadd.f32 v6, v5  }
0x174: {  	v6 =	vld [tilespmem:s28+$0x13C00];
	v1 =	vadd.f32 v4, v1  }
0x175: {  	v10 =	vld [tilespmem:s29+$0x19400];
	v3 =	vadd.f32 v7, v3  }
0x176: {  	v7 =	vld [tilespmem:s28+$0x14400];
	v1 =	vadd.f32 v2, v1  }
0x177: {  	v11 =	vld [tilespmem:s29+$0x19C00];
	v2 =	vadd.f32 v8, v3  }
0x178: {  	v3 =	vld [tilespmem:s28+$0x14C00];
	v1 =	vadd.f32 v63, v1  }
0x179: {  	v5 =	vld [tilespmem:s29+$0x1A400];
	v2 =	vadd.f32 v6, v2  }
0x17a: {  	v4 =	vld [tilespmem:s28+$0x15400];
	v8 =	vadd.f32 v10, v1  }
0x17b: {  	s30 =	simm.s32 $0x20;
	v1 =	vld [tilespmem:s28+$0x15C00];
	v6 =	vadd.f32 v7, v2  }
0x17c: {  	s31 =	simm.s32 $0xC0;
	v2 =	vld [tilespmem:s30+$0x10400];
	v7 =	vadd.f32 v11, v8  }
.LBB2_7:
0x17d: {  	p0 =	sne.s32 s31, $0x1FC0;
	v8 =	vld [tilespmem:s30+$0x10C00];
	v3 =	vadd.f32 v3, v6  }
0x17e: {  	v6 =	vld [tilespmem:s28+$0x16400];
	v5 =	vadd.f32 v7, v5  }
0x17f: {  	v7 =	vld [tilespmem:s30+$0x11400];
	v3 =	vadd.f32 v4, v3  }
0x180: {  	v4 =	vld [tilespmem:s28+$0x16C00];
	[tilespmem:s29+$0x1A400] =	vst v5;
	s29 =	smov.u32 s28;
	s28 =	smov.u32 s30  }
0x181: {  	v5 =	vld [tilespmem:s28+$0x11C00];
	v1 =	vadd.f32 v1, v3  }
0x182: {  	v2 =	vadd.f32 v8, v2;
	v3 =	vld [tilespmem:s29+$0x17400]  }
0x183: {  	v8 =	vld [tilespmem:s28+$0x12400];
	v1 =	vadd.f32 v6, v1  }
0x184: {  	v2 =	vadd.f32 v7, v2;
	v6 =	vld [tilespmem:s29+$0x17C00]  }
0x185: {  	v7 =	vld [tilespmem:s28+$0x12C00];
	v1 =	vadd.f32 v4, v1  }
0x186: {  	v2 =	vadd.f32 v5, v2;
	v4 =	vld [tilespmem:s29+$0x18400]  }
0x187: {  	v5 =	vld [tilespmem:s28+$0x13400];
	v1 =	vadd.f32 v3, v1  }
0x188: {  	v2 =	vadd.f32 v8, v2;
	v8 =	vld [tilespmem:s29+$0x18C00]  }
0x189: {  	v9 =	vld [tilespmem:s28+$0x13C00];
	v1 =	vadd.f32 v6, v1  }
0x18a: {  	v2 =	vadd.f32 v7, v2;
	v6 =	vld [tilespmem:s29+$0x19400]  }
0x18b: {  	v7 =	vld [tilespmem:s28+$0x14400];
	v1 =	vadd.f32 v4, v1  }
0x18c: {  	v2 =	vadd.f32 v5, v2;
	v10 =	vld [tilespmem:s29+$0x19C00]  }
.Ltmp2:
0x18d: {  	v3 =	vld [tilespmem:s28+$0x14C00];
	v1 =	vadd.f32 v8, v1;
	(pc) =	sbr.rel @p0 .LBB2_7-.Ltmp2, $4  }
0x18e: {  	v2 =	vadd.f32 v9, v2;
	v5 =	vld [tilespmem:s29+$0x1A400]  }
0x18f: {  	v4 =	vld [tilespmem:s28+$0x15400];
	v8 =	vadd.f32 v6, v1  }
0x190: {  	s30 =	sshra.s32 s31, $0x2;
	v6 =	vadd.f32 v7, v2;
	v1 =	vld [tilespmem:s28+$0x15C00]  }
0x191: {  	s31 =	sadd.s32 $0x40, s31;
	v2 =	vld [tilespmem:s30+$0x10400];
	v7 =	vadd.f32 v10, v8  }
0x192: {  	v8 =	vld [tilespmem:s30+$0x10C00]  }
0x193: {  	v9 =	vld [tilespmem:s28+$0x16400];
	v3 =	vadd.f32 v3, v6;
	v5 =	vadd.f32 v7, v5  }
0x194: {  	v47 =	vld [tilespmem:s30+$0x11400]  }
0x195: {  	v48 =	vld [tilespmem:s28+$0x16C00];
	v3 =	vadd.f32 v4, v3;
	[tilespmem:s29+$0x1A400] =	vst v5  }
0x196: {  	v49 =	vld [tilespmem:s30+$0x11C00]  }
0x197: {  	v1 =	vadd.f32 v1, v3;
	v3 =	vld [tilespmem:s28+$0x17400];
	v2 =	vadd.f32 v8, v2  }
0x198: {  	v5 =	vld [tilespmem:s30+$0x12400]  }
0x199: {  	v50 =	vld [tilespmem:s28+$0x17C00];
	v1 =	vadd.f32 v9, v1;
	v2 =	vadd.f32 v47, v2  }
0x19a: {  	v51 =	vld [tilespmem:s30+$0x12C00]  }
0x19b: {  	v52 =	vld [tilespmem:s28+$0x18400];
	v1 =	vadd.f32 v48, v1;
	v2 =	vadd.f32 v49, v2  }
0x19c: {  	v53 =	vld [tilespmem:s30+$0x13400]  }
0x19d: {  	v54 =	vld [tilespmem:s30+$0x13C00];
	v1 =	vadd.f32 v3, v1;
	v2 =	vadd.f32 v5, v2  }
0x19e: {  	v3 =	vld [tilespmem:s28+$0x18C00]  }
0x19f: {  	v55 =	vld [tilespmem:s28+$0x19400];
	v1 =	vadd.f32 v50, v1;
	v2 =	vadd.f32 v51, v2  }
0x1a0: {  	v56 =	vld [tilespmem:s30+$0x14400]  }
0x1a1: {  	v57 =	vld [tilespmem:s28+$0x19C00];
	v1 =	vadd.f32 v52, v1;
	v2 =	vadd.f32 v53, v2  }
0x1a2: {  	v58 =	vld [tilespmem:s30+$0x14C00]  }
0x1a3: {  	v59 =	vld [tilespmem:s30+$0x15400];
	v1 =	vadd.f32 v3, v1;
	v2 =	vadd.f32 v54, v2  }
0x1a4: {  	v3 =	vld [tilespmem:s28+$0x1A400]  }
0x1a5: {  	v1 =	vadd.f32 v55, v1;
	v2 =	vadd.f32 v56, v2  }
0x1a6: {  	v60 =	vld [tilespmem:s30+$0x15C00]  }
0x1a7: {  	v1 =	vadd.f32 v57, v1;
	v2 =	vadd.f32 v58, v2  }
0x1a8: {  	v61 =	vld [tilespmem:s30+$0x16400]  }
0x1a9: {  	v1 =	vadd.f32 v1, v3;
	v2 =	vadd.f32 v59, v2  }
0x1aa: {  	v3 =	vld [tilespmem:s30+$0x16C00]  }
0x1ab: {  	[tilespmem:s28+$0x1A400] =	vst v1;
	v1 =	vadd.f32 v60, v2  }
0x1ac: {  	v2 =	vld [tilespmem:s30+$0x17400]  }
0x1ad: {  	v1 =	vadd.f32 v61, v1  }
0x1ae: {  	v62 =	vld [tilespmem:s30+$0x17C00]  }
0x1af: {  	v1 =	vadd.f32 v3, v1  }
0x1b0: {  	v3 =	vld [tilespmem:s30+$0x18400]  }
0x1b1: {  	v1 =	vadd.f32 v2, v1  }
0x1b2: {  	v2 =	vld [tilespmem:s30+$0x18C00]  }
0x1b3: {  	v1 =	vadd.f32 v62, v1  }
0x1b4: {  	v63 =	vld [tilespmem:s30+$0x19400]  }
0x1b5: {  	v1 =	vadd.f32 v3, v1  }
0x1b6: {  	v3 =	vld [tilespmem:s30+$0x19C00]  }
0x1b7: {  	v1 =	vadd.f32 v2, v1  }
0x1b8: {  	v2 =	vld [tilespmem:s30+$0x1A400]  }
0x1b9: {  	s26 =	sadd.s32 $0x1, s26;
	v1 =	vadd.f32 v63, v1  }
0x1ba: {  	p0 =	sne.s32 s26, $0x5  }
.Ltmp3:
0x1bb: {  	v1 =	vadd.f32 v3, v1;
	(pc) =	sbr.rel @p0 .LBB2_4-.Ltmp3, $3  }
0x1bc: {  	_ = 	snop  }
0x1bd: {  	v1 =	vadd.f32 v1, v2;
	_ =	sdelay $0x1  }
0x1be: {  	[tilespmem:s30+$0x1A400] =	vst v1  }
0x1bf: {  	v2 =	vld [tilespmem:$0x1AC00]  }
0x1c0: {  	v1 =	vld [tilespmem:$0x1AC10];
	s26 =	simm.s32 $0x0;
	s28 =	simm.s32 $0x40  }
.LBB2_10:
0x1c1: {  	p0 =	sne.s32 s28, $0x1FC0;
	v3 =	vld [tilespmem:s26+$0x1A400];
	_ =	sdelay $0x4  }
0x1c2: {  	v3 =	vmul.f32 $4.999999890e-03, v3;
	_ =	sdelay $0x1  }
0x1c3: {  	v3 =	vadd.f32 v3, v2;
	v4 =	vld [tilespmem:$0x1AC20];
	_ =	sdelay $0x1  }
0x1c4: {  	v3 =	vmax.f32 v3, $0.0e+00;
	v5 =	vld [tilespmem:$0x1AC30]  }
0x1c5: {  	v6 =	vbroadcast v3, $0x0  }
0x1c6: {  	v7 =	vld [tilespmem:$0x1AC40]  }
0x1c7: {  	v4 =	vmul.f32 v6, v4;
	v6 =	vbroadcast v3, $0x1  }
0x1c8: {  	v8 =	vld [tilespmem:$0x1AC50]  }
0x1c9: {  	v4 =	vadd.f32 v4, v1;
	v5 =	vmul.f32 v6, v5;
	v6 =	vbroadcast v3, $0x2  }
0x1ca: {  	v9 =	vld [tilespmem:$0x1AC60]  }
0x1cb: {  	v4 =	vadd.f32 v4, v5;
	v5 =	vmul.f32 v6, v7;
	v6 =	vbroadcast v3, $0x3  }
0x1cc: {  	v7 =	vld [tilespmem:$0x1AC70]  }
0x1cd: {  	v4 =	vadd.f32 v4, v5;
	v5 =	vmul.f32 v8, v6;
	v6 =	vbroadcast v3, $0x4  }
0x1ce: {  	v8 =	vld [tilespmem:$0x1AC80]  }
0x1cf: {  	v4 =	vadd.f32 v4, v5;
	v5 =	vmul.f32 v9, v6;
	v6 =	vbroadcast v3, $0x5  }
0x1d0: {  	v9 =	vld [tilespmem:$0x1AC90]  }
0x1d1: {  	v4 =	vadd.f32 v4, v5;
	v5 =	vmul.f32 v7, v6;
	v6 =	vbroadcast v3, $0x6  }
0x1d2: {  	v7 =	vld [tilespmem:$0x1ACA0]  }
0x1d3: {  	v4 =	vadd.f32 v4, v5;
	v5 =	vmul.f32 v8, v6;
	v6 =	vbroadcast v3, $0x7  }
0x1d4: {  	v8 =	vld [tilespmem:$0x1ACB0]  }
0x1d5: {  	v4 =	vadd.f32 v4, v5;
	v5 =	vmul.f32 v9, v6;
	v6 =	vbroadcast v3, $0x8;
	_ =	sdelay $0x1  }
0x1d6: {  	v3 =	vbroadcast v3, $0x9;
	v4 =	vadd.f32 v4, v5;
	v5 =	vmul.f32 v7, v6;
	_ =	sdelay $0x1  }
.Ltmp4:
0x1d7: {  	v4 =	vadd.f32 v4, v5;
	v3 =	vmul.f32 v8, v3;
	(pc) =	sbr.rel @p0 .LBB2_10-.Ltmp4, $3  }
0x1d8: {  	_ = 	snop  }
0x1d9: {  	v3 =	vadd.f32 v4, v3;
	_ =	sdelay $0x1  }
0x1da: {  	[tilespmem:s26+$0x1A400] =	vst v3;
	s26 =	sshra.s32 s28, $0x2;
	s28 =	sadd.s32 $0x40, s28  }
0x1db: {  	v3 =	vld [tilespmem:s26+$0x1A400];
	_ =	sdelay $0x4  }
0x1dc: {  	v3 =	vmul.f32 $4.999999890e-03, v3;
	_ =	sdelay $0x1  }
0x1dd: {  	v2 =	vadd.f32 v3, v2;
	v3 =	vld [tilespmem:$0x1AC20];
	_ =	sdelay $0x1  }
0x1de: {  	v4 =	vld [tilespmem:$0x1AC30];
	v2 =	vmax.f32 v2, $0.0e+00  }
0x1df: {  	v5 =	vbroadcast v2, $0x0  }
0x1e0: {  	v6 =	vld [tilespmem:$0x1AC40]  }
0x1e1: {  	v50 =	vbroadcast v2, $0x1;
	v3 =	vmul.f32 v5, v3  }
0x1e2: {  	v7 =	vld [tilespmem:$0x1AC50]  }
0x1e3: {  	v51 =	vbroadcast v2, $0x2;
	v1 =	vadd.f32 v3, v1;
	v3 =	vmul.f32 v50, v4  }
0x1e4: {  	v52 =	vld [tilespmem:$0x1AC60]  }
0x1e5: {  	v53 =	vbroadcast v2, $0x3;
	v1 =	vadd.f32 v1, v3;
	v3 =	vmul.f32 v51, v6  }
0x1e6: {  	v54 =	vld [tilespmem:$0x1AC70]  }
0x1e7: {  	v55 =	vbroadcast v2, $0x4;
	v1 =	vadd.f32 v1, v3;
	v3 =	vmul.f32 v7, v53  }
0x1e8: {  	v56 =	vld [tilespmem:$0x1AC80]  }
0x1e9: {  	v57 =	vbroadcast v2, $0x5;
	v1 =	vadd.f32 v1, v3;
	v3 =	vmul.f32 v52, v55  }
0x1ea: {  	v58 =	vld [tilespmem:$0x1AC90]  }
0x1eb: {  	v59 =	vbroadcast v2, $0x6;
	v1 =	vadd.f32 v1, v3;
	v3 =	vmul.f32 v54, v57  }
0x1ec: {  	v60 =	vld [tilespmem:$0x1ACA0]  }
0x1ed: {  	v61 =	vbroadcast v2, $0x7;
	v1 =	vadd.f32 v1, v3;
	v3 =	vmul.f32 v56, v59  }
0x1ee: {  	v62 =	vld [tilespmem:$0x1ACB0]  }
0x1ef: {  	v63 =	vbroadcast v2, $0x8;
	v1 =	vadd.f32 v1, v3;
	v3 =	vmul.f32 v58, v61;
	_ =	sdelay $0x1  }
0x1f0: {  	v2 =	vbroadcast v2, $0x9;
	v1 =	vadd.f32 v1, v3;
	v3 =	vmul.f32 v60, v63;
	_ =	sdelay $0x1  }
0x1f1: {  	v2 =	vmul.f32 v62, v2;
	v1 =	vadd.f32 v1, v3;
	_ =	sdelay $0x1  }
0x1f2: {  	v1 =	vadd.f32 v1, v2  }
0x1f3: {  	s28 =	simm.s32 $0x0  }
0x1f4: {  	s30 =	rddreg [dreg:$0x5];
	s29 =	simm.s32 $0x1A400;
	s31 =	simm.s32 $0x3;
	[tilespmem:s26+$0x1A400] =	vst v1  }
0x1f5: {  	[hbm4b:s30+s28] =	stream.linear.scatter [tilespmem:s29], [sflag:$0x3], $0x800, $0x38;
	[tilespmem:$0x1ACC0] =	vst v63  }
0x1f6: {  	_ =	swait.ge [sflag:s31], $0x800  }
0x1f7: {  	s29 =	rddreg [dreg:$0x7]  }
0x1f8: {  	s30 =	rddreg [dreg:$0x6];
	s29 =	sadd.s32 $0x1, s29  }
0x1f9: {  	p0 =	sne.s32 s29, s30  }
.Ltmp5:
0x1fa: {  	_ = 	snop;
	(pc) =	sbr.rel @p0 .LBB2_1-.Ltmp5, $3  }
0x1fb: {  	_ =	sdelay $0x1  }
0x1fc: {  	[sflag:s31] =	ssyncset.done $0x0  }
0x1fd: {  	[sflag:s31] =	ssyncadd.s32 $0xFFFFF800  }
0x1fe: {  	_ =	sfence.sel $0x180000  }
0x1ff: {  	[bflag:$0x0] =	sbarrier.arrive $0xFFFF  }
0x200: {  	_ =	strace $0x90000047  }
0x201: {  	s0 =	stileid.u32;
	[bflag:$0x2] =	sbarrier.arrive $0xFFFF  }
0x202: {  	p0 =	sne.s32 s0, $0x0;
	s0 =	rddreg [dreg:$0x3]  }
0x203: {  	s0 =	sadd.s32 @!p0 $0x100000, s0  }
0x204: {  	[sflag:s0] =	ssyncadd.tile.s32 @!p0 $0x1;
	_ =	shalt  }
.Lfunc_end2:
_tile_overlayer_lowered:
.L_overlay_start_2:
0x205: {  	(tag) =	ssettag $0x2  }
0x206: {  	s0 =	rddreg [dreg:$0x0];
	s2 =	stileid.u32  }
0x207: {  	s1 =	rddreg [dreg:$0x1];
	p0 =	sne.s32 s2, $0x0  }
0x208: {  	s3 =	rddreg [dreg:$0x2];
	[bflag:$0x3] =	sbarrier.arrive $0xFFFF;
	s2 =	simm.s32 @!p0 $0x1C03  }
0x209: {  	[timem:s3], [sflag:s2] =	dma.local @!p0 [hbm:s0], s1  }
0x20a: {  	s0 =	simm.s32 @!p0 $0x3  }
0x20b: {  	_ =	swait.ge @!p0 [sflag:s0], s1  }
0x20c: {  	s1 =	ssub.s32 @!p0 $0x0, s1;
	[sflag:s0] =	ssyncset.done @!p0 $0x0  }
0x20d: {  	[sflag:s0] =	ssyncadd.s32 @!p0 s1  }
0x20e: {  	[bflag:$0x3] =	sbarrier.arrive $0xFFFF  }
0x20f: {  	_ =	shalt  }

</sc_bundles>
